<compile_context>
chip_gen: v7x
topology: tpu7x:2x2x1
jax: 0.10.2.dev20260603
libtpu: 0.0.44.dev20260713+nightly
codegen_flags: <defaults>
</compile_context>

<pallas_src>
import functools

import jax
import jax.numpy as jnp
from jax import lax
from jax.experimental import pallas as pl
from jax.experimental.pallas import tpu as pltpu
from jax.experimental.pallas import tpu_sc as plsc

_N = 10000
_D = 256
_HALF = 128
_C = 5
_L = 8
_ALPHA = 0.1
_THETA = 0.5

_NC = 2
_NS = 16
_CHUNK = 128
_NPAD = 10240
_ZROWS = _NPAD // _NS
_OROWS = _NPAD // _NS
_ROWBLK = 1000



def _sc_body(hs_hbm, rows_hbm, cols_hbm, zeros_hbm, out_hbm,
             rows_v, c0, c1, g0, g1, shared, s0, s1, *, nchunks):
  cid = lax.axis_index("c")
  sid = lax.axis_index("s")
  pltpu.sync_copy(zeros_hbm, shared.at[pl.ds(sid * _ZROWS, _ZROWS)])
  pltpu.sync_copy(rows_hbm.at[cid, sid], rows_v)
  plsc.subcore_barrier()

  def fire(j, g, c, s):
    pltpu.async_copy(hs_hbm.at[rows_v.at[j]], g, s)
    pltpu.async_copy(cols_hbm.at[sid, j], c, s)

  def drain(j, g, c, s):
    pltpu.make_async_copy(hs_hbm.at[rows_v.at[j]], g, s).wait()
    pltpu.make_async_copy(cols_hbm.at[sid, j], c, s).wait()
    pltpu.sync_copy(g, shared.at[c.at[0]], add=True)

  fire(0, g0, c0, s0)

  def body(k, carry):
    j = 2 * k
    fire(j + 1, g1, c1, s1)
    drain(j, g0, c0, s0)

    @pl.when(j + 2 < nchunks)
    def _():
      fire(j + 2, g0, c0, s0)

    drain(j + 1, g1, c1, s1)
    return carry

  lax.fori_loop(0, nchunks // 2, body, 0)
  plsc.subcore_barrier()
  pltpu.sync_copy(shared.at[pl.ds(sid * _OROWS, _OROWS)],
                  out_hbm.at[cid, pl.ds(sid * _OROWS, _OROWS)])


def _make_propagate(nchunks):
  mesh = plsc.VectorSubcoreMesh(core_axis_name="c", subcore_axis_name="s",
                                num_cores=_NC, num_subcores=_NS)
  return pl.kernel(
      functools.partial(_sc_body, nchunks=nchunks),
      out_type=jax.ShapeDtypeStruct((_NC, _NPAD, _HALF), jnp.float32),
      mesh=mesh,
      scratch_types=[
          pltpu.VMEM((nchunks, _CHUNK), jnp.int32),
          pltpu.VMEM((1, _CHUNK), jnp.int32),
          pltpu.VMEM((1, _CHUNK), jnp.int32),
          pltpu.VMEM((_CHUNK, _HALF), jnp.float32),
          pltpu.VMEM((_CHUNK, _HALF), jnp.float32),
          pltpu.VMEM_SHARED((_NPAD, _HALF), jnp.float32),
          pltpu.SemaphoreType.DMA,
          pltpu.SemaphoreType.DMA,
      ],
  )


_DEGW = _HALF


def _deg_body(cols_hbm, ones_hbm, zeros_hbm, out_hbm, cols_v, ones_v, shared,
              *, nchunks):
  cid = lax.axis_index("c")
  sid = lax.axis_index("s")
  pltpu.sync_copy(zeros_hbm, shared.at[pl.ds(sid * _ZROWS, _ZROWS)])
  pltpu.sync_copy(cols_hbm.at[sid], cols_v)
  pltpu.sync_copy(ones_hbm, ones_v)
  plsc.subcore_barrier()

  half = nchunks // 2

  def body(j, carry):
    pltpu.sync_copy(ones_v, shared.at[cols_v.at[cid * half + j]], add=True)
    return carry

  lax.fori_loop(0, half, body, 0)
  plsc.subcore_barrier()
  pltpu.sync_copy(shared.at[pl.ds(sid * _OROWS, _OROWS)],
                  out_hbm.at[cid, pl.ds(sid * _OROWS, _OROWS)])


def _make_degree(nchunks):
  mesh = plsc.VectorSubcoreMesh(core_axis_name="c", subcore_axis_name="s",
                                num_cores=_NC, num_subcores=_NS)
  return pl.kernel(
      functools.partial(_deg_body, nchunks=nchunks),
      out_type=jax.ShapeDtypeStruct((_NC, _NPAD, _DEGW), jnp.float32),
      mesh=mesh,
      scratch_types=[
          pltpu.VMEM((nchunks, _CHUNK), jnp.int32),
          pltpu.VMEM((_CHUNK, _DEGW), jnp.float32),
          pltpu.VMEM_SHARED((_NPAD, _DEGW), jnp.float32),
      ],
  )



def _input_body(x_ref, w_ref, b_ref, deg_ref, h_ref, hs_ref):
  h = jnp.dot(x_ref[...], w_ref[...], preferred_element_type=jnp.float32)
  h = jnp.maximum(h + b_ref[...], 0.0)
  dis = lax.rsqrt(deg_ref[...] + 1.0)
  h_ref[...] = h
  hs_ref[0] = dis * h[:, :_HALF]
  hs_ref[1] = dis * h[:, _HALF:]


def _layer_body(s_ref, h_ref, h0_ref, deg_ref, w_ref, ho_ref, hs_ref, *, beta):
  dis = lax.rsqrt(deg_ref[...] + 1.0)
  me = jnp.concatenate([s_ref[0], s_ref[1]], axis=-1)
  m = dis * me + (dis * dis) * h_ref[...]
  m = (1.0 - _ALPHA) * m + _ALPHA * h0_ref[...]
  z = jnp.dot(m, w_ref[...], preferred_element_type=jnp.float32)
  h = jnp.maximum(beta * z + (1.0 - beta) * m, 0.0)
  ho_ref[...] = h
  hs_ref[0] = dis * h[:, :_HALF]
  hs_ref[1] = dis * h[:, _HALF:]


def _last_body(s_ref, h_ref, h0_ref, deg_ref, w_ref, w1_ref, b1_ref, o_ref,
               *, beta):
  dis = lax.rsqrt(deg_ref[...] + 1.0)
  me = jnp.concatenate([s_ref[0], s_ref[1]], axis=-1)
  m = dis * me + (dis * dis) * h_ref[...]
  m = (1.0 - _ALPHA) * m + _ALPHA * h0_ref[...]
  z = jnp.dot(m, w_ref[...], preferred_element_type=jnp.float32)
  h = jnp.maximum(beta * z + (1.0 - beta) * m, 0.0)
  logits = jnp.dot(h, w1_ref[...], preferred_element_type=jnp.float32)
  logits = logits + b1_ref[...]
  mx = jnp.max(logits, axis=-1, keepdims=True)
  lse = mx + jnp.log(jnp.sum(jnp.exp(logits - mx), axis=-1, keepdims=True))
  o_ref[...] = logits - lse


def _row_spec():
  return pl.BlockSpec((_ROWBLK, _D), lambda i: (i, 0))


def _half_spec():
  return pl.BlockSpec((_NC, _ROWBLK, _HALF), lambda i: (0, i, 0))


def _full_spec(shape):
  return pl.BlockSpec(shape, lambda i: tuple(0 for _ in shape))


_GRID = (_N // _ROWBLK,)


def _input_layer(x, w0, b0, deg):
  return pl.pallas_call(
      _input_body,
      grid=_GRID,
      in_specs=[_row_spec(), _full_spec((_D, _D)), _full_spec((1, _D)),
                pl.BlockSpec((_ROWBLK, 1), lambda i: (i, 0))],
      out_specs=[_row_spec(), _half_spec()],
      out_shape=[jax.ShapeDtypeStruct((_N, _D), jnp.float32),
                 jax.ShapeDtypeStruct((_NC, _N, _HALF), jnp.float32)],
  )(x, w0, b0, deg)


def _gcn_layer(s, h, h0, deg, wc, beta):
  return pl.pallas_call(
      functools.partial(_layer_body, beta=beta),
      grid=_GRID,
      in_specs=[_half_spec(), _row_spec(), _row_spec(),
                pl.BlockSpec((_ROWBLK, 1), lambda i: (i, 0)),
                _full_spec((_D, _D))],
      out_specs=[_row_spec(), _half_spec()],
      out_shape=[jax.ShapeDtypeStruct((_N, _D), jnp.float32),
                 jax.ShapeDtypeStruct((_NC, _N, _HALF), jnp.float32)],
  )(s, h, h0, deg, wc)


def _last_layer(s, h, h0, deg, wc, beta, w1p, b1p):
  return pl.pallas_call(
      functools.partial(_last_body, beta=beta),
      grid=_GRID,
      in_specs=[_half_spec(), _row_spec(), _row_spec(),
                pl.BlockSpec((_ROWBLK, 1), lambda i: (i, 0)),
                _full_spec((_D, _D)), _full_spec((_D, _HALF)),
                _full_spec((1, _HALF))],
      out_specs=pl.BlockSpec((_ROWBLK, _HALF), lambda i: (i, 0)),
      out_shape=jax.ShapeDtypeStruct((_N, _HALF), jnp.float32),
  )(s, h, h0, deg, wc, w1p, b1p)



def kernel(x, edge_index, W0, b0, Wc, W1, b1):
  import numpy as np

  e = edge_index.shape[1]
  nch_tot = -(-e // _CHUNK)
  nchunks = -(-nch_tot // _NS)
  nchunks += nchunks % 2
  epad = nchunks * _NS * _CHUNK - e

  row = edge_index[0]
  col = edge_index[1]
  fill = jnp.arange(epad, dtype=jnp.int32)
  rowp = jnp.concatenate([row, fill % _N]).reshape(_NS, nchunks, _CHUNK)
  colp = jnp.concatenate([col, _N + (fill % (_NPAD - _N))]).reshape(
      _NS, nchunks, _CHUNK)
  colp4 = colp.reshape(_NS, nchunks, 1, _CHUNK)
  rows3 = jnp.stack([rowp, rowp + _N])
  zeros = jnp.zeros((_ZROWS, _HALF), jnp.float32)
  ones_d = jnp.ones((_CHUNK, _DEGW), jnp.float32)

  propagate = _make_propagate(nchunks)
  degree = _make_degree(nchunks)

  deg_s = degree(colp, ones_d, zeros)
  deg = deg_s[0, :_N, :1] + deg_s[1, :_N, :1]

  b0r = b0.reshape(1, _D)
  h, hs = _input_layer(x, W0, b0r, deg)
  h0 = h
  for layer in range(_L - 1):
    s = propagate(hs.reshape(_NC * _N, _HALF), rows3, colp4, zeros)
    beta = float(np.log(_THETA / (layer + 1) + 1.0))
    h, hs = _gcn_layer(s, h, h0, deg, Wc[layer], beta)

  s = propagate(hs.reshape(_NC * _N, _HALF), rows3, colp4, zeros)
  beta = float(np.log(_THETA / _L + 1.0))
  w1p = jnp.pad(W1, ((0, 0), (0, _HALF - _C)))
  b1p = jnp.concatenate([b1, jnp.full((_HALF - _C,), -1e30, jnp.float32)])
  out = _last_layer(s, h, h0, deg, Wc[_L - 1], beta, w1p, b1p.reshape(1, _HALF))
  return out[:, :_C]

# --- scband reference (transcript-rebuilt; emitter-appended) ---
"""Pipeline reference for scband-net-1846835938187 (READ-ONLY COPY).

The authoritative reference and input builder live on the scoring server;
editing this copy changes nothing except your own understanding.
"""

import jax, jax.numpy as jnp
import numpy as np

N = 10000
E = 160000
D = 256
H = 256
C = 5
L = 8
ALPHA = 0.1
THETA = 0.5


def setup_inputs(seed: int = 0) -> dict:
    key = jax.random.key(seed)
    ks = jax.random.split(key, 8)
    x = jax.random.normal(ks[0], (N, D), dtype=jnp.float32)
    edge_index = jax.random.randint(ks[1], (2, E), 0, N, dtype=jnp.int32)
    W0 = jax.random.normal(ks[2], (D, H), dtype=jnp.float32) * (1.0 / np.sqrt(D))
    b0 = jnp.zeros((H,), dtype=jnp.float32)
    Wc = jax.random.normal(ks[3], (L, H, H), dtype=jnp.float32) * (1.0 / np.sqrt(H))
    W1 = jax.random.normal(ks[4], (H, C), dtype=jnp.float32) * (1.0 / np.sqrt(H))
    b1 = jnp.zeros((C,), dtype=jnp.float32)
    return {"x": x, "edge_index": edge_index, "W0": W0, "b0": b0, "Wc": Wc, "W1": W1, "b1": b1}


def _gcn_norm(edge_index, n):
    # add self loops and symmetric normalization D^-1/2 (A+I) D^-1/2
    loop = jnp.arange(n, dtype=edge_index.dtype)
    row = jnp.concatenate([edge_index[0], loop])
    col = jnp.concatenate([edge_index[1], loop])
    deg = jnp.zeros((n,), dtype=jnp.float32).at[col].add(1.0)
    dis = jnp.where(deg > 0, 1.0 / jnp.sqrt(deg), 0.0)
    w = dis[row] * dis[col]
    return row, col, w


def reference(x, edge_index, W0, b0, Wc, W1, b1):
    n = x.shape[0]
    row, col, w = _gcn_norm(edge_index, n)
    # lins[0] + relu  (dropout=0.0 -> identity)
    h = jax.nn.relu(x @ W0 + b0)
    h0 = h
    for layer in range(L):
        # propagate: scatter-add normalized messages src->dst
        m = jnp.zeros_like(h).at[col].add(w[:, None] * h[row])
        # initial residual connection
        m = m * (1.0 - ALPHA) + ALPHA * h0
        # identity mapping (shared_weights=True)
        beta = float(np.log(THETA / (layer + 1) + 1.0))
        h = jax.nn.relu(beta * (m @ Wc[layer]) + (1.0 - beta) * m)
    out = h @ W1 + b1
    return jax.nn.log_softmax(out, axis=-1)

if __name__ == "__main__":
    import jax
    _d = setup_inputs()
    print(jax.jit(kernel)(*tuple(_d.values())))

</pallas_src>

<mosaic_0001>
#map = affine_map<(d0, d1) -> (0, 0, 0)>
#map1 = affine_map<(d0, d1) -> (0, 0)>
module attributes {stable_mosaic.version = 14 : i64} {
  func.func @_deg_body(%arg0: i32, %arg1: i32, %arg2: memref<16x80x128xi32, #tpu.memory_space<hbm>>, %arg3: memref<128x128xf32, #tpu.memory_space<hbm>>, %arg4: memref<640x128xf32, #tpu.memory_space<hbm>>, %arg5: memref<2x10240x128xf32, #tpu.memory_space<hbm>>, %arg6: memref<80x128xi32, #tpu.memory_space<vmem>>, %arg7: memref<128x128xf32, #tpu.memory_space<vmem>>, %arg8: memref<10240x128xf32, #tpu.memory_space<vmem_shared>>) attributes {dimension_semantics = [#tpu.dimension_semantics<core_parallel>, #tpu.dimension_semantics<subcore_parallel>], iteration_bounds = array<i64: 2, 16>, scalar_prefetch = 0 : i64, scratch_operands = 3 : i64, tpu.core_type = #tpu.core_type<sc_vector_subcore>, window_params = [{transform_indices = #map}, {transform_indices = #map1}, {transform_indices = #map1}, {transform_indices = #map}]} {
    %mul3A = arith.constant 640 : i32
    %mul3A_0 = arith.muli %arg1, %mul3A : i32
    "tpu.region"() ({
      %run_scoped3A = tpu.sem_alloc : memref<!tpu.dma_semaphore, #tpu.memory_space<semaphore_mem>>
      %dma_start3A = arith.constant 0 : i32
      %dma_start3A_11 = tpu.memref_slice %arg8[%mul3A_0, %dma_start3A] : memref<10240x128xf32, #tpu.memory_space<vmem_shared>> -> memref<640x128xf32, #tpu.memory_space<vmem_shared>>
      tpu.enqueue_dma source(%arg4 : memref<640x128xf32, #tpu.memory_space<hbm>>) target(%dma_start3A_11 : memref<640x128xf32, #tpu.memory_space<vmem_shared>>) target_semaphore(%run_scoped3A : memref<!tpu.dma_semaphore, #tpu.memory_space<semaphore_mem>>)
      %dma_wait3A = arith.constant 0 : i32
      %dma_wait3A_12 = tpu.memref_slice %arg8[%mul3A_0, %dma_wait3A] : memref<10240x128xf32, #tpu.memory_space<vmem_shared>> -> memref<640x128xf32, #tpu.memory_space<vmem_shared>>
      tpu.wait_dma2 semaphore(%run_scoped3A : memref<!tpu.dma_semaphore, #tpu.memory_space<semaphore_mem>>) src(%arg4 : memref<640x128xf32, #tpu.memory_space<hbm>>) dst(%dma_wait3A_12 : memref<640x128xf32, #tpu.memory_space<vmem_shared>>)
      tpu.yield
    }) : () -> ()
    "tpu.region"() ({
      %run_scoped3A = tpu.sem_alloc : memref<!tpu.dma_semaphore, #tpu.memory_space<semaphore_mem>>
      %dma_start3A = arith.constant 0 : i32
      %dma_start3A_11 = arith.constant 0 : i32
      %dma_start3A_12 = tpu.memref_slice %arg2[%arg1, %dma_start3A, %dma_start3A_11] : memref<16x80x128xi32, #tpu.memory_space<hbm>> -> memref<1x80x128xi32, #tpu.memory_space<hbm>>
      %dma_start3A_13 = tpu.memref_squeeze %dma_start3A_12 : memref<1x80x128xi32, #tpu.memory_space<hbm>> -> memref<80x128xi32, #tpu.memory_space<hbm>>
      %dma_start3A_14 = arith.constant 0 : i32
      %dma_start3A_15 = arith.constant 0 : i32
      %dma_start3A_16 = tpu.memref_slice %arg2[%arg1, %dma_start3A_14, %dma_start3A_15] : memref<16x80x128xi32, #tpu.memory_space<hbm>> -> memref<1x80x128xi32, #tpu.memory_space<hbm>>
      %dma_start3A_17 = tpu.memref_squeeze %dma_start3A_16 : memref<1x80x128xi32, #tpu.memory_space<hbm>> -> memref<80x128xi32, #tpu.memory_space<hbm>>
      tpu.enqueue_dma source(%dma_start3A_17 : memref<80x128xi32, #tpu.memory_space<hbm>>) target(%arg6 : memref<80x128xi32, #tpu.memory_space<vmem>>) target_semaphore(%run_scoped3A : memref<!tpu.dma_semaphore, #tpu.memory_space<semaphore_mem>>)
      %dma_wait3A = arith.constant 0 : i32
      %dma_wait3A_18 = arith.constant 0 : i32
      %dma_wait3A_19 = tpu.memref_slice %arg2[%arg1, %dma_wait3A, %dma_wait3A_18] : memref<16x80x128xi32, #tpu.memory_space<hbm>> -> memref<1x80x128xi32, #tpu.memory_space<hbm>>
      %dma_wait3A_20 = tpu.memref_squeeze %dma_wait3A_19 : memref<1x80x128xi32, #tpu.memory_space<hbm>> -> memref<80x128xi32, #tpu.memory_space<hbm>>
      %dma_wait3A_21 = arith.constant 0 : i32
      %dma_wait3A_22 = arith.constant 0 : i32
      %dma_wait3A_23 = tpu.memref_slice %arg2[%arg1, %dma_wait3A_21, %dma_wait3A_22] : memref<16x80x128xi32, #tpu.memory_space<hbm>> -> memref<1x80x128xi32, #tpu.memory_space<hbm>>
      %dma_wait3A_24 = tpu.memref_squeeze %dma_wait3A_23 : memref<1x80x128xi32, #tpu.memory_space<hbm>> -> memref<80x128xi32, #tpu.memory_space<hbm>>
      tpu.wait_dma2 semaphore(%run_scoped3A : memref<!tpu.dma_semaphore, #tpu.memory_space<semaphore_mem>>) src(%dma_wait3A_24 : memref<80x128xi32, #tpu.memory_space<hbm>>) dst(%arg6 : memref<80x128xi32, #tpu.memory_space<vmem>>)
      tpu.yield
    }) : () -> ()
    "tpu.region"() ({
      %run_scoped3A = tpu.sem_alloc : memref<!tpu.dma_semaphore, #tpu.memory_space<semaphore_mem>>
      tpu.enqueue_dma source(%arg3 : memref<128x128xf32, #tpu.memory_space<hbm>>) target(%arg7 : memref<128x128xf32, #tpu.memory_space<vmem>>) target_semaphore(%run_scoped3A : memref<!tpu.dma_semaphore, #tpu.memory_space<semaphore_mem>>)
      tpu.wait_dma2 semaphore(%run_scoped3A : memref<!tpu.dma_semaphore, #tpu.memory_space<semaphore_mem>>) src(%arg3 : memref<128x128xf32, #tpu.memory_space<hbm>>) dst(%arg7 : memref<128x128xf32, #tpu.memory_space<vmem>>)
      tpu.yield
    }) : () -> ()
    %barrier3A = arith.constant 0 : index
    tpu.barrier barrier_id(%barrier3A)
    %scan3A = arith.constant 0 : i32
    %scan3A_1 = arith.constant 0 : i32
    %scan3A_2 = arith.constant 40 : i32
    %scan3A_3 = arith.addi %scan3A_1, %scan3A_2 : i32
    %scan3A_4 = arith.constant 1 : i32
    scf.for %scan3A_11 = %scan3A_1 to %scan3A_3 step %scan3A_4  : i32 {
      %mul3A_12 = arith.constant 40 : i32
      %mul3A_13 = arith.muli %arg0, %mul3A_12 : i32
      %add3A = arith.addi %mul3A_13, %scan3A_11 : i32
      "tpu.region"() ({
        %run_scoped3A = tpu.sem_alloc : memref<!tpu.dma_semaphore, #tpu.memory_space<semaphore_mem>>
        %dma_start3A = arith.constant 0 : i32
        %dma_start3A_14 = tpu.memref_slice %arg6[%add3A, %dma_start3A] : memref<80x128xi32, #tpu.memory_space<vmem>> -> memref<1x128xi32, #tpu.memory_space<vmem>>
        %dma_start3A_15 = tpu.memref_squeeze %dma_start3A_14 : memref<1x128xi32, #tpu.memory_space<vmem>> -> memref<128xi32, #tpu.memory_space<vmem>>
        %dma_start3A_16 = arith.constant 0 : i32
        %dma_start3A_17 = arith.constant 0 : i32
        %dma_start3A_18 = tpu.memref_slice %arg8[%dma_start3A_16, %dma_start3A_17] : memref<10240x128xf32, #tpu.memory_space<vmem_shared>> -> memref<10240x128xf32, #tpu.memory_space<vmem_shared>>
        tpu.enqueue_indirect_dma source(%arg7 : memref<128x128xf32, #tpu.memory_space<vmem>>) target(%dma_start3A_18 : memref<10240x128xf32, #tpu.memory_space<vmem_shared>>) offsets(%dma_start3A_15 : memref<128xi32, #tpu.memory_space<vmem>>) semaphore(%run_scoped3A : memref<!tpu.dma_semaphore, #tpu.memory_space<semaphore_mem>>) {add = true}
        %dma_wait3A = arith.constant 0 : i32
        %dma_wait3A_19 = tpu.memref_slice %arg6[%add3A, %dma_wait3A] : memref<80x128xi32, #tpu.memory_space<vmem>> -> memref<1x128xi32, #tpu.memory_space<vmem>>
        %dma_wait3A_20 = tpu.memref_squeeze %dma_wait3A_19 : memref<1x128xi32, #tpu.memory_space<vmem>> -> memref<128xi32, #tpu.memory_space<vmem>>
        %dma_wait3A_21 = arith.constant 0 : i32
        %dma_wait3A_22 = arith.constant 0 : i32
        %dma_wait3A_23 = tpu.memref_slice %arg8[%dma_wait3A_21, %dma_wait3A_22] : memref<10240x128xf32, #tpu.memory_space<vmem_shared>> -> memref<10240x128xf32, #tpu.memory_space<vmem_shared>>
        tpu.wait_indirect_dma semaphore(%run_scoped3A : memref<!tpu.dma_semaphore, #tpu.memory_space<semaphore_mem>>) src(%arg7 : memref<128x128xf32, #tpu.memory_space<vmem>>) dst(%dma_wait3A_23 : memref<10240x128xf32, #tpu.memory_space<vmem_shared>>)
        tpu.yield
      }) : () -> ()
    }
    %scan3A_5 = arith.constant 40 : i32
    %barrier3A_6 = arith.constant 0 : index
    tpu.barrier barrier_id(%barrier3A_6)
    %mul3A_7 = arith.constant 640 : i32
    %mul3A_8 = arith.muli %arg1, %mul3A_7 : i32
    %mul3A_9 = arith.constant 640 : i32
    %mul3A_10 = arith.muli %arg1, %mul3A_9 : i32
    "tpu.region"() ({
      %run_scoped3A = tpu.sem_alloc : memref<!tpu.dma_semaphore, #tpu.memory_space<semaphore_mem>>
      %dma_start3A = arith.constant 0 : i32
      %dma_start3A_11 = tpu.memref_slice %arg5[%arg0, %mul3A_10, %dma_start3A] : memref<2x10240x128xf32, #tpu.memory_space<hbm>> -> memref<1x640x128xf32, #tpu.memory_space<hbm>>
      %dma_start3A_12 = tpu.memref_squeeze %dma_start3A_11 : memref<1x640x128xf32, #tpu.memory_space<hbm>> -> memref<640x128xf32, #tpu.memory_space<hbm>>
      %dma_start3A_13 = arith.constant 0 : i32
      %dma_start3A_14 = tpu.memref_slice %arg8[%mul3A_8, %dma_start3A_13] : memref<10240x128xf32, #tpu.memory_space<vmem_shared>> -> memref<640x128xf32, #tpu.memory_space<vmem_shared>>
      tpu.enqueue_dma source(%dma_start3A_14 : memref<640x128xf32, #tpu.memory_space<vmem_shared>>) target(%dma_start3A_12 : memref<640x128xf32, #tpu.memory_space<hbm>>) target_semaphore(%run_scoped3A : memref<!tpu.dma_semaphore, #tpu.memory_space<semaphore_mem>>)
      %dma_wait3A = arith.constant 0 : i32
      %dma_wait3A_15 = tpu.memref_slice %arg5[%arg0, %mul3A_10, %dma_wait3A] : memref<2x10240x128xf32, #tpu.memory_space<hbm>> -> memref<1x640x128xf32, #tpu.memory_space<hbm>>
      %dma_wait3A_16 = tpu.memref_squeeze %dma_wait3A_15 : memref<1x640x128xf32, #tpu.memory_space<hbm>> -> memref<640x128xf32, #tpu.memory_space<hbm>>
      %dma_wait3A_17 = arith.constant 0 : i32
      %dma_wait3A_18 = tpu.memref_slice %arg8[%mul3A_8, %dma_wait3A_17] : memref<10240x128xf32, #tpu.memory_space<vmem_shared>> -> memref<640x128xf32, #tpu.memory_space<vmem_shared>>
      tpu.wait_dma2 semaphore(%run_scoped3A : memref<!tpu.dma_semaphore, #tpu.memory_space<semaphore_mem>>) src(%dma_wait3A_18 : memref<640x128xf32, #tpu.memory_space<vmem_shared>>) dst(%dma_wait3A_16 : memref<640x128xf32, #tpu.memory_space<hbm>>)
      tpu.yield
    }) : () -> ()
    return
  }
}

#map = affine_map<(d0, d1) -> (0, 0)>
#map1 = affine_map<(d0, d1) -> (0, 0, 0, 0)>
#map2 = affine_map<(d0, d1) -> (0, 0, 0)>
module attributes {stable_mosaic.version = 14 : i64} {
  func.func @_sc_body(%arg0: i32, %arg1: i32, %arg2: memref<20000x128xf32, #tpu.memory_space<hbm>>, %arg3: memref<2x16x80x128xi32, #tpu.memory_space<hbm>>, %arg4: memref<16x80x1x128xi32, #tpu.memory_space<hbm>>, %arg5: memref<640x128xf32, #tpu.memory_space<hbm>>, %arg6: memref<2x10240x128xf32, #tpu.memory_space<hbm>>, %arg7: memref<80x128xi32, #tpu.memory_space<vmem>>, %arg8: memref<1x128xi32, #tpu.memory_space<vmem>>, %arg9: memref<1x128xi32, #tpu.memory_space<vmem>>, %arg10: memref<128x128xf32, #tpu.memory_space<vmem>>, %arg11: memref<128x128xf32, #tpu.memory_space<vmem>>, %arg12: memref<10240x128xf32, #tpu.memory_space<vmem_shared>>, %arg13: memref<!tpu.dma_semaphore, #tpu.memory_space<semaphore_mem>>, %arg14: memref<!tpu.dma_semaphore, #tpu.memory_space<semaphore_mem>>) attributes {dimension_semantics = [#tpu.dimension_semantics<core_parallel>, #tpu.dimension_semantics<subcore_parallel>], iteration_bounds = array<i64: 2, 16>, scalar_prefetch = 0 : i64, scratch_operands = 8 : i64, tpu.core_type = #tpu.core_type<sc_vector_subcore>, window_params = [{transform_indices = #map}, {transform_indices = #map1}, {transform_indices = #map1}, {transform_indices = #map}, {transform_indices = #map2}]} {
    %mul3A = arith.constant 640 : i32
    %mul3A_0 = arith.muli %arg1, %mul3A : i32
    "tpu.region"() ({
      %run_scoped3A = tpu.sem_alloc : memref<!tpu.dma_semaphore, #tpu.memory_space<semaphore_mem>>
      %dma_start3A_26 = arith.constant 0 : i32
      %dma_start3A_27 = tpu.memref_slice %arg12[%mul3A_0, %dma_start3A_26] : memref<10240x128xf32, #tpu.memory_space<vmem_shared>> -> memref<640x128xf32, #tpu.memory_space<vmem_shared>>
      tpu.enqueue_dma source(%arg5 : memref<640x128xf32, #tpu.memory_space<hbm>>) target(%dma_start3A_27 : memref<640x128xf32, #tpu.memory_space<vmem_shared>>) target_semaphore(%run_scoped3A : memref<!tpu.dma_semaphore, #tpu.memory_space<semaphore_mem>>)
      %dma_wait3A = arith.constant 0 : i32
      %dma_wait3A_28 = tpu.memref_slice %arg12[%mul3A_0, %dma_wait3A] : memref<10240x128xf32, #tpu.memory_space<vmem_shared>> -> memref<640x128xf32, #tpu.memory_space<vmem_shared>>
      tpu.wait_dma2 semaphore(%run_scoped3A : memref<!tpu.dma_semaphore, #tpu.memory_space<semaphore_mem>>) src(%arg5 : memref<640x128xf32, #tpu.memory_space<hbm>>) dst(%dma_wait3A_28 : memref<640x128xf32, #tpu.memory_space<vmem_shared>>)
      tpu.yield
    }) : () -> ()
    "tpu.region"() ({
      %run_scoped3A = tpu.sem_alloc : memref<!tpu.dma_semaphore, #tpu.memory_space<semaphore_mem>>
      %dma_start3A_26 = arith.constant 0 : i32
      %dma_start3A_27 = arith.constant 0 : i32
      %dma_start3A_28 = tpu.memref_slice %arg3[%arg0, %arg1, %dma_start3A_26, %dma_start3A_27] : memref<2x16x80x128xi32, #tpu.memory_space<hbm>> -> memref<1x1x80x128xi32, #tpu.memory_space<hbm>>
      %dma_start3A_29 = tpu.memref_squeeze %dma_start3A_28 : memref<1x1x80x128xi32, #tpu.memory_space<hbm>> -> memref<80x128xi32, #tpu.memory_space<hbm>>
      %dma_start3A_30 = arith.constant 0 : i32
      %dma_start3A_31 = arith.constant 0 : i32
      %dma_start3A_32 = tpu.memref_slice %arg3[%arg0, %arg1, %dma_start3A_30, %dma_start3A_31] : memref<2x16x80x128xi32, #tpu.memory_space<hbm>> -> memref<1x1x80x128xi32, #tpu.memory_space<hbm>>
      %dma_start3A_33 = tpu.memref_squeeze %dma_start3A_32 : memref<1x1x80x128xi32, #tpu.memory_space<hbm>> -> memref<80x128xi32, #tpu.memory_space<hbm>>
      tpu.enqueue_dma source(%dma_start3A_33 : memref<80x128xi32, #tpu.memory_space<hbm>>) target(%arg7 : memref<80x128xi32, #tpu.memory_space<vmem>>) target_semaphore(%run_scoped3A : memref<!tpu.dma_semaphore, #tpu.memory_space<semaphore_mem>>)
      %dma_wait3A = arith.constant 0 : i32
      %dma_wait3A_34 = arith.constant 0 : i32
      %dma_wait3A_35 = tpu.memref_slice %arg3[%arg0, %arg1, %dma_wait3A, %dma_wait3A_34] : memref<2x16x80x128xi32, #tpu.memory_space<hbm>> -> memref<1x1x80x128xi32, #tpu.memory_space<hbm>>
      %dma_wait3A_36 = tpu.memref_squeeze %dma_wait3A_35 : memref<1x1x80x128xi32, #tpu.memory_space<hbm>> -> memref<80x128xi32, #tpu.memory_space<hbm>>
      %dma_wait3A_37 = arith.constant 0 : i32
      %dma_wait3A_38 = arith.constant 0 : i32
      %dma_wait3A_39 = tpu.memref_slice %arg3[%arg0, %arg1, %dma_wait3A_37, %dma_wait3A_38] : memref<2x16x80x128xi32, #tpu.memory_space<hbm>> -> memref<1x1x80x128xi32, #tpu.memory_space<hbm>>
      %dma_wait3A_40 = tpu.memref_squeeze %dma_wait3A_39 : memref<1x1x80x128xi32, #tpu.memory_space<hbm>> -> memref<80x128xi32, #tpu.memory_space<hbm>>
      tpu.wait_dma2 semaphore(%run_scoped3A : memref<!tpu.dma_semaphore, #tpu.memory_space<semaphore_mem>>) src(%dma_wait3A_40 : memref<80x128xi32, #tpu.memory_space<hbm>>) dst(%arg7 : memref<80x128xi32, #tpu.memory_space<vmem>>)
      tpu.yield
    }) : () -> ()
    %barrier3A = arith.constant 0 : index
    tpu.barrier barrier_id(%barrier3A)
    %dma_start3A = arith.constant 0 : i32
    %dma_start3A_1 = arith.constant 0 : i32
    %dma_start3A_2 = tpu.memref_slice %arg7[%dma_start3A, %dma_start3A_1] : memref<80x128xi32, #tpu.memory_space<vmem>> -> memref<1x128xi32, #tpu.memory_space<vmem>>
    %dma_start3A_3 = tpu.memref_squeeze %dma_start3A_2 : memref<1x128xi32, #tpu.memory_space<vmem>> -> memref<128xi32, #tpu.memory_space<vmem>>
    %dma_start3A_4 = arith.constant 0 : i32
    %dma_start3A_5 = arith.constant 0 : i32
    %dma_start3A_6 = tpu.memref_slice %arg2[%dma_start3A_4, %dma_start3A_5] : memref<20000x128xf32, #tpu.memory_space<hbm>> -> memref<20000x128xf32, #tpu.memory_space<hbm>>
    tpu.enqueue_indirect_dma source(%dma_start3A_6 : memref<20000x128xf32, #tpu.memory_space<hbm>>) target(%arg10 : memref<128x128xf32, #tpu.memory_space<vmem>>) offsets(%dma_start3A_3 : memref<128xi32, #tpu.memory_space<vmem>>) semaphore(%arg13 : memref<!tpu.dma_semaphore, #tpu.memory_space<semaphore_mem>>)
    %dma_start3A_7 = arith.constant 0 : i32
    %dma_start3A_8 = arith.constant 0 : i32
    %dma_start3A_9 = arith.constant 0 : i32
    %dma_start3A_10 = tpu.memref_slice %arg4[%arg1, %dma_start3A_7, %dma_start3A_8, %dma_start3A_9] : memref<16x80x1x128xi32, #tpu.memory_space<hbm>> -> memref<1x1x1x128xi32, #tpu.memory_space<hbm>>
    %dma_start3A_11 = tpu.memref_squeeze %dma_start3A_10 : memref<1x1x1x128xi32, #tpu.memory_space<hbm>> -> memref<1x128xi32, #tpu.memory_space<hbm>>
    %dma_start3A_12 = arith.constant 0 : i32
    %dma_start3A_13 = arith.constant 0 : i32
    %dma_start3A_14 = tpu.memref_slice %arg4[%arg1, %dma_start3A_7, %dma_start3A_12, %dma_start3A_13] : memref<16x80x1x128xi32, #tpu.memory_space<hbm>> -> memref<1x1x1x128xi32, #tpu.memory_space<hbm>>
    %dma_start3A_15 = tpu.memref_squeeze %dma_start3A_14 : memref<1x1x1x128xi32, #tpu.memory_space<hbm>> -> memref<1x128xi32, #tpu.memory_space<hbm>>
    tpu.enqueue_dma source(%dma_start3A_15 : memref<1x128xi32, #tpu.memory_space<hbm>>) target(%arg8 : memref<1x128xi32, #tpu.memory_space<vmem>>) target_semaphore(%arg13 : memref<!tpu.dma_semaphore, #tpu.memory_space<semaphore_mem>>)
    %scan3A = arith.constant 0 : i32
    %scan3A_16 = arith.constant 0 : i32
    %scan3A_17 = arith.constant 40 : i32
    %scan3A_18 = arith.addi %scan3A_16, %scan3A_17 : i32
    %scan3A_19 = arith.constant 1 : i32
    scf.for %scan3A_26 = %scan3A_16 to %scan3A_18 step %scan3A_19  : i32 {
      %mul3A_27 = arith.constant 2 : i32
      %mul3A_28 = arith.muli %mul3A_27, %scan3A_26 : i32
      %add3A = arith.constant 1 : i32
      %add3A_29 = arith.addi %mul3A_28, %add3A : i32
      %dma_start3A_30 = arith.constant 0 : i32
      %dma_start3A_31 = tpu.memref_slice %arg7[%add3A_29, %dma_start3A_30] : memref<80x128xi32, #tpu.memory_space<vmem>> -> memref<1x128xi32, #tpu.memory_space<vmem>>
      %dma_start3A_32 = tpu.memref_squeeze %dma_start3A_31 : memref<1x128xi32, #tpu.memory_space<vmem>> -> memref<128xi32, #tpu.memory_space<vmem>>
      %dma_start3A_33 = arith.constant 0 : i32
      %dma_start3A_34 = arith.constant 0 : i32
      %dma_start3A_35 = tpu.memref_slice %arg2[%dma_start3A_33, %dma_start3A_34] : memref<20000x128xf32, #tpu.memory_space<hbm>> -> memref<20000x128xf32, #tpu.memory_space<hbm>>
      tpu.enqueue_indirect_dma source(%dma_start3A_35 : memref<20000x128xf32, #tpu.memory_space<hbm>>) target(%arg11 : memref<128x128xf32, #tpu.memory_space<vmem>>) offsets(%dma_start3A_32 : memref<128xi32, #tpu.memory_space<vmem>>) semaphore(%arg14 : memref<!tpu.dma_semaphore, #tpu.memory_space<semaphore_mem>>)
      %dma_start3A_36 = arith.constant 0 : i32
      %dma_start3A_37 = arith.constant 0 : i32
      %dma_start3A_38 = tpu.memref_slice %arg4[%arg1, %add3A_29, %dma_start3A_36, %dma_start3A_37] : memref<16x80x1x128xi32, #tpu.memory_space<hbm>> -> memref<1x1x1x128xi32, #tpu.memory_space<hbm>>
      %dma_start3A_39 = tpu.memref_squeeze %dma_start3A_38 : memref<1x1x1x128xi32, #tpu.memory_space<hbm>> -> memref<1x128xi32, #tpu.memory_space<hbm>>
      %dma_start3A_40 = arith.constant 0 : i32
      %dma_start3A_41 = arith.constant 0 : i32
      %dma_start3A_42 = tpu.memref_slice %arg4[%arg1, %add3A_29, %dma_start3A_40, %dma_start3A_41] : memref<16x80x1x128xi32, #tpu.memory_space<hbm>> -> memref<1x1x1x128xi32, #tpu.memory_space<hbm>>
      %dma_start3A_43 = tpu.memref_squeeze %dma_start3A_42 : memref<1x1x1x128xi32, #tpu.memory_space<hbm>> -> memref<1x128xi32, #tpu.memory_space<hbm>>
      tpu.enqueue_dma source(%dma_start3A_43 : memref<1x128xi32, #tpu.memory_space<hbm>>) target(%arg9 : memref<1x128xi32, #tpu.memory_space<vmem>>) target_semaphore(%arg14 : memref<!tpu.dma_semaphore, #tpu.memory_space<semaphore_mem>>)
      %dma_wait3A = arith.constant 0 : i32
      %dma_wait3A_44 = tpu.memref_slice %arg7[%mul3A_28, %dma_wait3A] : memref<80x128xi32, #tpu.memory_space<vmem>> -> memref<1x128xi32, #tpu.memory_space<vmem>>
      %dma_wait3A_45 = tpu.memref_squeeze %dma_wait3A_44 : memref<1x128xi32, #tpu.memory_space<vmem>> -> memref<128xi32, #tpu.memory_space<vmem>>
      %dma_wait3A_46 = arith.constant 0 : i32
      %dma_wait3A_47 = arith.constant 0 : i32
      %dma_wait3A_48 = tpu.memref_slice %arg2[%dma_wait3A_46, %dma_wait3A_47] : memref<20000x128xf32, #tpu.memory_space<hbm>> -> memref<20000x128xf32, #tpu.memory_space<hbm>>
      tpu.wait_indirect_dma semaphore(%arg13 : memref<!tpu.dma_semaphore, #tpu.memory_space<semaphore_mem>>) src(%dma_wait3A_48 : memref<20000x128xf32, #tpu.memory_space<hbm>>) dst(%arg10 : memref<128x128xf32, #tpu.memory_space<vmem>>)
      %dma_wait3A_49 = arith.constant 0 : i32
      %dma_wait3A_50 = arith.constant 0 : i32
      %dma_wait3A_51 = tpu.memref_slice %arg4[%arg1, %mul3A_28, %dma_wait3A_49, %dma_wait3A_50] : memref<16x80x1x128xi32, #tpu.memory_space<hbm>> -> memref<1x1x1x128xi32, #tpu.memory_space<hbm>>
      %dma_wait3A_52 = tpu.memref_squeeze %dma_wait3A_51 : memref<1x1x1x128xi32, #tpu.memory_space<hbm>> -> memref<1x128xi32, #tpu.memory_space<hbm>>
      %dma_wait3A_53 = arith.constant 0 : i32
      %dma_wait3A_54 = arith.constant 0 : i32
      %dma_wait3A_55 = tpu.memref_slice %arg4[%arg1, %mul3A_28, %dma_wait3A_53, %dma_wait3A_54] : memref<16x80x1x128xi32, #tpu.memory_space<hbm>> -> memref<1x1x1x128xi32, #tpu.memory_space<hbm>>
      %dma_wait3A_56 = tpu.memref_squeeze %dma_wait3A_55 : memref<1x1x1x128xi32, #tpu.memory_space<hbm>> -> memref<1x128xi32, #tpu.memory_space<hbm>>
      tpu.wait_dma2 semaphore(%arg13 : memref<!tpu.dma_semaphore, #tpu.memory_space<semaphore_mem>>) src(%dma_wait3A_56 : memref<1x128xi32, #tpu.memory_space<hbm>>) dst(%arg8 : memref<1x128xi32, #tpu.memory_space<vmem>>)
      %run_scoped3A = arith.constant 0 : i32
      "tpu.region"() ({
        %run_scoped3A_78 = tpu.sem_alloc : memref<!tpu.dma_semaphore, #tpu.memory_space<semaphore_mem>>
        %dma_start3A_79 = arith.constant 0 : i32
        %dma_start3A_80 = tpu.memref_slice %arg8[%run_scoped3A, %dma_start3A_79] : memref<1x128xi32, #tpu.memory_space<vmem>> -> memref<1x128xi32, #tpu.memory_space<vmem>>
        %dma_start3A_81 = tpu.memref_squeeze %dma_start3A_80 : memref<1x128xi32, #tpu.memory_space<vmem>> -> memref<128xi32, #tpu.memory_space<vmem>>
        %dma_start3A_82 = arith.constant 0 : i32
        %dma_start3A_83 = arith.constant 0 : i32
        %dma_start3A_84 = tpu.memref_slice %arg12[%dma_start3A_82, %dma_start3A_83] : memref<10240x128xf32, #tpu.memory_space<vmem_shared>> -> memref<10240x128xf32, #tpu.memory_space<vmem_shared>>
        tpu.enqueue_indirect_dma source(%arg10 : memref<128x128xf32, #tpu.memory_space<vmem>>) target(%dma_start3A_84 : memref<10240x128xf32, #tpu.memory_space<vmem_shared>>) offsets(%dma_start3A_81 : memref<128xi32, #tpu.memory_space<vmem>>) semaphore(%run_scoped3A_78 : memref<!tpu.dma_semaphore, #tpu.memory_space<semaphore_mem>>) {add = true}
        %dma_wait3A_85 = arith.constant 0 : i32
        %dma_wait3A_86 = tpu.memref_slice %arg8[%run_scoped3A, %dma_wait3A_85] : memref<1x128xi32, #tpu.memory_space<vmem>> -> memref<1x128xi32, #tpu.memory_space<vmem>>
        %dma_wait3A_87 = tpu.memref_squeeze %dma_wait3A_86 : memref<1x128xi32, #tpu.memory_space<vmem>> -> memref<128xi32, #tpu.memory_space<vmem>>
        %dma_wait3A_88 = arith.constant 0 : i32
        %dma_wait3A_89 = arith.constant 0 : i32
        %dma_wait3A_90 = tpu.memref_slice %arg12[%dma_wait3A_88, %dma_wait3A_89] : memref<10240x128xf32, #tpu.memory_space<vmem_shared>> -> memref<10240x128xf32, #tpu.memory_space<vmem_shared>>
        tpu.wait_indirect_dma semaphore(%run_scoped3A_78 : memref<!tpu.dma_semaphore, #tpu.memory_space<semaphore_mem>>) src(%arg10 : memref<128x128xf32, #tpu.memory_space<vmem>>) dst(%dma_wait3A_90 : memref<10240x128xf32, #tpu.memory_space<vmem_shared>>)
        tpu.yield
      }) : () -> ()
      %add3A_57 = arith.constant 2 : i32
      %add3A_58 = arith.addi %mul3A_28, %add3A_57 : i32
      %lt3A = arith.constant 80 : i32
      %lt3A_59 = arith.cmpi slt, %add3A_58, %lt3A : i32
      %convert_element_type3A = arith.extui %lt3A_59 : i1 to i32
      %cond3A = arith.constant 0 : i32
      %cond3A_60 = arith.cmpi ne, %convert_element_type3A, %cond3A : i32
      scf.if %cond3A_60 {
        %add3A_78 = arith.constant 2 : i32
        %add3A_79 = arith.addi %mul3A_28, %add3A_78 : i32
        %dma_start3A_80 = arith.constant 0 : i32
        %dma_start3A_81 = tpu.memref_slice %arg7[%add3A_79, %dma_start3A_80] : memref<80x128xi32, #tpu.memory_space<vmem>> -> memref<1x128xi32, #tpu.memory_space<vmem>>
        %dma_start3A_82 = tpu.memref_squeeze %dma_start3A_81 : memref<1x128xi32, #tpu.memory_space<vmem>> -> memref<128xi32, #tpu.memory_space<vmem>>
        %dma_start3A_83 = arith.constant 0 : i32
        %dma_start3A_84 = arith.constant 0 : i32
        %dma_start3A_85 = tpu.memref_slice %arg2[%dma_start3A_83, %dma_start3A_84] : memref<20000x128xf32, #tpu.memory_space<hbm>> -> memref<20000x128xf32, #tpu.memory_space<hbm>>
        tpu.enqueue_indirect_dma source(%dma_start3A_85 : memref<20000x128xf32, #tpu.memory_space<hbm>>) target(%arg10 : memref<128x128xf32, #tpu.memory_space<vmem>>) offsets(%dma_start3A_82 : memref<128xi32, #tpu.memory_space<vmem>>) semaphore(%arg13 : memref<!tpu.dma_semaphore, #tpu.memory_space<semaphore_mem>>)
        %dma_start3A_86 = arith.constant 0 : i32
        %dma_start3A_87 = arith.constant 0 : i32
        %dma_start3A_88 = tpu.memref_slice %arg4[%arg1, %add3A_79, %dma_start3A_86, %dma_start3A_87] : memref<16x80x1x128xi32, #tpu.memory_space<hbm>> -> memref<1x1x1x128xi32, #tpu.memory_space<hbm>>
        %dma_start3A_89 = tpu.memref_squeeze %dma_start3A_88 : memref<1x1x1x128xi32, #tpu.memory_space<hbm>> -> memref<1x128xi32, #tpu.memory_space<hbm>>
        %dma_start3A_90 = arith.constant 0 : i32
        %dma_start3A_91 = arith.constant 0 : i32
        %dma_start3A_92 = tpu.memref_slice %arg4[%arg1, %add3A_79, %dma_start3A_90, %dma_start3A_91] : memref<16x80x1x128xi32, #tpu.memory_space<hbm>> -> memref<1x1x1x128xi32, #tpu.memory_space<hbm>>
        %dma_start3A_93 = tpu.memref_squeeze %dma_start3A_92 : memref<1x1x1x128xi32, #tpu.memory_space<hbm>> -> memref<1x128xi32, #tpu.memory_space<hbm>>
        tpu.enqueue_dma source(%dma_start3A_93 : memref<1x128xi32, #tpu.memory_space<hbm>>) target(%arg8 : memref<1x128xi32, #tpu.memory_space<vmem>>) target_semaphore(%arg13 : memref<!tpu.dma_semaphore, #tpu.memory_space<semaphore_mem>>)
      } else {
      }
      %add3A_61 = arith.constant 1 : i32
      %add3A_62 = arith.addi %mul3A_28, %add3A_61 : i32
      %dma_wait3A_63 = arith.constant 0 : i32
      %dma_wait3A_64 = tpu.memref_slice %arg7[%add3A_62, %dma_wait3A_63] : memref<80x128xi32, #tpu.memory_space<vmem>> -> memref<1x128xi32, #tpu.memory_space<vmem>>
      %dma_wait3A_65 = tpu.memref_squeeze %dma_wait3A_64 : memref<1x128xi32, #tpu.memory_space<vmem>> -> memref<128xi32, #tpu.memory_space<vmem>>
      %dma_wait3A_66 = arith.constant 0 : i32
      %dma_wait3A_67 = arith.constant 0 : i32
      %dma_wait3A_68 = tpu.memref_slice %arg2[%dma_wait3A_66, %dma_wait3A_67] : memref<20000x128xf32, #tpu.memory_space<hbm>> -> memref<20000x128xf32, #tpu.memory_space<hbm>>
      tpu.wait_indirect_dma semaphore(%arg14 : memref<!tpu.dma_semaphore, #tpu.memory_space<semaphore_mem>>) src(%dma_wait3A_68 : memref<20000x128xf32, #tpu.memory_space<hbm>>) dst(%arg11 : memref<128x128xf32, #tpu.memory_space<vmem>>)
      %dma_wait3A_69 = arith.constant 0 : i32
      %dma_wait3A_70 = arith.constant 0 : i32
      %dma_wait3A_71 = tpu.memref_slice %arg4[%arg1, %add3A_62, %dma_wait3A_69, %dma_wait3A_70] : memref<16x80x1x128xi32, #tpu.memory_space<hbm>> -> memref<1x1x1x128xi32, #tpu.memory_space<hbm>>
      %dma_wait3A_72 = tpu.memref_squeeze %dma_wait3A_71 : memref<1x1x1x128xi32, #tpu.memory_space<hbm>> -> memref<1x128xi32, #tpu.memory_space<hbm>>
      %dma_wait3A_73 = arith.constant 0 : i32
      %dma_wait3A_74 = arith.constant 0 : i32
      %dma_wait3A_75 = tpu.memref_slice %arg4[%arg1, %add3A_62, %dma_wait3A_73, %dma_wait3A_74] : memref<16x80x1x128xi32, #tpu.memory_space<hbm>> -> memref<1x1x1x128xi32, #tpu.memory_space<hbm>>
      %dma_wait3A_76 = tpu.memref_squeeze %dma_wait3A_75 : memref<1x1x1x128xi32, #tpu.memory_space<hbm>> -> memref<1x128xi32, #tpu.memory_space<hbm>>
      tpu.wait_dma2 semaphore(%arg14 : memref<!tpu.dma_semaphore, #tpu.memory_space<semaphore_mem>>) src(%dma_wait3A_76 : memref<1x128xi32, #tpu.memory_space<hbm>>) dst(%arg9 : memref<1x128xi32, #tpu.memory_space<vmem>>)
      %run_scoped3A_77 = arith.constant 0 : i32
      "tpu.region"() ({
        %run_scoped3A_78 = tpu.sem_alloc : memref<!tpu.dma_semaphore, #tpu.memory_space<semaphore_mem>>
        %dma_start3A_79 = arith.constant 0 : i32
        %dma_start3A_80 = tpu.memref_slice %arg9[%run_scoped3A_77, %dma_start3A_79] : memref<1x128xi32, #tpu.memory_space<vmem>> -> memref<1x128xi32, #tpu.memory_space<vmem>>
        %dma_start3A_81 = tpu.memref_squeeze %dma_start3A_80 : memref<1x128xi32, #tpu.memory_space<vmem>> -> memref<128xi32, #tpu.memory_space<vmem>>
        %dma_start3A_82 = arith.constant 0 : i32
        %dma_start3A_83 = arith.constant 0 : i32
        %dma_start3A_84 = tpu.memref_slice %arg12[%dma_start3A_82, %dma_start3A_83] : memref<10240x128xf32, #tpu.memory_space<vmem_shared>> -> memref<10240x128xf32, #tpu.memory_space<vmem_shared>>
        tpu.enqueue_indirect_dma source(%arg11 : memref<128x128xf32, #tpu.memory_space<vmem>>) target(%dma_start3A_84 : memref<10240x128xf32, #tpu.memory_space<vmem_shared>>) offsets(%dma_start3A_81 : memref<128xi32, #tpu.memory_space<vmem>>) semaphore(%run_scoped3A_78 : memref<!tpu.dma_semaphore, #tpu.memory_space<semaphore_mem>>) {add = true}
        %dma_wait3A_85 = arith.constant 0 : i32
        %dma_wait3A_86 = tpu.memref_slice %arg9[%run_scoped3A_77, %dma_wait3A_85] : memref<1x128xi32, #tpu.memory_space<vmem>> -> memref<1x128xi32, #tpu.memory_space<vmem>>
        %dma_wait3A_87 = tpu.memref_squeeze %dma_wait3A_86 : memref<1x128xi32, #tpu.memory_space<vmem>> -> memref<128xi32, #tpu.memory_space<vmem>>
        %dma_wait3A_88 = arith.constant 0 : i32
        %dma_wait3A_89 = arith.constant 0 : i32
        %dma_wait3A_90 = tpu.memref_slice %arg12[%dma_wait3A_88, %dma_wait3A_89] : memref<10240x128xf32, #tpu.memory_space<vmem_shared>> -> memref<10240x128xf32, #tpu.memory_space<vmem_shared>>
        tpu.wait_indirect_dma semaphore(%run_scoped3A_78 : memref<!tpu.dma_semaphore, #tpu.memory_space<semaphore_mem>>) src(%arg11 : memref<128x128xf32, #tpu.memory_space<vmem>>) dst(%dma_wait3A_90 : memref<10240x128xf32, #tpu.memory_space<vmem_shared>>)
        tpu.yield
      }) : () -> ()
    }
    %scan3A_20 = arith.constant 40 : i32
    %barrier3A_21 = arith.constant 0 : index
    tpu.barrier barrier_id(%barrier3A_21)
    %mul3A_22 = arith.constant 640 : i32
    %mul3A_23 = arith.muli %arg1, %mul3A_22 : i32
    %mul3A_24 = arith.constant 640 : i32
    %mul3A_25 = arith.muli %arg1, %mul3A_24 : i32
    "tpu.region"() ({
      %run_scoped3A = tpu.sem_alloc : memref<!tpu.dma_semaphore, #tpu.memory_space<semaphore_mem>>
      %dma_start3A_26 = arith.constant 0 : i32
      %dma_start3A_27 = tpu.memref_slice %arg6[%arg0, %mul3A_25, %dma_start3A_26] : memref<2x10240x128xf32, #tpu.memory_space<hbm>> -> memref<1x640x128xf32, #tpu.memory_space<hbm>>
      %dma_start3A_28 = tpu.memref_squeeze %dma_start3A_27 : memref<1x640x128xf32, #tpu.memory_space<hbm>> -> memref<640x128xf32, #tpu.memory_space<hbm>>
      %dma_start3A_29 = arith.constant 0 : i32
      %dma_start3A_30 = tpu.memref_slice %arg12[%mul3A_23, %dma_start3A_29] : memref<10240x128xf32, #tpu.memory_space<vmem_shared>> -> memref<640x128xf32, #tpu.memory_space<vmem_shared>>
      tpu.enqueue_dma source(%dma_start3A_30 : memref<640x128xf32, #tpu.memory_space<vmem_shared>>) target(%dma_start3A_28 : memref<640x128xf32, #tpu.memory_space<hbm>>) target_semaphore(%run_scoped3A : memref<!tpu.dma_semaphore, #tpu.memory_space<semaphore_mem>>)
      %dma_wait3A = arith.constant 0 : i32
      %dma_wait3A_31 = tpu.memref_slice %arg6[%arg0, %mul3A_25, %dma_wait3A] : memref<2x10240x128xf32, #tpu.memory_space<hbm>> -> memref<1x640x128xf32, #tpu.memory_space<hbm>>
      %dma_wait3A_32 = tpu.memref_squeeze %dma_wait3A_31 : memref<1x640x128xf32, #tpu.memory_space<hbm>> -> memref<640x128xf32, #tpu.memory_space<hbm>>
      %dma_wait3A_33 = arith.constant 0 : i32
      %dma_wait3A_34 = tpu.memref_slice %arg12[%mul3A_23, %dma_wait3A_33] : memref<10240x128xf32, #tpu.memory_space<vmem_shared>> -> memref<640x128xf32, #tpu.memory_space<vmem_shared>>
      tpu.wait_dma2 semaphore(%run_scoped3A : memref<!tpu.dma_semaphore, #tpu.memory_space<semaphore_mem>>) src(%dma_wait3A_34 : memref<640x128xf32, #tpu.memory_space<vmem_shared>>) dst(%dma_wait3A_32 : memref<640x128xf32, #tpu.memory_space<hbm>>)
      tpu.yield
    }) : () -> ()
    return
  }
}

#map = affine_map<(d0, d1) -> (0, 0)>
#map1 = affine_map<(d0, d1) -> (0, 0, 0, 0)>
#map2 = affine_map<(d0, d1) -> (0, 0, 0)>
module attributes {stable_mosaic.version = 14 : i64} {
  func.func @_sc_body(%arg0: i32, %arg1: i32, %arg2: memref<20000x128xf32, #tpu.memory_space<hbm>>, %arg3: memref<2x16x80x128xi32, #tpu.memory_space<hbm>>, %arg4: memref<16x80x1x128xi32, #tpu.memory_space<hbm>>, %arg5: memref<640x128xf32, #tpu.memory_space<hbm>>, %arg6: memref<2x10240x128xf32, #tpu.memory_space<hbm>>, %arg7: memref<80x128xi32, #tpu.memory_space<vmem>>, %arg8: memref<1x128xi32, #tpu.memory_space<vmem>>, %arg9: memref<1x128xi32, #tpu.memory_space<vmem>>, %arg10: memref<128x128xf32, #tpu.memory_space<vmem>>, %arg11: memref<128x128xf32, #tpu.memory_space<vmem>>, %arg12: memref<10240x128xf32, #tpu.memory_space<vmem_shared>>, %arg13: memref<!tpu.dma_semaphore, #tpu.memory_space<semaphore_mem>>, %arg14: memref<!tpu.dma_semaphore, #tpu.memory_space<semaphore_mem>>) attributes {dimension_semantics = [#tpu.dimension_semantics<core_parallel>, #tpu.dimension_semantics<subcore_parallel>], iteration_bounds = array<i64: 2, 16>, scalar_prefetch = 0 : i64, scratch_operands = 8 : i64, tpu.core_type = #tpu.core_type<sc_vector_subcore>, window_params = [{transform_indices = #map}, {transform_indices = #map1}, {transform_indices = #map1}, {transform_indices = #map}, {transform_indices = #map2}]} {
    %mul3A = arith.constant 640 : i32
    %mul3A_0 = arith.muli %arg1, %mul3A : i32
    "tpu.region"() ({
      %run_scoped3A = tpu.sem_alloc : memref<!tpu.dma_semaphore, #tpu.memory_space<semaphore_mem>>
      %dma_start3A_26 = arith.constant 0 : i32
      %dma_start3A_27 = tpu.memref_slice %arg12[%mul3A_0, %dma_start3A_26] : memref<10240x128xf32, #tpu.memory_space<vmem_shared>> -> memref<640x128xf32, #tpu.memory_space<vmem_shared>>
      tpu.enqueue_dma source(%arg5 : memref<640x128xf32, #tpu.memory_space<hbm>>) target(%dma_start3A_27 : memref<640x128xf32, #tpu.memory_space<vmem_shared>>) target_semaphore(%run_scoped3A : memref<!tpu.dma_semaphore, #tpu.memory_space<semaphore_mem>>)
      %dma_wait3A = arith.constant 0 : i32
      %dma_wait3A_28 = tpu.memref_slice %arg12[%mul3A_0, %dma_wait3A] : memref<10240x128xf32, #tpu.memory_space<vmem_shared>> -> memref<640x128xf32, #tpu.memory_space<vmem_shared>>
      tpu.wait_dma2 semaphore(%run_scoped3A : memref<!tpu.dma_semaphore, #tpu.memory_space<semaphore_mem>>) src(%arg5 : memref<640x128xf32, #tpu.memory_space<hbm>>) dst(%dma_wait3A_28 : memref<640x128xf32, #tpu.memory_space<vmem_shared>>)
      tpu.yield
    }) : () -> ()
    "tpu.region"() ({
      %run_scoped3A = tpu.sem_alloc : memref<!tpu.dma_semaphore, #tpu.memory_space<semaphore_mem>>
      %dma_start3A_26 = arith.constant 0 : i32
      %dma_start3A_27 = arith.constant 0 : i32
      %dma_start3A_28 = tpu.memref_slice %arg3[%arg0, %arg1, %dma_start3A_26, %dma_start3A_27] : memref<2x16x80x128xi32, #tpu.memory_space<hbm>> -> memref<1x1x80x128xi32, #tpu.memory_space<hbm>>
      %dma_start3A_29 = tpu.memref_squeeze %dma_start3A_28 : memref<1x1x80x128xi32, #tpu.memory_space<hbm>> -> memref<80x128xi32, #tpu.memory_space<hbm>>
      %dma_start3A_30 = arith.constant 0 : i32
      %dma_start3A_31 = arith.constant 0 : i32
      %dma_start3A_32 = tpu.memref_slice %arg3[%arg0, %arg1, %dma_start3A_30, %dma_start3A_31] : memref<2x16x80x128xi32, #tpu.memory_space<hbm>> -> memref<1x1x80x128xi32, #tpu.memory_space<hbm>>
      %dma_start3A_33 = tpu.memref_squeeze %dma_start3A_32 : memref<1x1x80x128xi32, #tpu.memory_space<hbm>> -> memref<80x128xi32, #tpu.memory_space<hbm>>
      tpu.enqueue_dma source(%dma_start3A_33 : memref<80x128xi32, #tpu.memory_space<hbm>>) target(%arg7 : memref<80x128xi32, #tpu.memory_space<vmem>>) target_semaphore(%run_scoped3A : memref<!tpu.dma_semaphore, #tpu.memory_space<semaphore_mem>>)
      %dma_wait3A = arith.constant 0 : i32
      %dma_wait3A_34 = arith.constant 0 : i32
      %dma_wait3A_35 = tpu.memref_slice %arg3[%arg0, %arg1, %dma_wait3A, %dma_wait3A_34] : memref<2x16x80x128xi32, #tpu.memory_space<hbm>> -> memref<1x1x80x128xi32, #tpu.memory_space<hbm>>
      %dma_wait3A_36 = tpu.memref_squeeze %dma_wait3A_35 : memref<1x1x80x128xi32, #tpu.memory_space<hbm>> -> memref<80x128xi32, #tpu.memory_space<hbm>>
      %dma_wait3A_37 = arith.constant 0 : i32
      %dma_wait3A_38 = arith.constant 0 : i32
      %dma_wait3A_39 = tpu.memref_slice %arg3[%arg0, %arg1, %dma_wait3A_37, %dma_wait3A_38] : memref<2x16x80x128xi32, #tpu.memory_space<hbm>> -> memref<1x1x80x128xi32, #tpu.memory_space<hbm>>
      %dma_wait3A_40 = tpu.memref_squeeze %dma_wait3A_39 : memref<1x1x80x128xi32, #tpu.memory_space<hbm>> -> memref<80x128xi32, #tpu.memory_space<hbm>>
      tpu.wait_dma2 semaphore(%run_scoped3A : memref<!tpu.dma_semaphore, #tpu.memory_space<semaphore_mem>>) src(%dma_wait3A_40 : memref<80x128xi32, #tpu.memory_space<hbm>>) dst(%arg7 : memref<80x128xi32, #tpu.memory_space<vmem>>)
      tpu.yield
    }) : () -> ()
    %barrier3A = arith.constant 0 : index
    tpu.barrier barrier_id(%barrier3A)
    %dma_start3A = arith.constant 0 : i32
    %dma_start3A_1 = arith.constant 0 : i32
    %dma_start3A_2 = tpu.memref_slice %arg7[%dma_start3A, %dma_start3A_1] : memref<80x128xi32, #tpu.memory_space<vmem>> -> memref<1x128xi32, #tpu.memory_space<vmem>>
    %dma_start3A_3 = tpu.memref_squeeze %dma_start3A_2 : memref<1x128xi32, #tpu.memory_space<vmem>> -> memref<128xi32, #tpu.memory_space<vmem>>
    %dma_start3A_4 = arith.constant 0 : i32
    %dma_start3A_5 = arith.constant 0 : i32
    %dma_start3A_6 = tpu.memref_slice %arg2[%dma_start3A_4, %dma_start3A_5] : memref<20000x128xf32, #tpu.memory_space<hbm>> -> memref<20000x128xf32, #tpu.memory_space<hbm>>
    tpu.enqueue_indirect_dma source(%dma_start3A_6 : memref<20000x128xf32, #tpu.memory_space<hbm>>) target(%arg10 : memref<128x128xf32, #tpu.memory_space<vmem>>) offsets(%dma_start3A_3 : memref<128xi32, #tpu.memory_space<vmem>>) semaphore(%arg13 : memref<!tpu.dma_semaphore, #tpu.memory_space<semaphore_mem>>)
    %dma_start3A_7 = arith.constant 0 : i32
    %dma_start3A_8 = arith.constant 0 : i32
    %dma_start3A_9 = arith.constant 0 : i32
    %dma_start3A_10 = tpu.memref_slice %arg4[%arg1, %dma_start3A_7, %dma_start3A_8, %dma_start3A_9] : memref<16x80x1x128xi32, #tpu.memory_space<hbm>> -> memref<1x1x1x128xi32, #tpu.memory_space<hbm>>
    %dma_start3A_11 = tpu.memref_squeeze %dma_start3A_10 : memref<1x1x1x128xi32, #tpu.memory_space<hbm>> -> memref<1x128xi32, #tpu.memory_space<hbm>>
    %dma_start3A_12 = arith.constant 0 : i32
    %dma_start3A_13 = arith.constant 0 : i32
    %dma_start3A_14 = tpu.memref_slice %arg4[%arg1, %dma_start3A_7, %dma_start3A_12, %dma_start3A_13] : memref<16x80x1x128xi32, #tpu.memory_space<hbm>> -> memref<1x1x1x128xi32, #tpu.memory_space<hbm>>
    %dma_start3A_15 = tpu.memref_squeeze %dma_start3A_14 : memref<1x1x1x128xi32, #tpu.memory_space<hbm>> -> memref<1x128xi32, #tpu.memory_space<hbm>>
    tpu.enqueue_dma source(%dma_start3A_15 : memref<1x128xi32, #tpu.memory_space<hbm>>) target(%arg8 : memref<1x128xi32, #tpu.memory_space<vmem>>) target_semaphore(%arg13 : memref<!tpu.dma_semaphore, #tpu.memory_space<semaphore_mem>>)
    %scan3A = arith.constant 0 : i32
    %scan3A_16 = arith.constant 0 : i32
    %scan3A_17 = arith.constant 40 : i32
    %scan3A_18 = arith.addi %scan3A_16, %scan3A_17 : i32
    %scan3A_19 = arith.constant 1 : i32
    scf.for %scan3A_26 = %scan3A_16 to %scan3A_18 step %scan3A_19  : i32 {
      %mul3A_27 = arith.constant 2 : i32
      %mul3A_28 = arith.muli %mul3A_27, %scan3A_26 : i32
      %add3A = arith.constant 1 : i32
      %add3A_29 = arith.addi %mul3A_28, %add3A : i32
      %dma_start3A_30 = arith.constant 0 : i32
      %dma_start3A_31 = tpu.memref_slice %arg7[%add3A_29, %dma_start3A_30] : memref<80x128xi32, #tpu.memory_space<vmem>> -> memref<1x128xi32, #tpu.memory_space<vmem>>
      %dma_start3A_32 = tpu.memref_squeeze %dma_start3A_31 : memref<1x128xi32, #tpu.memory_space<vmem>> -> memref<128xi32, #tpu.memory_space<vmem>>
      %dma_start3A_33 = arith.constant 0 : i32
      %dma_start3A_34 = arith.constant 0 : i32
      %dma_start3A_35 = tpu.memref_slice %arg2[%dma_start3A_33, %dma_start3A_34] : memref<20000x128xf32, #tpu.memory_space<hbm>> -> memref<20000x128xf32, #tpu.memory_space<hbm>>
      tpu.enqueue_indirect_dma source(%dma_start3A_35 : memref<20000x128xf32, #tpu.memory_space<hbm>>) target(%arg11 : memref<128x128xf32, #tpu.memory_space<vmem>>) offsets(%dma_start3A_32 : memref<128xi32, #tpu.memory_space<vmem>>) semaphore(%arg14 : memref<!tpu.dma_semaphore, #tpu.memory_space<semaphore_mem>>)
      %dma_start3A_36 = arith.constant 0 : i32
      %dma_start3A_37 = arith.constant 0 : i32
      %dma_start3A_38 = tpu.memref_slice %arg4[%arg1, %add3A_29, %dma_start3A_36, %dma_start3A_37] : memref<16x80x1x128xi32, #tpu.memory_space<hbm>> -> memref<1x1x1x128xi32, #tpu.memory_space<hbm>>
      %dma_start3A_39 = tpu.memref_squeeze %dma_start3A_38 : memref<1x1x1x128xi32, #tpu.memory_space<hbm>> -> memref<1x128xi32, #tpu.memory_space<hbm>>
      %dma_start3A_40 = arith.constant 0 : i32
      %dma_start3A_41 = arith.constant 0 : i32
      %dma_start3A_42 = tpu.memref_slice %arg4[%arg1, %add3A_29, %dma_start3A_40, %dma_start3A_41] : memref<16x80x1x128xi32, #tpu.memory_space<hbm>> -> memref<1x1x1x128xi32, #tpu.memory_space<hbm>>
      %dma_start3A_43 = tpu.memref_squeeze %dma_start3A_42 : memref<1x1x1x128xi32, #tpu.memory_space<hbm>> -> memref<1x128xi32, #tpu.memory_space<hbm>>
      tpu.enqueue_dma source(%dma_start3A_43 : memref<1x128xi32, #tpu.memory_space<hbm>>) target(%arg9 : memref<1x128xi32, #tpu.memory_space<vmem>>) target_semaphore(%arg14 : memref<!tpu.dma_semaphore, #tpu.memory_space<semaphore_mem>>)
      %dma_wait3A = arith.constant 0 : i32
      %dma_wait3A_44 = tpu.memref_slice %arg7[%mul3A_28, %dma_wait3A] : memref<80x128xi32, #tpu.memory_space<vmem>> -> memref<1x128xi32, #tpu.memory_space<vmem>>
      %dma_wait3A_45 = tpu.memref_squeeze %dma_wait3A_44 : memref<1x128xi32, #tpu.memory_space<vmem>> -> memref<128xi32, #tpu.memory_space<vmem>>
      %dma_wait3A_46 = arith.constant 0 : i32
      %dma_wait3A_47 = arith.constant 0 : i32
      %dma_wait3A_48 = tpu.memref_slice %arg2[%dma_wait3A_46, %dma_wait3A_47] : memref<20000x128xf32, #tpu.memory_space<hbm>> -> memref<20000x128xf32, #tpu.memory_space<hbm>>
      tpu.wait_indirect_dma semaphore(%arg13 : memref<!tpu.dma_semaphore, #tpu.memory_space<semaphore_mem>>) src(%dma_wait3A_48 : memref<20000x128xf32, #tpu.memory_space<hbm>>) dst(%arg10 : memref<128x128xf32, #tpu.memory_space<vmem>>)
      %dma_wait3A_49 = arith.constant 0 : i32
      %dma_wait3A_50 = arith.constant 0 : i32
      %dma_wait3A_51 = tpu.memref_slice %arg4[%arg1, %mul3A_28, %dma_wait3A_49, %dma_wait3A_50] : memref<16x80x1x128xi32, #tpu.memory_space<hbm>> -> memref<1x1x1x128xi32, #tpu.memory_space<hbm>>
      %dma_wait3A_52 = tpu.memref_squeeze %dma_wait3A_51 : memref<1x1x1x128xi32, #tpu.memory_space<hbm>> -> memref<1x128xi32, #tpu.memory_space<hbm>>
      %dma_wait3A_53 = arith.constant 0 : i32
      %dma_wait3A_54 = arith.constant 0 : i32
      %dma_wait3A_55 = tpu.memref_slice %arg4[%arg1, %mul3A_28, %dma_wait3A_53, %dma_wait3A_54] : memref<16x80x1x128xi32, #tpu.memory_space<hbm>> -> memref<1x1x1x128xi32, #tpu.memory_space<hbm>>
      %dma_wait3A_56 = tpu.memref_squeeze %dma_wait3A_55 : memref<1x1x1x128xi32, #tpu.memory_space<hbm>> -> memref<1x128xi32, #tpu.memory_space<hbm>>
      tpu.wait_dma2 semaphore(%arg13 : memref<!tpu.dma_semaphore, #tpu.memory_space<semaphore_mem>>) src(%dma_wait3A_56 : memref<1x128xi32, #tpu.memory_space<hbm>>) dst(%arg8 : memref<1x128xi32, #tpu.memory_space<vmem>>)
      %run_scoped3A = arith.constant 0 : i32
      "tpu.region"() ({
        %run_scoped3A_78 = tpu.sem_alloc : memref<!tpu.dma_semaphore, #tpu.memory_space<semaphore_mem>>
        %dma_start3A_79 = arith.constant 0 : i32
        %dma_start3A_80 = tpu.memref_slice %arg8[%run_scoped3A, %dma_start3A_79] : memref<1x128xi32, #tpu.memory_space<vmem>> -> memref<1x128xi32, #tpu.memory_space<vmem>>
        %dma_start3A_81 = tpu.memref_squeeze %dma_start3A_80 : memref<1x128xi32, #tpu.memory_space<vmem>> -> memref<128xi32, #tpu.memory_space<vmem>>
        %dma_start3A_82 = arith.constant 0 : i32
        %dma_start3A_83 = arith.constant 0 : i32
        %dma_start3A_84 = tpu.memref_slice %arg12[%dma_start3A_82, %dma_start3A_83] : memref<10240x128xf32, #tpu.memory_space<vmem_shared>> -> memref<10240x128xf32, #tpu.memory_space<vmem_shared>>
        tpu.enqueue_indirect_dma source(%arg10 : memref<128x128xf32, #tpu.memory_space<vmem>>) target(%dma_start3A_84 : memref<10240x128xf32, #tpu.memory_space<vmem_shared>>) offsets(%dma_start3A_81 : memref<128xi32, #tpu.memory_space<vmem>>) semaphore(%run_scoped3A_78 : memref<!tpu.dma_semaphore, #tpu.memory_space<semaphore_mem>>) {add = true}
        %dma_wait3A_85 = arith.constant 0 : i32
        %dma_wait3A_86 = tpu.memref_slice %arg8[%run_scoped3A, %dma_wait3A_85] : memref<1x128xi32, #tpu.memory_space<vmem>> -> memref<1x128xi32, #tpu.memory_space<vmem>>
        %dma_wait3A_87 = tpu.memref_squeeze %dma_wait3A_86 : memref<1x128xi32, #tpu.memory_space<vmem>> -> memref<128xi32, #tpu.memory_space<vmem>>
        %dma_wait3A_88 = arith.constant 0 : i32
        %dma_wait3A_89 = arith.constant 0 : i32
        %dma_wait3A_90 = tpu.memref_slice %arg12[%dma_wait3A_88, %dma_wait3A_89] : memref<10240x128xf32, #tpu.memory_space<vmem_shared>> -> memref<10240x128xf32, #tpu.memory_space<vmem_shared>>
        tpu.wait_indirect_dma semaphore(%run_scoped3A_78 : memref<!tpu.dma_semaphore, #tpu.memory_space<semaphore_mem>>) src(%arg10 : memref<128x128xf32, #tpu.memory_space<vmem>>) dst(%dma_wait3A_90 : memref<10240x128xf32, #tpu.memory_space<vmem_shared>>)
        tpu.yield
      }) : () -> ()
      %add3A_57 = arith.constant 2 : i32
      %add3A_58 = arith.addi %mul3A_28, %add3A_57 : i32
      %lt3A = arith.constant 80 : i32
      %lt3A_59 = arith.cmpi slt, %add3A_58, %lt3A : i32
      %convert_element_type3A = arith.extui %lt3A_59 : i1 to i32
      %cond3A = arith.constant 0 : i32
      %cond3A_60 = arith.cmpi ne, %convert_element_type3A, %cond3A : i32
      scf.if %cond3A_60 {
        %add3A_78 = arith.constant 2 : i32
        %add3A_79 = arith.addi %mul3A_28, %add3A_78 : i32
        %dma_start3A_80 = arith.constant 0 : i32
        %dma_start3A_81 = tpu.memref_slice %arg7[%add3A_79, %dma_start3A_80] : memref<80x128xi32, #tpu.memory_space<vmem>> -> memref<1x128xi32, #tpu.memory_space<vmem>>
        %dma_start3A_82 = tpu.memref_squeeze %dma_start3A_81 : memref<1x128xi32, #tpu.memory_space<vmem>> -> memref<128xi32, #tpu.memory_space<vmem>>
        %dma_start3A_83 = arith.constant 0 : i32
        %dma_start3A_84 = arith.constant 0 : i32
        %dma_start3A_85 = tpu.memref_slice %arg2[%dma_start3A_83, %dma_start3A_84] : memref<20000x128xf32, #tpu.memory_space<hbm>> -> memref<20000x128xf32, #tpu.memory_space<hbm>>
        tpu.enqueue_indirect_dma source(%dma_start3A_85 : memref<20000x128xf32, #tpu.memory_space<hbm>>) target(%arg10 : memref<128x128xf32, #tpu.memory_space<vmem>>) offsets(%dma_start3A_82 : memref<128xi32, #tpu.memory_space<vmem>>) semaphore(%arg13 : memref<!tpu.dma_semaphore, #tpu.memory_space<semaphore_mem>>)
        %dma_start3A_86 = arith.constant 0 : i32
        %dma_start3A_87 = arith.constant 0 : i32
        %dma_start3A_88 = tpu.memref_slice %arg4[%arg1, %add3A_79, %dma_start3A_86, %dma_start3A_87] : memref<16x80x1x128xi32, #tpu.memory_space<hbm>> -> memref<1x1x1x128xi32, #tpu.memory_space<hbm>>
        %dma_start3A_89 = tpu.memref_squeeze %dma_start3A_88 : memref<1x1x1x128xi32, #tpu.memory_space<hbm>> -> memref<1x128xi32, #tpu.memory_space<hbm>>
        %dma_start3A_90 = arith.constant 0 : i32
        %dma_start3A_91 = arith.constant 0 : i32
        %dma_start3A_92 = tpu.memref_slice %arg4[%arg1, %add3A_79, %dma_start3A_90, %dma_start3A_91] : memref<16x80x1x128xi32, #tpu.memory_space<hbm>> -> memref<1x1x1x128xi32, #tpu.memory_space<hbm>>
        %dma_start3A_93 = tpu.memref_squeeze %dma_start3A_92 : memref<1x1x1x128xi32, #tpu.memory_space<hbm>> -> memref<1x128xi32, #tpu.memory_space<hbm>>
        tpu.enqueue_dma source(%dma_start3A_93 : memref<1x128xi32, #tpu.memory_space<hbm>>) target(%arg8 : memref<1x128xi32, #tpu.memory_space<vmem>>) target_semaphore(%arg13 : memref<!tpu.dma_semaphore, #tpu.memory_space<semaphore_mem>>)
      } else {
      }
      %add3A_61 = arith.constant 1 : i32
      %add3A_62 = arith.addi %mul3A_28, %add3A_61 : i32
      %dma_wait3A_63 = arith.constant 0 : i32
      %dma_wait3A_64 = tpu.memref_slice %arg7[%add3A_62, %dma_wait3A_63] : memref<80x128xi32, #tpu.memory_space<vmem>> -> memref<1x128xi32, #tpu.memory_space<vmem>>
      %dma_wait3A_65 = tpu.memref_squeeze %dma_wait3A_64 : memref<1x128xi32, #tpu.memory_space<vmem>> -> memref<128xi32, #tpu.memory_space<vmem>>
      %dma_wait3A_66 = arith.constant 0 : i32
      %dma_wait3A_67 = arith.constant 0 : i32
      %dma_wait3A_68 = tpu.memref_slice %arg2[%dma_wait3A_66, %dma_wait3A_67] : memref<20000x128xf32, #tpu.memory_space<hbm>> -> memref<20000x128xf32, #tpu.memory_space<hbm>>
      tpu.wait_indirect_dma semaphore(%arg14 : memref<!tpu.dma_semaphore, #tpu.memory_space<semaphore_mem>>) src(%dma_wait3A_68 : memref<20000x128xf32, #tpu.memory_space<hbm>>) dst(%arg11 : memref<128x128xf32, #tpu.memory_space<vmem>>)
      %dma_wait3A_69 = arith.constant 0 : i32
      %dma_wait3A_70 = arith.constant 0 : i32
      %dma_wait3A_71 = tpu.memref_slice %arg4[%arg1, %add3A_62, %dma_wait3A_69, %dma_wait3A_70] : memref<16x80x1x128xi32, #tpu.memory_space<hbm>> -> memref<1x1x1x128xi32, #tpu.memory_space<hbm>>
      %dma_wait3A_72 = tpu.memref_squeeze %dma_wait3A_71 : memref<1x1x1x128xi32, #tpu.memory_space<hbm>> -> memref<1x128xi32, #tpu.memory_space<hbm>>
      %dma_wait3A_73 = arith.constant 0 : i32
      %dma_wait3A_74 = arith.constant 0 : i32
      %dma_wait3A_75 = tpu.memref_slice %arg4[%arg1, %add3A_62, %dma_wait3A_73, %dma_wait3A_74] : memref<16x80x1x128xi32, #tpu.memory_space<hbm>> -> memref<1x1x1x128xi32, #tpu.memory_space<hbm>>
      %dma_wait3A_76 = tpu.memref_squeeze %dma_wait3A_75 : memref<1x1x1x128xi32, #tpu.memory_space<hbm>> -> memref<1x128xi32, #tpu.memory_space<hbm>>
      tpu.wait_dma2 semaphore(%arg14 : memref<!tpu.dma_semaphore, #tpu.memory_space<semaphore_mem>>) src(%dma_wait3A_76 : memref<1x128xi32, #tpu.memory_space<hbm>>) dst(%arg9 : memref<1x128xi32, #tpu.memory_space<vmem>>)
      %run_scoped3A_77 = arith.constant 0 : i32
      "tpu.region"() ({
        %run_scoped3A_78 = tpu.sem_alloc : memref<!tpu.dma_semaphore, #tpu.memory_space<semaphore_mem>>
        %dma_start3A_79 = arith.constant 0 : i32
        %dma_start3A_80 = tpu.memref_slice %arg9[%run_scoped3A_77, %dma_start3A_79] : memref<1x128xi32, #tpu.memory_space<vmem>> -> memref<1x128xi32, #tpu.memory_space<vmem>>
        %dma_start3A_81 = tpu.memref_squeeze %dma_start3A_80 : memref<1x128xi32, #tpu.memory_space<vmem>> -> memref<128xi32, #tpu.memory_space<vmem>>
        %dma_start3A_82 = arith.constant 0 : i32
        %dma_start3A_83 = arith.constant 0 : i32
        %dma_start3A_84 = tpu.memref_slice %arg12[%dma_start3A_82, %dma_start3A_83] : memref<10240x128xf32, #tpu.memory_space<vmem_shared>> -> memref<10240x128xf32, #tpu.memory_space<vmem_shared>>
        tpu.enqueue_indirect_dma source(%arg11 : memref<128x128xf32, #tpu.memory_space<vmem>>) target(%dma_start3A_84 : memref<10240x128xf32, #tpu.memory_space<vmem_shared>>) offsets(%dma_start3A_81 : memref<128xi32, #tpu.memory_space<vmem>>) semaphore(%run_scoped3A_78 : memref<!tpu.dma_semaphore, #tpu.memory_space<semaphore_mem>>) {add = true}
        %dma_wait3A_85 = arith.constant 0 : i32
        %dma_wait3A_86 = tpu.memref_slice %arg9[%run_scoped3A_77, %dma_wait3A_85] : memref<1x128xi32, #tpu.memory_space<vmem>> -> memref<1x128xi32, #tpu.memory_space<vmem>>
        %dma_wait3A_87 = tpu.memref_squeeze %dma_wait3A_86 : memref<1x128xi32, #tpu.memory_space<vmem>> -> memref<128xi32, #tpu.memory_space<vmem>>
        %dma_wait3A_88 = arith.constant 0 : i32
        %dma_wait3A_89 = arith.constant 0 : i32
        %dma_wait3A_90 = tpu.memref_slice %arg12[%dma_wait3A_88, %dma_wait3A_89] : memref<10240x128xf32, #tpu.memory_space<vmem_shared>> -> memref<10240x128xf32, #tpu.memory_space<vmem_shared>>
        tpu.wait_indirect_dma semaphore(%run_scoped3A_78 : memref<!tpu.dma_semaphore, #tpu.memory_space<semaphore_mem>>) src(%arg11 : memref<128x128xf32, #tpu.memory_space<vmem>>) dst(%dma_wait3A_90 : memref<10240x128xf32, #tpu.memory_space<vmem_shared>>)
        tpu.yield
      }) : () -> ()
    }
    %scan3A_20 = arith.constant 40 : i32
    %barrier3A_21 = arith.constant 0 : index
    tpu.barrier barrier_id(%barrier3A_21)
    %mul3A_22 = arith.constant 640 : i32
    %mul3A_23 = arith.muli %arg1, %mul3A_22 : i32
    %mul3A_24 = arith.constant 640 : i32
    %mul3A_25 = arith.muli %arg1, %mul3A_24 : i32
    "tpu.region"() ({
      %run_scoped3A = tpu.sem_alloc : memref<!tpu.dma_semaphore, #tpu.memory_space<semaphore_mem>>
      %dma_start3A_26 = arith.constant 0 : i32
      %dma_start3A_27 = tpu.memref_slice %arg6[%arg0, %mul3A_25, %dma_start3A_26] : memref<2x10240x128xf32, #tpu.memory_space<hbm>> -> memref<1x640x128xf32, #tpu.memory_space<hbm>>
      %dma_start3A_28 = tpu.memref_squeeze %dma_start3A_27 : memref<1x640x128xf32, #tpu.memory_space<hbm>> -> memref<640x128xf32, #tpu.memory_space<hbm>>
      %dma_start3A_29 = arith.constant 0 : i32
      %dma_start3A_30 = tpu.memref_slice %arg12[%mul3A_23, %dma_start3A_29] : memref<10240x128xf32, #tpu.memory_space<vmem_shared>> -> memref<640x128xf32, #tpu.memory_space<vmem_shared>>
      tpu.enqueue_dma source(%dma_start3A_30 : memref<640x128xf32, #tpu.memory_space<vmem_shared>>) target(%dma_start3A_28 : memref<640x128xf32, #tpu.memory_space<hbm>>) target_semaphore(%run_scoped3A : memref<!tpu.dma_semaphore, #tpu.memory_space<semaphore_mem>>)
      %dma_wait3A = arith.constant 0 : i32
      %dma_wait3A_31 = tpu.memref_slice %arg6[%arg0, %mul3A_25, %dma_wait3A] : memref<2x10240x128xf32, #tpu.memory_space<hbm>> -> memref<1x640x128xf32, #tpu.memory_space<hbm>>
      %dma_wait3A_32 = tpu.memref_squeeze %dma_wait3A_31 : memref<1x640x128xf32, #tpu.memory_space<hbm>> -> memref<640x128xf32, #tpu.memory_space<hbm>>
      %dma_wait3A_33 = arith.constant 0 : i32
      %dma_wait3A_34 = tpu.memref_slice %arg12[%mul3A_23, %dma_wait3A_33] : memref<10240x128xf32, #tpu.memory_space<vmem_shared>> -> memref<640x128xf32, #tpu.memory_space<vmem_shared>>
      tpu.wait_dma2 semaphore(%run_scoped3A : memref<!tpu.dma_semaphore, #tpu.memory_space<semaphore_mem>>) src(%dma_wait3A_34 : memref<640x128xf32, #tpu.memory_space<vmem_shared>>) dst(%dma_wait3A_32 : memref<640x128xf32, #tpu.memory_space<hbm>>)
      tpu.yield
    }) : () -> ()
    return
  }
}

#map = affine_map<(d0, d1) -> (0, 0)>
#map1 = affine_map<(d0, d1) -> (0, 0, 0, 0)>
#map2 = affine_map<(d0, d1) -> (0, 0, 0)>
module attributes {stable_mosaic.version = 14 : i64} {
  func.func @_sc_body(%arg0: i32, %arg1: i32, %arg2: memref<20000x128xf32, #tpu.memory_space<hbm>>, %arg3: memref<2x16x80x128xi32, #tpu.memory_space<hbm>>, %arg4: memref<16x80x1x128xi32, #tpu.memory_space<hbm>>, %arg5: memref<640x128xf32, #tpu.memory_space<hbm>>, %arg6: memref<2x10240x128xf32, #tpu.memory_space<hbm>>, %arg7: memref<80x128xi32, #tpu.memory_space<vmem>>, %arg8: memref<1x128xi32, #tpu.memory_space<vmem>>, %arg9: memref<1x128xi32, #tpu.memory_space<vmem>>, %arg10: memref<128x128xf32, #tpu.memory_space<vmem>>, %arg11: memref<128x128xf32, #tpu.memory_space<vmem>>, %arg12: memref<10240x128xf32, #tpu.memory_space<vmem_shared>>, %arg13: memref<!tpu.dma_semaphore, #tpu.memory_space<semaphore_mem>>, %arg14: memref<!tpu.dma_semaphore, #tpu.memory_space<semaphore_mem>>) attributes {dimension_semantics = [#tpu.dimension_semantics<core_parallel>, #tpu.dimension_semantics<subcore_parallel>], iteration_bounds = array<i64: 2, 16>, scalar_prefetch = 0 : i64, scratch_operands = 8 : i64, tpu.core_type = #tpu.core_type<sc_vector_subcore>, window_params = [{transform_indices = #map}, {transform_indices = #map1}, {transform_indices = #map1}, {transform_indices = #map}, {transform_indices = #map2}]} {
    %mul3A = arith.constant 640 : i32
    %mul3A_0 = arith.muli %arg1, %mul3A : i32
    "tpu.region"() ({
      %run_scoped3A = tpu.sem_alloc : memref<!tpu.dma_semaphore, #tpu.memory_space<semaphore_mem>>
      %dma_start3A_26 = arith.constant 0 : i32
      %dma_start3A_27 = tpu.memref_slice %arg12[%mul3A_0, %dma_start3A_26] : memref<10240x128xf32, #tpu.memory_space<vmem_shared>> -> memref<640x128xf32, #tpu.memory_space<vmem_shared>>
      tpu.enqueue_dma source(%arg5 : memref<640x128xf32, #tpu.memory_space<hbm>>) target(%dma_start3A_27 : memref<640x128xf32, #tpu.memory_space<vmem_shared>>) target_semaphore(%run_scoped3A : memref<!tpu.dma_semaphore, #tpu.memory_space<semaphore_mem>>)
      %dma_wait3A = arith.constant 0 : i32
      %dma_wait3A_28 = tpu.memref_slice %arg12[%mul3A_0, %dma_wait3A] : memref<10240x128xf32, #tpu.memory_space<vmem_shared>> -> memref<640x128xf32, #tpu.memory_space<vmem_shared>>
      tpu.wait_dma2 semaphore(%run_scoped3A : memref<!tpu.dma_semaphore, #tpu.memory_space<semaphore_mem>>) src(%arg5 : memref<640x128xf32, #tpu.memory_space<hbm>>) dst(%dma_wait3A_28 : memref<640x128xf32, #tpu.memory_space<vmem_shared>>)
      tpu.yield
    }) : () -> ()
    "tpu.region"() ({
      %run_scoped3A = tpu.sem_alloc : memref<!tpu.dma_semaphore, #tpu.memory_space<semaphore_mem>>
      %dma_start3A_26 = arith.constant 0 : i32
      %dma_start3A_27 = arith.constant 0 : i32
      %dma_start3A_28 = tpu.memref_slice %arg3[%arg0, %arg1, %dma_start3A_26, %dma_start3A_27] : memref<2x16x80x128xi32, #tpu.memory_space<hbm>> -> memref<1x1x80x128xi32, #tpu.memory_space<hbm>>
      %dma_start3A_29 = tpu.memref_squeeze %dma_start3A_28 : memref<1x1x80x128xi32, #tpu.memory_space<hbm>> -> memref<80x128xi32, #tpu.memory_space<hbm>>
      %dma_start3A_30 = arith.constant 0 : i32
      %dma_start3A_31 = arith.constant 0 : i32
      %dma_start3A_32 = tpu.memref_slice %arg3[%arg0, %arg1, %dma_start3A_30, %dma_start3A_31] : memref<2x16x80x128xi32, #tpu.memory_space<hbm>> -> memref<1x1x80x128xi32, #tpu.memory_space<hbm>>
      %dma_start3A_33 = tpu.memref_squeeze %dma_start3A_32 : memref<1x1x80x128xi32, #tpu.memory_space<hbm>> -> memref<80x128xi32, #tpu.memory_space<hbm>>
      tpu.enqueue_dma source(%dma_start3A_33 : memref<80x128xi32, #tpu.memory_space<hbm>>) target(%arg7 : memref<80x128xi32, #tpu.memory_space<vmem>>) target_semaphore(%run_scoped3A : memref<!tpu.dma_semaphore, #tpu.memory_space<semaphore_mem>>)
      %dma_wait3A = arith.constant 0 : i32
      %dma_wait3A_34 = arith.constant 0 : i32
      %dma_wait3A_35 = tpu.memref_slice %arg3[%arg0, %arg1, %dma_wait3A, %dma_wait3A_34] : memref<2x16x80x128xi32, #tpu.memory_space<hbm>> -> memref<1x1x80x128xi32, #tpu.memory_space<hbm>>
      %dma_wait3A_36 = tpu.memref_squeeze %dma_wait3A_35 : memref<1x1x80x128xi32, #tpu.memory_space<hbm>> -> memref<80x128xi32, #tpu.memory_space<hbm>>
      %dma_wait3A_37 = arith.constant 0 : i32
      %dma_wait3A_38 = arith.constant 0 : i32
      %dma_wait3A_39 = tpu.memref_slice %arg3[%arg0, %arg1, %dma_wait3A_37, %dma_wait3A_38] : memref<2x16x80x128xi32, #tpu.memory_space<hbm>> -> memref<1x1x80x128xi32, #tpu.memory_space<hbm>>
      %dma_wait3A_40 = tpu.memref_squeeze %dma_wait3A_39 : memref<1x1x80x128xi32, #tpu.memory_space<hbm>> -> memref<80x128xi32, #tpu.memory_space<hbm>>
      tpu.wait_dma2 semaphore(%run_scoped3A : memref<!tpu.dma_semaphore, #tpu.memory_space<semaphore_mem>>) src(%dma_wait3A_40 : memref<80x128xi32, #tpu.memory_space<hbm>>) dst(%arg7 : memref<80x128xi32, #tpu.memory_space<vmem>>)
      tpu.yield
    }) : () -> ()
    %barrier3A = arith.constant 0 : index
    tpu.barrier barrier_id(%barrier3A)
    %dma_start3A = arith.constant 0 : i32
    %dma_start3A_1 = arith.constant 0 : i32
    %dma_start3A_2 = tpu.memref_slice %arg7[%dma_start3A, %dma_start3A_1] : memref<80x128xi32, #tpu.memory_space<vmem>> -> memref<1x128xi32, #tpu.memory_space<vmem>>
    %dma_start3A_3 = tpu.memref_squeeze %dma_start3A_2 : memref<1x128xi32, #tpu.memory_space<vmem>> -> memref<128xi32, #tpu.memory_space<vmem>>
    %dma_start3A_4 = arith.constant 0 : i32
    %dma_start3A_5 = arith.constant 0 : i32
    %dma_start3A_6 = tpu.memref_slice %arg2[%dma_start3A_4, %dma_start3A_5] : memref<20000x128xf32, #tpu.memory_space<hbm>> -> memref<20000x128xf32, #tpu.memory_space<hbm>>
    tpu.enqueue_indirect_dma source(%dma_start3A_6 : memref<20000x128xf32, #tpu.memory_space<hbm>>) target(%arg10 : memref<128x128xf32, #tpu.memory_space<vmem>>) offsets(%dma_start3A_3 : memref<128xi32, #tpu.memory_space<vmem>>) semaphore(%arg13 : memref<!tpu.dma_semaphore, #tpu.memory_space<semaphore_mem>>)
    %dma_start3A_7 = arith.constant 0 : i32
    %dma_start3A_8 = arith.constant 0 : i32
    %dma_start3A_9 = arith.constant 0 : i32
    %dma_start3A_10 = tpu.memref_slice %arg4[%arg1, %dma_start3A_7, %dma_start3A_8, %dma_start3A_9] : memref<16x80x1x128xi32, #tpu.memory_space<hbm>> -> memref<1x1x1x128xi32, #tpu.memory_space<hbm>>
    %dma_start3A_11 = tpu.memref_squeeze %dma_start3A_10 : memref<1x1x1x128xi32, #tpu.memory_space<hbm>> -> memref<1x128xi32, #tpu.memory_space<hbm>>
    %dma_start3A_12 = arith.constant 0 : i32
    %dma_start3A_13 = arith.constant 0 : i32
    %dma_start3A_14 = tpu.memref_slice %arg4[%arg1, %dma_start3A_7, %dma_start3A_12, %dma_start3A_13] : memref<16x80x1x128xi32, #tpu.memory_space<hbm>> -> memref<1x1x1x128xi32, #tpu.memory_space<hbm>>
    %dma_start3A_15 = tpu.memref_squeeze %dma_start3A_14 : memref<1x1x1x128xi32, #tpu.memory_space<hbm>> -> memref<1x128xi32, #tpu.memory_space<hbm>>
    tpu.enqueue_dma source(%dma_start3A_15 : memref<1x128xi32, #tpu.memory_space<hbm>>) target(%arg8 : memref<1x128xi32, #tpu.memory_space<vmem>>) target_semaphore(%arg13 : memref<!tpu.dma_semaphore, #tpu.memory_space<semaphore_mem>>)
    %scan3A = arith.constant 0 : i32
    %scan3A_16 = arith.constant 0 : i32
    %scan3A_17 = arith.constant 40 : i32
    %scan3A_18 = arith.addi %scan3A_16, %scan3A_17 : i32
    %scan3A_19 = arith.constant 1 : i32
    scf.for %scan3A_26 = %scan3A_16 to %scan3A_18 step %scan3A_19  : i32 {
      %mul3A_27 = arith.constant 2 : i32
      %mul3A_28 = arith.muli %mul3A_27, %scan3A_26 : i32
      %add3A = arith.constant 1 : i32
      %add3A_29 = arith.addi %mul3A_28, %add3A : i32
      %dma_start3A_30 = arith.constant 0 : i32
      %dma_start3A_31 = tpu.memref_slice %arg7[%add3A_29, %dma_start3A_30] : memref<80x128xi32, #tpu.memory_space<vmem>> -> memref<1x128xi32, #tpu.memory_space<vmem>>
      %dma_start3A_32 = tpu.memref_squeeze %dma_start3A_31 : memref<1x128xi32, #tpu.memory_space<vmem>> -> memref<128xi32, #tpu.memory_space<vmem>>
      %dma_start3A_33 = arith.constant 0 : i32
      %dma_start3A_34 = arith.constant 0 : i32
      %dma_start3A_35 = tpu.memref_slice %arg2[%dma_start3A_33, %dma_start3A_34] : memref<20000x128xf32, #tpu.memory_space<hbm>> -> memref<20000x128xf32, #tpu.memory_space<hbm>>
      tpu.enqueue_indirect_dma source(%dma_start3A_35 : memref<20000x128xf32, #tpu.memory_space<hbm>>) target(%arg11 : memref<128x128xf32, #tpu.memory_space<vmem>>) offsets(%dma_start3A_32 : memref<128xi32, #tpu.memory_space<vmem>>) semaphore(%arg14 : memref<!tpu.dma_semaphore, #tpu.memory_space<semaphore_mem>>)
      %dma_start3A_36 = arith.constant 0 : i32
      %dma_start3A_37 = arith.constant 0 : i32
      %dma_start3A_38 = tpu.memref_slice %arg4[%arg1, %add3A_29, %dma_start3A_36, %dma_start3A_37] : memref<16x80x1x128xi32, #tpu.memory_space<hbm>> -> memref<1x1x1x128xi32, #tpu.memory_space<hbm>>
      %dma_start3A_39 = tpu.memref_squeeze %dma_start3A_38 : memref<1x1x1x128xi32, #tpu.memory_space<hbm>> -> memref<1x128xi32, #tpu.memory_space<hbm>>
      %dma_start3A_40 = arith.constant 0 : i32
      %dma_start3A_41 = arith.constant 0 : i32
      %dma_start3A_42 = tpu.memref_slice %arg4[%arg1, %add3A_29, %dma_start3A_40, %dma_start3A_41] : memref<16x80x1x128xi32, #tpu.memory_space<hbm>> -> memref<1x1x1x128xi32, #tpu.memory_space<hbm>>
      %dma_start3A_43 = tpu.memref_squeeze %dma_start3A_42 : memref<1x1x1x128xi32, #tpu.memory_space<hbm>> -> memref<1x128xi32, #tpu.memory_space<hbm>>
      tpu.enqueue_dma source(%dma_start3A_43 : memref<1x128xi32, #tpu.memory_space<hbm>>) target(%arg9 : memref<1x128xi32, #tpu.memory_space<vmem>>) target_semaphore(%arg14 : memref<!tpu.dma_semaphore, #tpu.memory_space<semaphore_mem>>)
      %dma_wait3A = arith.constant 0 : i32
      %dma_wait3A_44 = tpu.memref_slice %arg7[%mul3A_28, %dma_wait3A] : memref<80x128xi32, #tpu.memory_space<vmem>> -> memref<1x128xi32, #tpu.memory_space<vmem>>
      %dma_wait3A_45 = tpu.memref_squeeze %dma_wait3A_44 : memref<1x128xi32, #tpu.memory_space<vmem>> -> memref<128xi32, #tpu.memory_space<vmem>>
      %dma_wait3A_46 = arith.constant 0 : i32
      %dma_wait3A_47 = arith.constant 0 : i32
      %dma_wait3A_48 = tpu.memref_slice %arg2[%dma_wait3A_46, %dma_wait3A_47] : memref<20000x128xf32, #tpu.memory_space<hbm>> -> memref<20000x128xf32, #tpu.memory_space<hbm>>
      tpu.wait_indirect_dma semaphore(%arg13 : memref<!tpu.dma_semaphore, #tpu.memory_space<semaphore_mem>>) src(%dma_wait3A_48 : memref<20000x128xf32, #tpu.memory_space<hbm>>) dst(%arg10 : memref<128x128xf32, #tpu.memory_space<vmem>>)
      %dma_wait3A_49 = arith.constant 0 : i32
      %dma_wait3A_50 = arith.constant 0 : i32
      %dma_wait3A_51 = tpu.memref_slice %arg4[%arg1, %mul3A_28, %dma_wait3A_49, %dma_wait3A_50] : memref<16x80x1x128xi32, #tpu.memory_space<hbm>> -> memref<1x1x1x128xi32, #tpu.memory_space<hbm>>
      %dma_wait3A_52 = tpu.memref_squeeze %dma_wait3A_51 : memref<1x1x1x128xi32, #tpu.memory_space<hbm>> -> memref<1x128xi32, #tpu.memory_space<hbm>>
      %dma_wait3A_53 = arith.constant 0 : i32
      %dma_wait3A_54 = arith.constant 0 : i32
      %dma_wait3A_55 = tpu.memref_slice %arg4[%arg1, %mul3A_28, %dma_wait3A_53, %dma_wait3A_54] : memref<16x80x1x128xi32, #tpu.memory_space<hbm>> -> memref<1x1x1x128xi32, #tpu.memory_space<hbm>>
      %dma_wait3A_56 = tpu.memref_squeeze %dma_wait3A_55 : memref<1x1x1x128xi32, #tpu.memory_space<hbm>> -> memref<1x128xi32, #tpu.memory_space<hbm>>
      tpu.wait_dma2 semaphore(%arg13 : memref<!tpu.dma_semaphore, #tpu.memory_space<semaphore_mem>>) src(%dma_wait3A_56 : memref<1x128xi32, #tpu.memory_space<hbm>>) dst(%arg8 : memref<1x128xi32, #tpu.memory_space<vmem>>)
      %run_scoped3A = arith.constant 0 : i32
      "tpu.region"() ({
        %run_scoped3A_78 = tpu.sem_alloc : memref<!tpu.dma_semaphore, #tpu.memory_space<semaphore_mem>>
        %dma_start3A_79 = arith.constant 0 : i32
        %dma_start3A_80 = tpu.memref_slice %arg8[%run_scoped3A, %dma_start3A_79] : memref<1x128xi32, #tpu.memory_space<vmem>> -> memref<1x128xi32, #tpu.memory_space<vmem>>
        %dma_start3A_81 = tpu.memref_squeeze %dma_start3A_80 : memref<1x128xi32, #tpu.memory_space<vmem>> -> memref<128xi32, #tpu.memory_space<vmem>>
        %dma_start3A_82 = arith.constant 0 : i32
        %dma_start3A_83 = arith.constant 0 : i32
        %dma_start3A_84 = tpu.memref_slice %arg12[%dma_start3A_82, %dma_start3A_83] : memref<10240x128xf32, #tpu.memory_space<vmem_shared>> -> memref<10240x128xf32, #tpu.memory_space<vmem_shared>>
        tpu.enqueue_indirect_dma source(%arg10 : memref<128x128xf32, #tpu.memory_space<vmem>>) target(%dma_start3A_84 : memref<10240x128xf32, #tpu.memory_space<vmem_shared>>) offsets(%dma_start3A_81 : memref<128xi32, #tpu.memory_space<vmem>>) semaphore(%run_scoped3A_78 : memref<!tpu.dma_semaphore, #tpu.memory_space<semaphore_mem>>) {add = true}
        %dma_wait3A_85 = arith.constant 0 : i32
        %dma_wait3A_86 = tpu.memref_slice %arg8[%run_scoped3A, %dma_wait3A_85] : memref<1x128xi32, #tpu.memory_space<vmem>> -> memref<1x128xi32, #tpu.memory_space<vmem>>
        %dma_wait3A_87 = tpu.memref_squeeze %dma_wait3A_86 : memref<1x128xi32, #tpu.memory_space<vmem>> -> memref<128xi32, #tpu.memory_space<vmem>>
        %dma_wait3A_88 = arith.constant 0 : i32
        %dma_wait3A_89 = arith.constant 0 : i32
        %dma_wait3A_90 = tpu.memref_slice %arg12[%dma_wait3A_88, %dma_wait3A_89] : memref<10240x128xf32, #tpu.memory_space<vmem_shared>> -> memref<10240x128xf32, #tpu.memory_space<vmem_shared>>
        tpu.wait_indirect_dma semaphore(%run_scoped3A_78 : memref<!tpu.dma_semaphore, #tpu.memory_space<semaphore_mem>>) src(%arg10 : memref<128x128xf32, #tpu.memory_space<vmem>>) dst(%dma_wait3A_90 : memref<10240x128xf32, #tpu.memory_space<vmem_shared>>)
        tpu.yield
      }) : () -> ()
      %add3A_57 = arith.constant 2 : i32
      %add3A_58 = arith.addi %mul3A_28, %add3A_57 : i32
      %lt3A = arith.constant 80 : i32
      %lt3A_59 = arith.cmpi slt, %add3A_58, %lt3A : i32
      %convert_element_type3A = arith.extui %lt3A_59 : i1 to i32
      %cond3A = arith.constant 0 : i32
      %cond3A_60 = arith.cmpi ne, %convert_element_type3A, %cond3A : i32
      scf.if %cond3A_60 {
        %add3A_78 = arith.constant 2 : i32
        %add3A_79 = arith.addi %mul3A_28, %add3A_78 : i32
        %dma_start3A_80 = arith.constant 0 : i32
        %dma_start3A_81 = tpu.memref_slice %arg7[%add3A_79, %dma_start3A_80] : memref<80x128xi32, #tpu.memory_space<vmem>> -> memref<1x128xi32, #tpu.memory_space<vmem>>
        %dma_start3A_82 = tpu.memref_squeeze %dma_start3A_81 : memref<1x128xi32, #tpu.memory_space<vmem>> -> memref<128xi32, #tpu.memory_space<vmem>>
        %dma_start3A_83 = arith.constant 0 : i32
        %dma_start3A_84 = arith.constant 0 : i32
        %dma_start3A_85 = tpu.memref_slice %arg2[%dma_start3A_83, %dma_start3A_84] : memref<20000x128xf32, #tpu.memory_space<hbm>> -> memref<20000x128xf32, #tpu.memory_space<hbm>>
        tpu.enqueue_indirect_dma source(%dma_start3A_85 : memref<20000x128xf32, #tpu.memory_space<hbm>>) target(%arg10 : memref<128x128xf32, #tpu.memory_space<vmem>>) offsets(%dma_start3A_82 : memref<128xi32, #tpu.memory_space<vmem>>) semaphore(%arg13 : memref<!tpu.dma_semaphore, #tpu.memory_space<semaphore_mem>>)
        %dma_start3A_86 = arith.constant 0 : i32
        %dma_start3A_87 = arith.constant 0 : i32
        %dma_start3A_88 = tpu.memref_slice %arg4[%arg1, %add3A_79, %dma_start3A_86, %dma_start3A_87] : memref<16x80x1x128xi32, #tpu.memory_space<hbm>> -> memref<1x1x1x128xi32, #tpu.memory_space<hbm>>
        %dma_start3A_89 = tpu.memref_squeeze %dma_start3A_88 : memref<1x1x1x128xi32, #tpu.memory_space<hbm>> -> memref<1x128xi32, #tpu.memory_space<hbm>>
        %dma_start3A_90 = arith.constant 0 : i32
        %dma_start3A_91 = arith.constant 0 : i32
        %dma_start3A_92 = tpu.memref_slice %arg4[%arg1, %add3A_79, %dma_start3A_90, %dma_start3A_91] : memref<16x80x1x128xi32, #tpu.memory_space<hbm>> -> memref<1x1x1x128xi32, #tpu.memory_space<hbm>>
        %dma_start3A_93 = tpu.memref_squeeze %dma_start3A_92 : memref<1x1x1x128xi32, #tpu.memory_space<hbm>> -> memref<1x128xi32, #tpu.memory_space<hbm>>
        tpu.enqueue_dma source(%dma_start3A_93 : memref<1x128xi32, #tpu.memory_space<hbm>>) target(%arg8 : memref<1x128xi32, #tpu.memory_space<vmem>>) target_semaphore(%arg13 : memref<!tpu.dma_semaphore, #tpu.memory_space<semaphore_mem>>)
      } else {
      }
      %add3A_61 = arith.constant 1 : i32
      %add3A_62 = arith.addi %mul3A_28, %add3A_61 : i32
      %dma_wait3A_63 = arith.constant 0 : i32
      %dma_wait3A_64 = tpu.memref_slice %arg7[%add3A_62, %dma_wait3A_63] : memref<80x128xi32, #tpu.memory_space<vmem>> -> memref<1x128xi32, #tpu.memory_space<vmem>>
      %dma_wait3A_65 = tpu.memref_squeeze %dma_wait3A_64 : memref<1x128xi32, #tpu.memory_space<vmem>> -> memref<128xi32, #tpu.memory_space<vmem>>
      %dma_wait3A_66 = arith.constant 0 : i32
      %dma_wait3A_67 = arith.constant 0 : i32
      %dma_wait3A_68 = tpu.memref_slice %arg2[%dma_wait3A_66, %dma_wait3A_67] : memref<20000x128xf32, #tpu.memory_space<hbm>> -> memref<20000x128xf32, #tpu.memory_space<hbm>>
      tpu.wait_indirect_dma semaphore(%arg14 : memref<!tpu.dma_semaphore, #tpu.memory_space<semaphore_mem>>) src(%dma_wait3A_68 : memref<20000x128xf32, #tpu.memory_space<hbm>>) dst(%arg11 : memref<128x128xf32, #tpu.memory_space<vmem>>)
      %dma_wait3A_69 = arith.constant 0 : i32
      %dma_wait3A_70 = arith.constant 0 : i32
      %dma_wait3A_71 = tpu.memref_slice %arg4[%arg1, %add3A_62, %dma_wait3A_69, %dma_wait3A_70] : memref<16x80x1x128xi32, #tpu.memory_space<hbm>> -> memref<1x1x1x128xi32, #tpu.memory_space<hbm>>
      %dma_wait3A_72 = tpu.memref_squeeze %dma_wait3A_71 : memref<1x1x1x128xi32, #tpu.memory_space<hbm>> -> memref<1x128xi32, #tpu.memory_space<hbm>>
      %dma_wait3A_73 = arith.constant 0 : i32
      %dma_wait3A_74 = arith.constant 0 : i32
      %dma_wait3A_75 = tpu.memref_slice %arg4[%arg1, %add3A_62, %dma_wait3A_73, %dma_wait3A_74] : memref<16x80x1x128xi32, #tpu.memory_space<hbm>> -> memref<1x1x1x128xi32, #tpu.memory_space<hbm>>
      %dma_wait3A_76 = tpu.memref_squeeze %dma_wait3A_75 : memref<1x1x1x128xi32, #tpu.memory_space<hbm>> -> memref<1x128xi32, #tpu.memory_space<hbm>>
      tpu.wait_dma2 semaphore(%arg14 : memref<!tpu.dma_semaphore, #tpu.memory_space<semaphore_mem>>) src(%dma_wait3A_76 : memref<1x128xi32, #tpu.memory_space<hbm>>) dst(%arg9 : memref<1x128xi32, #tpu.memory_space<vmem>>)
      %run_scoped3A_77 = arith.constant 0 : i32
      "tpu.region"() ({
        %run_scoped3A_78 = tpu.sem_alloc : memref<!tpu.dma_semaphore, #tpu.memory_space<semaphore_mem>>
        %dma_start3A_79 = arith.constant 0 : i32
        %dma_start3A_80 = tpu.memref_slice %arg9[%run_scoped3A_77, %dma_start3A_79] : memref<1x128xi32, #tpu.memory_space<vmem>> -> memref<1x128xi32, #tpu.memory_space<vmem>>
        %dma_start3A_81 = tpu.memref_squeeze %dma_start3A_80 : memref<1x128xi32, #tpu.memory_space<vmem>> -> memref<128xi32, #tpu.memory_space<vmem>>
        %dma_start3A_82 = arith.constant 0 : i32
        %dma_start3A_83 = arith.constant 0 : i32
        %dma_start3A_84 = tpu.memref_slice %arg12[%dma_start3A_82, %dma_start3A_83] : memref<10240x128xf32, #tpu.memory_space<vmem_shared>> -> memref<10240x128xf32, #tpu.memory_space<vmem_shared>>
        tpu.enqueue_indirect_dma source(%arg11 : memref<128x128xf32, #tpu.memory_space<vmem>>) target(%dma_start3A_84 : memref<10240x128xf32, #tpu.memory_space<vmem_shared>>) offsets(%dma_start3A_81 : memref<128xi32, #tpu.memory_space<vmem>>) semaphore(%run_scoped3A_78 : memref<!tpu.dma_semaphore, #tpu.memory_space<semaphore_mem>>) {add = true}
        %dma_wait3A_85 = arith.constant 0 : i32
        %dma_wait3A_86 = tpu.memref_slice %arg9[%run_scoped3A_77, %dma_wait3A_85] : memref<1x128xi32, #tpu.memory_space<vmem>> -> memref<1x128xi32, #tpu.memory_space<vmem>>
        %dma_wait3A_87 = tpu.memref_squeeze %dma_wait3A_86 : memref<1x128xi32, #tpu.memory_space<vmem>> -> memref<128xi32, #tpu.memory_space<vmem>>
        %dma_wait3A_88 = arith.constant 0 : i32
        %dma_wait3A_89 = arith.constant 0 : i32
        %dma_wait3A_90 = tpu.memref_slice %arg12[%dma_wait3A_88, %dma_wait3A_89] : memref<10240x128xf32, #tpu.memory_space<vmem_shared>> -> memref<10240x128xf32, #tpu.memory_space<vmem_shared>>
        tpu.wait_indirect_dma semaphore(%run_scoped3A_78 : memref<!tpu.dma_semaphore, #tpu.memory_space<semaphore_mem>>) src(%arg11 : memref<128x128xf32, #tpu.memory_space<vmem>>) dst(%dma_wait3A_90 : memref<10240x128xf32, #tpu.memory_space<vmem_shared>>)
        tpu.yield
      }) : () -> ()
    }
    %scan3A_20 = arith.constant 40 : i32
    %barrier3A_21 = arith.constant 0 : index
    tpu.barrier barrier_id(%barrier3A_21)
    %mul3A_22 = arith.constant 640 : i32
    %mul3A_23 = arith.muli %arg1, %mul3A_22 : i32
    %mul3A_24 = arith.constant 640 : i32
    %mul3A_25 = arith.muli %arg1, %mul3A_24 : i32
    "tpu.region"() ({
      %run_scoped3A = tpu.sem_alloc : memref<!tpu.dma_semaphore, #tpu.memory_space<semaphore_mem>>
      %dma_start3A_26 = arith.constant 0 : i32
      %dma_start3A_27 = tpu.memref_slice %arg6[%arg0, %mul3A_25, %dma_start3A_26] : memref<2x10240x128xf32, #tpu.memory_space<hbm>> -> memref<1x640x128xf32, #tpu.memory_space<hbm>>
      %dma_start3A_28 = tpu.memref_squeeze %dma_start3A_27 : memref<1x640x128xf32, #tpu.memory_space<hbm>> -> memref<640x128xf32, #tpu.memory_space<hbm>>
      %dma_start3A_29 = arith.constant 0 : i32
      %dma_start3A_30 = tpu.memref_slice %arg12[%mul3A_23, %dma_start3A_29] : memref<10240x128xf32, #tpu.memory_space<vmem_shared>> -> memref<640x128xf32, #tpu.memory_space<vmem_shared>>
      tpu.enqueue_dma source(%dma_start3A_30 : memref<640x128xf32, #tpu.memory_space<vmem_shared>>) target(%dma_start3A_28 : memref<640x128xf32, #tpu.memory_space<hbm>>) target_semaphore(%run_scoped3A : memref<!tpu.dma_semaphore, #tpu.memory_space<semaphore_mem>>)
      %dma_wait3A = arith.constant 0 : i32
      %dma_wait3A_31 = tpu.memref_slice %arg6[%arg0, %mul3A_25, %dma_wait3A] : memref<2x10240x128xf32, #tpu.memory_space<hbm>> -> memref<1x640x128xf32, #tpu.memory_space<hbm>>
      %dma_wait3A_32 = tpu.memref_squeeze %dma_wait3A_31 : memref<1x640x128xf32, #tpu.memory_space<hbm>> -> memref<640x128xf32, #tpu.memory_space<hbm>>
      %dma_wait3A_33 = arith.constant 0 : i32
      %dma_wait3A_34 = tpu.memref_slice %arg12[%mul3A_23, %dma_wait3A_33] : memref<10240x128xf32, #tpu.memory_space<vmem_shared>> -> memref<640x128xf32, #tpu.memory_space<vmem_shared>>
      tpu.wait_dma2 semaphore(%run_scoped3A : memref<!tpu.dma_semaphore, #tpu.memory_space<semaphore_mem>>) src(%dma_wait3A_34 : memref<640x128xf32, #tpu.memory_space<vmem_shared>>) dst(%dma_wait3A_32 : memref<640x128xf32, #tpu.memory_space<hbm>>)
      tpu.yield
    }) : () -> ()
    return
  }
}

#map = affine_map<(d0, d1) -> (0, 0)>
#map1 = affine_map<(d0, d1) -> (0, 0, 0, 0)>
#map2 = affine_map<(d0, d1) -> (0, 0, 0)>
module attributes {stable_mosaic.version = 14 : i64} {
  func.func @_sc_body(%arg0: i32, %arg1: i32, %arg2: memref<20000x128xf32, #tpu.memory_space<hbm>>, %arg3: memref<2x16x80x128xi32, #tpu.memory_space<hbm>>, %arg4: memref<16x80x1x128xi32, #tpu.memory_space<hbm>>, %arg5: memref<640x128xf32, #tpu.memory_space<hbm>>, %arg6: memref<2x10240x128xf32, #tpu.memory_space<hbm>>, %arg7: memref<80x128xi32, #tpu.memory_space<vmem>>, %arg8: memref<1x128xi32, #tpu.memory_space<vmem>>, %arg9: memref<1x128xi32, #tpu.memory_space<vmem>>, %arg10: memref<128x128xf32, #tpu.memory_space<vmem>>, %arg11: memref<128x128xf32, #tpu.memory_space<vmem>>, %arg12: memref<10240x128xf32, #tpu.memory_space<vmem_shared>>, %arg13: memref<!tpu.dma_semaphore, #tpu.memory_space<semaphore_mem>>, %arg14: memref<!tpu.dma_semaphore, #tpu.memory_space<semaphore_mem>>) attributes {dimension_semantics = [#tpu.dimension_semantics<core_parallel>, #tpu.dimension_semantics<subcore_parallel>], iteration_bounds = array<i64: 2, 16>, scalar_prefetch = 0 : i64, scratch_operands = 8 : i64, tpu.core_type = #tpu.core_type<sc_vector_subcore>, window_params = [{transform_indices = #map}, {transform_indices = #map1}, {transform_indices = #map1}, {transform_indices = #map}, {transform_indices = #map2}]} {
    %mul3A = arith.constant 640 : i32
    %mul3A_0 = arith.muli %arg1, %mul3A : i32
    "tpu.region"() ({
      %run_scoped3A = tpu.sem_alloc : memref<!tpu.dma_semaphore, #tpu.memory_space<semaphore_mem>>
      %dma_start3A_26 = arith.constant 0 : i32
      %dma_start3A_27 = tpu.memref_slice %arg12[%mul3A_0, %dma_start3A_26] : memref<10240x128xf32, #tpu.memory_space<vmem_shared>> -> memref<640x128xf32, #tpu.memory_space<vmem_shared>>
      tpu.enqueue_dma source(%arg5 : memref<640x128xf32, #tpu.memory_space<hbm>>) target(%dma_start3A_27 : memref<640x128xf32, #tpu.memory_space<vmem_shared>>) target_semaphore(%run_scoped3A : memref<!tpu.dma_semaphore, #tpu.memory_space<semaphore_mem>>)
      %dma_wait3A = arith.constant 0 : i32
      %dma_wait3A_28 = tpu.memref_slice %arg12[%mul3A_0, %dma_wait3A] : memref<10240x128xf32, #tpu.memory_space<vmem_shared>> -> memref<640x128xf32, #tpu.memory_space<vmem_shared>>
      tpu.wait_dma2 semaphore(%run_scoped3A : memref<!tpu.dma_semaphore, #tpu.memory_space<semaphore_mem>>) src(%arg5 : memref<640x128xf32, #tpu.memory_space<hbm>>) dst(%dma_wait3A_28 : memref<640x128xf32, #tpu.memory_space<vmem_shared>>)
      tpu.yield
    }) : () -> ()
    "tpu.region"() ({
      %run_scoped3A = tpu.sem_alloc : memref<!tpu.dma_semaphore, #tpu.memory_space<semaphore_mem>>
      %dma_start3A_26 = arith.constant 0 : i32
      %dma_start3A_27 = arith.constant 0 : i32
      %dma_start3A_28 = tpu.memref_slice %arg3[%arg0, %arg1, %dma_start3A_26, %dma_start3A_27] : memref<2x16x80x128xi32, #tpu.memory_space<hbm>> -> memref<1x1x80x128xi32, #tpu.memory_space<hbm>>
      %dma_start3A_29 = tpu.memref_squeeze %dma_start3A_28 : memref<1x1x80x128xi32, #tpu.memory_space<hbm>> -> memref<80x128xi32, #tpu.memory_space<hbm>>
      %dma_start3A_30 = arith.constant 0 : i32
      %dma_start3A_31 = arith.constant 0 : i32
      %dma_start3A_32 = tpu.memref_slice %arg3[%arg0, %arg1, %dma_start3A_30, %dma_start3A_31] : memref<2x16x80x128xi32, #tpu.memory_space<hbm>> -> memref<1x1x80x128xi32, #tpu.memory_space<hbm>>
      %dma_start3A_33 = tpu.memref_squeeze %dma_start3A_32 : memref<1x1x80x128xi32, #tpu.memory_space<hbm>> -> memref<80x128xi32, #tpu.memory_space<hbm>>
      tpu.enqueue_dma source(%dma_start3A_33 : memref<80x128xi32, #tpu.memory_space<hbm>>) target(%arg7 : memref<80x128xi32, #tpu.memory_space<vmem>>) target_semaphore(%run_scoped3A : memref<!tpu.dma_semaphore, #tpu.memory_space<semaphore_mem>>)
      %dma_wait3A = arith.constant 0 : i32
      %dma_wait3A_34 = arith.constant 0 : i32
      %dma_wait3A_35 = tpu.memref_slice %arg3[%arg0, %arg1, %dma_wait3A, %dma_wait3A_34] : memref<2x16x80x128xi32, #tpu.memory_space<hbm>> -> memref<1x1x80x128xi32, #tpu.memory_space<hbm>>
      %dma_wait3A_36 = tpu.memref_squeeze %dma_wait3A_35 : memref<1x1x80x128xi32, #tpu.memory_space<hbm>> -> memref<80x128xi32, #tpu.memory_space<hbm>>
      %dma_wait3A_37 = arith.constant 0 : i32
      %dma_wait3A_38 = arith.constant 0 : i32
      %dma_wait3A_39 = tpu.memref_slice %arg3[%arg0, %arg1, %dma_wait3A_37, %dma_wait3A_38] : memref<2x16x80x128xi32, #tpu.memory_space<hbm>> -> memref<1x1x80x128xi32, #tpu.memory_space<hbm>>
      %dma_wait3A_40 = tpu.memref_squeeze %dma_wait3A_39 : memref<1x1x80x128xi32, #tpu.memory_space<hbm>> -> memref<80x128xi32, #tpu.memory_space<hbm>>
      tpu.wait_dma2 semaphore(%run_scoped3A : memref<!tpu.dma_semaphore, #tpu.memory_space<semaphore_mem>>) src(%dma_wait3A_40 : memref<80x128xi32, #tpu.memory_space<hbm>>) dst(%arg7 : memref<80x128xi32, #tpu.memory_space<vmem>>)
      tpu.yield
    }) : () -> ()
    %barrier3A = arith.constant 0 : index
    tpu.barrier barrier_id(%barrier3A)
    %dma_start3A = arith.constant 0 : i32
    %dma_start3A_1 = arith.constant 0 : i32
    %dma_start3A_2 = tpu.memref_slice %arg7[%dma_start3A, %dma_start3A_1] : memref<80x128xi32, #tpu.memory_space<vmem>> -> memref<1x128xi32, #tpu.memory_space<vmem>>
    %dma_start3A_3 = tpu.memref_squeeze %dma_start3A_2 : memref<1x128xi32, #tpu.memory_space<vmem>> -> memref<128xi32, #tpu.memory_space<vmem>>
    %dma_start3A_4 = arith.constant 0 : i32
    %dma_start3A_5 = arith.constant 0 : i32
    %dma_start3A_6 = tpu.memref_slice %arg2[%dma_start3A_4, %dma_start3A_5] : memref<20000x128xf32, #tpu.memory_space<hbm>> -> memref<20000x128xf32, #tpu.memory_space<hbm>>
    tpu.enqueue_indirect_dma source(%dma_start3A_6 : memref<20000x128xf32, #tpu.memory_space<hbm>>) target(%arg10 : memref<128x128xf32, #tpu.memory_space<vmem>>) offsets(%dma_start3A_3 : memref<128xi32, #tpu.memory_space<vmem>>) semaphore(%arg13 : memref<!tpu.dma_semaphore, #tpu.memory_space<semaphore_mem>>)
    %dma_start3A_7 = arith.constant 0 : i32
    %dma_start3A_8 = arith.constant 0 : i32
    %dma_start3A_9 = arith.constant 0 : i32
    %dma_start3A_10 = tpu.memref_slice %arg4[%arg1, %dma_start3A_7, %dma_start3A_8, %dma_start3A_9] : memref<16x80x1x128xi32, #tpu.memory_space<hbm>> -> memref<1x1x1x128xi32, #tpu.memory_space<hbm>>
    %dma_start3A_11 = tpu.memref_squeeze %dma_start3A_10 : memref<1x1x1x128xi32, #tpu.memory_space<hbm>> -> memref<1x128xi32, #tpu.memory_space<hbm>>
    %dma_start3A_12 = arith.constant 0 : i32
    %dma_start3A_13 = arith.constant 0 : i32
    %dma_start3A_14 = tpu.memref_slice %arg4[%arg1, %dma_start3A_7, %dma_start3A_12, %dma_start3A_13] : memref<16x80x1x128xi32, #tpu.memory_space<hbm>> -> memref<1x1x1x128xi32, #tpu.memory_space<hbm>>
    %dma_start3A_15 = tpu.memref_squeeze %dma_start3A_14 : memref<1x1x1x128xi32, #tpu.memory_space<hbm>> -> memref<1x128xi32, #tpu.memory_space<hbm>>
    tpu.enqueue_dma source(%dma_start3A_15 : memref<1x128xi32, #tpu.memory_space<hbm>>) target(%arg8 : memref<1x128xi32, #tpu.memory_space<vmem>>) target_semaphore(%arg13 : memref<!tpu.dma_semaphore, #tpu.memory_space<semaphore_mem>>)
    %scan3A = arith.constant 0 : i32
    %scan3A_16 = arith.constant 0 : i32
    %scan3A_17 = arith.constant 40 : i32
    %scan3A_18 = arith.addi %scan3A_16, %scan3A_17 : i32
    %scan3A_19 = arith.constant 1 : i32
    scf.for %scan3A_26 = %scan3A_16 to %scan3A_18 step %scan3A_19  : i32 {
      %mul3A_27 = arith.constant 2 : i32
      %mul3A_28 = arith.muli %mul3A_27, %scan3A_26 : i32
      %add3A = arith.constant 1 : i32
      %add3A_29 = arith.addi %mul3A_28, %add3A : i32
      %dma_start3A_30 = arith.constant 0 : i32
      %dma_start3A_31 = tpu.memref_slice %arg7[%add3A_29, %dma_start3A_30] : memref<80x128xi32, #tpu.memory_space<vmem>> -> memref<1x128xi32, #tpu.memory_space<vmem>>
      %dma_start3A_32 = tpu.memref_squeeze %dma_start3A_31 : memref<1x128xi32, #tpu.memory_space<vmem>> -> memref<128xi32, #tpu.memory_space<vmem>>
      %dma_start3A_33 = arith.constant 0 : i32
      %dma_start3A_34 = arith.constant 0 : i32
      %dma_start3A_35 = tpu.memref_slice %arg2[%dma_start3A_33, %dma_start3A_34] : memref<20000x128xf32, #tpu.memory_space<hbm>> -> memref<20000x128xf32, #tpu.memory_space<hbm>>
      tpu.enqueue_indirect_dma source(%dma_start3A_35 : memref<20000x128xf32, #tpu.memory_space<hbm>>) target(%arg11 : memref<128x128xf32, #tpu.memory_space<vmem>>) offsets(%dma_start3A_32 : memref<128xi32, #tpu.memory_space<vmem>>) semaphore(%arg14 : memref<!tpu.dma_semaphore, #tpu.memory_space<semaphore_mem>>)
      %dma_start3A_36 = arith.constant 0 : i32
      %dma_start3A_37 = arith.constant 0 : i32
      %dma_start3A_38 = tpu.memref_slice %arg4[%arg1, %add3A_29, %dma_start3A_36, %dma_start3A_37] : memref<16x80x1x128xi32, #tpu.memory_space<hbm>> -> memref<1x1x1x128xi32, #tpu.memory_space<hbm>>
      %dma_start3A_39 = tpu.memref_squeeze %dma_start3A_38 : memref<1x1x1x128xi32, #tpu.memory_space<hbm>> -> memref<1x128xi32, #tpu.memory_space<hbm>>
      %dma_start3A_40 = arith.constant 0 : i32
      %dma_start3A_41 = arith.constant 0 : i32
      %dma_start3A_42 = tpu.memref_slice %arg4[%arg1, %add3A_29, %dma_start3A_40, %dma_start3A_41] : memref<16x80x1x128xi32, #tpu.memory_space<hbm>> -> memref<1x1x1x128xi32, #tpu.memory_space<hbm>>
      %dma_start3A_43 = tpu.memref_squeeze %dma_start3A_42 : memref<1x1x1x128xi32, #tpu.memory_space<hbm>> -> memref<1x128xi32, #tpu.memory_space<hbm>>
      tpu.enqueue_dma source(%dma_start3A_43 : memref<1x128xi32, #tpu.memory_space<hbm>>) target(%arg9 : memref<1x128xi32, #tpu.memory_space<vmem>>) target_semaphore(%arg14 : memref<!tpu.dma_semaphore, #tpu.memory_space<semaphore_mem>>)
      %dma_wait3A = arith.constant 0 : i32
      %dma_wait3A_44 = tpu.memref_slice %arg7[%mul3A_28, %dma_wait3A] : memref<80x128xi32, #tpu.memory_space<vmem>> -> memref<1x128xi32, #tpu.memory_space<vmem>>
      %dma_wait3A_45 = tpu.memref_squeeze %dma_wait3A_44 : memref<1x128xi32, #tpu.memory_space<vmem>> -> memref<128xi32, #tpu.memory_space<vmem>>
      %dma_wait3A_46 = arith.constant 0 : i32
      %dma_wait3A_47 = arith.constant 0 : i32
      %dma_wait3A_48 = tpu.memref_slice %arg2[%dma_wait3A_46, %dma_wait3A_47] : memref<20000x128xf32, #tpu.memory_space<hbm>> -> memref<20000x128xf32, #tpu.memory_space<hbm>>
      tpu.wait_indirect_dma semaphore(%arg13 : memref<!tpu.dma_semaphore, #tpu.memory_space<semaphore_mem>>) src(%dma_wait3A_48 : memref<20000x128xf32, #tpu.memory_space<hbm>>) dst(%arg10 : memref<128x128xf32, #tpu.memory_space<vmem>>)
      %dma_wait3A_49 = arith.constant 0 : i32
      %dma_wait3A_50 = arith.constant 0 : i32
      %dma_wait3A_51 = tpu.memref_slice %arg4[%arg1, %mul3A_28, %dma_wait3A_49, %dma_wait3A_50] : memref<16x80x1x128xi32, #tpu.memory_space<hbm>> -> memref<1x1x1x128xi32, #tpu.memory_space<hbm>>
      %dma_wait3A_52 = tpu.memref_squeeze %dma_wait3A_51 : memref<1x1x1x128xi32, #tpu.memory_space<hbm>> -> memref<1x128xi32, #tpu.memory_space<hbm>>
      %dma_wait3A_53 = arith.constant 0 : i32
      %dma_wait3A_54 = arith.constant 0 : i32
      %dma_wait3A_55 = tpu.memref_slice %arg4[%arg1, %mul3A_28, %dma_wait3A_53, %dma_wait3A_54] : memref<16x80x1x128xi32, #tpu.memory_space<hbm>> -> memref<1x1x1x128xi32, #tpu.memory_space<hbm>>
      %dma_wait3A_56 = tpu.memref_squeeze %dma_wait3A_55 : memref<1x1x1x128xi32, #tpu.memory_space<hbm>> -> memref<1x128xi32, #tpu.memory_space<hbm>>
      tpu.wait_dma2 semaphore(%arg13 : memref<!tpu.dma_semaphore, #tpu.memory_space<semaphore_mem>>) src(%dma_wait3A_56 : memref<1x128xi32, #tpu.memory_space<hbm>>) dst(%arg8 : memref<1x128xi32, #tpu.memory_space<vmem>>)
      %run_scoped3A = arith.constant 0 : i32
      "tpu.region"() ({
        %run_scoped3A_78 = tpu.sem_alloc : memref<!tpu.dma_semaphore, #tpu.memory_space<semaphore_mem>>
        %dma_start3A_79 = arith.constant 0 : i32
        %dma_start3A_80 = tpu.memref_slice %arg8[%run_scoped3A, %dma_start3A_79] : memref<1x128xi32, #tpu.memory_space<vmem>> -> memref<1x128xi32, #tpu.memory_space<vmem>>
        %dma_start3A_81 = tpu.memref_squeeze %dma_start3A_80 : memref<1x128xi32, #tpu.memory_space<vmem>> -> memref<128xi32, #tpu.memory_space<vmem>>
        %dma_start3A_82 = arith.constant 0 : i32
        %dma_start3A_83 = arith.constant 0 : i32
        %dma_start3A_84 = tpu.memref_slice %arg12[%dma_start3A_82, %dma_start3A_83] : memref<10240x128xf32, #tpu.memory_space<vmem_shared>> -> memref<10240x128xf32, #tpu.memory_space<vmem_shared>>
        tpu.enqueue_indirect_dma source(%arg10 : memref<128x128xf32, #tpu.memory_space<vmem>>) target(%dma_start3A_84 : memref<10240x128xf32, #tpu.memory_space<vmem_shared>>) offsets(%dma_start3A_81 : memref<128xi32, #tpu.memory_space<vmem>>) semaphore(%run_scoped3A_78 : memref<!tpu.dma_semaphore, #tpu.memory_space<semaphore_mem>>) {add = true}
        %dma_wait3A_85 = arith.constant 0 : i32
        %dma_wait3A_86 = tpu.memref_slice %arg8[%run_scoped3A, %dma_wait3A_85] : memref<1x128xi32, #tpu.memory_space<vmem>> -> memref<1x128xi32, #tpu.memory_space<vmem>>
        %dma_wait3A_87 = tpu.memref_squeeze %dma_wait3A_86 : memref<1x128xi32, #tpu.memory_space<vmem>> -> memref<128xi32, #tpu.memory_space<vmem>>
        %dma_wait3A_88 = arith.constant 0 : i32
        %dma_wait3A_89 = arith.constant 0 : i32
        %dma_wait3A_90 = tpu.memref_slice %arg12[%dma_wait3A_88, %dma_wait3A_89] : memref<10240x128xf32, #tpu.memory_space<vmem_shared>> -> memref<10240x128xf32, #tpu.memory_space<vmem_shared>>
        tpu.wait_indirect_dma semaphore(%run_scoped3A_78 : memref<!tpu.dma_semaphore, #tpu.memory_space<semaphore_mem>>) src(%arg10 : memref<128x128xf32, #tpu.memory_space<vmem>>) dst(%dma_wait3A_90 : memref<10240x128xf32, #tpu.memory_space<vmem_shared>>)
        tpu.yield
      }) : () -> ()
      %add3A_57 = arith.constant 2 : i32
      %add3A_58 = arith.addi %mul3A_28, %add3A_57 : i32
      %lt3A = arith.constant 80 : i32
      %lt3A_59 = arith.cmpi slt, %add3A_58, %lt3A : i32
      %convert_element_type3A = arith.extui %lt3A_59 : i1 to i32
      %cond3A = arith.constant 0 : i32
      %cond3A_60 = arith.cmpi ne, %convert_element_type3A, %cond3A : i32
      scf.if %cond3A_60 {
        %add3A_78 = arith.constant 2 : i32
        %add3A_79 = arith.addi %mul3A_28, %add3A_78 : i32
        %dma_start3A_80 = arith.constant 0 : i32
        %dma_start3A_81 = tpu.memref_slice %arg7[%add3A_79, %dma_start3A_80] : memref<80x128xi32, #tpu.memory_space<vmem>> -> memref<1x128xi32, #tpu.memory_space<vmem>>
        %dma_start3A_82 = tpu.memref_squeeze %dma_start3A_81 : memref<1x128xi32, #tpu.memory_space<vmem>> -> memref<128xi32, #tpu.memory_space<vmem>>
        %dma_start3A_83 = arith.constant 0 : i32
        %dma_start3A_84 = arith.constant 0 : i32
        %dma_start3A_85 = tpu.memref_slice %arg2[%dma_start3A_83, %dma_start3A_84] : memref<20000x128xf32, #tpu.memory_space<hbm>> -> memref<20000x128xf32, #tpu.memory_space<hbm>>
        tpu.enqueue_indirect_dma source(%dma_start3A_85 : memref<20000x128xf32, #tpu.memory_space<hbm>>) target(%arg10 : memref<128x128xf32, #tpu.memory_space<vmem>>) offsets(%dma_start3A_82 : memref<128xi32, #tpu.memory_space<vmem>>) semaphore(%arg13 : memref<!tpu.dma_semaphore, #tpu.memory_space<semaphore_mem>>)
        %dma_start3A_86 = arith.constant 0 : i32
        %dma_start3A_87 = arith.constant 0 : i32
        %dma_start3A_88 = tpu.memref_slice %arg4[%arg1, %add3A_79, %dma_start3A_86, %dma_start3A_87] : memref<16x80x1x128xi32, #tpu.memory_space<hbm>> -> memref<1x1x1x128xi32, #tpu.memory_space<hbm>>
        %dma_start3A_89 = tpu.memref_squeeze %dma_start3A_88 : memref<1x1x1x128xi32, #tpu.memory_space<hbm>> -> memref<1x128xi32, #tpu.memory_space<hbm>>
        %dma_start3A_90 = arith.constant 0 : i32
        %dma_start3A_91 = arith.constant 0 : i32
        %dma_start3A_92 = tpu.memref_slice %arg4[%arg1, %add3A_79, %dma_start3A_90, %dma_start3A_91] : memref<16x80x1x128xi32, #tpu.memory_space<hbm>> -> memref<1x1x1x128xi32, #tpu.memory_space<hbm>>
        %dma_start3A_93 = tpu.memref_squeeze %dma_start3A_92 : memref<1x1x1x128xi32, #tpu.memory_space<hbm>> -> memref<1x128xi32, #tpu.memory_space<hbm>>
        tpu.enqueue_dma source(%dma_start3A_93 : memref<1x128xi32, #tpu.memory_space<hbm>>) target(%arg8 : memref<1x128xi32, #tpu.memory_space<vmem>>) target_semaphore(%arg13 : memref<!tpu.dma_semaphore, #tpu.memory_space<semaphore_mem>>)
      } else {
      }
      %add3A_61 = arith.constant 1 : i32
      %add3A_62 = arith.addi %mul3A_28, %add3A_61 : i32
      %dma_wait3A_63 = arith.constant 0 : i32
      %dma_wait3A_64 = tpu.memref_slice %arg7[%add3A_62, %dma_wait3A_63] : memref<80x128xi32, #tpu.memory_space<vmem>> -> memref<1x128xi32, #tpu.memory_space<vmem>>
      %dma_wait3A_65 = tpu.memref_squeeze %dma_wait3A_64 : memref<1x128xi32, #tpu.memory_space<vmem>> -> memref<128xi32, #tpu.memory_space<vmem>>
      %dma_wait3A_66 = arith.constant 0 : i32
      %dma_wait3A_67 = arith.constant 0 : i32
      %dma_wait3A_68 = tpu.memref_slice %arg2[%dma_wait3A_66, %dma_wait3A_67] : memref<20000x128xf32, #tpu.memory_space<hbm>> -> memref<20000x128xf32, #tpu.memory_space<hbm>>
      tpu.wait_indirect_dma semaphore(%arg14 : memref<!tpu.dma_semaphore, #tpu.memory_space<semaphore_mem>>) src(%dma_wait3A_68 : memref<20000x128xf32, #tpu.memory_space<hbm>>) dst(%arg11 : memref<128x128xf32, #tpu.memory_space<vmem>>)
      %dma_wait3A_69 = arith.constant 0 : i32
      %dma_wait3A_70 = arith.constant 0 : i32
      %dma_wait3A_71 = tpu.memref_slice %arg4[%arg1, %add3A_62, %dma_wait3A_69, %dma_wait3A_70] : memref<16x80x1x128xi32, #tpu.memory_space<hbm>> -> memref<1x1x1x128xi32, #tpu.memory_space<hbm>>
      %dma_wait3A_72 = tpu.memref_squeeze %dma_wait3A_71 : memref<1x1x1x128xi32, #tpu.memory_space<hbm>> -> memref<1x128xi32, #tpu.memory_space<hbm>>
      %dma_wait3A_73 = arith.constant 0 : i32
      %dma_wait3A_74 = arith.constant 0 : i32
      %dma_wait3A_75 = tpu.memref_slice %arg4[%arg1, %add3A_62, %dma_wait3A_73, %dma_wait3A_74] : memref<16x80x1x128xi32, #tpu.memory_space<hbm>> -> memref<1x1x1x128xi32, #tpu.memory_space<hbm>>
      %dma_wait3A_76 = tpu.memref_squeeze %dma_wait3A_75 : memref<1x1x1x128xi32, #tpu.memory_space<hbm>> -> memref<1x128xi32, #tpu.memory_space<hbm>>
      tpu.wait_dma2 semaphore(%arg14 : memref<!tpu.dma_semaphore, #tpu.memory_space<semaphore_mem>>) src(%dma_wait3A_76 : memref<1x128xi32, #tpu.memory_space<hbm>>) dst(%arg9 : memref<1x128xi32, #tpu.memory_space<vmem>>)
      %run_scoped3A_77 = arith.constant 0 : i32
      "tpu.region"() ({
        %run_scoped3A_78 = tpu.sem_alloc : memref<!tpu.dma_semaphore, #tpu.memory_space<semaphore_mem>>
        %dma_start3A_79 = arith.constant 0 : i32
        %dma_start3A_80 = tpu.memref_slice %arg9[%run_scoped3A_77, %dma_start3A_79] : memref<1x128xi32, #tpu.memory_space<vmem>> -> memref<1x128xi32, #tpu.memory_space<vmem>>
        %dma_start3A_81 = tpu.memref_squeeze %dma_start3A_80 : memref<1x128xi32, #tpu.memory_space<vmem>> -> memref<128xi32, #tpu.memory_space<vmem>>
        %dma_start3A_82 = arith.constant 0 : i32
        %dma_start3A_83 = arith.constant 0 : i32
        %dma_start3A_84 = tpu.memref_slice %arg12[%dma_start3A_82, %dma_start3A_83] : memref<10240x128xf32, #tpu.memory_space<vmem_shared>> -> memref<10240x128xf32, #tpu.memory_space<vmem_shared>>
        tpu.enqueue_indirect_dma source(%arg11 : memref<128x128xf32, #tpu.memory_space<vmem>>) target(%dma_start3A_84 : memref<10240x128xf32, #tpu.memory_space<vmem_shared>>) offsets(%dma_start3A_81 : memref<128xi32, #tpu.memory_space<vmem>>) semaphore(%run_scoped3A_78 : memref<!tpu.dma_semaphore, #tpu.memory_space<semaphore_mem>>) {add = true}
        %dma_wait3A_85 = arith.constant 0 : i32
        %dma_wait3A_86 = tpu.memref_slice %arg9[%run_scoped3A_77, %dma_wait3A_85] : memref<1x128xi32, #tpu.memory_space<vmem>> -> memref<1x128xi32, #tpu.memory_space<vmem>>
        %dma_wait3A_87 = tpu.memref_squeeze %dma_wait3A_86 : memref<1x128xi32, #tpu.memory_space<vmem>> -> memref<128xi32, #tpu.memory_space<vmem>>
        %dma_wait3A_88 = arith.constant 0 : i32
        %dma_wait3A_89 = arith.constant 0 : i32
        %dma_wait3A_90 = tpu.memref_slice %arg12[%dma_wait3A_88, %dma_wait3A_89] : memref<10240x128xf32, #tpu.memory_space<vmem_shared>> -> memref<10240x128xf32, #tpu.memory_space<vmem_shared>>
        tpu.wait_indirect_dma semaphore(%run_scoped3A_78 : memref<!tpu.dma_semaphore, #tpu.memory_space<semaphore_mem>>) src(%arg11 : memref<128x128xf32, #tpu.memory_space<vmem>>) dst(%dma_wait3A_90 : memref<10240x128xf32, #tpu.memory_space<vmem_shared>>)
        tpu.yield
      }) : () -> ()
    }
    %scan3A_20 = arith.constant 40 : i32
    %barrier3A_21 = arith.constant 0 : index
    tpu.barrier barrier_id(%barrier3A_21)
    %mul3A_22 = arith.constant 640 : i32
    %mul3A_23 = arith.muli %arg1, %mul3A_22 : i32
    %mul3A_24 = arith.constant 640 : i32
    %mul3A_25 = arith.muli %arg1, %mul3A_24 : i32
    "tpu.region"() ({
      %run_scoped3A = tpu.sem_alloc : memref<!tpu.dma_semaphore, #tpu.memory_space<semaphore_mem>>
      %dma_start3A_26 = arith.constant 0 : i32
      %dma_start3A_27 = tpu.memref_slice %arg6[%arg0, %mul3A_25, %dma_start3A_26] : memref<2x10240x128xf32, #tpu.memory_space<hbm>> -> memref<1x640x128xf32, #tpu.memory_space<hbm>>
      %dma_start3A_28 = tpu.memref_squeeze %dma_start3A_27 : memref<1x640x128xf32, #tpu.memory_space<hbm>> -> memref<640x128xf32, #tpu.memory_space<hbm>>
      %dma_start3A_29 = arith.constant 0 : i32
      %dma_start3A_30 = tpu.memref_slice %arg12[%mul3A_23, %dma_start3A_29] : memref<10240x128xf32, #tpu.memory_space<vmem_shared>> -> memref<640x128xf32, #tpu.memory_space<vmem_shared>>
      tpu.enqueue_dma source(%dma_start3A_30 : memref<640x128xf32, #tpu.memory_space<vmem_shared>>) target(%dma_start3A_28 : memref<640x128xf32, #tpu.memory_space<hbm>>) target_semaphore(%run_scoped3A : memref<!tpu.dma_semaphore, #tpu.memory_space<semaphore_mem>>)
      %dma_wait3A = arith.constant 0 : i32
      %dma_wait3A_31 = tpu.memref_slice %arg6[%arg0, %mul3A_25, %dma_wait3A] : memref<2x10240x128xf32, #tpu.memory_space<hbm>> -> memref<1x640x128xf32, #tpu.memory_space<hbm>>
      %dma_wait3A_32 = tpu.memref_squeeze %dma_wait3A_31 : memref<1x640x128xf32, #tpu.memory_space<hbm>> -> memref<640x128xf32, #tpu.memory_space<hbm>>
      %dma_wait3A_33 = arith.constant 0 : i32
      %dma_wait3A_34 = tpu.memref_slice %arg12[%mul3A_23, %dma_wait3A_33] : memref<10240x128xf32, #tpu.memory_space<vmem_shared>> -> memref<640x128xf32, #tpu.memory_space<vmem_shared>>
      tpu.wait_dma2 semaphore(%run_scoped3A : memref<!tpu.dma_semaphore, #tpu.memory_space<semaphore_mem>>) src(%dma_wait3A_34 : memref<640x128xf32, #tpu.memory_space<vmem_shared>>) dst(%dma_wait3A_32 : memref<640x128xf32, #tpu.memory_space<hbm>>)
      tpu.yield
    }) : () -> ()
    return
  }
}

#map = affine_map<(d0, d1) -> (0, 0)>
#map1 = affine_map<(d0, d1) -> (0, 0, 0, 0)>
#map2 = affine_map<(d0, d1) -> (0, 0, 0)>
module attributes {stable_mosaic.version = 14 : i64} {
  func.func @_sc_body(%arg0: i32, %arg1: i32, %arg2: memref<20000x128xf32, #tpu.memory_space<hbm>>, %arg3: memref<2x16x80x128xi32, #tpu.memory_space<hbm>>, %arg4: memref<16x80x1x128xi32, #tpu.memory_space<hbm>>, %arg5: memref<640x128xf32, #tpu.memory_space<hbm>>, %arg6: memref<2x10240x128xf32, #tpu.memory_space<hbm>>, %arg7: memref<80x128xi32, #tpu.memory_space<vmem>>, %arg8: memref<1x128xi32, #tpu.memory_space<vmem>>, %arg9: memref<1x128xi32, #tpu.memory_space<vmem>>, %arg10: memref<128x128xf32, #tpu.memory_space<vmem>>, %arg11: memref<128x128xf32, #tpu.memory_space<vmem>>, %arg12: memref<10240x128xf32, #tpu.memory_space<vmem_shared>>, %arg13: memref<!tpu.dma_semaphore, #tpu.memory_space<semaphore_mem>>, %arg14: memref<!tpu.dma_semaphore, #tpu.memory_space<semaphore_mem>>) attributes {dimension_semantics = [#tpu.dimension_semantics<core_parallel>, #tpu.dimension_semantics<subcore_parallel>], iteration_bounds = array<i64: 2, 16>, scalar_prefetch = 0 : i64, scratch_operands = 8 : i64, tpu.core_type = #tpu.core_type<sc_vector_subcore>, window_params = [{transform_indices = #map}, {transform_indices = #map1}, {transform_indices = #map1}, {transform_indices = #map}, {transform_indices = #map2}]} {
    %mul3A = arith.constant 640 : i32
    %mul3A_0 = arith.muli %arg1, %mul3A : i32
    "tpu.region"() ({
      %run_scoped3A = tpu.sem_alloc : memref<!tpu.dma_semaphore, #tpu.memory_space<semaphore_mem>>
      %dma_start3A_26 = arith.constant 0 : i32
      %dma_start3A_27 = tpu.memref_slice %arg12[%mul3A_0, %dma_start3A_26] : memref<10240x128xf32, #tpu.memory_space<vmem_shared>> -> memref<640x128xf32, #tpu.memory_space<vmem_shared>>
      tpu.enqueue_dma source(%arg5 : memref<640x128xf32, #tpu.memory_space<hbm>>) target(%dma_start3A_27 : memref<640x128xf32, #tpu.memory_space<vmem_shared>>) target_semaphore(%run_scoped3A : memref<!tpu.dma_semaphore, #tpu.memory_space<semaphore_mem>>)
      %dma_wait3A = arith.constant 0 : i32
      %dma_wait3A_28 = tpu.memref_slice %arg12[%mul3A_0, %dma_wait3A] : memref<10240x128xf32, #tpu.memory_space<vmem_shared>> -> memref<640x128xf32, #tpu.memory_space<vmem_shared>>
      tpu.wait_dma2 semaphore(%run_scoped3A : memref<!tpu.dma_semaphore, #tpu.memory_space<semaphore_mem>>) src(%arg5 : memref<640x128xf32, #tpu.memory_space<hbm>>) dst(%dma_wait3A_28 : memref<640x128xf32, #tpu.memory_space<vmem_shared>>)
      tpu.yield
    }) : () -> ()
    "tpu.region"() ({
      %run_scoped3A = tpu.sem_alloc : memref<!tpu.dma_semaphore, #tpu.memory_space<semaphore_mem>>
      %dma_start3A_26 = arith.constant 0 : i32
      %dma_start3A_27 = arith.constant 0 : i32
      %dma_start3A_28 = tpu.memref_slice %arg3[%arg0, %arg1, %dma_start3A_26, %dma_start3A_27] : memref<2x16x80x128xi32, #tpu.memory_space<hbm>> -> memref<1x1x80x128xi32, #tpu.memory_space<hbm>>
      %dma_start3A_29 = tpu.memref_squeeze %dma_start3A_28 : memref<1x1x80x128xi32, #tpu.memory_space<hbm>> -> memref<80x128xi32, #tpu.memory_space<hbm>>
      %dma_start3A_30 = arith.constant 0 : i32
      %dma_start3A_31 = arith.constant 0 : i32
      %dma_start3A_32 = tpu.memref_slice %arg3[%arg0, %arg1, %dma_start3A_30, %dma_start3A_31] : memref<2x16x80x128xi32, #tpu.memory_space<hbm>> -> memref<1x1x80x128xi32, #tpu.memory_space<hbm>>
      %dma_start3A_33 = tpu.memref_squeeze %dma_start3A_32 : memref<1x1x80x128xi32, #tpu.memory_space<hbm>> -> memref<80x128xi32, #tpu.memory_space<hbm>>
      tpu.enqueue_dma source(%dma_start3A_33 : memref<80x128xi32, #tpu.memory_space<hbm>>) target(%arg7 : memref<80x128xi32, #tpu.memory_space<vmem>>) target_semaphore(%run_scoped3A : memref<!tpu.dma_semaphore, #tpu.memory_space<semaphore_mem>>)
      %dma_wait3A = arith.constant 0 : i32
      %dma_wait3A_34 = arith.constant 0 : i32
      %dma_wait3A_35 = tpu.memref_slice %arg3[%arg0, %arg1, %dma_wait3A, %dma_wait3A_34] : memref<2x16x80x128xi32, #tpu.memory_space<hbm>> -> memref<1x1x80x128xi32, #tpu.memory_space<hbm>>
      %dma_wait3A_36 = tpu.memref_squeeze %dma_wait3A_35 : memref<1x1x80x128xi32, #tpu.memory_space<hbm>> -> memref<80x128xi32, #tpu.memory_space<hbm>>
      %dma_wait3A_37 = arith.constant 0 : i32
      %dma_wait3A_38 = arith.constant 0 : i32
      %dma_wait3A_39 = tpu.memref_slice %arg3[%arg0, %arg1, %dma_wait3A_37, %dma_wait3A_38] : memref<2x16x80x128xi32, #tpu.memory_space<hbm>> -> memref<1x1x80x128xi32, #tpu.memory_space<hbm>>
      %dma_wait3A_40 = tpu.memref_squeeze %dma_wait3A_39 : memref<1x1x80x128xi32, #tpu.memory_space<hbm>> -> memref<80x128xi32, #tpu.memory_space<hbm>>
      tpu.wait_dma2 semaphore(%run_scoped3A : memref<!tpu.dma_semaphore, #tpu.memory_space<semaphore_mem>>) src(%dma_wait3A_40 : memref<80x128xi32, #tpu.memory_space<hbm>>) dst(%arg7 : memref<80x128xi32, #tpu.memory_space<vmem>>)
      tpu.yield
    }) : () -> ()
    %barrier3A = arith.constant 0 : index
    tpu.barrier barrier_id(%barrier3A)
    %dma_start3A = arith.constant 0 : i32
    %dma_start3A_1 = arith.constant 0 : i32
    %dma_start3A_2 = tpu.memref_slice %arg7[%dma_start3A, %dma_start3A_1] : memref<80x128xi32, #tpu.memory_space<vmem>> -> memref<1x128xi32, #tpu.memory_space<vmem>>
    %dma_start3A_3 = tpu.memref_squeeze %dma_start3A_2 : memref<1x128xi32, #tpu.memory_space<vmem>> -> memref<128xi32, #tpu.memory_space<vmem>>
    %dma_start3A_4 = arith.constant 0 : i32
    %dma_start3A_5 = arith.constant 0 : i32
    %dma_start3A_6 = tpu.memref_slice %arg2[%dma_start3A_4, %dma_start3A_5] : memref<20000x128xf32, #tpu.memory_space<hbm>> -> memref<20000x128xf32, #tpu.memory_space<hbm>>
    tpu.enqueue_indirect_dma source(%dma_start3A_6 : memref<20000x128xf32, #tpu.memory_space<hbm>>) target(%arg10 : memref<128x128xf32, #tpu.memory_space<vmem>>) offsets(%dma_start3A_3 : memref<128xi32, #tpu.memory_space<vmem>>) semaphore(%arg13 : memref<!tpu.dma_semaphore, #tpu.memory_space<semaphore_mem>>)
    %dma_start3A_7 = arith.constant 0 : i32
    %dma_start3A_8 = arith.constant 0 : i32
    %dma_start3A_9 = arith.constant 0 : i32
    %dma_start3A_10 = tpu.memref_slice %arg4[%arg1, %dma_start3A_7, %dma_start3A_8, %dma_start3A_9] : memref<16x80x1x128xi32, #tpu.memory_space<hbm>> -> memref<1x1x1x128xi32, #tpu.memory_space<hbm>>
    %dma_start3A_11 = tpu.memref_squeeze %dma_start3A_10 : memref<1x1x1x128xi32, #tpu.memory_space<hbm>> -> memref<1x128xi32, #tpu.memory_space<hbm>>
    %dma_start3A_12 = arith.constant 0 : i32
    %dma_start3A_13 = arith.constant 0 : i32
    %dma_start3A_14 = tpu.memref_slice %arg4[%arg1, %dma_start3A_7, %dma_start3A_12, %dma_start3A_13] : memref<16x80x1x128xi32, #tpu.memory_space<hbm>> -> memref<1x1x1x128xi32, #tpu.memory_space<hbm>>
    %dma_start3A_15 = tpu.memref_squeeze %dma_start3A_14 : memref<1x1x1x128xi32, #tpu.memory_space<hbm>> -> memref<1x128xi32, #tpu.memory_space<hbm>>
    tpu.enqueue_dma source(%dma_start3A_15 : memref<1x128xi32, #tpu.memory_space<hbm>>) target(%arg8 : memref<1x128xi32, #tpu.memory_space<vmem>>) target_semaphore(%arg13 : memref<!tpu.dma_semaphore, #tpu.memory_space<semaphore_mem>>)
    %scan3A = arith.constant 0 : i32
    %scan3A_16 = arith.constant 0 : i32
    %scan3A_17 = arith.constant 40 : i32
    %scan3A_18 = arith.addi %scan3A_16, %scan3A_17 : i32
    %scan3A_19 = arith.constant 1 : i32
    scf.for %scan3A_26 = %scan3A_16 to %scan3A_18 step %scan3A_19  : i32 {
      %mul3A_27 = arith.constant 2 : i32
      %mul3A_28 = arith.muli %mul3A_27, %scan3A_26 : i32
      %add3A = arith.constant 1 : i32
      %add3A_29 = arith.addi %mul3A_28, %add3A : i32
      %dma_start3A_30 = arith.constant 0 : i32
      %dma_start3A_31 = tpu.memref_slice %arg7[%add3A_29, %dma_start3A_30] : memref<80x128xi32, #tpu.memory_space<vmem>> -> memref<1x128xi32, #tpu.memory_space<vmem>>
      %dma_start3A_32 = tpu.memref_squeeze %dma_start3A_31 : memref<1x128xi32, #tpu.memory_space<vmem>> -> memref<128xi32, #tpu.memory_space<vmem>>
      %dma_start3A_33 = arith.constant 0 : i32
      %dma_start3A_34 = arith.constant 0 : i32
      %dma_start3A_35 = tpu.memref_slice %arg2[%dma_start3A_33, %dma_start3A_34] : memref<20000x128xf32, #tpu.memory_space<hbm>> -> memref<20000x128xf32, #tpu.memory_space<hbm>>
      tpu.enqueue_indirect_dma source(%dma_start3A_35 : memref<20000x128xf32, #tpu.memory_space<hbm>>) target(%arg11 : memref<128x128xf32, #tpu.memory_space<vmem>>) offsets(%dma_start3A_32 : memref<128xi32, #tpu.memory_space<vmem>>) semaphore(%arg14 : memref<!tpu.dma_semaphore, #tpu.memory_space<semaphore_mem>>)
      %dma_start3A_36 = arith.constant 0 : i32
      %dma_start3A_37 = arith.constant 0 : i32
      %dma_start3A_38 = tpu.memref_slice %arg4[%arg1, %add3A_29, %dma_start3A_36, %dma_start3A_37] : memref<16x80x1x128xi32, #tpu.memory_space<hbm>> -> memref<1x1x1x128xi32, #tpu.memory_space<hbm>>
      %dma_start3A_39 = tpu.memref_squeeze %dma_start3A_38 : memref<1x1x1x128xi32, #tpu.memory_space<hbm>> -> memref<1x128xi32, #tpu.memory_space<hbm>>
      %dma_start3A_40 = arith.constant 0 : i32
      %dma_start3A_41 = arith.constant 0 : i32
      %dma_start3A_42 = tpu.memref_slice %arg4[%arg1, %add3A_29, %dma_start3A_40, %dma_start3A_41] : memref<16x80x1x128xi32, #tpu.memory_space<hbm>> -> memref<1x1x1x128xi32, #tpu.memory_space<hbm>>
      %dma_start3A_43 = tpu.memref_squeeze %dma_start3A_42 : memref<1x1x1x128xi32, #tpu.memory_space<hbm>> -> memref<1x128xi32, #tpu.memory_space<hbm>>
      tpu.enqueue_dma source(%dma_start3A_43 : memref<1x128xi32, #tpu.memory_space<hbm>>) target(%arg9 : memref<1x128xi32, #tpu.memory_space<vmem>>) target_semaphore(%arg14 : memref<!tpu.dma_semaphore, #tpu.memory_space<semaphore_mem>>)
      %dma_wait3A = arith.constant 0 : i32
      %dma_wait3A_44 = tpu.memref_slice %arg7[%mul3A_28, %dma_wait3A] : memref<80x128xi32, #tpu.memory_space<vmem>> -> memref<1x128xi32, #tpu.memory_space<vmem>>
      %dma_wait3A_45 = tpu.memref_squeeze %dma_wait3A_44 : memref<1x128xi32, #tpu.memory_space<vmem>> -> memref<128xi32, #tpu.memory_space<vmem>>
      %dma_wait3A_46 = arith.constant 0 : i32
      %dma_wait3A_47 = arith.constant 0 : i32
      %dma_wait3A_48 = tpu.memref_slice %arg2[%dma_wait3A_46, %dma_wait3A_47] : memref<20000x128xf32, #tpu.memory_space<hbm>> -> memref<20000x128xf32, #tpu.memory_space<hbm>>
      tpu.wait_indirect_dma semaphore(%arg13 : memref<!tpu.dma_semaphore, #tpu.memory_space<semaphore_mem>>) src(%dma_wait3A_48 : memref<20000x128xf32, #tpu.memory_space<hbm>>) dst(%arg10 : memref<128x128xf32, #tpu.memory_space<vmem>>)
      %dma_wait3A_49 = arith.constant 0 : i32
      %dma_wait3A_50 = arith.constant 0 : i32
      %dma_wait3A_51 = tpu.memref_slice %arg4[%arg1, %mul3A_28, %dma_wait3A_49, %dma_wait3A_50] : memref<16x80x1x128xi32, #tpu.memory_space<hbm>> -> memref<1x1x1x128xi32, #tpu.memory_space<hbm>>
      %dma_wait3A_52 = tpu.memref_squeeze %dma_wait3A_51 : memref<1x1x1x128xi32, #tpu.memory_space<hbm>> -> memref<1x128xi32, #tpu.memory_space<hbm>>
      %dma_wait3A_53 = arith.constant 0 : i32
      %dma_wait3A_54 = arith.constant 0 : i32
      %dma_wait3A_55 = tpu.memref_slice %arg4[%arg1, %mul3A_28, %dma_wait3A_53, %dma_wait3A_54] : memref<16x80x1x128xi32, #tpu.memory_space<hbm>> -> memref<1x1x1x128xi32, #tpu.memory_space<hbm>>
      %dma_wait3A_56 = tpu.memref_squeeze %dma_wait3A_55 : memref<1x1x1x128xi32, #tpu.memory_space<hbm>> -> memref<1x128xi32, #tpu.memory_space<hbm>>
      tpu.wait_dma2 semaphore(%arg13 : memref<!tpu.dma_semaphore, #tpu.memory_space<semaphore_mem>>) src(%dma_wait3A_56 : memref<1x128xi32, #tpu.memory_space<hbm>>) dst(%arg8 : memref<1x128xi32, #tpu.memory_space<vmem>>)
      %run_scoped3A = arith.constant 0 : i32
      "tpu.region"() ({
        %run_scoped3A_78 = tpu.sem_alloc : memref<!tpu.dma_semaphore, #tpu.memory_space<semaphore_mem>>
        %dma_start3A_79 = arith.constant 0 : i32
        %dma_start3A_80 = tpu.memref_slice %arg8[%run_scoped3A, %dma_start3A_79] : memref<1x128xi32, #tpu.memory_space<vmem>> -> memref<1x128xi32, #tpu.memory_space<vmem>>
        %dma_start3A_81 = tpu.memref_squeeze %dma_start3A_80 : memref<1x128xi32, #tpu.memory_space<vmem>> -> memref<128xi32, #tpu.memory_space<vmem>>
        %dma_start3A_82 = arith.constant 0 : i32
        %dma_start3A_83 = arith.constant 0 : i32
        %dma_start3A_84 = tpu.memref_slice %arg12[%dma_start3A_82, %dma_start3A_83] : memref<10240x128xf32, #tpu.memory_space<vmem_shared>> -> memref<10240x128xf32, #tpu.memory_space<vmem_shared>>
        tpu.enqueue_indirect_dma source(%arg10 : memref<128x128xf32, #tpu.memory_space<vmem>>) target(%dma_start3A_84 : memref<10240x128xf32, #tpu.memory_space<vmem_shared>>) offsets(%dma_start3A_81 : memref<128xi32, #tpu.memory_space<vmem>>) semaphore(%run_scoped3A_78 : memref<!tpu.dma_semaphore, #tpu.memory_space<semaphore_mem>>) {add = true}
        %dma_wait3A_85 = arith.constant 0 : i32
        %dma_wait3A_86 = tpu.memref_slice %arg8[%run_scoped3A, %dma_wait3A_85] : memref<1x128xi32, #tpu.memory_space<vmem>> -> memref<1x128xi32, #tpu.memory_space<vmem>>
        %dma_wait3A_87 = tpu.memref_squeeze %dma_wait3A_86 : memref<1x128xi32, #tpu.memory_space<vmem>> -> memref<128xi32, #tpu.memory_space<vmem>>
        %dma_wait3A_88 = arith.constant 0 : i32
        %dma_wait3A_89 = arith.constant 0 : i32
        %dma_wait3A_90 = tpu.memref_slice %arg12[%dma_wait3A_88, %dma_wait3A_89] : memref<10240x128xf32, #tpu.memory_space<vmem_shared>> -> memref<10240x128xf32, #tpu.memory_space<vmem_shared>>
        tpu.wait_indirect_dma semaphore(%run_scoped3A_78 : memref<!tpu.dma_semaphore, #tpu.memory_space<semaphore_mem>>) src(%arg10 : memref<128x128xf32, #tpu.memory_space<vmem>>) dst(%dma_wait3A_90 : memref<10240x128xf32, #tpu.memory_space<vmem_shared>>)
        tpu.yield
      }) : () -> ()
      %add3A_57 = arith.constant 2 : i32
      %add3A_58 = arith.addi %mul3A_28, %add3A_57 : i32
      %lt3A = arith.constant 80 : i32
      %lt3A_59 = arith.cmpi slt, %add3A_58, %lt3A : i32
      %convert_element_type3A = arith.extui %lt3A_59 : i1 to i32
      %cond3A = arith.constant 0 : i32
      %cond3A_60 = arith.cmpi ne, %convert_element_type3A, %cond3A : i32
      scf.if %cond3A_60 {
        %add3A_78 = arith.constant 2 : i32
        %add3A_79 = arith.addi %mul3A_28, %add3A_78 : i32
        %dma_start3A_80 = arith.constant 0 : i32
        %dma_start3A_81 = tpu.memref_slice %arg7[%add3A_79, %dma_start3A_80] : memref<80x128xi32, #tpu.memory_space<vmem>> -> memref<1x128xi32, #tpu.memory_space<vmem>>
        %dma_start3A_82 = tpu.memref_squeeze %dma_start3A_81 : memref<1x128xi32, #tpu.memory_space<vmem>> -> memref<128xi32, #tpu.memory_space<vmem>>
        %dma_start3A_83 = arith.constant 0 : i32
        %dma_start3A_84 = arith.constant 0 : i32
        %dma_start3A_85 = tpu.memref_slice %arg2[%dma_start3A_83, %dma_start3A_84] : memref<20000x128xf32, #tpu.memory_space<hbm>> -> memref<20000x128xf32, #tpu.memory_space<hbm>>
        tpu.enqueue_indirect_dma source(%dma_start3A_85 : memref<20000x128xf32, #tpu.memory_space<hbm>>) target(%arg10 : memref<128x128xf32, #tpu.memory_space<vmem>>) offsets(%dma_start3A_82 : memref<128xi32, #tpu.memory_space<vmem>>) semaphore(%arg13 : memref<!tpu.dma_semaphore, #tpu.memory_space<semaphore_mem>>)
        %dma_start3A_86 = arith.constant 0 : i32
        %dma_start3A_87 = arith.constant 0 : i32
        %dma_start3A_88 = tpu.memref_slice %arg4[%arg1, %add3A_79, %dma_start3A_86, %dma_start3A_87] : memref<16x80x1x128xi32, #tpu.memory_space<hbm>> -> memref<1x1x1x128xi32, #tpu.memory_space<hbm>>
        %dma_start3A_89 = tpu.memref_squeeze %dma_start3A_88 : memref<1x1x1x128xi32, #tpu.memory_space<hbm>> -> memref<1x128xi32, #tpu.memory_space<hbm>>
        %dma_start3A_90 = arith.constant 0 : i32
        %dma_start3A_91 = arith.constant 0 : i32
        %dma_start3A_92 = tpu.memref_slice %arg4[%arg1, %add3A_79, %dma_start3A_90, %dma_start3A_91] : memref<16x80x1x128xi32, #tpu.memory_space<hbm>> -> memref<1x1x1x128xi32, #tpu.memory_space<hbm>>
        %dma_start3A_93 = tpu.memref_squeeze %dma_start3A_92 : memref<1x1x1x128xi32, #tpu.memory_space<hbm>> -> memref<1x128xi32, #tpu.memory_space<hbm>>
        tpu.enqueue_dma source(%dma_start3A_93 : memref<1x128xi32, #tpu.memory_space<hbm>>) target(%arg8 : memref<1x128xi32, #tpu.memory_space<vmem>>) target_semaphore(%arg13 : memref<!tpu.dma_semaphore, #tpu.memory_space<semaphore_mem>>)
      } else {
      }
      %add3A_61 = arith.constant 1 : i32
      %add3A_62 = arith.addi %mul3A_28, %add3A_61 : i32
      %dma_wait3A_63 = arith.constant 0 : i32
      %dma_wait3A_64 = tpu.memref_slice %arg7[%add3A_62, %dma_wait3A_63] : memref<80x128xi32, #tpu.memory_space<vmem>> -> memref<1x128xi32, #tpu.memory_space<vmem>>
      %dma_wait3A_65 = tpu.memref_squeeze %dma_wait3A_64 : memref<1x128xi32, #tpu.memory_space<vmem>> -> memref<128xi32, #tpu.memory_space<vmem>>
      %dma_wait3A_66 = arith.constant 0 : i32
      %dma_wait3A_67 = arith.constant 0 : i32
      %dma_wait3A_68 = tpu.memref_slice %arg2[%dma_wait3A_66, %dma_wait3A_67] : memref<20000x128xf32, #tpu.memory_space<hbm>> -> memref<20000x128xf32, #tpu.memory_space<hbm>>
      tpu.wait_indirect_dma semaphore(%arg14 : memref<!tpu.dma_semaphore, #tpu.memory_space<semaphore_mem>>) src(%dma_wait3A_68 : memref<20000x128xf32, #tpu.memory_space<hbm>>) dst(%arg11 : memref<128x128xf32, #tpu.memory_space<vmem>>)
      %dma_wait3A_69 = arith.constant 0 : i32
      %dma_wait3A_70 = arith.constant 0 : i32
      %dma_wait3A_71 = tpu.memref_slice %arg4[%arg1, %add3A_62, %dma_wait3A_69, %dma_wait3A_70] : memref<16x80x1x128xi32, #tpu.memory_space<hbm>> -> memref<1x1x1x128xi32, #tpu.memory_space<hbm>>
      %dma_wait3A_72 = tpu.memref_squeeze %dma_wait3A_71 : memref<1x1x1x128xi32, #tpu.memory_space<hbm>> -> memref<1x128xi32, #tpu.memory_space<hbm>>
      %dma_wait3A_73 = arith.constant 0 : i32
      %dma_wait3A_74 = arith.constant 0 : i32
      %dma_wait3A_75 = tpu.memref_slice %arg4[%arg1, %add3A_62, %dma_wait3A_73, %dma_wait3A_74] : memref<16x80x1x128xi32, #tpu.memory_space<hbm>> -> memref<1x1x1x128xi32, #tpu.memory_space<hbm>>
      %dma_wait3A_76 = tpu.memref_squeeze %dma_wait3A_75 : memref<1x1x1x128xi32, #tpu.memory_space<hbm>> -> memref<1x128xi32, #tpu.memory_space<hbm>>
      tpu.wait_dma2 semaphore(%arg14 : memref<!tpu.dma_semaphore, #tpu.memory_space<semaphore_mem>>) src(%dma_wait3A_76 : memref<1x128xi32, #tpu.memory_space<hbm>>) dst(%arg9 : memref<1x128xi32, #tpu.memory_space<vmem>>)
      %run_scoped3A_77 = arith.constant 0 : i32
      "tpu.region"() ({
        %run_scoped3A_78 = tpu.sem_alloc : memref<!tpu.dma_semaphore, #tpu.memory_space<semaphore_mem>>
        %dma_start3A_79 = arith.constant 0 : i32
        %dma_start3A_80 = tpu.memref_slice %arg9[%run_scoped3A_77, %dma_start3A_79] : memref<1x128xi32, #tpu.memory_space<vmem>> -> memref<1x128xi32, #tpu.memory_space<vmem>>
        %dma_start3A_81 = tpu.memref_squeeze %dma_start3A_80 : memref<1x128xi32, #tpu.memory_space<vmem>> -> memref<128xi32, #tpu.memory_space<vmem>>
        %dma_start3A_82 = arith.constant 0 : i32
        %dma_start3A_83 = arith.constant 0 : i32
        %dma_start3A_84 = tpu.memref_slice %arg12[%dma_start3A_82, %dma_start3A_83] : memref<10240x128xf32, #tpu.memory_space<vmem_shared>> -> memref<10240x128xf32, #tpu.memory_space<vmem_shared>>
        tpu.enqueue_indirect_dma source(%arg11 : memref<128x128xf32, #tpu.memory_space<vmem>>) target(%dma_start3A_84 : memref<10240x128xf32, #tpu.memory_space<vmem_shared>>) offsets(%dma_start3A_81 : memref<128xi32, #tpu.memory_space<vmem>>) semaphore(%run_scoped3A_78 : memref<!tpu.dma_semaphore, #tpu.memory_space<semaphore_mem>>) {add = true}
        %dma_wait3A_85 = arith.constant 0 : i32
        %dma_wait3A_86 = tpu.memref_slice %arg9[%run_scoped3A_77, %dma_wait3A_85] : memref<1x128xi32, #tpu.memory_space<vmem>> -> memref<1x128xi32, #tpu.memory_space<vmem>>
        %dma_wait3A_87 = tpu.memref_squeeze %dma_wait3A_86 : memref<1x128xi32, #tpu.memory_space<vmem>> -> memref<128xi32, #tpu.memory_space<vmem>>
        %dma_wait3A_88 = arith.constant 0 : i32
        %dma_wait3A_89 = arith.constant 0 : i32
        %dma_wait3A_90 = tpu.memref_slice %arg12[%dma_wait3A_88, %dma_wait3A_89] : memref<10240x128xf32, #tpu.memory_space<vmem_shared>> -> memref<10240x128xf32, #tpu.memory_space<vmem_shared>>
        tpu.wait_indirect_dma semaphore(%run_scoped3A_78 : memref<!tpu.dma_semaphore, #tpu.memory_space<semaphore_mem>>) src(%arg11 : memref<128x128xf32, #tpu.memory_space<vmem>>) dst(%dma_wait3A_90 : memref<10240x128xf32, #tpu.memory_space<vmem_shared>>)
        tpu.yield
      }) : () -> ()
    }
    %scan3A_20 = arith.constant 40 : i32
    %barrier3A_21 = arith.constant 0 : index
    tpu.barrier barrier_id(%barrier3A_21)
    %mul3A_22 = arith.constant 640 : i32
    %mul3A_23 = arith.muli %arg1, %mul3A_22 : i32
    %mul3A_24 = arith.constant 640 : i32
    %mul3A_25 = arith.muli %arg1, %mul3A_24 : i32
    "tpu.region"() ({
      %run_scoped3A = tpu.sem_alloc : memref<!tpu.dma_semaphore, #tpu.memory_space<semaphore_mem>>
      %dma_start3A_26 = arith.constant 0 : i32
      %dma_start3A_27 = tpu.memref_slice %arg6[%arg0, %mul3A_25, %dma_start3A_26] : memref<2x10240x128xf32, #tpu.memory_space<hbm>> -> memref<1x640x128xf32, #tpu.memory_space<hbm>>
      %dma_start3A_28 = tpu.memref_squeeze %dma_start3A_27 : memref<1x640x128xf32, #tpu.memory_space<hbm>> -> memref<640x128xf32, #tpu.memory_space<hbm>>
      %dma_start3A_29 = arith.constant 0 : i32
      %dma_start3A_30 = tpu.memref_slice %arg12[%mul3A_23, %dma_start3A_29] : memref<10240x128xf32, #tpu.memory_space<vmem_shared>> -> memref<640x128xf32, #tpu.memory_space<vmem_shared>>
      tpu.enqueue_dma source(%dma_start3A_30 : memref<640x128xf32, #tpu.memory_space<vmem_shared>>) target(%dma_start3A_28 : memref<640x128xf32, #tpu.memory_space<hbm>>) target_semaphore(%run_scoped3A : memref<!tpu.dma_semaphore, #tpu.memory_space<semaphore_mem>>)
      %dma_wait3A = arith.constant 0 : i32
      %dma_wait3A_31 = tpu.memref_slice %arg6[%arg0, %mul3A_25, %dma_wait3A] : memref<2x10240x128xf32, #tpu.memory_space<hbm>> -> memref<1x640x128xf32, #tpu.memory_space<hbm>>
      %dma_wait3A_32 = tpu.memref_squeeze %dma_wait3A_31 : memref<1x640x128xf32, #tpu.memory_space<hbm>> -> memref<640x128xf32, #tpu.memory_space<hbm>>
      %dma_wait3A_33 = arith.constant 0 : i32
      %dma_wait3A_34 = tpu.memref_slice %arg12[%mul3A_23, %dma_wait3A_33] : memref<10240x128xf32, #tpu.memory_space<vmem_shared>> -> memref<640x128xf32, #tpu.memory_space<vmem_shared>>
      tpu.wait_dma2 semaphore(%run_scoped3A : memref<!tpu.dma_semaphore, #tpu.memory_space<semaphore_mem>>) src(%dma_wait3A_34 : memref<640x128xf32, #tpu.memory_space<vmem_shared>>) dst(%dma_wait3A_32 : memref<640x128xf32, #tpu.memory_space<hbm>>)
      tpu.yield
    }) : () -> ()
    return
  }
}

#map = affine_map<(d0, d1) -> (0, 0)>
#map1 = affine_map<(d0, d1) -> (0, 0, 0, 0)>
#map2 = affine_map<(d0, d1) -> (0, 0, 0)>
module attributes {stable_mosaic.version = 14 : i64} {
  func.func @_sc_body(%arg0: i32, %arg1: i32, %arg2: memref<20000x128xf32, #tpu.memory_space<hbm>>, %arg3: memref<2x16x80x128xi32, #tpu.memory_space<hbm>>, %arg4: memref<16x80x1x128xi32, #tpu.memory_space<hbm>>, %arg5: memref<640x128xf32, #tpu.memory_space<hbm>>, %arg6: memref<2x10240x128xf32, #tpu.memory_space<hbm>>, %arg7: memref<80x128xi32, #tpu.memory_space<vmem>>, %arg8: memref<1x128xi32, #tpu.memory_space<vmem>>, %arg9: memref<1x128xi32, #tpu.memory_space<vmem>>, %arg10: memref<128x128xf32, #tpu.memory_space<vmem>>, %arg11: memref<128x128xf32, #tpu.memory_space<vmem>>, %arg12: memref<10240x128xf32, #tpu.memory_space<vmem_shared>>, %arg13: memref<!tpu.dma_semaphore, #tpu.memory_space<semaphore_mem>>, %arg14: memref<!tpu.dma_semaphore, #tpu.memory_space<semaphore_mem>>) attributes {dimension_semantics = [#tpu.dimension_semantics<core_parallel>, #tpu.dimension_semantics<subcore_parallel>], iteration_bounds = array<i64: 2, 16>, scalar_prefetch = 0 : i64, scratch_operands = 8 : i64, tpu.core_type = #tpu.core_type<sc_vector_subcore>, window_params = [{transform_indices = #map}, {transform_indices = #map1}, {transform_indices = #map1}, {transform_indices = #map}, {transform_indices = #map2}]} {
    %mul3A = arith.constant 640 : i32
    %mul3A_0 = arith.muli %arg1, %mul3A : i32
    "tpu.region"() ({
      %run_scoped3A = tpu.sem_alloc : memref<!tpu.dma_semaphore, #tpu.memory_space<semaphore_mem>>
      %dma_start3A_26 = arith.constant 0 : i32
      %dma_start3A_27 = tpu.memref_slice %arg12[%mul3A_0, %dma_start3A_26] : memref<10240x128xf32, #tpu.memory_space<vmem_shared>> -> memref<640x128xf32, #tpu.memory_space<vmem_shared>>
      tpu.enqueue_dma source(%arg5 : memref<640x128xf32, #tpu.memory_space<hbm>>) target(%dma_start3A_27 : memref<640x128xf32, #tpu.memory_space<vmem_shared>>) target_semaphore(%run_scoped3A : memref<!tpu.dma_semaphore, #tpu.memory_space<semaphore_mem>>)
      %dma_wait3A = arith.constant 0 : i32
      %dma_wait3A_28 = tpu.memref_slice %arg12[%mul3A_0, %dma_wait3A] : memref<10240x128xf32, #tpu.memory_space<vmem_shared>> -> memref<640x128xf32, #tpu.memory_space<vmem_shared>>
      tpu.wait_dma2 semaphore(%run_scoped3A : memref<!tpu.dma_semaphore, #tpu.memory_space<semaphore_mem>>) src(%arg5 : memref<640x128xf32, #tpu.memory_space<hbm>>) dst(%dma_wait3A_28 : memref<640x128xf32, #tpu.memory_space<vmem_shared>>)
      tpu.yield
    }) : () -> ()
    "tpu.region"() ({
      %run_scoped3A = tpu.sem_alloc : memref<!tpu.dma_semaphore, #tpu.memory_space<semaphore_mem>>
      %dma_start3A_26 = arith.constant 0 : i32
      %dma_start3A_27 = arith.constant 0 : i32
      %dma_start3A_28 = tpu.memref_slice %arg3[%arg0, %arg1, %dma_start3A_26, %dma_start3A_27] : memref<2x16x80x128xi32, #tpu.memory_space<hbm>> -> memref<1x1x80x128xi32, #tpu.memory_space<hbm>>
      %dma_start3A_29 = tpu.memref_squeeze %dma_start3A_28 : memref<1x1x80x128xi32, #tpu.memory_space<hbm>> -> memref<80x128xi32, #tpu.memory_space<hbm>>
      %dma_start3A_30 = arith.constant 0 : i32
      %dma_start3A_31 = arith.constant 0 : i32
      %dma_start3A_32 = tpu.memref_slice %arg3[%arg0, %arg1, %dma_start3A_30, %dma_start3A_31] : memref<2x16x80x128xi32, #tpu.memory_space<hbm>> -> memref<1x1x80x128xi32, #tpu.memory_space<hbm>>
      %dma_start3A_33 = tpu.memref_squeeze %dma_start3A_32 : memref<1x1x80x128xi32, #tpu.memory_space<hbm>> -> memref<80x128xi32, #tpu.memory_space<hbm>>
      tpu.enqueue_dma source(%dma_start3A_33 : memref<80x128xi32, #tpu.memory_space<hbm>>) target(%arg7 : memref<80x128xi32, #tpu.memory_space<vmem>>) target_semaphore(%run_scoped3A : memref<!tpu.dma_semaphore, #tpu.memory_space<semaphore_mem>>)
      %dma_wait3A = arith.constant 0 : i32
      %dma_wait3A_34 = arith.constant 0 : i32
      %dma_wait3A_35 = tpu.memref_slice %arg3[%arg0, %arg1, %dma_wait3A, %dma_wait3A_34] : memref<2x16x80x128xi32, #tpu.memory_space<hbm>> -> memref<1x1x80x128xi32, #tpu.memory_space<hbm>>
      %dma_wait3A_36 = tpu.memref_squeeze %dma_wait3A_35 : memref<1x1x80x128xi32, #tpu.memory_space<hbm>> -> memref<80x128xi32, #tpu.memory_space<hbm>>
      %dma_wait3A_37 = arith.constant 0 : i32
      %dma_wait3A_38 = arith.constant 0 : i32
      %dma_wait3A_39 = tpu.memref_slice %arg3[%arg0, %arg1, %dma_wait3A_37, %dma_wait3A_38] : memref<2x16x80x128xi32, #tpu.memory_space<hbm>> -> memref<1x1x80x128xi32, #tpu.memory_space<hbm>>
      %dma_wait3A_40 = tpu.memref_squeeze %dma_wait3A_39 : memref<1x1x80x128xi32, #tpu.memory_space<hbm>> -> memref<80x128xi32, #tpu.memory_space<hbm>>
      tpu.wait_dma2 semaphore(%run_scoped3A : memref<!tpu.dma_semaphore, #tpu.memory_space<semaphore_mem>>) src(%dma_wait3A_40 : memref<80x128xi32, #tpu.memory_space<hbm>>) dst(%arg7 : memref<80x128xi32, #tpu.memory_space<vmem>>)
      tpu.yield
    }) : () -> ()
    %barrier3A = arith.constant 0 : index
    tpu.barrier barrier_id(%barrier3A)
    %dma_start3A = arith.constant 0 : i32
    %dma_start3A_1 = arith.constant 0 : i32
    %dma_start3A_2 = tpu.memref_slice %arg7[%dma_start3A, %dma_start3A_1] : memref<80x128xi32, #tpu.memory_space<vmem>> -> memref<1x128xi32, #tpu.memory_space<vmem>>
    %dma_start3A_3 = tpu.memref_squeeze %dma_start3A_2 : memref<1x128xi32, #tpu.memory_space<vmem>> -> memref<128xi32, #tpu.memory_space<vmem>>
    %dma_start3A_4 = arith.constant 0 : i32
    %dma_start3A_5 = arith.constant 0 : i32
    %dma_start3A_6 = tpu.memref_slice %arg2[%dma_start3A_4, %dma_start3A_5] : memref<20000x128xf32, #tpu.memory_space<hbm>> -> memref<20000x128xf32, #tpu.memory_space<hbm>>
    tpu.enqueue_indirect_dma source(%dma_start3A_6 : memref<20000x128xf32, #tpu.memory_space<hbm>>) target(%arg10 : memref<128x128xf32, #tpu.memory_space<vmem>>) offsets(%dma_start3A_3 : memref<128xi32, #tpu.memory_space<vmem>>) semaphore(%arg13 : memref<!tpu.dma_semaphore, #tpu.memory_space<semaphore_mem>>)
    %dma_start3A_7 = arith.constant 0 : i32
    %dma_start3A_8 = arith.constant 0 : i32
    %dma_start3A_9 = arith.constant 0 : i32
    %dma_start3A_10 = tpu.memref_slice %arg4[%arg1, %dma_start3A_7, %dma_start3A_8, %dma_start3A_9] : memref<16x80x1x128xi32, #tpu.memory_space<hbm>> -> memref<1x1x1x128xi32, #tpu.memory_space<hbm>>
    %dma_start3A_11 = tpu.memref_squeeze %dma_start3A_10 : memref<1x1x1x128xi32, #tpu.memory_space<hbm>> -> memref<1x128xi32, #tpu.memory_space<hbm>>
    %dma_start3A_12 = arith.constant 0 : i32
    %dma_start3A_13 = arith.constant 0 : i32
    %dma_start3A_14 = tpu.memref_slice %arg4[%arg1, %dma_start3A_7, %dma_start3A_12, %dma_start3A_13] : memref<16x80x1x128xi32, #tpu.memory_space<hbm>> -> memref<1x1x1x128xi32, #tpu.memory_space<hbm>>
    %dma_start3A_15 = tpu.memref_squeeze %dma_start3A_14 : memref<1x1x1x128xi32, #tpu.memory_space<hbm>> -> memref<1x128xi32, #tpu.memory_space<hbm>>
    tpu.enqueue_dma source(%dma_start3A_15 : memref<1x128xi32, #tpu.memory_space<hbm>>) target(%arg8 : memref<1x128xi32, #tpu.memory_space<vmem>>) target_semaphore(%arg13 : memref<!tpu.dma_semaphore, #tpu.memory_space<semaphore_mem>>)
    %scan3A = arith.constant 0 : i32
    %scan3A_16 = arith.constant 0 : i32
    %scan3A_17 = arith.constant 40 : i32
    %scan3A_18 = arith.addi %scan3A_16, %scan3A_17 : i32
    %scan3A_19 = arith.constant 1 : i32
    scf.for %scan3A_26 = %scan3A_16 to %scan3A_18 step %scan3A_19  : i32 {
      %mul3A_27 = arith.constant 2 : i32
      %mul3A_28 = arith.muli %mul3A_27, %scan3A_26 : i32
      %add3A = arith.constant 1 : i32
      %add3A_29 = arith.addi %mul3A_28, %add3A : i32
      %dma_start3A_30 = arith.constant 0 : i32
      %dma_start3A_31 = tpu.memref_slice %arg7[%add3A_29, %dma_start3A_30] : memref<80x128xi32, #tpu.memory_space<vmem>> -> memref<1x128xi32, #tpu.memory_space<vmem>>
      %dma_start3A_32 = tpu.memref_squeeze %dma_start3A_31 : memref<1x128xi32, #tpu.memory_space<vmem>> -> memref<128xi32, #tpu.memory_space<vmem>>
      %dma_start3A_33 = arith.constant 0 : i32
      %dma_start3A_34 = arith.constant 0 : i32
      %dma_start3A_35 = tpu.memref_slice %arg2[%dma_start3A_33, %dma_start3A_34] : memref<20000x128xf32, #tpu.memory_space<hbm>> -> memref<20000x128xf32, #tpu.memory_space<hbm>>
      tpu.enqueue_indirect_dma source(%dma_start3A_35 : memref<20000x128xf32, #tpu.memory_space<hbm>>) target(%arg11 : memref<128x128xf32, #tpu.memory_space<vmem>>) offsets(%dma_start3A_32 : memref<128xi32, #tpu.memory_space<vmem>>) semaphore(%arg14 : memref<!tpu.dma_semaphore, #tpu.memory_space<semaphore_mem>>)
      %dma_start3A_36 = arith.constant 0 : i32
      %dma_start3A_37 = arith.constant 0 : i32
      %dma_start3A_38 = tpu.memref_slice %arg4[%arg1, %add3A_29, %dma_start3A_36, %dma_start3A_37] : memref<16x80x1x128xi32, #tpu.memory_space<hbm>> -> memref<1x1x1x128xi32, #tpu.memory_space<hbm>>
      %dma_start3A_39 = tpu.memref_squeeze %dma_start3A_38 : memref<1x1x1x128xi32, #tpu.memory_space<hbm>> -> memref<1x128xi32, #tpu.memory_space<hbm>>
      %dma_start3A_40 = arith.constant 0 : i32
      %dma_start3A_41 = arith.constant 0 : i32
      %dma_start3A_42 = tpu.memref_slice %arg4[%arg1, %add3A_29, %dma_start3A_40, %dma_start3A_41] : memref<16x80x1x128xi32, #tpu.memory_space<hbm>> -> memref<1x1x1x128xi32, #tpu.memory_space<hbm>>
      %dma_start3A_43 = tpu.memref_squeeze %dma_start3A_42 : memref<1x1x1x128xi32, #tpu.memory_space<hbm>> -> memref<1x128xi32, #tpu.memory_space<hbm>>
      tpu.enqueue_dma source(%dma_start3A_43 : memref<1x128xi32, #tpu.memory_space<hbm>>) target(%arg9 : memref<1x128xi32, #tpu.memory_space<vmem>>) target_semaphore(%arg14 : memref<!tpu.dma_semaphore, #tpu.memory_space<semaphore_mem>>)
      %dma_wait3A = arith.constant 0 : i32
      %dma_wait3A_44 = tpu.memref_slice %arg7[%mul3A_28, %dma_wait3A] : memref<80x128xi32, #tpu.memory_space<vmem>> -> memref<1x128xi32, #tpu.memory_space<vmem>>
      %dma_wait3A_45 = tpu.memref_squeeze %dma_wait3A_44 : memref<1x128xi32, #tpu.memory_space<vmem>> -> memref<128xi32, #tpu.memory_space<vmem>>
      %dma_wait3A_46 = arith.constant 0 : i32
      %dma_wait3A_47 = arith.constant 0 : i32
      %dma_wait3A_48 = tpu.memref_slice %arg2[%dma_wait3A_46, %dma_wait3A_47] : memref<20000x128xf32, #tpu.memory_space<hbm>> -> memref<20000x128xf32, #tpu.memory_space<hbm>>
      tpu.wait_indirect_dma semaphore(%arg13 : memref<!tpu.dma_semaphore, #tpu.memory_space<semaphore_mem>>) src(%dma_wait3A_48 : memref<20000x128xf32, #tpu.memory_space<hbm>>) dst(%arg10 : memref<128x128xf32, #tpu.memory_space<vmem>>)
      %dma_wait3A_49 = arith.constant 0 : i32
      %dma_wait3A_50 = arith.constant 0 : i32
      %dma_wait3A_51 = tpu.memref_slice %arg4[%arg1, %mul3A_28, %dma_wait3A_49, %dma_wait3A_50] : memref<16x80x1x128xi32, #tpu.memory_space<hbm>> -> memref<1x1x1x128xi32, #tpu.memory_space<hbm>>
      %dma_wait3A_52 = tpu.memref_squeeze %dma_wait3A_51 : memref<1x1x1x128xi32, #tpu.memory_space<hbm>> -> memref<1x128xi32, #tpu.memory_space<hbm>>
      %dma_wait3A_53 = arith.constant 0 : i32
      %dma_wait3A_54 = arith.constant 0 : i32
      %dma_wait3A_55 = tpu.memref_slice %arg4[%arg1, %mul3A_28, %dma_wait3A_53, %dma_wait3A_54] : memref<16x80x1x128xi32, #tpu.memory_space<hbm>> -> memref<1x1x1x128xi32, #tpu.memory_space<hbm>>
      %dma_wait3A_56 = tpu.memref_squeeze %dma_wait3A_55 : memref<1x1x1x128xi32, #tpu.memory_space<hbm>> -> memref<1x128xi32, #tpu.memory_space<hbm>>
      tpu.wait_dma2 semaphore(%arg13 : memref<!tpu.dma_semaphore, #tpu.memory_space<semaphore_mem>>) src(%dma_wait3A_56 : memref<1x128xi32, #tpu.memory_space<hbm>>) dst(%arg8 : memref<1x128xi32, #tpu.memory_space<vmem>>)
      %run_scoped3A = arith.constant 0 : i32
      "tpu.region"() ({
        %run_scoped3A_78 = tpu.sem_alloc : memref<!tpu.dma_semaphore, #tpu.memory_space<semaphore_mem>>
        %dma_start3A_79 = arith.constant 0 : i32
        %dma_start3A_80 = tpu.memref_slice %arg8[%run_scoped3A, %dma_start3A_79] : memref<1x128xi32, #tpu.memory_space<vmem>> -> memref<1x128xi32, #tpu.memory_space<vmem>>
        %dma_start3A_81 = tpu.memref_squeeze %dma_start3A_80 : memref<1x128xi32, #tpu.memory_space<vmem>> -> memref<128xi32, #tpu.memory_space<vmem>>
        %dma_start3A_82 = arith.constant 0 : i32
        %dma_start3A_83 = arith.constant 0 : i32
        %dma_start3A_84 = tpu.memref_slice %arg12[%dma_start3A_82, %dma_start3A_83] : memref<10240x128xf32, #tpu.memory_space<vmem_shared>> -> memref<10240x128xf32, #tpu.memory_space<vmem_shared>>
        tpu.enqueue_indirect_dma source(%arg10 : memref<128x128xf32, #tpu.memory_space<vmem>>) target(%dma_start3A_84 : memref<10240x128xf32, #tpu.memory_space<vmem_shared>>) offsets(%dma_start3A_81 : memref<128xi32, #tpu.memory_space<vmem>>) semaphore(%run_scoped3A_78 : memref<!tpu.dma_semaphore, #tpu.memory_space<semaphore_mem>>) {add = true}
        %dma_wait3A_85 = arith.constant 0 : i32
        %dma_wait3A_86 = tpu.memref_slice %arg8[%run_scoped3A, %dma_wait3A_85] : memref<1x128xi32, #tpu.memory_space<vmem>> -> memref<1x128xi32, #tpu.memory_space<vmem>>
        %dma_wait3A_87 = tpu.memref_squeeze %dma_wait3A_86 : memref<1x128xi32, #tpu.memory_space<vmem>> -> memref<128xi32, #tpu.memory_space<vmem>>
        %dma_wait3A_88 = arith.constant 0 : i32
        %dma_wait3A_89 = arith.constant 0 : i32
        %dma_wait3A_90 = tpu.memref_slice %arg12[%dma_wait3A_88, %dma_wait3A_89] : memref<10240x128xf32, #tpu.memory_space<vmem_shared>> -> memref<10240x128xf32, #tpu.memory_space<vmem_shared>>
        tpu.wait_indirect_dma semaphore(%run_scoped3A_78 : memref<!tpu.dma_semaphore, #tpu.memory_space<semaphore_mem>>) src(%arg10 : memref<128x128xf32, #tpu.memory_space<vmem>>) dst(%dma_wait3A_90 : memref<10240x128xf32, #tpu.memory_space<vmem_shared>>)
        tpu.yield
      }) : () -> ()
      %add3A_57 = arith.constant 2 : i32
      %add3A_58 = arith.addi %mul3A_28, %add3A_57 : i32
      %lt3A = arith.constant 80 : i32
      %lt3A_59 = arith.cmpi slt, %add3A_58, %lt3A : i32
      %convert_element_type3A = arith.extui %lt3A_59 : i1 to i32
      %cond3A = arith.constant 0 : i32
      %cond3A_60 = arith.cmpi ne, %convert_element_type3A, %cond3A : i32
      scf.if %cond3A_60 {
        %add3A_78 = arith.constant 2 : i32
        %add3A_79 = arith.addi %mul3A_28, %add3A_78 : i32
        %dma_start3A_80 = arith.constant 0 : i32
        %dma_start3A_81 = tpu.memref_slice %arg7[%add3A_79, %dma_start3A_80] : memref<80x128xi32, #tpu.memory_space<vmem>> -> memref<1x128xi32, #tpu.memory_space<vmem>>
        %dma_start3A_82 = tpu.memref_squeeze %dma_start3A_81 : memref<1x128xi32, #tpu.memory_space<vmem>> -> memref<128xi32, #tpu.memory_space<vmem>>
        %dma_start3A_83 = arith.constant 0 : i32
        %dma_start3A_84 = arith.constant 0 : i32
        %dma_start3A_85 = tpu.memref_slice %arg2[%dma_start3A_83, %dma_start3A_84] : memref<20000x128xf32, #tpu.memory_space<hbm>> -> memref<20000x128xf32, #tpu.memory_space<hbm>>
        tpu.enqueue_indirect_dma source(%dma_start3A_85 : memref<20000x128xf32, #tpu.memory_space<hbm>>) target(%arg10 : memref<128x128xf32, #tpu.memory_space<vmem>>) offsets(%dma_start3A_82 : memref<128xi32, #tpu.memory_space<vmem>>) semaphore(%arg13 : memref<!tpu.dma_semaphore, #tpu.memory_space<semaphore_mem>>)
        %dma_start3A_86 = arith.constant 0 : i32
        %dma_start3A_87 = arith.constant 0 : i32
        %dma_start3A_88 = tpu.memref_slice %arg4[%arg1, %add3A_79, %dma_start3A_86, %dma_start3A_87] : memref<16x80x1x128xi32, #tpu.memory_space<hbm>> -> memref<1x1x1x128xi32, #tpu.memory_space<hbm>>
        %dma_start3A_89 = tpu.memref_squeeze %dma_start3A_88 : memref<1x1x1x128xi32, #tpu.memory_space<hbm>> -> memref<1x128xi32, #tpu.memory_space<hbm>>
        %dma_start3A_90 = arith.constant 0 : i32
        %dma_start3A_91 = arith.constant 0 : i32
        %dma_start3A_92 = tpu.memref_slice %arg4[%arg1, %add3A_79, %dma_start3A_90, %dma_start3A_91] : memref<16x80x1x128xi32, #tpu.memory_space<hbm>> -> memref<1x1x1x128xi32, #tpu.memory_space<hbm>>
        %dma_start3A_93 = tpu.memref_squeeze %dma_start3A_92 : memref<1x1x1x128xi32, #tpu.memory_space<hbm>> -> memref<1x128xi32, #tpu.memory_space<hbm>>
        tpu.enqueue_dma source(%dma_start3A_93 : memref<1x128xi32, #tpu.memory_space<hbm>>) target(%arg8 : memref<1x128xi32, #tpu.memory_space<vmem>>) target_semaphore(%arg13 : memref<!tpu.dma_semaphore, #tpu.memory_space<semaphore_mem>>)
      } else {
      }
      %add3A_61 = arith.constant 1 : i32
      %add3A_62 = arith.addi %mul3A_28, %add3A_61 : i32
      %dma_wait3A_63 = arith.constant 0 : i32
      %dma_wait3A_64 = tpu.memref_slice %arg7[%add3A_62, %dma_wait3A_63] : memref<80x128xi32, #tpu.memory_space<vmem>> -> memref<1x128xi32, #tpu.memory_space<vmem>>
      %dma_wait3A_65 = tpu.memref_squeeze %dma_wait3A_64 : memref<1x128xi32, #tpu.memory_space<vmem>> -> memref<128xi32, #tpu.memory_space<vmem>>
      %dma_wait3A_66 = arith.constant 0 : i32
      %dma_wait3A_67 = arith.constant 0 : i32
      %dma_wait3A_68 = tpu.memref_slice %arg2[%dma_wait3A_66, %dma_wait3A_67] : memref<20000x128xf32, #tpu.memory_space<hbm>> -> memref<20000x128xf32, #tpu.memory_space<hbm>>
      tpu.wait_indirect_dma semaphore(%arg14 : memref<!tpu.dma_semaphore, #tpu.memory_space<semaphore_mem>>) src(%dma_wait3A_68 : memref<20000x128xf32, #tpu.memory_space<hbm>>) dst(%arg11 : memref<128x128xf32, #tpu.memory_space<vmem>>)
      %dma_wait3A_69 = arith.constant 0 : i32
      %dma_wait3A_70 = arith.constant 0 : i32
      %dma_wait3A_71 = tpu.memref_slice %arg4[%arg1, %add3A_62, %dma_wait3A_69, %dma_wait3A_70] : memref<16x80x1x128xi32, #tpu.memory_space<hbm>> -> memref<1x1x1x128xi32, #tpu.memory_space<hbm>>
      %dma_wait3A_72 = tpu.memref_squeeze %dma_wait3A_71 : memref<1x1x1x128xi32, #tpu.memory_space<hbm>> -> memref<1x128xi32, #tpu.memory_space<hbm>>
      %dma_wait3A_73 = arith.constant 0 : i32
      %dma_wait3A_74 = arith.constant 0 : i32
      %dma_wait3A_75 = tpu.memref_slice %arg4[%arg1, %add3A_62, %dma_wait3A_73, %dma_wait3A_74] : memref<16x80x1x128xi32, #tpu.memory_space<hbm>> -> memref<1x1x1x128xi32, #tpu.memory_space<hbm>>
      %dma_wait3A_76 = tpu.memref_squeeze %dma_wait3A_75 : memref<1x1x1x128xi32, #tpu.memory_space<hbm>> -> memref<1x128xi32, #tpu.memory_space<hbm>>
      tpu.wait_dma2 semaphore(%arg14 : memref<!tpu.dma_semaphore, #tpu.memory_space<semaphore_mem>>) src(%dma_wait3A_76 : memref<1x128xi32, #tpu.memory_space<hbm>>) dst(%arg9 : memref<1x128xi32, #tpu.memory_space<vmem>>)
      %run_scoped3A_77 = arith.constant 0 : i32
      "tpu.region"() ({
        %run_scoped3A_78 = tpu.sem_alloc : memref<!tpu.dma_semaphore, #tpu.memory_space<semaphore_mem>>
        %dma_start3A_79 = arith.constant 0 : i32
        %dma_start3A_80 = tpu.memref_slice %arg9[%run_scoped3A_77, %dma_start3A_79] : memref<1x128xi32, #tpu.memory_space<vmem>> -> memref<1x128xi32, #tpu.memory_space<vmem>>
        %dma_start3A_81 = tpu.memref_squeeze %dma_start3A_80 : memref<1x128xi32, #tpu.memory_space<vmem>> -> memref<128xi32, #tpu.memory_space<vmem>>
        %dma_start3A_82 = arith.constant 0 : i32
        %dma_start3A_83 = arith.constant 0 : i32
        %dma_start3A_84 = tpu.memref_slice %arg12[%dma_start3A_82, %dma_start3A_83] : memref<10240x128xf32, #tpu.memory_space<vmem_shared>> -> memref<10240x128xf32, #tpu.memory_space<vmem_shared>>
        tpu.enqueue_indirect_dma source(%arg11 : memref<128x128xf32, #tpu.memory_space<vmem>>) target(%dma_start3A_84 : memref<10240x128xf32, #tpu.memory_space<vmem_shared>>) offsets(%dma_start3A_81 : memref<128xi32, #tpu.memory_space<vmem>>) semaphore(%run_scoped3A_78 : memref<!tpu.dma_semaphore, #tpu.memory_space<semaphore_mem>>) {add = true}
        %dma_wait3A_85 = arith.constant 0 : i32
        %dma_wait3A_86 = tpu.memref_slice %arg9[%run_scoped3A_77, %dma_wait3A_85] : memref<1x128xi32, #tpu.memory_space<vmem>> -> memref<1x128xi32, #tpu.memory_space<vmem>>
        %dma_wait3A_87 = tpu.memref_squeeze %dma_wait3A_86 : memref<1x128xi32, #tpu.memory_space<vmem>> -> memref<128xi32, #tpu.memory_space<vmem>>
        %dma_wait3A_88 = arith.constant 0 : i32
        %dma_wait3A_89 = arith.constant 0 : i32
        %dma_wait3A_90 = tpu.memref_slice %arg12[%dma_wait3A_88, %dma_wait3A_89] : memref<10240x128xf32, #tpu.memory_space<vmem_shared>> -> memref<10240x128xf32, #tpu.memory_space<vmem_shared>>
        tpu.wait_indirect_dma semaphore(%run_scoped3A_78 : memref<!tpu.dma_semaphore, #tpu.memory_space<semaphore_mem>>) src(%arg11 : memref<128x128xf32, #tpu.memory_space<vmem>>) dst(%dma_wait3A_90 : memref<10240x128xf32, #tpu.memory_space<vmem_shared>>)
        tpu.yield
      }) : () -> ()
    }
    %scan3A_20 = arith.constant 40 : i32
    %barrier3A_21 = arith.constant 0 : index
    tpu.barrier barrier_id(%barrier3A_21)
    %mul3A_22 = arith.constant 640 : i32
    %mul3A_23 = arith.muli %arg1, %mul3A_22 : i32
    %mul3A_24 = arith.constant 640 : i32
    %mul3A_25 = arith.muli %arg1, %mul3A_24 : i32
    "tpu.region"() ({
      %run_scoped3A = tpu.sem_alloc : memref<!tpu.dma_semaphore, #tpu.memory_space<semaphore_mem>>
      %dma_start3A_26 = arith.constant 0 : i32
      %dma_start3A_27 = tpu.memref_slice %arg6[%arg0, %mul3A_25, %dma_start3A_26] : memref<2x10240x128xf32, #tpu.memory_space<hbm>> -> memref<1x640x128xf32, #tpu.memory_space<hbm>>
      %dma_start3A_28 = tpu.memref_squeeze %dma_start3A_27 : memref<1x640x128xf32, #tpu.memory_space<hbm>> -> memref<640x128xf32, #tpu.memory_space<hbm>>
      %dma_start3A_29 = arith.constant 0 : i32
      %dma_start3A_30 = tpu.memref_slice %arg12[%mul3A_23, %dma_start3A_29] : memref<10240x128xf32, #tpu.memory_space<vmem_shared>> -> memref<640x128xf32, #tpu.memory_space<vmem_shared>>
      tpu.enqueue_dma source(%dma_start3A_30 : memref<640x128xf32, #tpu.memory_space<vmem_shared>>) target(%dma_start3A_28 : memref<640x128xf32, #tpu.memory_space<hbm>>) target_semaphore(%run_scoped3A : memref<!tpu.dma_semaphore, #tpu.memory_space<semaphore_mem>>)
      %dma_wait3A = arith.constant 0 : i32
      %dma_wait3A_31 = tpu.memref_slice %arg6[%arg0, %mul3A_25, %dma_wait3A] : memref<2x10240x128xf32, #tpu.memory_space<hbm>> -> memref<1x640x128xf32, #tpu.memory_space<hbm>>
      %dma_wait3A_32 = tpu.memref_squeeze %dma_wait3A_31 : memref<1x640x128xf32, #tpu.memory_space<hbm>> -> memref<640x128xf32, #tpu.memory_space<hbm>>
      %dma_wait3A_33 = arith.constant 0 : i32
      %dma_wait3A_34 = tpu.memref_slice %arg12[%mul3A_23, %dma_wait3A_33] : memref<10240x128xf32, #tpu.memory_space<vmem_shared>> -> memref<640x128xf32, #tpu.memory_space<vmem_shared>>
      tpu.wait_dma2 semaphore(%run_scoped3A : memref<!tpu.dma_semaphore, #tpu.memory_space<semaphore_mem>>) src(%dma_wait3A_34 : memref<640x128xf32, #tpu.memory_space<vmem_shared>>) dst(%dma_wait3A_32 : memref<640x128xf32, #tpu.memory_space<hbm>>)
      tpu.yield
    }) : () -> ()
    return
  }
}

#map = affine_map<(d0, d1) -> (0, 0)>
#map1 = affine_map<(d0, d1) -> (0, 0, 0, 0)>
#map2 = affine_map<(d0, d1) -> (0, 0, 0)>
module attributes {stable_mosaic.version = 14 : i64} {
  func.func @_sc_body(%arg0: i32, %arg1: i32, %arg2: memref<20000x128xf32, #tpu.memory_space<hbm>>, %arg3: memref<2x16x80x128xi32, #tpu.memory_space<hbm>>, %arg4: memref<16x80x1x128xi32, #tpu.memory_space<hbm>>, %arg5: memref<640x128xf32, #tpu.memory_space<hbm>>, %arg6: memref<2x10240x128xf32, #tpu.memory_space<hbm>>, %arg7: memref<80x128xi32, #tpu.memory_space<vmem>>, %arg8: memref<1x128xi32, #tpu.memory_space<vmem>>, %arg9: memref<1x128xi32, #tpu.memory_space<vmem>>, %arg10: memref<128x128xf32, #tpu.memory_space<vmem>>, %arg11: memref<128x128xf32, #tpu.memory_space<vmem>>, %arg12: memref<10240x128xf32, #tpu.memory_space<vmem_shared>>, %arg13: memref<!tpu.dma_semaphore, #tpu.memory_space<semaphore_mem>>, %arg14: memref<!tpu.dma_semaphore, #tpu.memory_space<semaphore_mem>>) attributes {dimension_semantics = [#tpu.dimension_semantics<core_parallel>, #tpu.dimension_semantics<subcore_parallel>], iteration_bounds = array<i64: 2, 16>, scalar_prefetch = 0 : i64, scratch_operands = 8 : i64, tpu.core_type = #tpu.core_type<sc_vector_subcore>, window_params = [{transform_indices = #map}, {transform_indices = #map1}, {transform_indices = #map1}, {transform_indices = #map}, {transform_indices = #map2}]} {
    %mul3A = arith.constant 640 : i32
    %mul3A_0 = arith.muli %arg1, %mul3A : i32
    "tpu.region"() ({
      %run_scoped3A = tpu.sem_alloc : memref<!tpu.dma_semaphore, #tpu.memory_space<semaphore_mem>>
      %dma_start3A_26 = arith.constant 0 : i32
      %dma_start3A_27 = tpu.memref_slice %arg12[%mul3A_0, %dma_start3A_26] : memref<10240x128xf32, #tpu.memory_space<vmem_shared>> -> memref<640x128xf32, #tpu.memory_space<vmem_shared>>
      tpu.enqueue_dma source(%arg5 : memref<640x128xf32, #tpu.memory_space<hbm>>) target(%dma_start3A_27 : memref<640x128xf32, #tpu.memory_space<vmem_shared>>) target_semaphore(%run_scoped3A : memref<!tpu.dma_semaphore, #tpu.memory_space<semaphore_mem>>)
      %dma_wait3A = arith.constant 0 : i32
      %dma_wait3A_28 = tpu.memref_slice %arg12[%mul3A_0, %dma_wait3A] : memref<10240x128xf32, #tpu.memory_space<vmem_shared>> -> memref<640x128xf32, #tpu.memory_space<vmem_shared>>
      tpu.wait_dma2 semaphore(%run_scoped3A : memref<!tpu.dma_semaphore, #tpu.memory_space<semaphore_mem>>) src(%arg5 : memref<640x128xf32, #tpu.memory_space<hbm>>) dst(%dma_wait3A_28 : memref<640x128xf32, #tpu.memory_space<vmem_shared>>)
      tpu.yield
    }) : () -> ()
    "tpu.region"() ({
      %run_scoped3A = tpu.sem_alloc : memref<!tpu.dma_semaphore, #tpu.memory_space<semaphore_mem>>
      %dma_start3A_26 = arith.constant 0 : i32
      %dma_start3A_27 = arith.constant 0 : i32
      %dma_start3A_28 = tpu.memref_slice %arg3[%arg0, %arg1, %dma_start3A_26, %dma_start3A_27] : memref<2x16x80x128xi32, #tpu.memory_space<hbm>> -> memref<1x1x80x128xi32, #tpu.memory_space<hbm>>
      %dma_start3A_29 = tpu.memref_squeeze %dma_start3A_28 : memref<1x1x80x128xi32, #tpu.memory_space<hbm>> -> memref<80x128xi32, #tpu.memory_space<hbm>>
      %dma_start3A_30 = arith.constant 0 : i32
      %dma_start3A_31 = arith.constant 0 : i32
      %dma_start3A_32 = tpu.memref_slice %arg3[%arg0, %arg1, %dma_start3A_30, %dma_start3A_31] : memref<2x16x80x128xi32, #tpu.memory_space<hbm>> -> memref<1x1x80x128xi32, #tpu.memory_space<hbm>>
      %dma_start3A_33 = tpu.memref_squeeze %dma_start3A_32 : memref<1x1x80x128xi32, #tpu.memory_space<hbm>> -> memref<80x128xi32, #tpu.memory_space<hbm>>
      tpu.enqueue_dma source(%dma_start3A_33 : memref<80x128xi32, #tpu.memory_space<hbm>>) target(%arg7 : memref<80x128xi32, #tpu.memory_space<vmem>>) target_semaphore(%run_scoped3A : memref<!tpu.dma_semaphore, #tpu.memory_space<semaphore_mem>>)
      %dma_wait3A = arith.constant 0 : i32
      %dma_wait3A_34 = arith.constant 0 : i32
      %dma_wait3A_35 = tpu.memref_slice %arg3[%arg0, %arg1, %dma_wait3A, %dma_wait3A_34] : memref<2x16x80x128xi32, #tpu.memory_space<hbm>> -> memref<1x1x80x128xi32, #tpu.memory_space<hbm>>
      %dma_wait3A_36 = tpu.memref_squeeze %dma_wait3A_35 : memref<1x1x80x128xi32, #tpu.memory_space<hbm>> -> memref<80x128xi32, #tpu.memory_space<hbm>>
      %dma_wait3A_37 = arith.constant 0 : i32
      %dma_wait3A_38 = arith.constant 0 : i32
      %dma_wait3A_39 = tpu.memref_slice %arg3[%arg0, %arg1, %dma_wait3A_37, %dma_wait3A_38] : memref<2x16x80x128xi32, #tpu.memory_space<hbm>> -> memref<1x1x80x128xi32, #tpu.memory_space<hbm>>
      %dma_wait3A_40 = tpu.memref_squeeze %dma_wait3A_39 : memref<1x1x80x128xi32, #tpu.memory_space<hbm>> -> memref<80x128xi32, #tpu.memory_space<hbm>>
      tpu.wait_dma2 semaphore(%run_scoped3A : memref<!tpu.dma_semaphore, #tpu.memory_space<semaphore_mem>>) src(%dma_wait3A_40 : memref<80x128xi32, #tpu.memory_space<hbm>>) dst(%arg7 : memref<80x128xi32, #tpu.memory_space<vmem>>)
      tpu.yield
    }) : () -> ()
    %barrier3A = arith.constant 0 : index
    tpu.barrier barrier_id(%barrier3A)
    %dma_start3A = arith.constant 0 : i32
    %dma_start3A_1 = arith.constant 0 : i32
    %dma_start3A_2 = tpu.memref_slice %arg7[%dma_start3A, %dma_start3A_1] : memref<80x128xi32, #tpu.memory_space<vmem>> -> memref<1x128xi32, #tpu.memory_space<vmem>>
    %dma_start3A_3 = tpu.memref_squeeze %dma_start3A_2 : memref<1x128xi32, #tpu.memory_space<vmem>> -> memref<128xi32, #tpu.memory_space<vmem>>
    %dma_start3A_4 = arith.constant 0 : i32
    %dma_start3A_5 = arith.constant 0 : i32
    %dma_start3A_6 = tpu.memref_slice %arg2[%dma_start3A_4, %dma_start3A_5] : memref<20000x128xf32, #tpu.memory_space<hbm>> -> memref<20000x128xf32, #tpu.memory_space<hbm>>
    tpu.enqueue_indirect_dma source(%dma_start3A_6 : memref<20000x128xf32, #tpu.memory_space<hbm>>) target(%arg10 : memref<128x128xf32, #tpu.memory_space<vmem>>) offsets(%dma_start3A_3 : memref<128xi32, #tpu.memory_space<vmem>>) semaphore(%arg13 : memref<!tpu.dma_semaphore, #tpu.memory_space<semaphore_mem>>)
    %dma_start3A_7 = arith.constant 0 : i32
    %dma_start3A_8 = arith.constant 0 : i32
    %dma_start3A_9 = arith.constant 0 : i32
    %dma_start3A_10 = tpu.memref_slice %arg4[%arg1, %dma_start3A_7, %dma_start3A_8, %dma_start3A_9] : memref<16x80x1x128xi32, #tpu.memory_space<hbm>> -> memref<1x1x1x128xi32, #tpu.memory_space<hbm>>
    %dma_start3A_11 = tpu.memref_squeeze %dma_start3A_10 : memref<1x1x1x128xi32, #tpu.memory_space<hbm>> -> memref<1x128xi32, #tpu.memory_space<hbm>>
    %dma_start3A_12 = arith.constant 0 : i32
    %dma_start3A_13 = arith.constant 0 : i32
    %dma_start3A_14 = tpu.memref_slice %arg4[%arg1, %dma_start3A_7, %dma_start3A_12, %dma_start3A_13] : memref<16x80x1x128xi32, #tpu.memory_space<hbm>> -> memref<1x1x1x128xi32, #tpu.memory_space<hbm>>
    %dma_start3A_15 = tpu.memref_squeeze %dma_start3A_14 : memref<1x1x1x128xi32, #tpu.memory_space<hbm>> -> memref<1x128xi32, #tpu.memory_space<hbm>>
    tpu.enqueue_dma source(%dma_start3A_15 : memref<1x128xi32, #tpu.memory_space<hbm>>) target(%arg8 : memref<1x128xi32, #tpu.memory_space<vmem>>) target_semaphore(%arg13 : memref<!tpu.dma_semaphore, #tpu.memory_space<semaphore_mem>>)
    %scan3A = arith.constant 0 : i32
    %scan3A_16 = arith.constant 0 : i32
    %scan3A_17 = arith.constant 40 : i32
    %scan3A_18 = arith.addi %scan3A_16, %scan3A_17 : i32
    %scan3A_19 = arith.constant 1 : i32
    scf.for %scan3A_26 = %scan3A_16 to %scan3A_18 step %scan3A_19  : i32 {
      %mul3A_27 = arith.constant 2 : i32
      %mul3A_28 = arith.muli %mul3A_27, %scan3A_26 : i32
      %add3A = arith.constant 1 : i32
      %add3A_29 = arith.addi %mul3A_28, %add3A : i32
      %dma_start3A_30 = arith.constant 0 : i32
      %dma_start3A_31 = tpu.memref_slice %arg7[%add3A_29, %dma_start3A_30] : memref<80x128xi32, #tpu.memory_space<vmem>> -> memref<1x128xi32, #tpu.memory_space<vmem>>
      %dma_start3A_32 = tpu.memref_squeeze %dma_start3A_31 : memref<1x128xi32, #tpu.memory_space<vmem>> -> memref<128xi32, #tpu.memory_space<vmem>>
      %dma_start3A_33 = arith.constant 0 : i32
      %dma_start3A_34 = arith.constant 0 : i32
      %dma_start3A_35 = tpu.memref_slice %arg2[%dma_start3A_33, %dma_start3A_34] : memref<20000x128xf32, #tpu.memory_space<hbm>> -> memref<20000x128xf32, #tpu.memory_space<hbm>>
      tpu.enqueue_indirect_dma source(%dma_start3A_35 : memref<20000x128xf32, #tpu.memory_space<hbm>>) target(%arg11 : memref<128x128xf32, #tpu.memory_space<vmem>>) offsets(%dma_start3A_32 : memref<128xi32, #tpu.memory_space<vmem>>) semaphore(%arg14 : memref<!tpu.dma_semaphore, #tpu.memory_space<semaphore_mem>>)
      %dma_start3A_36 = arith.constant 0 : i32
      %dma_start3A_37 = arith.constant 0 : i32
      %dma_start3A_38 = tpu.memref_slice %arg4[%arg1, %add3A_29, %dma_start3A_36, %dma_start3A_37] : memref<16x80x1x128xi32, #tpu.memory_space<hbm>> -> memref<1x1x1x128xi32, #tpu.memory_space<hbm>>
      %dma_start3A_39 = tpu.memref_squeeze %dma_start3A_38 : memref<1x1x1x128xi32, #tpu.memory_space<hbm>> -> memref<1x128xi32, #tpu.memory_space<hbm>>
      %dma_start3A_40 = arith.constant 0 : i32
      %dma_start3A_41 = arith.constant 0 : i32
      %dma_start3A_42 = tpu.memref_slice %arg4[%arg1, %add3A_29, %dma_start3A_40, %dma_start3A_41] : memref<16x80x1x128xi32, #tpu.memory_space<hbm>> -> memref<1x1x1x128xi32, #tpu.memory_space<hbm>>
      %dma_start3A_43 = tpu.memref_squeeze %dma_start3A_42 : memref<1x1x1x128xi32, #tpu.memory_space<hbm>> -> memref<1x128xi32, #tpu.memory_space<hbm>>
      tpu.enqueue_dma source(%dma_start3A_43 : memref<1x128xi32, #tpu.memory_space<hbm>>) target(%arg9 : memref<1x128xi32, #tpu.memory_space<vmem>>) target_semaphore(%arg14 : memref<!tpu.dma_semaphore, #tpu.memory_space<semaphore_mem>>)
      %dma_wait3A = arith.constant 0 : i32
      %dma_wait3A_44 = tpu.memref_slice %arg7[%mul3A_28, %dma_wait3A] : memref<80x128xi32, #tpu.memory_space<vmem>> -> memref<1x128xi32, #tpu.memory_space<vmem>>
      %dma_wait3A_45 = tpu.memref_squeeze %dma_wait3A_44 : memref<1x128xi32, #tpu.memory_space<vmem>> -> memref<128xi32, #tpu.memory_space<vmem>>
      %dma_wait3A_46 = arith.constant 0 : i32
      %dma_wait3A_47 = arith.constant 0 : i32
      %dma_wait3A_48 = tpu.memref_slice %arg2[%dma_wait3A_46, %dma_wait3A_47] : memref<20000x128xf32, #tpu.memory_space<hbm>> -> memref<20000x128xf32, #tpu.memory_space<hbm>>
      tpu.wait_indirect_dma semaphore(%arg13 : memref<!tpu.dma_semaphore, #tpu.memory_space<semaphore_mem>>) src(%dma_wait3A_48 : memref<20000x128xf32, #tpu.memory_space<hbm>>) dst(%arg10 : memref<128x128xf32, #tpu.memory_space<vmem>>)
      %dma_wait3A_49 = arith.constant 0 : i32
      %dma_wait3A_50 = arith.constant 0 : i32
      %dma_wait3A_51 = tpu.memref_slice %arg4[%arg1, %mul3A_28, %dma_wait3A_49, %dma_wait3A_50] : memref<16x80x1x128xi32, #tpu.memory_space<hbm>> -> memref<1x1x1x128xi32, #tpu.memory_space<hbm>>
      %dma_wait3A_52 = tpu.memref_squeeze %dma_wait3A_51 : memref<1x1x1x128xi32, #tpu.memory_space<hbm>> -> memref<1x128xi32, #tpu.memory_space<hbm>>
      %dma_wait3A_53 = arith.constant 0 : i32
      %dma_wait3A_54 = arith.constant 0 : i32
      %dma_wait3A_55 = tpu.memref_slice %arg4[%arg1, %mul3A_28, %dma_wait3A_53, %dma_wait3A_54] : memref<16x80x1x128xi32, #tpu.memory_space<hbm>> -> memref<1x1x1x128xi32, #tpu.memory_space<hbm>>
      %dma_wait3A_56 = tpu.memref_squeeze %dma_wait3A_55 : memref<1x1x1x128xi32, #tpu.memory_space<hbm>> -> memref<1x128xi32, #tpu.memory_space<hbm>>
      tpu.wait_dma2 semaphore(%arg13 : memref<!tpu.dma_semaphore, #tpu.memory_space<semaphore_mem>>) src(%dma_wait3A_56 : memref<1x128xi32, #tpu.memory_space<hbm>>) dst(%arg8 : memref<1x128xi32, #tpu.memory_space<vmem>>)
      %run_scoped3A = arith.constant 0 : i32
      "tpu.region"() ({
        %run_scoped3A_78 = tpu.sem_alloc : memref<!tpu.dma_semaphore, #tpu.memory_space<semaphore_mem>>
        %dma_start3A_79 = arith.constant 0 : i32
        %dma_start3A_80 = tpu.memref_slice %arg8[%run_scoped3A, %dma_start3A_79] : memref<1x128xi32, #tpu.memory_space<vmem>> -> memref<1x128xi32, #tpu.memory_space<vmem>>
        %dma_start3A_81 = tpu.memref_squeeze %dma_start3A_80 : memref<1x128xi32, #tpu.memory_space<vmem>> -> memref<128xi32, #tpu.memory_space<vmem>>
        %dma_start3A_82 = arith.constant 0 : i32
        %dma_start3A_83 = arith.constant 0 : i32
        %dma_start3A_84 = tpu.memref_slice %arg12[%dma_start3A_82, %dma_start3A_83] : memref<10240x128xf32, #tpu.memory_space<vmem_shared>> -> memref<10240x128xf32, #tpu.memory_space<vmem_shared>>
        tpu.enqueue_indirect_dma source(%arg10 : memref<128x128xf32, #tpu.memory_space<vmem>>) target(%dma_start3A_84 : memref<10240x128xf32, #tpu.memory_space<vmem_shared>>) offsets(%dma_start3A_81 : memref<128xi32, #tpu.memory_space<vmem>>) semaphore(%run_scoped3A_78 : memref<!tpu.dma_semaphore, #tpu.memory_space<semaphore_mem>>) {add = true}
        %dma_wait3A_85 = arith.constant 0 : i32
        %dma_wait3A_86 = tpu.memref_slice %arg8[%run_scoped3A, %dma_wait3A_85] : memref<1x128xi32, #tpu.memory_space<vmem>> -> memref<1x128xi32, #tpu.memory_space<vmem>>
        %dma_wait3A_87 = tpu.memref_squeeze %dma_wait3A_86 : memref<1x128xi32, #tpu.memory_space<vmem>> -> memref<128xi32, #tpu.memory_space<vmem>>
        %dma_wait3A_88 = arith.constant 0 : i32
        %dma_wait3A_89 = arith.constant 0 : i32
        %dma_wait3A_90 = tpu.memref_slice %arg12[%dma_wait3A_88, %dma_wait3A_89] : memref<10240x128xf32, #tpu.memory_space<vmem_shared>> -> memref<10240x128xf32, #tpu.memory_space<vmem_shared>>
        tpu.wait_indirect_dma semaphore(%run_scoped3A_78 : memref<!tpu.dma_semaphore, #tpu.memory_space<semaphore_mem>>) src(%arg10 : memref<128x128xf32, #tpu.memory_space<vmem>>) dst(%dma_wait3A_90 : memref<10240x128xf32, #tpu.memory_space<vmem_shared>>)
        tpu.yield
      }) : () -> ()
      %add3A_57 = arith.constant 2 : i32
      %add3A_58 = arith.addi %mul3A_28, %add3A_57 : i32
      %lt3A = arith.constant 80 : i32
      %lt3A_59 = arith.cmpi slt, %add3A_58, %lt3A : i32
      %convert_element_type3A = arith.extui %lt3A_59 : i1 to i32
      %cond3A = arith.constant 0 : i32
      %cond3A_60 = arith.cmpi ne, %convert_element_type3A, %cond3A : i32
      scf.if %cond3A_60 {
        %add3A_78 = arith.constant 2 : i32
        %add3A_79 = arith.addi %mul3A_28, %add3A_78 : i32
        %dma_start3A_80 = arith.constant 0 : i32
        %dma_start3A_81 = tpu.memref_slice %arg7[%add3A_79, %dma_start3A_80] : memref<80x128xi32, #tpu.memory_space<vmem>> -> memref<1x128xi32, #tpu.memory_space<vmem>>
        %dma_start3A_82 = tpu.memref_squeeze %dma_start3A_81 : memref<1x128xi32, #tpu.memory_space<vmem>> -> memref<128xi32, #tpu.memory_space<vmem>>
        %dma_start3A_83 = arith.constant 0 : i32
        %dma_start3A_84 = arith.constant 0 : i32
        %dma_start3A_85 = tpu.memref_slice %arg2[%dma_start3A_83, %dma_start3A_84] : memref<20000x128xf32, #tpu.memory_space<hbm>> -> memref<20000x128xf32, #tpu.memory_space<hbm>>
        tpu.enqueue_indirect_dma source(%dma_start3A_85 : memref<20000x128xf32, #tpu.memory_space<hbm>>) target(%arg10 : memref<128x128xf32, #tpu.memory_space<vmem>>) offsets(%dma_start3A_82 : memref<128xi32, #tpu.memory_space<vmem>>) semaphore(%arg13 : memref<!tpu.dma_semaphore, #tpu.memory_space<semaphore_mem>>)
        %dma_start3A_86 = arith.constant 0 : i32
        %dma_start3A_87 = arith.constant 0 : i32
        %dma_start3A_88 = tpu.memref_slice %arg4[%arg1, %add3A_79, %dma_start3A_86, %dma_start3A_87] : memref<16x80x1x128xi32, #tpu.memory_space<hbm>> -> memref<1x1x1x128xi32, #tpu.memory_space<hbm>>
        %dma_start3A_89 = tpu.memref_squeeze %dma_start3A_88 : memref<1x1x1x128xi32, #tpu.memory_space<hbm>> -> memref<1x128xi32, #tpu.memory_space<hbm>>
        %dma_start3A_90 = arith.constant 0 : i32
        %dma_start3A_91 = arith.constant 0 : i32
        %dma_start3A_92 = tpu.memref_slice %arg4[%arg1, %add3A_79, %dma_start3A_90, %dma_start3A_91] : memref<16x80x1x128xi32, #tpu.memory_space<hbm>> -> memref<1x1x1x128xi32, #tpu.memory_space<hbm>>
        %dma_start3A_93 = tpu.memref_squeeze %dma_start3A_92 : memref<1x1x1x128xi32, #tpu.memory_space<hbm>> -> memref<1x128xi32, #tpu.memory_space<hbm>>
        tpu.enqueue_dma source(%dma_start3A_93 : memref<1x128xi32, #tpu.memory_space<hbm>>) target(%arg8 : memref<1x128xi32, #tpu.memory_space<vmem>>) target_semaphore(%arg13 : memref<!tpu.dma_semaphore, #tpu.memory_space<semaphore_mem>>)
      } else {
      }
      %add3A_61 = arith.constant 1 : i32
      %add3A_62 = arith.addi %mul3A_28, %add3A_61 : i32
      %dma_wait3A_63 = arith.constant 0 : i32
      %dma_wait3A_64 = tpu.memref_slice %arg7[%add3A_62, %dma_wait3A_63] : memref<80x128xi32, #tpu.memory_space<vmem>> -> memref<1x128xi32, #tpu.memory_space<vmem>>
      %dma_wait3A_65 = tpu.memref_squeeze %dma_wait3A_64 : memref<1x128xi32, #tpu.memory_space<vmem>> -> memref<128xi32, #tpu.memory_space<vmem>>
      %dma_wait3A_66 = arith.constant 0 : i32
      %dma_wait3A_67 = arith.constant 0 : i32
      %dma_wait3A_68 = tpu.memref_slice %arg2[%dma_wait3A_66, %dma_wait3A_67] : memref<20000x128xf32, #tpu.memory_space<hbm>> -> memref<20000x128xf32, #tpu.memory_space<hbm>>
      tpu.wait_indirect_dma semaphore(%arg14 : memref<!tpu.dma_semaphore, #tpu.memory_space<semaphore_mem>>) src(%dma_wait3A_68 : memref<20000x128xf32, #tpu.memory_space<hbm>>) dst(%arg11 : memref<128x128xf32, #tpu.memory_space<vmem>>)
      %dma_wait3A_69 = arith.constant 0 : i32
      %dma_wait3A_70 = arith.constant 0 : i32
      %dma_wait3A_71 = tpu.memref_slice %arg4[%arg1, %add3A_62, %dma_wait3A_69, %dma_wait3A_70] : memref<16x80x1x128xi32, #tpu.memory_space<hbm>> -> memref<1x1x1x128xi32, #tpu.memory_space<hbm>>
      %dma_wait3A_72 = tpu.memref_squeeze %dma_wait3A_71 : memref<1x1x1x128xi32, #tpu.memory_space<hbm>> -> memref<1x128xi32, #tpu.memory_space<hbm>>
      %dma_wait3A_73 = arith.constant 0 : i32
      %dma_wait3A_74 = arith.constant 0 : i32
      %dma_wait3A_75 = tpu.memref_slice %arg4[%arg1, %add3A_62, %dma_wait3A_73, %dma_wait3A_74] : memref<16x80x1x128xi32, #tpu.memory_space<hbm>> -> memref<1x1x1x128xi32, #tpu.memory_space<hbm>>
      %dma_wait3A_76 = tpu.memref_squeeze %dma_wait3A_75 : memref<1x1x1x128xi32, #tpu.memory_space<hbm>> -> memref<1x128xi32, #tpu.memory_space<hbm>>
      tpu.wait_dma2 semaphore(%arg14 : memref<!tpu.dma_semaphore, #tpu.memory_space<semaphore_mem>>) src(%dma_wait3A_76 : memref<1x128xi32, #tpu.memory_space<hbm>>) dst(%arg9 : memref<1x128xi32, #tpu.memory_space<vmem>>)
      %run_scoped3A_77 = arith.constant 0 : i32
      "tpu.region"() ({
        %run_scoped3A_78 = tpu.sem_alloc : memref<!tpu.dma_semaphore, #tpu.memory_space<semaphore_mem>>
        %dma_start3A_79 = arith.constant 0 : i32
        %dma_start3A_80 = tpu.memref_slice %arg9[%run_scoped3A_77, %dma_start3A_79] : memref<1x128xi32, #tpu.memory_space<vmem>> -> memref<1x128xi32, #tpu.memory_space<vmem>>
        %dma_start3A_81 = tpu.memref_squeeze %dma_start3A_80 : memref<1x128xi32, #tpu.memory_space<vmem>> -> memref<128xi32, #tpu.memory_space<vmem>>
        %dma_start3A_82 = arith.constant 0 : i32
        %dma_start3A_83 = arith.constant 0 : i32
        %dma_start3A_84 = tpu.memref_slice %arg12[%dma_start3A_82, %dma_start3A_83] : memref<10240x128xf32, #tpu.memory_space<vmem_shared>> -> memref<10240x128xf32, #tpu.memory_space<vmem_shared>>
        tpu.enqueue_indirect_dma source(%arg11 : memref<128x128xf32, #tpu.memory_space<vmem>>) target(%dma_start3A_84 : memref<10240x128xf32, #tpu.memory_space<vmem_shared>>) offsets(%dma_start3A_81 : memref<128xi32, #tpu.memory_space<vmem>>) semaphore(%run_scoped3A_78 : memref<!tpu.dma_semaphore, #tpu.memory_space<semaphore_mem>>) {add = true}
        %dma_wait3A_85 = arith.constant 0 : i32
        %dma_wait3A_86 = tpu.memref_slice %arg9[%run_scoped3A_77, %dma_wait3A_85] : memref<1x128xi32, #tpu.memory_space<vmem>> -> memref<1x128xi32, #tpu.memory_space<vmem>>
        %dma_wait3A_87 = tpu.memref_squeeze %dma_wait3A_86 : memref<1x128xi32, #tpu.memory_space<vmem>> -> memref<128xi32, #tpu.memory_space<vmem>>
        %dma_wait3A_88 = arith.constant 0 : i32
        %dma_wait3A_89 = arith.constant 0 : i32
        %dma_wait3A_90 = tpu.memref_slice %arg12[%dma_wait3A_88, %dma_wait3A_89] : memref<10240x128xf32, #tpu.memory_space<vmem_shared>> -> memref<10240x128xf32, #tpu.memory_space<vmem_shared>>
        tpu.wait_indirect_dma semaphore(%run_scoped3A_78 : memref<!tpu.dma_semaphore, #tpu.memory_space<semaphore_mem>>) src(%arg11 : memref<128x128xf32, #tpu.memory_space<vmem>>) dst(%dma_wait3A_90 : memref<10240x128xf32, #tpu.memory_space<vmem_shared>>)
        tpu.yield
      }) : () -> ()
    }
    %scan3A_20 = arith.constant 40 : i32
    %barrier3A_21 = arith.constant 0 : index
    tpu.barrier barrier_id(%barrier3A_21)
    %mul3A_22 = arith.constant 640 : i32
    %mul3A_23 = arith.muli %arg1, %mul3A_22 : i32
    %mul3A_24 = arith.constant 640 : i32
    %mul3A_25 = arith.muli %arg1, %mul3A_24 : i32
    "tpu.region"() ({
      %run_scoped3A = tpu.sem_alloc : memref<!tpu.dma_semaphore, #tpu.memory_space<semaphore_mem>>
      %dma_start3A_26 = arith.constant 0 : i32
      %dma_start3A_27 = tpu.memref_slice %arg6[%arg0, %mul3A_25, %dma_start3A_26] : memref<2x10240x128xf32, #tpu.memory_space<hbm>> -> memref<1x640x128xf32, #tpu.memory_space<hbm>>
      %dma_start3A_28 = tpu.memref_squeeze %dma_start3A_27 : memref<1x640x128xf32, #tpu.memory_space<hbm>> -> memref<640x128xf32, #tpu.memory_space<hbm>>
      %dma_start3A_29 = arith.constant 0 : i32
      %dma_start3A_30 = tpu.memref_slice %arg12[%mul3A_23, %dma_start3A_29] : memref<10240x128xf32, #tpu.memory_space<vmem_shared>> -> memref<640x128xf32, #tpu.memory_space<vmem_shared>>
      tpu.enqueue_dma source(%dma_start3A_30 : memref<640x128xf32, #tpu.memory_space<vmem_shared>>) target(%dma_start3A_28 : memref<640x128xf32, #tpu.memory_space<hbm>>) target_semaphore(%run_scoped3A : memref<!tpu.dma_semaphore, #tpu.memory_space<semaphore_mem>>)
      %dma_wait3A = arith.constant 0 : i32
      %dma_wait3A_31 = tpu.memref_slice %arg6[%arg0, %mul3A_25, %dma_wait3A] : memref<2x10240x128xf32, #tpu.memory_space<hbm>> -> memref<1x640x128xf32, #tpu.memory_space<hbm>>
      %dma_wait3A_32 = tpu.memref_squeeze %dma_wait3A_31 : memref<1x640x128xf32, #tpu.memory_space<hbm>> -> memref<640x128xf32, #tpu.memory_space<hbm>>
      %dma_wait3A_33 = arith.constant 0 : i32
      %dma_wait3A_34 = tpu.memref_slice %arg12[%mul3A_23, %dma_wait3A_33] : memref<10240x128xf32, #tpu.memory_space<vmem_shared>> -> memref<640x128xf32, #tpu.memory_space<vmem_shared>>
      tpu.wait_dma2 semaphore(%run_scoped3A : memref<!tpu.dma_semaphore, #tpu.memory_space<semaphore_mem>>) src(%dma_wait3A_34 : memref<640x128xf32, #tpu.memory_space<vmem_shared>>) dst(%dma_wait3A_32 : memref<640x128xf32, #tpu.memory_space<hbm>>)
      tpu.yield
    }) : () -> ()
    return
  }
}

#map = affine_map<(d0, d1) -> (0, 0)>
#map1 = affine_map<(d0, d1) -> (0, 0, 0, 0)>
#map2 = affine_map<(d0, d1) -> (0, 0, 0)>
module attributes {stable_mosaic.version = 14 : i64} {
  func.func @_sc_body(%arg0: i32, %arg1: i32, %arg2: memref<20000x128xf32, #tpu.memory_space<hbm>>, %arg3: memref<2x16x80x128xi32, #tpu.memory_space<hbm>>, %arg4: memref<16x80x1x128xi32, #tpu.memory_space<hbm>>, %arg5: memref<640x128xf32, #tpu.memory_space<hbm>>, %arg6: memref<2x10240x128xf32, #tpu.memory_space<hbm>>, %arg7: memref<80x128xi32, #tpu.memory_space<vmem>>, %arg8: memref<1x128xi32, #tpu.memory_space<vmem>>, %arg9: memref<1x128xi32, #tpu.memory_space<vmem>>, %arg10: memref<128x128xf32, #tpu.memory_space<vmem>>, %arg11: memref<128x128xf32, #tpu.memory_space<vmem>>, %arg12: memref<10240x128xf32, #tpu.memory_space<vmem_shared>>, %arg13: memref<!tpu.dma_semaphore, #tpu.memory_space<semaphore_mem>>, %arg14: memref<!tpu.dma_semaphore, #tpu.memory_space<semaphore_mem>>) attributes {dimension_semantics = [#tpu.dimension_semantics<core_parallel>, #tpu.dimension_semantics<subcore_parallel>], iteration_bounds = array<i64: 2, 16>, scalar_prefetch = 0 : i64, scratch_operands = 8 : i64, tpu.core_type = #tpu.core_type<sc_vector_subcore>, window_params = [{transform_indices = #map}, {transform_indices = #map1}, {transform_indices = #map1}, {transform_indices = #map}, {transform_indices = #map2}]} {
    %mul3A = arith.constant 640 : i32
    %mul3A_0 = arith.muli %arg1, %mul3A : i32
    "tpu.region"() ({
      %run_scoped3A = tpu.sem_alloc : memref<!tpu.dma_semaphore, #tpu.memory_space<semaphore_mem>>
      %dma_start3A_26 = arith.constant 0 : i32
      %dma_start3A_27 = tpu.memref_slice %arg12[%mul3A_0, %dma_start3A_26] : memref<10240x128xf32, #tpu.memory_space<vmem_shared>> -> memref<640x128xf32, #tpu.memory_space<vmem_shared>>
      tpu.enqueue_dma source(%arg5 : memref<640x128xf32, #tpu.memory_space<hbm>>) target(%dma_start3A_27 : memref<640x128xf32, #tpu.memory_space<vmem_shared>>) target_semaphore(%run_scoped3A : memref<!tpu.dma_semaphore, #tpu.memory_space<semaphore_mem>>)
      %dma_wait3A = arith.constant 0 : i32
      %dma_wait3A_28 = tpu.memref_slice %arg12[%mul3A_0, %dma_wait3A] : memref<10240x128xf32, #tpu.memory_space<vmem_shared>> -> memref<640x128xf32, #tpu.memory_space<vmem_shared>>
      tpu.wait_dma2 semaphore(%run_scoped3A : memref<!tpu.dma_semaphore, #tpu.memory_space<semaphore_mem>>) src(%arg5 : memref<640x128xf32, #tpu.memory_space<hbm>>) dst(%dma_wait3A_28 : memref<640x128xf32, #tpu.memory_space<vmem_shared>>)
      tpu.yield
    }) : () -> ()
    "tpu.region"() ({
      %run_scoped3A = tpu.sem_alloc : memref<!tpu.dma_semaphore, #tpu.memory_space<semaphore_mem>>
      %dma_start3A_26 = arith.constant 0 : i32
      %dma_start3A_27 = arith.constant 0 : i32
      %dma_start3A_28 = tpu.memref_slice %arg3[%arg0, %arg1, %dma_start3A_26, %dma_start3A_27] : memref<2x16x80x128xi32, #tpu.memory_space<hbm>> -> memref<1x1x80x128xi32, #tpu.memory_space<hbm>>
      %dma_start3A_29 = tpu.memref_squeeze %dma_start3A_28 : memref<1x1x80x128xi32, #tpu.memory_space<hbm>> -> memref<80x128xi32, #tpu.memory_space<hbm>>
      %dma_start3A_30 = arith.constant 0 : i32
      %dma_start3A_31 = arith.constant 0 : i32
      %dma_start3A_32 = tpu.memref_slice %arg3[%arg0, %arg1, %dma_start3A_30, %dma_start3A_31] : memref<2x16x80x128xi32, #tpu.memory_space<hbm>> -> memref<1x1x80x128xi32, #tpu.memory_space<hbm>>
      %dma_start3A_33 = tpu.memref_squeeze %dma_start3A_32 : memref<1x1x80x128xi32, #tpu.memory_space<hbm>> -> memref<80x128xi32, #tpu.memory_space<hbm>>
      tpu.enqueue_dma source(%dma_start3A_33 : memref<80x128xi32, #tpu.memory_space<hbm>>) target(%arg7 : memref<80x128xi32, #tpu.memory_space<vmem>>) target_semaphore(%run_scoped3A : memref<!tpu.dma_semaphore, #tpu.memory_space<semaphore_mem>>)
      %dma_wait3A = arith.constant 0 : i32
      %dma_wait3A_34 = arith.constant 0 : i32
      %dma_wait3A_35 = tpu.memref_slice %arg3[%arg0, %arg1, %dma_wait3A, %dma_wait3A_34] : memref<2x16x80x128xi32, #tpu.memory_space<hbm>> -> memref<1x1x80x128xi32, #tpu.memory_space<hbm>>
      %dma_wait3A_36 = tpu.memref_squeeze %dma_wait3A_35 : memref<1x1x80x128xi32, #tpu.memory_space<hbm>> -> memref<80x128xi32, #tpu.memory_space<hbm>>
      %dma_wait3A_37 = arith.constant 0 : i32
      %dma_wait3A_38 = arith.constant 0 : i32
      %dma_wait3A_39 = tpu.memref_slice %arg3[%arg0, %arg1, %dma_wait3A_37, %dma_wait3A_38] : memref<2x16x80x128xi32, #tpu.memory_space<hbm>> -> memref<1x1x80x128xi32, #tpu.memory_space<hbm>>
      %dma_wait3A_40 = tpu.memref_squeeze %dma_wait3A_39 : memref<1x1x80x128xi32, #tpu.memory_space<hbm>> -> memref<80x128xi32, #tpu.memory_space<hbm>>
      tpu.wait_dma2 semaphore(%run_scoped3A : memref<!tpu.dma_semaphore, #tpu.memory_space<semaphore_mem>>) src(%dma_wait3A_40 : memref<80x128xi32, #tpu.memory_space<hbm>>) dst(%arg7 : memref<80x128xi32, #tpu.memory_space<vmem>>)
      tpu.yield
    }) : () -> ()
    %barrier3A = arith.constant 0 : index
    tpu.barrier barrier_id(%barrier3A)
    %dma_start3A = arith.constant 0 : i32
    %dma_start3A_1 = arith.constant 0 : i32
    %dma_start3A_2 = tpu.memref_slice %arg7[%dma_start3A, %dma_start3A_1] : memref<80x128xi32, #tpu.memory_space<vmem>> -> memref<1x128xi32, #tpu.memory_space<vmem>>
    %dma_start3A_3 = tpu.memref_squeeze %dma_start3A_2 : memref<1x128xi32, #tpu.memory_space<vmem>> -> memref<128xi32, #tpu.memory_space<vmem>>
    %dma_start3A_4 = arith.constant 0 : i32
    %dma_start3A_5 = arith.constant 0 : i32
    %dma_start3A_6 = tpu.memref_slice %arg2[%dma_start3A_4, %dma_start3A_5] : memref<20000x128xf32, #tpu.memory_space<hbm>> -> memref<20000x128xf32, #tpu.memory_space<hbm>>
    tpu.enqueue_indirect_dma source(%dma_start3A_6 : memref<20000x128xf32, #tpu.memory_space<hbm>>) target(%arg10 : memref<128x128xf32, #tpu.memory_space<vmem>>) offsets(%dma_start3A_3 : memref<128xi32, #tpu.memory_space<vmem>>) semaphore(%arg13 : memref<!tpu.dma_semaphore, #tpu.memory_space<semaphore_mem>>)
    %dma_start3A_7 = arith.constant 0 : i32
    %dma_start3A_8 = arith.constant 0 : i32
    %dma_start3A_9 = arith.constant 0 : i32
    %dma_start3A_10 = tpu.memref_slice %arg4[%arg1, %dma_start3A_7, %dma_start3A_8, %dma_start3A_9] : memref<16x80x1x128xi32, #tpu.memory_space<hbm>> -> memref<1x1x1x128xi32, #tpu.memory_space<hbm>>
    %dma_start3A_11 = tpu.memref_squeeze %dma_start3A_10 : memref<1x1x1x128xi32, #tpu.memory_space<hbm>> -> memref<1x128xi32, #tpu.memory_space<hbm>>
    %dma_start3A_12 = arith.constant 0 : i32
    %dma_start3A_13 = arith.constant 0 : i32
    %dma_start3A_14 = tpu.memref_slice %arg4[%arg1, %dma_start3A_7, %dma_start3A_12, %dma_start3A_13] : memref<16x80x1x128xi32, #tpu.memory_space<hbm>> -> memref<1x1x1x128xi32, #tpu.memory_space<hbm>>
    %dma_start3A_15 = tpu.memref_squeeze %dma_start3A_14 : memref<1x1x1x128xi32, #tpu.memory_space<hbm>> -> memref<1x128xi32, #tpu.memory_space<hbm>>
    tpu.enqueue_dma source(%dma_start3A_15 : memref<1x128xi32, #tpu.memory_space<hbm>>) target(%arg8 : memref<1x128xi32, #tpu.memory_space<vmem>>) target_semaphore(%arg13 : memref<!tpu.dma_semaphore, #tpu.memory_space<semaphore_mem>>)
    %scan3A = arith.constant 0 : i32
    %scan3A_16 = arith.constant 0 : i32
    %scan3A_17 = arith.constant 40 : i32
    %scan3A_18 = arith.addi %scan3A_16, %scan3A_17 : i32
    %scan3A_19 = arith.constant 1 : i32
    scf.for %scan3A_26 = %scan3A_16 to %scan3A_18 step %scan3A_19  : i32 {
      %mul3A_27 = arith.constant 2 : i32
      %mul3A_28 = arith.muli %mul3A_27, %scan3A_26 : i32
      %add3A = arith.constant 1 : i32
      %add3A_29 = arith.addi %mul3A_28, %add3A : i32
      %dma_start3A_30 = arith.constant 0 : i32
      %dma_start3A_31 = tpu.memref_slice %arg7[%add3A_29, %dma_start3A_30] : memref<80x128xi32, #tpu.memory_space<vmem>> -> memref<1x128xi32, #tpu.memory_space<vmem>>
      %dma_start3A_32 = tpu.memref_squeeze %dma_start3A_31 : memref<1x128xi32, #tpu.memory_space<vmem>> -> memref<128xi32, #tpu.memory_space<vmem>>
      %dma_start3A_33 = arith.constant 0 : i32
      %dma_start3A_34 = arith.constant 0 : i32
      %dma_start3A_35 = tpu.memref_slice %arg2[%dma_start3A_33, %dma_start3A_34] : memref<20000x128xf32, #tpu.memory_space<hbm>> -> memref<20000x128xf32, #tpu.memory_space<hbm>>
      tpu.enqueue_indirect_dma source(%dma_start3A_35 : memref<20000x128xf32, #tpu.memory_space<hbm>>) target(%arg11 : memref<128x128xf32, #tpu.memory_space<vmem>>) offsets(%dma_start3A_32 : memref<128xi32, #tpu.memory_space<vmem>>) semaphore(%arg14 : memref<!tpu.dma_semaphore, #tpu.memory_space<semaphore_mem>>)
      %dma_start3A_36 = arith.constant 0 : i32
      %dma_start3A_37 = arith.constant 0 : i32
      %dma_start3A_38 = tpu.memref_slice %arg4[%arg1, %add3A_29, %dma_start3A_36, %dma_start3A_37] : memref<16x80x1x128xi32, #tpu.memory_space<hbm>> -> memref<1x1x1x128xi32, #tpu.memory_space<hbm>>
      %dma_start3A_39 = tpu.memref_squeeze %dma_start3A_38 : memref<1x1x1x128xi32, #tpu.memory_space<hbm>> -> memref<1x128xi32, #tpu.memory_space<hbm>>
      %dma_start3A_40 = arith.constant 0 : i32
      %dma_start3A_41 = arith.constant 0 : i32
      %dma_start3A_42 = tpu.memref_slice %arg4[%arg1, %add3A_29, %dma_start3A_40, %dma_start3A_41] : memref<16x80x1x128xi32, #tpu.memory_space<hbm>> -> memref<1x1x1x128xi32, #tpu.memory_space<hbm>>
      %dma_start3A_43 = tpu.memref_squeeze %dma_start3A_42 : memref<1x1x1x128xi32, #tpu.memory_space<hbm>> -> memref<1x128xi32, #tpu.memory_space<hbm>>
      tpu.enqueue_dma source(%dma_start3A_43 : memref<1x128xi32, #tpu.memory_space<hbm>>) target(%arg9 : memref<1x128xi32, #tpu.memory_space<vmem>>) target_semaphore(%arg14 : memref<!tpu.dma_semaphore, #tpu.memory_space<semaphore_mem>>)
      %dma_wait3A = arith.constant 0 : i32
      %dma_wait3A_44 = tpu.memref_slice %arg7[%mul3A_28, %dma_wait3A] : memref<80x128xi32, #tpu.memory_space<vmem>> -> memref<1x128xi32, #tpu.memory_space<vmem>>
      %dma_wait3A_45 = tpu.memref_squeeze %dma_wait3A_44 : memref<1x128xi32, #tpu.memory_space<vmem>> -> memref<128xi32, #tpu.memory_space<vmem>>
      %dma_wait3A_46 = arith.constant 0 : i32
      %dma_wait3A_47 = arith.constant 0 : i32
      %dma_wait3A_48 = tpu.memref_slice %arg2[%dma_wait3A_46, %dma_wait3A_47] : memref<20000x128xf32, #tpu.memory_space<hbm>> -> memref<20000x128xf32, #tpu.memory_space<hbm>>
      tpu.wait_indirect_dma semaphore(%arg13 : memref<!tpu.dma_semaphore, #tpu.memory_space<semaphore_mem>>) src(%dma_wait3A_48 : memref<20000x128xf32, #tpu.memory_space<hbm>>) dst(%arg10 : memref<128x128xf32, #tpu.memory_space<vmem>>)
      %dma_wait3A_49 = arith.constant 0 : i32
      %dma_wait3A_50 = arith.constant 0 : i32
      %dma_wait3A_51 = tpu.memref_slice %arg4[%arg1, %mul3A_28, %dma_wait3A_49, %dma_wait3A_50] : memref<16x80x1x128xi32, #tpu.memory_space<hbm>> -> memref<1x1x1x128xi32, #tpu.memory_space<hbm>>
      %dma_wait3A_52 = tpu.memref_squeeze %dma_wait3A_51 : memref<1x1x1x128xi32, #tpu.memory_space<hbm>> -> memref<1x128xi32, #tpu.memory_space<hbm>>
      %dma_wait3A_53 = arith.constant 0 : i32
      %dma_wait3A_54 = arith.constant 0 : i32
      %dma_wait3A_55 = tpu.memref_slice %arg4[%arg1, %mul3A_28, %dma_wait3A_53, %dma_wait3A_54] : memref<16x80x1x128xi32, #tpu.memory_space<hbm>> -> memref<1x1x1x128xi32, #tpu.memory_space<hbm>>
      %dma_wait3A_56 = tpu.memref_squeeze %dma_wait3A_55 : memref<1x1x1x128xi32, #tpu.memory_space<hbm>> -> memref<1x128xi32, #tpu.memory_space<hbm>>
      tpu.wait_dma2 semaphore(%arg13 : memref<!tpu.dma_semaphore, #tpu.memory_space<semaphore_mem>>) src(%dma_wait3A_56 : memref<1x128xi32, #tpu.memory_space<hbm>>) dst(%arg8 : memref<1x128xi32, #tpu.memory_space<vmem>>)
      %run_scoped3A = arith.constant 0 : i32
      "tpu.region"() ({
        %run_scoped3A_78 = tpu.sem_alloc : memref<!tpu.dma_semaphore, #tpu.memory_space<semaphore_mem>>
        %dma_start3A_79 = arith.constant 0 : i32
        %dma_start3A_80 = tpu.memref_slice %arg8[%run_scoped3A, %dma_start3A_79] : memref<1x128xi32, #tpu.memory_space<vmem>> -> memref<1x128xi32, #tpu.memory_space<vmem>>
        %dma_start3A_81 = tpu.memref_squeeze %dma_start3A_80 : memref<1x128xi32, #tpu.memory_space<vmem>> -> memref<128xi32, #tpu.memory_space<vmem>>
        %dma_start3A_82 = arith.constant 0 : i32
        %dma_start3A_83 = arith.constant 0 : i32
        %dma_start3A_84 = tpu.memref_slice %arg12[%dma_start3A_82, %dma_start3A_83] : memref<10240x128xf32, #tpu.memory_space<vmem_shared>> -> memref<10240x128xf32, #tpu.memory_space<vmem_shared>>
        tpu.enqueue_indirect_dma source(%arg10 : memref<128x128xf32, #tpu.memory_space<vmem>>) target(%dma_start3A_84 : memref<10240x128xf32, #tpu.memory_space<vmem_shared>>) offsets(%dma_start3A_81 : memref<128xi32, #tpu.memory_space<vmem>>) semaphore(%run_scoped3A_78 : memref<!tpu.dma_semaphore, #tpu.memory_space<semaphore_mem>>) {add = true}
        %dma_wait3A_85 = arith.constant 0 : i32
        %dma_wait3A_86 = tpu.memref_slice %arg8[%run_scoped3A, %dma_wait3A_85] : memref<1x128xi32, #tpu.memory_space<vmem>> -> memref<1x128xi32, #tpu.memory_space<vmem>>
        %dma_wait3A_87 = tpu.memref_squeeze %dma_wait3A_86 : memref<1x128xi32, #tpu.memory_space<vmem>> -> memref<128xi32, #tpu.memory_space<vmem>>
        %dma_wait3A_88 = arith.constant 0 : i32
        %dma_wait3A_89 = arith.constant 0 : i32
        %dma_wait3A_90 = tpu.memref_slice %arg12[%dma_wait3A_88, %dma_wait3A_89] : memref<10240x128xf32, #tpu.memory_space<vmem_shared>> -> memref<10240x128xf32, #tpu.memory_space<vmem_shared>>
        tpu.wait_indirect_dma semaphore(%run_scoped3A_78 : memref<!tpu.dma_semaphore, #tpu.memory_space<semaphore_mem>>) src(%arg10 : memref<128x128xf32, #tpu.memory_space<vmem>>) dst(%dma_wait3A_90 : memref<10240x128xf32, #tpu.memory_space<vmem_shared>>)
        tpu.yield
      }) : () -> ()
      %add3A_57 = arith.constant 2 : i32
      %add3A_58 = arith.addi %mul3A_28, %add3A_57 : i32
      %lt3A = arith.constant 80 : i32
      %lt3A_59 = arith.cmpi slt, %add3A_58, %lt3A : i32
      %convert_element_type3A = arith.extui %lt3A_59 : i1 to i32
      %cond3A = arith.constant 0 : i32
      %cond3A_60 = arith.cmpi ne, %convert_element_type3A, %cond3A : i32
      scf.if %cond3A_60 {
        %add3A_78 = arith.constant 2 : i32
        %add3A_79 = arith.addi %mul3A_28, %add3A_78 : i32
        %dma_start3A_80 = arith.constant 0 : i32
        %dma_start3A_81 = tpu.memref_slice %arg7[%add3A_79, %dma_start3A_80] : memref<80x128xi32, #tpu.memory_space<vmem>> -> memref<1x128xi32, #tpu.memory_space<vmem>>
        %dma_start3A_82 = tpu.memref_squeeze %dma_start3A_81 : memref<1x128xi32, #tpu.memory_space<vmem>> -> memref<128xi32, #tpu.memory_space<vmem>>
        %dma_start3A_83 = arith.constant 0 : i32
        %dma_start3A_84 = arith.constant 0 : i32
        %dma_start3A_85 = tpu.memref_slice %arg2[%dma_start3A_83, %dma_start3A_84] : memref<20000x128xf32, #tpu.memory_space<hbm>> -> memref<20000x128xf32, #tpu.memory_space<hbm>>
        tpu.enqueue_indirect_dma source(%dma_start3A_85 : memref<20000x128xf32, #tpu.memory_space<hbm>>) target(%arg10 : memref<128x128xf32, #tpu.memory_space<vmem>>) offsets(%dma_start3A_82 : memref<128xi32, #tpu.memory_space<vmem>>) semaphore(%arg13 : memref<!tpu.dma_semaphore, #tpu.memory_space<semaphore_mem>>)
        %dma_start3A_86 = arith.constant 0 : i32
        %dma_start3A_87 = arith.constant 0 : i32
        %dma_start3A_88 = tpu.memref_slice %arg4[%arg1, %add3A_79, %dma_start3A_86, %dma_start3A_87] : memref<16x80x1x128xi32, #tpu.memory_space<hbm>> -> memref<1x1x1x128xi32, #tpu.memory_space<hbm>>
        %dma_start3A_89 = tpu.memref_squeeze %dma_start3A_88 : memref<1x1x1x128xi32, #tpu.memory_space<hbm>> -> memref<1x128xi32, #tpu.memory_space<hbm>>
        %dma_start3A_90 = arith.constant 0 : i32
        %dma_start3A_91 = arith.constant 0 : i32
        %dma_start3A_92 = tpu.memref_slice %arg4[%arg1, %add3A_79, %dma_start3A_90, %dma_start3A_91] : memref<16x80x1x128xi32, #tpu.memory_space<hbm>> -> memref<1x1x1x128xi32, #tpu.memory_space<hbm>>
        %dma_start3A_93 = tpu.memref_squeeze %dma_start3A_92 : memref<1x1x1x128xi32, #tpu.memory_space<hbm>> -> memref<1x128xi32, #tpu.memory_space<hbm>>
        tpu.enqueue_dma source(%dma_start3A_93 : memref<1x128xi32, #tpu.memory_space<hbm>>) target(%arg8 : memref<1x128xi32, #tpu.memory_space<vmem>>) target_semaphore(%arg13 : memref<!tpu.dma_semaphore, #tpu.memory_space<semaphore_mem>>)
      } else {
      }
      %add3A_61 = arith.constant 1 : i32
      %add3A_62 = arith.addi %mul3A_28, %add3A_61 : i32
      %dma_wait3A_63 = arith.constant 0 : i32
      %dma_wait3A_64 = tpu.memref_slice %arg7[%add3A_62, %dma_wait3A_63] : memref<80x128xi32, #tpu.memory_space<vmem>> -> memref<1x128xi32, #tpu.memory_space<vmem>>
      %dma_wait3A_65 = tpu.memref_squeeze %dma_wait3A_64 : memref<1x128xi32, #tpu.memory_space<vmem>> -> memref<128xi32, #tpu.memory_space<vmem>>
      %dma_wait3A_66 = arith.constant 0 : i32
      %dma_wait3A_67 = arith.constant 0 : i32
      %dma_wait3A_68 = tpu.memref_slice %arg2[%dma_wait3A_66, %dma_wait3A_67] : memref<20000x128xf32, #tpu.memory_space<hbm>> -> memref<20000x128xf32, #tpu.memory_space<hbm>>
      tpu.wait_indirect_dma semaphore(%arg14 : memref<!tpu.dma_semaphore, #tpu.memory_space<semaphore_mem>>) src(%dma_wait3A_68 : memref<20000x128xf32, #tpu.memory_space<hbm>>) dst(%arg11 : memref<128x128xf32, #tpu.memory_space<vmem>>)
      %dma_wait3A_69 = arith.constant 0 : i32
      %dma_wait3A_70 = arith.constant 0 : i32
      %dma_wait3A_71 = tpu.memref_slice %arg4[%arg1, %add3A_62, %dma_wait3A_69, %dma_wait3A_70] : memref<16x80x1x128xi32, #tpu.memory_space<hbm>> -> memref<1x1x1x128xi32, #tpu.memory_space<hbm>>
      %dma_wait3A_72 = tpu.memref_squeeze %dma_wait3A_71 : memref<1x1x1x128xi32, #tpu.memory_space<hbm>> -> memref<1x128xi32, #tpu.memory_space<hbm>>
      %dma_wait3A_73 = arith.constant 0 : i32
      %dma_wait3A_74 = arith.constant 0 : i32
      %dma_wait3A_75 = tpu.memref_slice %arg4[%arg1, %add3A_62, %dma_wait3A_73, %dma_wait3A_74] : memref<16x80x1x128xi32, #tpu.memory_space<hbm>> -> memref<1x1x1x128xi32, #tpu.memory_space<hbm>>
      %dma_wait3A_76 = tpu.memref_squeeze %dma_wait3A_75 : memref<1x1x1x128xi32, #tpu.memory_space<hbm>> -> memref<1x128xi32, #tpu.memory_space<hbm>>
      tpu.wait_dma2 semaphore(%arg14 : memref<!tpu.dma_semaphore, #tpu.memory_space<semaphore_mem>>) src(%dma_wait3A_76 : memref<1x128xi32, #tpu.memory_space<hbm>>) dst(%arg9 : memref<1x128xi32, #tpu.memory_space<vmem>>)
      %run_scoped3A_77 = arith.constant 0 : i32
      "tpu.region"() ({
        %run_scoped3A_78 = tpu.sem_alloc : memref<!tpu.dma_semaphore, #tpu.memory_space<semaphore_mem>>
        %dma_start3A_79 = arith.constant 0 : i32
        %dma_start3A_80 = tpu.memref_slice %arg9[%run_scoped3A_77, %dma_start3A_79] : memref<1x128xi32, #tpu.memory_space<vmem>> -> memref<1x128xi32, #tpu.memory_space<vmem>>
        %dma_start3A_81 = tpu.memref_squeeze %dma_start3A_80 : memref<1x128xi32, #tpu.memory_space<vmem>> -> memref<128xi32, #tpu.memory_space<vmem>>
        %dma_start3A_82 = arith.constant 0 : i32
        %dma_start3A_83 = arith.constant 0 : i32
        %dma_start3A_84 = tpu.memref_slice %arg12[%dma_start3A_82, %dma_start3A_83] : memref<10240x128xf32, #tpu.memory_space<vmem_shared>> -> memref<10240x128xf32, #tpu.memory_space<vmem_shared>>
        tpu.enqueue_indirect_dma source(%arg11 : memref<128x128xf32, #tpu.memory_space<vmem>>) target(%dma_start3A_84 : memref<10240x128xf32, #tpu.memory_space<vmem_shared>>) offsets(%dma_start3A_81 : memref<128xi32, #tpu.memory_space<vmem>>) semaphore(%run_scoped3A_78 : memref<!tpu.dma_semaphore, #tpu.memory_space<semaphore_mem>>) {add = true}
        %dma_wait3A_85 = arith.constant 0 : i32
        %dma_wait3A_86 = tpu.memref_slice %arg9[%run_scoped3A_77, %dma_wait3A_85] : memref<1x128xi32, #tpu.memory_space<vmem>> -> memref<1x128xi32, #tpu.memory_space<vmem>>
        %dma_wait3A_87 = tpu.memref_squeeze %dma_wait3A_86 : memref<1x128xi32, #tpu.memory_space<vmem>> -> memref<128xi32, #tpu.memory_space<vmem>>
        %dma_wait3A_88 = arith.constant 0 : i32
        %dma_wait3A_89 = arith.constant 0 : i32
        %dma_wait3A_90 = tpu.memref_slice %arg12[%dma_wait3A_88, %dma_wait3A_89] : memref<10240x128xf32, #tpu.memory_space<vmem_shared>> -> memref<10240x128xf32, #tpu.memory_space<vmem_shared>>
        tpu.wait_indirect_dma semaphore(%run_scoped3A_78 : memref<!tpu.dma_semaphore, #tpu.memory_space<semaphore_mem>>) src(%arg11 : memref<128x128xf32, #tpu.memory_space<vmem>>) dst(%dma_wait3A_90 : memref<10240x128xf32, #tpu.memory_space<vmem_shared>>)
        tpu.yield
      }) : () -> ()
    }
    %scan3A_20 = arith.constant 40 : i32
    %barrier3A_21 = arith.constant 0 : index
    tpu.barrier barrier_id(%barrier3A_21)
    %mul3A_22 = arith.constant 640 : i32
    %mul3A_23 = arith.muli %arg1, %mul3A_22 : i32
    %mul3A_24 = arith.constant 640 : i32
    %mul3A_25 = arith.muli %arg1, %mul3A_24 : i32
    "tpu.region"() ({
      %run_scoped3A = tpu.sem_alloc : memref<!tpu.dma_semaphore, #tpu.memory_space<semaphore_mem>>
      %dma_start3A_26 = arith.constant 0 : i32
      %dma_start3A_27 = tpu.memref_slice %arg6[%arg0, %mul3A_25, %dma_start3A_26] : memref<2x10240x128xf32, #tpu.memory_space<hbm>> -> memref<1x640x128xf32, #tpu.memory_space<hbm>>
      %dma_start3A_28 = tpu.memref_squeeze %dma_start3A_27 : memref<1x640x128xf32, #tpu.memory_space<hbm>> -> memref<640x128xf32, #tpu.memory_space<hbm>>
      %dma_start3A_29 = arith.constant 0 : i32
      %dma_start3A_30 = tpu.memref_slice %arg12[%mul3A_23, %dma_start3A_29] : memref<10240x128xf32, #tpu.memory_space<vmem_shared>> -> memref<640x128xf32, #tpu.memory_space<vmem_shared>>
      tpu.enqueue_dma source(%dma_start3A_30 : memref<640x128xf32, #tpu.memory_space<vmem_shared>>) target(%dma_start3A_28 : memref<640x128xf32, #tpu.memory_space<hbm>>) target_semaphore(%run_scoped3A : memref<!tpu.dma_semaphore, #tpu.memory_space<semaphore_mem>>)
      %dma_wait3A = arith.constant 0 : i32
      %dma_wait3A_31 = tpu.memref_slice %arg6[%arg0, %mul3A_25, %dma_wait3A] : memref<2x10240x128xf32, #tpu.memory_space<hbm>> -> memref<1x640x128xf32, #tpu.memory_space<hbm>>
      %dma_wait3A_32 = tpu.memref_squeeze %dma_wait3A_31 : memref<1x640x128xf32, #tpu.memory_space<hbm>> -> memref<640x128xf32, #tpu.memory_space<hbm>>
      %dma_wait3A_33 = arith.constant 0 : i32
      %dma_wait3A_34 = tpu.memref_slice %arg12[%mul3A_23, %dma_wait3A_33] : memref<10240x128xf32, #tpu.memory_space<vmem_shared>> -> memref<640x128xf32, #tpu.memory_space<vmem_shared>>
      tpu.wait_dma2 semaphore(%run_scoped3A : memref<!tpu.dma_semaphore, #tpu.memory_space<semaphore_mem>>) src(%dma_wait3A_34 : memref<640x128xf32, #tpu.memory_space<vmem_shared>>) dst(%dma_wait3A_32 : memref<640x128xf32, #tpu.memory_space<hbm>>)
      tpu.yield
    }) : () -> ()
    return
  }
}

module attributes {stable_mosaic.version = 14 : i64} {
  func.func @_input_body(%arg0: i32, %arg1: memref<1000x256xf32, #tpu.memory_space<vmem>>, %arg2: memref<256x256xf32, #tpu.memory_space<vmem>>, %arg3: memref<1x256xf32, #tpu.memory_space<vmem>>, %arg4: memref<1000x1xf32, #tpu.memory_space<vmem>>, %arg5: memref<1000x256xf32, #tpu.memory_space<vmem>>, %arg6: memref<2x1000x128xf32, #tpu.memory_space<vmem>>) attributes {dimension_semantics = [#tpu.dimension_semantics<arbitrary>], iteration_bounds = array<i64: 10>, scalar_prefetch = 0 : i64, scratch_operands = 0 : i64, tpu.core_type = #tpu.core_type<tc>, window_params = [{transform_indices = @transform_0, window_bounds = array<i64: 1000, 256>}, {pipeline_mode = #tpu.pipeline_mode<synchronous>, transform_indices = @transform_1, window_bounds = array<i64: 256, 256>}, {pipeline_mode = #tpu.pipeline_mode<synchronous>, transform_indices = @transform_2, window_bounds = array<i64: 1, 256>}, {transform_indices = @transform_3, window_bounds = array<i64: 1000, 1>}, {transform_indices = @transform_4, window_bounds = array<i64: 1000, 256>}, {transform_indices = @transform_5, window_bounds = array<i64: 2, 1000, 128>}]} {
    %get3A = arith.constant 0 : index
    %get3A_0 = arith.constant 0 : index
    %get3A_1 = vector.load %arg1[%get3A, %get3A_0] : memref<1000x256xf32, #tpu.memory_space<vmem>>, vector<1000x256xf32>
    %get3A_2 = arith.constant 0 : index
    %get3A_3 = arith.constant 0 : index
    %get3A_4 = vector.load %arg2[%get3A_2, %get3A_3] : memref<256x256xf32, #tpu.memory_space<vmem>>, vector<256x256xf32>
    %dot_general3A = arith.constant dense<0.000000e+00> : vector<1000x256xf32>
    %dot_general3A_5 = tpu.matmul %get3A_1, %get3A_4, %dot_general3A {dimension_numbers = #tpu.dot_dimension_numbers<[1], [0], [0], [1], [0, 0, 1, 1], [], []>, transpose_lhs_hint = false} : vector<1000x256xf32>, vector<256x256xf32>, vector<1000x256xf32> -> vector<1000x256xf32>
    %get3A_6 = arith.constant 0 : index
    %get3A_7 = arith.constant 0 : index
    %get3A_8 = vector.load %arg3[%get3A_6, %get3A_7] : memref<1x256xf32, #tpu.memory_space<vmem>>, vector<1x256xf32>
    %add3A = vector.broadcast %get3A_8 : vector<1x256xf32> to vector<1000x256xf32>
    %add3A_9 = arith.addf %dot_general3A_5, %add3A : vector<1000x256xf32>
    %max3A = arith.constant 0.000000e+00 : f32
    %max3A_10 = vector.broadcast %max3A : f32 to vector<1000x256xf32>
    %max3A_11 = arith.maximumf %add3A_9, %max3A_10 : vector<1000x256xf32>
    %get3A_12 = arith.constant 0 : index
    %get3A_13 = arith.constant 0 : index
    %get3A_14 = vector.load %arg4[%get3A_12, %get3A_13] : memref<1000x1xf32, #tpu.memory_space<vmem>>, vector<1000x1xf32>
    %add3A_15 = arith.constant 1.000000e+00 : f32
    %add3A_16 = vector.broadcast %add3A_15 : f32 to vector<1000x1xf32>
    %add3A_17 = arith.addf %get3A_14, %add3A_16 : vector<1000x1xf32>
    %rsqrt3A = math.rsqrt %add3A_17 : vector<1000x1xf32>
    %swap3A = arith.constant 0 : index
    %swap3A_18 = arith.constant 0 : index
    %swap3A_19 = vector.load %arg5[%swap3A, %swap3A_18] : memref<1000x256xf32, #tpu.memory_space<vmem>>, vector<1000x256xf32>
    tpu.vector_store %arg5[%swap3A, %swap3A_18], %max3A_11 {strides = array<i32>} : memref<1000x256xf32, #tpu.memory_space<vmem>>, vector<1000x256xf32>,
    %slice3A = vector.extract_strided_slice %max3A_11 {offsets = [0, 0], sizes = [1000, 128], strides = [1, 1]} : vector<1000x256xf32> to vector<1000x128xf32>
    %mul3A = vector.broadcast %rsqrt3A : vector<1000x1xf32> to vector<1000x128xf32>
    %mul3A_20 = arith.mulf %mul3A, %slice3A : vector<1000x128xf32>
    %swap3A_21 = arith.constant 0 : index
    %swap3A_22 = arith.constant 0 : index
    %swap3A_23 = arith.constant 0 : index
    %swap3A_24 = vector.load %arg6[%swap3A_21, %swap3A_22, %swap3A_23] : memref<2x1000x128xf32, #tpu.memory_space<vmem>>, vector<1x1000x128xf32>
    %swap3A_25 = vector.shape_cast %swap3A_24 : vector<1x1000x128xf32> to vector<1000x128xf32>
    %swap3A_26 = vector.shape_cast %mul3A_20 : vector<1000x128xf32> to vector<1x1000x128xf32>
    tpu.vector_store %arg6[%swap3A_21, %swap3A_22, %swap3A_23], %swap3A_26 {strides = array<i32>} : memref<2x1000x128xf32, #tpu.memory_space<vmem>>, vector<1x1000x128xf32>,
    %slice3A_27 = vector.extract_strided_slice %max3A_11 {offsets = [0, 128], sizes = [1000, 128], strides = [1, 1]} : vector<1000x256xf32> to vector<1000x128xf32>
    %mul3A_28 = vector.broadcast %rsqrt3A : vector<1000x1xf32> to vector<1000x128xf32>
    %mul3A_29 = arith.mulf %mul3A_28, %slice3A_27 : vector<1000x128xf32>
    %swap3A_30 = arith.constant 1 : index
    %swap3A_31 = arith.constant 0 : index
    %swap3A_32 = arith.constant 0 : index
    %swap3A_33 = vector.load %arg6[%swap3A_30, %swap3A_31, %swap3A_32] : memref<2x1000x128xf32, #tpu.memory_space<vmem>>, vector<1x1000x128xf32>
    %swap3A_34 = vector.shape_cast %swap3A_33 : vector<1x1000x128xf32> to vector<1000x128xf32>
    %swap3A_35 = vector.shape_cast %mul3A_29 : vector<1000x128xf32> to vector<1x1000x128xf32>
    tpu.vector_store %arg6[%swap3A_30, %swap3A_31, %swap3A_32], %swap3A_35 {strides = array<i32>} : memref<2x1000x128xf32, #tpu.memory_space<vmem>>, vector<1x1000x128xf32>,
    return
  }
  func.func @transform_0(%arg0: i32) -> (i32, i32) {
    %c0_i32 = arith.constant 0 : i32
    %c0_i32_0 = arith.constant 0 : i32
    return %arg0, %c0_i32 : i32, i32
  }
  func.func @transform_1(%arg0: i32) -> (i32, i32) {
    %c0_i32 = arith.constant 0 : i32
    %c0_i32_0 = arith.constant 0 : i32
    %c0_i32_1 = arith.constant 0 : i32
    return %c0_i32, %c0_i32_0 : i32, i32
  }
  func.func @transform_2(%arg0: i32) -> (i32, i32) {
    %c0_i32 = arith.constant 0 : i32
    %c0_i32_0 = arith.constant 0 : i32
    %c0_i32_1 = arith.constant 0 : i32
    return %c0_i32, %c0_i32_0 : i32, i32
  }
  func.func @transform_3(%arg0: i32) -> (i32, i32) {
    %c0_i32 = arith.constant 0 : i32
    %c0_i32_0 = arith.constant 0 : i32
    return %arg0, %c0_i32 : i32, i32
  }
  func.func @transform_4(%arg0: i32) -> (i32, i32) {
    %c0_i32 = arith.constant 0 : i32
    %c0_i32_0 = arith.constant 0 : i32
    return %arg0, %c0_i32 : i32, i32
  }
  func.func @transform_5(%arg0: i32) -> (i32, i32, i32) {
    %c0_i32 = arith.constant 0 : i32
    %c0_i32_0 = arith.constant 0 : i32
    %c0_i32_1 = arith.constant 0 : i32
    return %c0_i32, %arg0, %c0_i32_0 : i32, i32, i32
  }
}

module attributes {stable_mosaic.version = 14 : i64} {
  func.func @_layer_body(%arg0: i32, %arg1: memref<2x1000x128xf32, #tpu.memory_space<vmem>>, %arg2: memref<1000x256xf32, #tpu.memory_space<vmem>>, %arg3: memref<1000x256xf32, #tpu.memory_space<vmem>>, %arg4: memref<1000x1xf32, #tpu.memory_space<vmem>>, %arg5: memref<256x256xf32, #tpu.memory_space<vmem>>, %arg6: memref<1000x256xf32, #tpu.memory_space<vmem>>, %arg7: memref<2x1000x128xf32, #tpu.memory_space<vmem>>) attributes {dimension_semantics = [#tpu.dimension_semantics<arbitrary>], iteration_bounds = array<i64: 10>, scalar_prefetch = 0 : i64, scratch_operands = 0 : i64, tpu.core_type = #tpu.core_type<tc>, window_params = [{transform_indices = @transform_0, window_bounds = array<i64: 2, 1000, 128>}, {transform_indices = @transform_1, window_bounds = array<i64: 1000, 256>}, {transform_indices = @transform_2, window_bounds = array<i64: 1000, 256>}, {transform_indices = @transform_3, window_bounds = array<i64: 1000, 1>}, {pipeline_mode = #tpu.pipeline_mode<synchronous>, transform_indices = @transform_4, window_bounds = array<i64: 256, 256>}, {transform_indices = @transform_5, window_bounds = array<i64: 1000, 256>}, {transform_indices = @transform_6, window_bounds = array<i64: 2, 1000, 128>}]} {
    %get3A = arith.constant 0 : index
    %get3A_0 = arith.constant 0 : index
    %get3A_1 = vector.load %arg4[%get3A, %get3A_0] : memref<1000x1xf32, #tpu.memory_space<vmem>>, vector<1000x1xf32>
    %add3A = arith.constant 1.000000e+00 : f32
    %add3A_2 = vector.broadcast %add3A : f32 to vector<1000x1xf32>
    %add3A_3 = arith.addf %get3A_1, %add3A_2 : vector<1000x1xf32>
    %rsqrt3A = math.rsqrt %add3A_3 : vector<1000x1xf32>
    %get3A_4 = arith.constant 0 : index
    %get3A_5 = arith.constant 0 : index
    %get3A_6 = arith.constant 0 : index
    %get3A_7 = vector.load %arg1[%get3A_4, %get3A_5, %get3A_6] : memref<2x1000x128xf32, #tpu.memory_space<vmem>>, vector<1x1000x128xf32>
    %get3A_8 = vector.shape_cast %get3A_7 : vector<1x1000x128xf32> to vector<1000x128xf32>
    %get3A_9 = arith.constant 1 : index
    %get3A_10 = arith.constant 0 : index
    %get3A_11 = arith.constant 0 : index
    %get3A_12 = vector.load %arg1[%get3A_9, %get3A_10, %get3A_11] : memref<2x1000x128xf32, #tpu.memory_space<vmem>>, vector<1x1000x128xf32>
    %get3A_13 = vector.shape_cast %get3A_12 : vector<1x1000x128xf32> to vector<1000x128xf32>
    %concatenate3A = tpu.concatenate %get3A_8, %get3A_13 in 1 : vector<1000x128xf32>, vector<1000x128xf32> -> vector<1000x256xf32>
    %mul3A = vector.broadcast %rsqrt3A : vector<1000x1xf32> to vector<1000x256xf32>
    %mul3A_14 = arith.mulf %mul3A, %concatenate3A : vector<1000x256xf32>
    %mul3A_15 = arith.mulf %rsqrt3A, %rsqrt3A : vector<1000x1xf32>
    %get3A_16 = arith.constant 0 : index
    %get3A_17 = arith.constant 0 : index
    %get3A_18 = vector.load %arg2[%get3A_16, %get3A_17] : memref<1000x256xf32, #tpu.memory_space<vmem>>, vector<1000x256xf32>
    %mul3A_19 = vector.broadcast %mul3A_15 : vector<1000x1xf32> to vector<1000x256xf32>
    %mul3A_20 = arith.mulf %mul3A_19, %get3A_18 : vector<1000x256xf32>
    %add3A_21 = arith.addf %mul3A_14, %mul3A_20 : vector<1000x256xf32>
    %mul3A_22 = arith.constant 0.899999976 : f32
    %mul3A_23 = vector.broadcast %mul3A_22 : f32 to vector<1000x256xf32>
    %mul3A_24 = arith.mulf %mul3A_23, %add3A_21 : vector<1000x256xf32>
    %get3A_25 = arith.constant 0 : index
    %get3A_26 = arith.constant 0 : index
    %get3A_27 = vector.load %arg3[%get3A_25, %get3A_26] : memref<1000x256xf32, #tpu.memory_space<vmem>>, vector<1000x256xf32>
    %mul3A_28 = arith.constant 1.000000e-01 : f32
    %mul3A_29 = vector.broadcast %mul3A_28 : f32 to vector<1000x256xf32>
    %mul3A_30 = arith.mulf %mul3A_29, %get3A_27 : vector<1000x256xf32>
    %add3A_31 = arith.addf %mul3A_24, %mul3A_30 : vector<1000x256xf32>
    %get3A_32 = arith.constant 0 : index
    %get3A_33 = arith.constant 0 : index
    %get3A_34 = vector.load %arg5[%get3A_32, %get3A_33] : memref<256x256xf32, #tpu.memory_space<vmem>>, vector<256x256xf32>
    %dot_general3A = arith.constant dense<0.000000e+00> : vector<1000x256xf32>
    %dot_general3A_35 = tpu.matmul %add3A_31, %get3A_34, %dot_general3A {dimension_numbers = #tpu.dot_dimension_numbers<[1], [0], [0], [1], [0, 0, 1, 1], [], []>, transpose_lhs_hint = false} : vector<1000x256xf32>, vector<256x256xf32>, vector<1000x256xf32> -> vector<1000x256xf32>
    %mul3A_36 = arith.constant 0.405465096 : f32
    %mul3A_37 = vector.broadcast %mul3A_36 : f32 to vector<1000x256xf32>
    %mul3A_38 = arith.mulf %mul3A_37, %dot_general3A_35 : vector<1000x256xf32>
    %mul3A_39 = arith.constant 0.594534874 : f32
    %mul3A_40 = vector.broadcast %mul3A_39 : f32 to vector<1000x256xf32>
    %mul3A_41 = arith.mulf %mul3A_40, %add3A_31 : vector<1000x256xf32>
    %add3A_42 = arith.addf %mul3A_38, %mul3A_41 : vector<1000x256xf32>
    %max3A = arith.constant 0.000000e+00 : f32
    %max3A_43 = vector.broadcast %max3A : f32 to vector<1000x256xf32>
    %max3A_44 = arith.maximumf %add3A_42, %max3A_43 : vector<1000x256xf32>
    %swap3A = arith.constant 0 : index
    %swap3A_45 = arith.constant 0 : index
    %swap3A_46 = vector.load %arg6[%swap3A, %swap3A_45] : memref<1000x256xf32, #tpu.memory_space<vmem>>, vector<1000x256xf32>
    tpu.vector_store %arg6[%swap3A, %swap3A_45], %max3A_44 {strides = array<i32>} : memref<1000x256xf32, #tpu.memory_space<vmem>>, vector<1000x256xf32>,
    %slice3A = vector.extract_strided_slice %max3A_44 {offsets = [0, 0], sizes = [1000, 128], strides = [1, 1]} : vector<1000x256xf32> to vector<1000x128xf32>
    %mul3A_47 = vector.broadcast %rsqrt3A : vector<1000x1xf32> to vector<1000x128xf32>
    %mul3A_48 = arith.mulf %mul3A_47, %slice3A : vector<1000x128xf32>
    %swap3A_49 = arith.constant 0 : index
    %swap3A_50 = arith.constant 0 : index
    %swap3A_51 = arith.constant 0 : index
    %swap3A_52 = vector.load %arg7[%swap3A_49, %swap3A_50, %swap3A_51] : memref<2x1000x128xf32, #tpu.memory_space<vmem>>, vector<1x1000x128xf32>
    %swap3A_53 = vector.shape_cast %swap3A_52 : vector<1x1000x128xf32> to vector<1000x128xf32>
    %swap3A_54 = vector.shape_cast %mul3A_48 : vector<1000x128xf32> to vector<1x1000x128xf32>
    tpu.vector_store %arg7[%swap3A_49, %swap3A_50, %swap3A_51], %swap3A_54 {strides = array<i32>} : memref<2x1000x128xf32, #tpu.memory_space<vmem>>, vector<1x1000x128xf32>,
    %slice3A_55 = vector.extract_strided_slice %max3A_44 {offsets = [0, 128], sizes = [1000, 128], strides = [1, 1]} : vector<1000x256xf32> to vector<1000x128xf32>
    %mul3A_56 = vector.broadcast %rsqrt3A : vector<1000x1xf32> to vector<1000x128xf32>
    %mul3A_57 = arith.mulf %mul3A_56, %slice3A_55 : vector<1000x128xf32>
    %swap3A_58 = arith.constant 1 : index
    %swap3A_59 = arith.constant 0 : index
    %swap3A_60 = arith.constant 0 : index
    %swap3A_61 = vector.load %arg7[%swap3A_58, %swap3A_59, %swap3A_60] : memref<2x1000x128xf32, #tpu.memory_space<vmem>>, vector<1x1000x128xf32>
    %swap3A_62 = vector.shape_cast %swap3A_61 : vector<1x1000x128xf32> to vector<1000x128xf32>
    %swap3A_63 = vector.shape_cast %mul3A_57 : vector<1000x128xf32> to vector<1x1000x128xf32>
    tpu.vector_store %arg7[%swap3A_58, %swap3A_59, %swap3A_60], %swap3A_63 {strides = array<i32>} : memref<2x1000x128xf32, #tpu.memory_space<vmem>>, vector<1x1000x128xf32>,
    return
  }
  func.func @transform_0(%arg0: i32) -> (i32, i32, i32) {
    %c0_i32 = arith.constant 0 : i32
    %c0_i32_0 = arith.constant 0 : i32
    %c0_i32_1 = arith.constant 0 : i32
    return %c0_i32, %arg0, %c0_i32_0 : i32, i32, i32
  }
  func.func @transform_1(%arg0: i32) -> (i32, i32) {
    %c0_i32 = arith.constant 0 : i32
    %c0_i32_0 = arith.constant 0 : i32
    return %arg0, %c0_i32 : i32, i32
  }
  func.func @transform_2(%arg0: i32) -> (i32, i32) {
    %c0_i32 = arith.constant 0 : i32
    %c0_i32_0 = arith.constant 0 : i32
    return %arg0, %c0_i32 : i32, i32
  }
  func.func @transform_3(%arg0: i32) -> (i32, i32) {
    %c0_i32 = arith.constant 0 : i32
    %c0_i32_0 = arith.constant 0 : i32
    return %arg0, %c0_i32 : i32, i32
  }
  func.func @transform_4(%arg0: i32) -> (i32, i32) {
    %c0_i32 = arith.constant 0 : i32
    %c0_i32_0 = arith.constant 0 : i32
    %c0_i32_1 = arith.constant 0 : i32
    return %c0_i32, %c0_i32_0 : i32, i32
  }
  func.func @transform_5(%arg0: i32) -> (i32, i32) {
    %c0_i32 = arith.constant 0 : i32
    %c0_i32_0 = arith.constant 0 : i32
    return %arg0, %c0_i32 : i32, i32
  }
  func.func @transform_6(%arg0: i32) -> (i32, i32, i32) {
    %c0_i32 = arith.constant 0 : i32
    %c0_i32_0 = arith.constant 0 : i32
    %c0_i32_1 = arith.constant 0 : i32
    return %c0_i32, %arg0, %c0_i32_0 : i32, i32, i32
  }
}

module attributes {stable_mosaic.version = 14 : i64} {
  func.func @_layer_body(%arg0: i32, %arg1: memref<2x1000x128xf32, #tpu.memory_space<vmem>>, %arg2: memref<1000x256xf32, #tpu.memory_space<vmem>>, %arg3: memref<1000x256xf32, #tpu.memory_space<vmem>>, %arg4: memref<1000x1xf32, #tpu.memory_space<vmem>>, %arg5: memref<256x256xf32, #tpu.memory_space<vmem>>, %arg6: memref<1000x256xf32, #tpu.memory_space<vmem>>, %arg7: memref<2x1000x128xf32, #tpu.memory_space<vmem>>) attributes {dimension_semantics = [#tpu.dimension_semantics<arbitrary>], iteration_bounds = array<i64: 10>, scalar_prefetch = 0 : i64, scratch_operands = 0 : i64, tpu.core_type = #tpu.core_type<tc>, window_params = [{transform_indices = @transform_0, window_bounds = array<i64: 2, 1000, 128>}, {transform_indices = @transform_1, window_bounds = array<i64: 1000, 256>}, {transform_indices = @transform_2, window_bounds = array<i64: 1000, 256>}, {transform_indices = @transform_3, window_bounds = array<i64: 1000, 1>}, {pipeline_mode = #tpu.pipeline_mode<synchronous>, transform_indices = @transform_4, window_bounds = array<i64: 256, 256>}, {transform_indices = @transform_5, window_bounds = array<i64: 1000, 256>}, {transform_indices = @transform_6, window_bounds = array<i64: 2, 1000, 128>}]} {
    %get3A = arith.constant 0 : index
    %get3A_0 = arith.constant 0 : index
    %get3A_1 = vector.load %arg4[%get3A, %get3A_0] : memref<1000x1xf32, #tpu.memory_space<vmem>>, vector<1000x1xf32>
    %add3A = arith.constant 1.000000e+00 : f32
    %add3A_2 = vector.broadcast %add3A : f32 to vector<1000x1xf32>
    %add3A_3 = arith.addf %get3A_1, %add3A_2 : vector<1000x1xf32>
    %rsqrt3A = math.rsqrt %add3A_3 : vector<1000x1xf32>
    %get3A_4 = arith.constant 0 : index
    %get3A_5 = arith.constant 0 : index
    %get3A_6 = arith.constant 0 : index
    %get3A_7 = vector.load %arg1[%get3A_4, %get3A_5, %get3A_6] : memref<2x1000x128xf32, #tpu.memory_space<vmem>>, vector<1x1000x128xf32>
    %get3A_8 = vector.shape_cast %get3A_7 : vector<1x1000x128xf32> to vector<1000x128xf32>
    %get3A_9 = arith.constant 1 : index
    %get3A_10 = arith.constant 0 : index
    %get3A_11 = arith.constant 0 : index
    %get3A_12 = vector.load %arg1[%get3A_9, %get3A_10, %get3A_11] : memref<2x1000x128xf32, #tpu.memory_space<vmem>>, vector<1x1000x128xf32>
    %get3A_13 = vector.shape_cast %get3A_12 : vector<1x1000x128xf32> to vector<1000x128xf32>
    %concatenate3A = tpu.concatenate %get3A_8, %get3A_13 in 1 : vector<1000x128xf32>, vector<1000x128xf32> -> vector<1000x256xf32>
    %mul3A = vector.broadcast %rsqrt3A : vector<1000x1xf32> to vector<1000x256xf32>
    %mul3A_14 = arith.mulf %mul3A, %concatenate3A : vector<1000x256xf32>
    %mul3A_15 = arith.mulf %rsqrt3A, %rsqrt3A : vector<1000x1xf32>
    %get3A_16 = arith.constant 0 : index
    %get3A_17 = arith.constant 0 : index
    %get3A_18 = vector.load %arg2[%get3A_16, %get3A_17] : memref<1000x256xf32, #tpu.memory_space<vmem>>, vector<1000x256xf32>
    %mul3A_19 = vector.broadcast %mul3A_15 : vector<1000x1xf32> to vector<1000x256xf32>
    %mul3A_20 = arith.mulf %mul3A_19, %get3A_18 : vector<1000x256xf32>
    %add3A_21 = arith.addf %mul3A_14, %mul3A_20 : vector<1000x256xf32>
    %mul3A_22 = arith.constant 0.899999976 : f32
    %mul3A_23 = vector.broadcast %mul3A_22 : f32 to vector<1000x256xf32>
    %mul3A_24 = arith.mulf %mul3A_23, %add3A_21 : vector<1000x256xf32>
    %get3A_25 = arith.constant 0 : index
    %get3A_26 = arith.constant 0 : index
    %get3A_27 = vector.load %arg3[%get3A_25, %get3A_26] : memref<1000x256xf32, #tpu.memory_space<vmem>>, vector<1000x256xf32>
    %mul3A_28 = arith.constant 1.000000e-01 : f32
    %mul3A_29 = vector.broadcast %mul3A_28 : f32 to vector<1000x256xf32>
    %mul3A_30 = arith.mulf %mul3A_29, %get3A_27 : vector<1000x256xf32>
    %add3A_31 = arith.addf %mul3A_24, %mul3A_30 : vector<1000x256xf32>
    %get3A_32 = arith.constant 0 : index
    %get3A_33 = arith.constant 0 : index
    %get3A_34 = vector.load %arg5[%get3A_32, %get3A_33] : memref<256x256xf32, #tpu.memory_space<vmem>>, vector<256x256xf32>
    %dot_general3A = arith.constant dense<0.000000e+00> : vector<1000x256xf32>
    %dot_general3A_35 = tpu.matmul %add3A_31, %get3A_34, %dot_general3A {dimension_numbers = #tpu.dot_dimension_numbers<[1], [0], [0], [1], [0, 0, 1, 1], [], []>, transpose_lhs_hint = false} : vector<1000x256xf32>, vector<256x256xf32>, vector<1000x256xf32> -> vector<1000x256xf32>
    %mul3A_36 = arith.constant 0.223143548 : f32
    %mul3A_37 = vector.broadcast %mul3A_36 : f32 to vector<1000x256xf32>
    %mul3A_38 = arith.mulf %mul3A_37, %dot_general3A_35 : vector<1000x256xf32>
    %mul3A_39 = arith.constant 0.776856422 : f32
    %mul3A_40 = vector.broadcast %mul3A_39 : f32 to vector<1000x256xf32>
    %mul3A_41 = arith.mulf %mul3A_40, %add3A_31 : vector<1000x256xf32>
    %add3A_42 = arith.addf %mul3A_38, %mul3A_41 : vector<1000x256xf32>
    %max3A = arith.constant 0.000000e+00 : f32
    %max3A_43 = vector.broadcast %max3A : f32 to vector<1000x256xf32>
    %max3A_44 = arith.maximumf %add3A_42, %max3A_43 : vector<1000x256xf32>
    %swap3A = arith.constant 0 : index
    %swap3A_45 = arith.constant 0 : index
    %swap3A_46 = vector.load %arg6[%swap3A, %swap3A_45] : memref<1000x256xf32, #tpu.memory_space<vmem>>, vector<1000x256xf32>
    tpu.vector_store %arg6[%swap3A, %swap3A_45], %max3A_44 {strides = array<i32>} : memref<1000x256xf32, #tpu.memory_space<vmem>>, vector<1000x256xf32>,
    %slice3A = vector.extract_strided_slice %max3A_44 {offsets = [0, 0], sizes = [1000, 128], strides = [1, 1]} : vector<1000x256xf32> to vector<1000x128xf32>
    %mul3A_47 = vector.broadcast %rsqrt3A : vector<1000x1xf32> to vector<1000x128xf32>
    %mul3A_48 = arith.mulf %mul3A_47, %slice3A : vector<1000x128xf32>
    %swap3A_49 = arith.constant 0 : index
    %swap3A_50 = arith.constant 0 : index
    %swap3A_51 = arith.constant 0 : index
    %swap3A_52 = vector.load %arg7[%swap3A_49, %swap3A_50, %swap3A_51] : memref<2x1000x128xf32, #tpu.memory_space<vmem>>, vector<1x1000x128xf32>
    %swap3A_53 = vector.shape_cast %swap3A_52 : vector<1x1000x128xf32> to vector<1000x128xf32>
    %swap3A_54 = vector.shape_cast %mul3A_48 : vector<1000x128xf32> to vector<1x1000x128xf32>
    tpu.vector_store %arg7[%swap3A_49, %swap3A_50, %swap3A_51], %swap3A_54 {strides = array<i32>} : memref<2x1000x128xf32, #tpu.memory_space<vmem>>, vector<1x1000x128xf32>,
    %slice3A_55 = vector.extract_strided_slice %max3A_44 {offsets = [0, 128], sizes = [1000, 128], strides = [1, 1]} : vector<1000x256xf32> to vector<1000x128xf32>
    %mul3A_56 = vector.broadcast %rsqrt3A : vector<1000x1xf32> to vector<1000x128xf32>
    %mul3A_57 = arith.mulf %mul3A_56, %slice3A_55 : vector<1000x128xf32>
    %swap3A_58 = arith.constant 1 : index
    %swap3A_59 = arith.constant 0 : index
    %swap3A_60 = arith.constant 0 : index
    %swap3A_61 = vector.load %arg7[%swap3A_58, %swap3A_59, %swap3A_60] : memref<2x1000x128xf32, #tpu.memory_space<vmem>>, vector<1x1000x128xf32>
    %swap3A_62 = vector.shape_cast %swap3A_61 : vector<1x1000x128xf32> to vector<1000x128xf32>
    %swap3A_63 = vector.shape_cast %mul3A_57 : vector<1000x128xf32> to vector<1x1000x128xf32>
    tpu.vector_store %arg7[%swap3A_58, %swap3A_59, %swap3A_60], %swap3A_63 {strides = array<i32>} : memref<2x1000x128xf32, #tpu.memory_space<vmem>>, vector<1x1000x128xf32>,
    return
  }
  func.func @transform_0(%arg0: i32) -> (i32, i32, i32) {
    %c0_i32 = arith.constant 0 : i32
    %c0_i32_0 = arith.constant 0 : i32
    %c0_i32_1 = arith.constant 0 : i32
    return %c0_i32, %arg0, %c0_i32_0 : i32, i32, i32
  }
  func.func @transform_1(%arg0: i32) -> (i32, i32) {
    %c0_i32 = arith.constant 0 : i32
    %c0_i32_0 = arith.constant 0 : i32
    return %arg0, %c0_i32 : i32, i32
  }
  func.func @transform_2(%arg0: i32) -> (i32, i32) {
    %c0_i32 = arith.constant 0 : i32
    %c0_i32_0 = arith.constant 0 : i32
    return %arg0, %c0_i32 : i32, i32
  }
  func.func @transform_3(%arg0: i32) -> (i32, i32) {
    %c0_i32 = arith.constant 0 : i32
    %c0_i32_0 = arith.constant 0 : i32
    return %arg0, %c0_i32 : i32, i32
  }
  func.func @transform_4(%arg0: i32) -> (i32, i32) {
    %c0_i32 = arith.constant 0 : i32
    %c0_i32_0 = arith.constant 0 : i32
    %c0_i32_1 = arith.constant 0 : i32
    return %c0_i32, %c0_i32_0 : i32, i32
  }
  func.func @transform_5(%arg0: i32) -> (i32, i32) {
    %c0_i32 = arith.constant 0 : i32
    %c0_i32_0 = arith.constant 0 : i32
    return %arg0, %c0_i32 : i32, i32
  }
  func.func @transform_6(%arg0: i32) -> (i32, i32, i32) {
    %c0_i32 = arith.constant 0 : i32
    %c0_i32_0 = arith.constant 0 : i32
    %c0_i32_1 = arith.constant 0 : i32
    return %c0_i32, %arg0, %c0_i32_0 : i32, i32, i32
  }
}

module attributes {stable_mosaic.version = 14 : i64} {
  func.func @_layer_body(%arg0: i32, %arg1: memref<2x1000x128xf32, #tpu.memory_space<vmem>>, %arg2: memref<1000x256xf32, #tpu.memory_space<vmem>>, %arg3: memref<1000x256xf32, #tpu.memory_space<vmem>>, %arg4: memref<1000x1xf32, #tpu.memory_space<vmem>>, %arg5: memref<256x256xf32, #tpu.memory_space<vmem>>, %arg6: memref<1000x256xf32, #tpu.memory_space<vmem>>, %arg7: memref<2x1000x128xf32, #tpu.memory_space<vmem>>) attributes {dimension_semantics = [#tpu.dimension_semantics<arbitrary>], iteration_bounds = array<i64: 10>, scalar_prefetch = 0 : i64, scratch_operands = 0 : i64, tpu.core_type = #tpu.core_type<tc>, window_params = [{transform_indices = @transform_0, window_bounds = array<i64: 2, 1000, 128>}, {transform_indices = @transform_1, window_bounds = array<i64: 1000, 256>}, {transform_indices = @transform_2, window_bounds = array<i64: 1000, 256>}, {transform_indices = @transform_3, window_bounds = array<i64: 1000, 1>}, {pipeline_mode = #tpu.pipeline_mode<synchronous>, transform_indices = @transform_4, window_bounds = array<i64: 256, 256>}, {transform_indices = @transform_5, window_bounds = array<i64: 1000, 256>}, {transform_indices = @transform_6, window_bounds = array<i64: 2, 1000, 128>}]} {
    %get3A = arith.constant 0 : index
    %get3A_0 = arith.constant 0 : index
    %get3A_1 = vector.load %arg4[%get3A, %get3A_0] : memref<1000x1xf32, #tpu.memory_space<vmem>>, vector<1000x1xf32>
    %add3A = arith.constant 1.000000e+00 : f32
    %add3A_2 = vector.broadcast %add3A : f32 to vector<1000x1xf32>
    %add3A_3 = arith.addf %get3A_1, %add3A_2 : vector<1000x1xf32>
    %rsqrt3A = math.rsqrt %add3A_3 : vector<1000x1xf32>
    %get3A_4 = arith.constant 0 : index
    %get3A_5 = arith.constant 0 : index
    %get3A_6 = arith.constant 0 : index
    %get3A_7 = vector.load %arg1[%get3A_4, %get3A_5, %get3A_6] : memref<2x1000x128xf32, #tpu.memory_space<vmem>>, vector<1x1000x128xf32>
    %get3A_8 = vector.shape_cast %get3A_7 : vector<1x1000x128xf32> to vector<1000x128xf32>
    %get3A_9 = arith.constant 1 : index
    %get3A_10 = arith.constant 0 : index
    %get3A_11 = arith.constant 0 : index
    %get3A_12 = vector.load %arg1[%get3A_9, %get3A_10, %get3A_11] : memref<2x1000x128xf32, #tpu.memory_space<vmem>>, vector<1x1000x128xf32>
    %get3A_13 = vector.shape_cast %get3A_12 : vector<1x1000x128xf32> to vector<1000x128xf32>
    %concatenate3A = tpu.concatenate %get3A_8, %get3A_13 in 1 : vector<1000x128xf32>, vector<1000x128xf32> -> vector<1000x256xf32>
    %mul3A = vector.broadcast %rsqrt3A : vector<1000x1xf32> to vector<1000x256xf32>
    %mul3A_14 = arith.mulf %mul3A, %concatenate3A : vector<1000x256xf32>
    %mul3A_15 = arith.mulf %rsqrt3A, %rsqrt3A : vector<1000x1xf32>
    %get3A_16 = arith.constant 0 : index
    %get3A_17 = arith.constant 0 : index
    %get3A_18 = vector.load %arg2[%get3A_16, %get3A_17] : memref<1000x256xf32, #tpu.memory_space<vmem>>, vector<1000x256xf32>
    %mul3A_19 = vector.broadcast %mul3A_15 : vector<1000x1xf32> to vector<1000x256xf32>
    %mul3A_20 = arith.mulf %mul3A_19, %get3A_18 : vector<1000x256xf32>
    %add3A_21 = arith.addf %mul3A_14, %mul3A_20 : vector<1000x256xf32>
    %mul3A_22 = arith.constant 0.899999976 : f32
    %mul3A_23 = vector.broadcast %mul3A_22 : f32 to vector<1000x256xf32>
    %mul3A_24 = arith.mulf %mul3A_23, %add3A_21 : vector<1000x256xf32>
    %get3A_25 = arith.constant 0 : index
    %get3A_26 = arith.constant 0 : index
    %get3A_27 = vector.load %arg3[%get3A_25, %get3A_26] : memref<1000x256xf32, #tpu.memory_space<vmem>>, vector<1000x256xf32>
    %mul3A_28 = arith.constant 1.000000e-01 : f32
    %mul3A_29 = vector.broadcast %mul3A_28 : f32 to vector<1000x256xf32>
    %mul3A_30 = arith.mulf %mul3A_29, %get3A_27 : vector<1000x256xf32>
    %add3A_31 = arith.addf %mul3A_24, %mul3A_30 : vector<1000x256xf32>
    %get3A_32 = arith.constant 0 : index
    %get3A_33 = arith.constant 0 : index
    %get3A_34 = vector.load %arg5[%get3A_32, %get3A_33] : memref<256x256xf32, #tpu.memory_space<vmem>>, vector<256x256xf32>
    %dot_general3A = arith.constant dense<0.000000e+00> : vector<1000x256xf32>
    %dot_general3A_35 = tpu.matmul %add3A_31, %get3A_34, %dot_general3A {dimension_numbers = #tpu.dot_dimension_numbers<[1], [0], [0], [1], [0, 0, 1, 1], [], []>, transpose_lhs_hint = false} : vector<1000x256xf32>, vector<256x256xf32>, vector<1000x256xf32> -> vector<1000x256xf32>
    %mul3A_36 = arith.constant 0.15415068 : f32
    %mul3A_37 = vector.broadcast %mul3A_36 : f32 to vector<1000x256xf32>
    %mul3A_38 = arith.mulf %mul3A_37, %dot_general3A_35 : vector<1000x256xf32>
    %mul3A_39 = arith.constant 0.845849335 : f32
    %mul3A_40 = vector.broadcast %mul3A_39 : f32 to vector<1000x256xf32>
    %mul3A_41 = arith.mulf %mul3A_40, %add3A_31 : vector<1000x256xf32>
    %add3A_42 = arith.addf %mul3A_38, %mul3A_41 : vector<1000x256xf32>
    %max3A = arith.constant 0.000000e+00 : f32
    %max3A_43 = vector.broadcast %max3A : f32 to vector<1000x256xf32>
    %max3A_44 = arith.maximumf %add3A_42, %max3A_43 : vector<1000x256xf32>
    %swap3A = arith.constant 0 : index
    %swap3A_45 = arith.constant 0 : index
    %swap3A_46 = vector.load %arg6[%swap3A, %swap3A_45] : memref<1000x256xf32, #tpu.memory_space<vmem>>, vector<1000x256xf32>
    tpu.vector_store %arg6[%swap3A, %swap3A_45], %max3A_44 {strides = array<i32>} : memref<1000x256xf32, #tpu.memory_space<vmem>>, vector<1000x256xf32>,
    %slice3A = vector.extract_strided_slice %max3A_44 {offsets = [0, 0], sizes = [1000, 128], strides = [1, 1]} : vector<1000x256xf32> to vector<1000x128xf32>
    %mul3A_47 = vector.broadcast %rsqrt3A : vector<1000x1xf32> to vector<1000x128xf32>
    %mul3A_48 = arith.mulf %mul3A_47, %slice3A : vector<1000x128xf32>
    %swap3A_49 = arith.constant 0 : index
    %swap3A_50 = arith.constant 0 : index
    %swap3A_51 = arith.constant 0 : index
    %swap3A_52 = vector.load %arg7[%swap3A_49, %swap3A_50, %swap3A_51] : memref<2x1000x128xf32, #tpu.memory_space<vmem>>, vector<1x1000x128xf32>
    %swap3A_53 = vector.shape_cast %swap3A_52 : vector<1x1000x128xf32> to vector<1000x128xf32>
    %swap3A_54 = vector.shape_cast %mul3A_48 : vector<1000x128xf32> to vector<1x1000x128xf32>
    tpu.vector_store %arg7[%swap3A_49, %swap3A_50, %swap3A_51], %swap3A_54 {strides = array<i32>} : memref<2x1000x128xf32, #tpu.memory_space<vmem>>, vector<1x1000x128xf32>,
    %slice3A_55 = vector.extract_strided_slice %max3A_44 {offsets = [0, 128], sizes = [1000, 128], strides = [1, 1]} : vector<1000x256xf32> to vector<1000x128xf32>
    %mul3A_56 = vector.broadcast %rsqrt3A : vector<1000x1xf32> to vector<1000x128xf32>
    %mul3A_57 = arith.mulf %mul3A_56, %slice3A_55 : vector<1000x128xf32>
    %swap3A_58 = arith.constant 1 : index
    %swap3A_59 = arith.constant 0 : index
    %swap3A_60 = arith.constant 0 : index
    %swap3A_61 = vector.load %arg7[%swap3A_58, %swap3A_59, %swap3A_60] : memref<2x1000x128xf32, #tpu.memory_space<vmem>>, vector<1x1000x128xf32>
    %swap3A_62 = vector.shape_cast %swap3A_61 : vector<1x1000x128xf32> to vector<1000x128xf32>
    %swap3A_63 = vector.shape_cast %mul3A_57 : vector<1000x128xf32> to vector<1x1000x128xf32>
    tpu.vector_store %arg7[%swap3A_58, %swap3A_59, %swap3A_60], %swap3A_63 {strides = array<i32>} : memref<2x1000x128xf32, #tpu.memory_space<vmem>>, vector<1x1000x128xf32>,
    return
  }
  func.func @transform_0(%arg0: i32) -> (i32, i32, i32) {
    %c0_i32 = arith.constant 0 : i32
    %c0_i32_0 = arith.constant 0 : i32
    %c0_i32_1 = arith.constant 0 : i32
    return %c0_i32, %arg0, %c0_i32_0 : i32, i32, i32
  }
  func.func @transform_1(%arg0: i32) -> (i32, i32) {
    %c0_i32 = arith.constant 0 : i32
    %c0_i32_0 = arith.constant 0 : i32
    return %arg0, %c0_i32 : i32, i32
  }
  func.func @transform_2(%arg0: i32) -> (i32, i32) {
    %c0_i32 = arith.constant 0 : i32
    %c0_i32_0 = arith.constant 0 : i32
    return %arg0, %c0_i32 : i32, i32
  }
  func.func @transform_3(%arg0: i32) -> (i32, i32) {
    %c0_i32 = arith.constant 0 : i32
    %c0_i32_0 = arith.constant 0 : i32
    return %arg0, %c0_i32 : i32, i32
  }
  func.func @transform_4(%arg0: i32) -> (i32, i32) {
    %c0_i32 = arith.constant 0 : i32
    %c0_i32_0 = arith.constant 0 : i32
    %c0_i32_1 = arith.constant 0 : i32
    return %c0_i32, %c0_i32_0 : i32, i32
  }
  func.func @transform_5(%arg0: i32) -> (i32, i32) {
    %c0_i32 = arith.constant 0 : i32
    %c0_i32_0 = arith.constant 0 : i32
    return %arg0, %c0_i32 : i32, i32
  }
  func.func @transform_6(%arg0: i32) -> (i32, i32, i32) {
    %c0_i32 = arith.constant 0 : i32
    %c0_i32_0 = arith.constant 0 : i32
    %c0_i32_1 = arith.constant 0 : i32
    return %c0_i32, %arg0, %c0_i32_0 : i32, i32, i32
  }
}

module attributes {stable_mosaic.version = 14 : i64} {
  func.func @_layer_body(%arg0: i32, %arg1: memref<2x1000x128xf32, #tpu.memory_space<vmem>>, %arg2: memref<1000x256xf32, #tpu.memory_space<vmem>>, %arg3: memref<1000x256xf32, #tpu.memory_space<vmem>>, %arg4: memref<1000x1xf32, #tpu.memory_space<vmem>>, %arg5: memref<256x256xf32, #tpu.memory_space<vmem>>, %arg6: memref<1000x256xf32, #tpu.memory_space<vmem>>, %arg7: memref<2x1000x128xf32, #tpu.memory_space<vmem>>) attributes {dimension_semantics = [#tpu.dimension_semantics<arbitrary>], iteration_bounds = array<i64: 10>, scalar_prefetch = 0 : i64, scratch_operands = 0 : i64, tpu.core_type = #tpu.core_type<tc>, window_params = [{transform_indices = @transform_0, window_bounds = array<i64: 2, 1000, 128>}, {transform_indices = @transform_1, window_bounds = array<i64: 1000, 256>}, {transform_indices = @transform_2, window_bounds = array<i64: 1000, 256>}, {transform_indices = @transform_3, window_bounds = array<i64: 1000, 1>}, {pipeline_mode = #tpu.pipeline_mode<synchronous>, transform_indices = @transform_4, window_bounds = array<i64: 256, 256>}, {transform_indices = @transform_5, window_bounds = array<i64: 1000, 256>}, {transform_indices = @transform_6, window_bounds = array<i64: 2, 1000, 128>}]} {
    %get3A = arith.constant 0 : index
    %get3A_0 = arith.constant 0 : index
    %get3A_1 = vector.load %arg4[%get3A, %get3A_0] : memref<1000x1xf32, #tpu.memory_space<vmem>>, vector<1000x1xf32>
    %add3A = arith.constant 1.000000e+00 : f32
    %add3A_2 = vector.broadcast %add3A : f32 to vector<1000x1xf32>
    %add3A_3 = arith.addf %get3A_1, %add3A_2 : vector<1000x1xf32>
    %rsqrt3A = math.rsqrt %add3A_3 : vector<1000x1xf32>
    %get3A_4 = arith.constant 0 : index
    %get3A_5 = arith.constant 0 : index
    %get3A_6 = arith.constant 0 : index
    %get3A_7 = vector.load %arg1[%get3A_4, %get3A_5, %get3A_6] : memref<2x1000x128xf32, #tpu.memory_space<vmem>>, vector<1x1000x128xf32>
    %get3A_8 = vector.shape_cast %get3A_7 : vector<1x1000x128xf32> to vector<1000x128xf32>
    %get3A_9 = arith.constant 1 : index
    %get3A_10 = arith.constant 0 : index
    %get3A_11 = arith.constant 0 : index
    %get3A_12 = vector.load %arg1[%get3A_9, %get3A_10, %get3A_11] : memref<2x1000x128xf32, #tpu.memory_space<vmem>>, vector<1x1000x128xf32>
    %get3A_13 = vector.shape_cast %get3A_12 : vector<1x1000x128xf32> to vector<1000x128xf32>
    %concatenate3A = tpu.concatenate %get3A_8, %get3A_13 in 1 : vector<1000x128xf32>, vector<1000x128xf32> -> vector<1000x256xf32>
    %mul3A = vector.broadcast %rsqrt3A : vector<1000x1xf32> to vector<1000x256xf32>
    %mul3A_14 = arith.mulf %mul3A, %concatenate3A : vector<1000x256xf32>
    %mul3A_15 = arith.mulf %rsqrt3A, %rsqrt3A : vector<1000x1xf32>
    %get3A_16 = arith.constant 0 : index
    %get3A_17 = arith.constant 0 : index
    %get3A_18 = vector.load %arg2[%get3A_16, %get3A_17] : memref<1000x256xf32, #tpu.memory_space<vmem>>, vector<1000x256xf32>
    %mul3A_19 = vector.broadcast %mul3A_15 : vector<1000x1xf32> to vector<1000x256xf32>
    %mul3A_20 = arith.mulf %mul3A_19, %get3A_18 : vector<1000x256xf32>
    %add3A_21 = arith.addf %mul3A_14, %mul3A_20 : vector<1000x256xf32>
    %mul3A_22 = arith.constant 0.899999976 : f32
    %mul3A_23 = vector.broadcast %mul3A_22 : f32 to vector<1000x256xf32>
    %mul3A_24 = arith.mulf %mul3A_23, %add3A_21 : vector<1000x256xf32>
    %get3A_25 = arith.constant 0 : index
    %get3A_26 = arith.constant 0 : index
    %get3A_27 = vector.load %arg3[%get3A_25, %get3A_26] : memref<1000x256xf32, #tpu.memory_space<vmem>>, vector<1000x256xf32>
    %mul3A_28 = arith.constant 1.000000e-01 : f32
    %mul3A_29 = vector.broadcast %mul3A_28 : f32 to vector<1000x256xf32>
    %mul3A_30 = arith.mulf %mul3A_29, %get3A_27 : vector<1000x256xf32>
    %add3A_31 = arith.addf %mul3A_24, %mul3A_30 : vector<1000x256xf32>
    %get3A_32 = arith.constant 0 : index
    %get3A_33 = arith.constant 0 : index
    %get3A_34 = vector.load %arg5[%get3A_32, %get3A_33] : memref<256x256xf32, #tpu.memory_space<vmem>>, vector<256x256xf32>
    %dot_general3A = arith.constant dense<0.000000e+00> : vector<1000x256xf32>
    %dot_general3A_35 = tpu.matmul %add3A_31, %get3A_34, %dot_general3A {dimension_numbers = #tpu.dot_dimension_numbers<[1], [0], [0], [1], [0, 0, 1, 1], [], []>, transpose_lhs_hint = false} : vector<1000x256xf32>, vector<256x256xf32>, vector<1000x256xf32> -> vector<1000x256xf32>
    %mul3A_36 = arith.constant 0.117783032 : f32
    %mul3A_37 = vector.broadcast %mul3A_36 : f32 to vector<1000x256xf32>
    %mul3A_38 = arith.mulf %mul3A_37, %dot_general3A_35 : vector<1000x256xf32>
    %mul3A_39 = arith.constant 0.882216989 : f32
    %mul3A_40 = vector.broadcast %mul3A_39 : f32 to vector<1000x256xf32>
    %mul3A_41 = arith.mulf %mul3A_40, %add3A_31 : vector<1000x256xf32>
    %add3A_42 = arith.addf %mul3A_38, %mul3A_41 : vector<1000x256xf32>
    %max3A = arith.constant 0.000000e+00 : f32
    %max3A_43 = vector.broadcast %max3A : f32 to vector<1000x256xf32>
    %max3A_44 = arith.maximumf %add3A_42, %max3A_43 : vector<1000x256xf32>
    %swap3A = arith.constant 0 : index
    %swap3A_45 = arith.constant 0 : index
    %swap3A_46 = vector.load %arg6[%swap3A, %swap3A_45] : memref<1000x256xf32, #tpu.memory_space<vmem>>, vector<1000x256xf32>
    tpu.vector_store %arg6[%swap3A, %swap3A_45], %max3A_44 {strides = array<i32>} : memref<1000x256xf32, #tpu.memory_space<vmem>>, vector<1000x256xf32>,
    %slice3A = vector.extract_strided_slice %max3A_44 {offsets = [0, 0], sizes = [1000, 128], strides = [1, 1]} : vector<1000x256xf32> to vector<1000x128xf32>
    %mul3A_47 = vector.broadcast %rsqrt3A : vector<1000x1xf32> to vector<1000x128xf32>
    %mul3A_48 = arith.mulf %mul3A_47, %slice3A : vector<1000x128xf32>
    %swap3A_49 = arith.constant 0 : index
    %swap3A_50 = arith.constant 0 : index
    %swap3A_51 = arith.constant 0 : index
    %swap3A_52 = vector.load %arg7[%swap3A_49, %swap3A_50, %swap3A_51] : memref<2x1000x128xf32, #tpu.memory_space<vmem>>, vector<1x1000x128xf32>
    %swap3A_53 = vector.shape_cast %swap3A_52 : vector<1x1000x128xf32> to vector<1000x128xf32>
    %swap3A_54 = vector.shape_cast %mul3A_48 : vector<1000x128xf32> to vector<1x1000x128xf32>
    tpu.vector_store %arg7[%swap3A_49, %swap3A_50, %swap3A_51], %swap3A_54 {strides = array<i32>} : memref<2x1000x128xf32, #tpu.memory_space<vmem>>, vector<1x1000x128xf32>,
    %slice3A_55 = vector.extract_strided_slice %max3A_44 {offsets = [0, 128], sizes = [1000, 128], strides = [1, 1]} : vector<1000x256xf32> to vector<1000x128xf32>
    %mul3A_56 = vector.broadcast %rsqrt3A : vector<1000x1xf32> to vector<1000x128xf32>
    %mul3A_57 = arith.mulf %mul3A_56, %slice3A_55 : vector<1000x128xf32>
    %swap3A_58 = arith.constant 1 : index
    %swap3A_59 = arith.constant 0 : index
    %swap3A_60 = arith.constant 0 : index
    %swap3A_61 = vector.load %arg7[%swap3A_58, %swap3A_59, %swap3A_60] : memref<2x1000x128xf32, #tpu.memory_space<vmem>>, vector<1x1000x128xf32>
    %swap3A_62 = vector.shape_cast %swap3A_61 : vector<1x1000x128xf32> to vector<1000x128xf32>
    %swap3A_63 = vector.shape_cast %mul3A_57 : vector<1000x128xf32> to vector<1x1000x128xf32>
    tpu.vector_store %arg7[%swap3A_58, %swap3A_59, %swap3A_60], %swap3A_63 {strides = array<i32>} : memref<2x1000x128xf32, #tpu.memory_space<vmem>>, vector<1x1000x128xf32>,
    return
  }
  func.func @transform_0(%arg0: i32) -> (i32, i32, i32) {
    %c0_i32 = arith.constant 0 : i32
    %c0_i32_0 = arith.constant 0 : i32
    %c0_i32_1 = arith.constant 0 : i32
    return %c0_i32, %arg0, %c0_i32_0 : i32, i32, i32
  }
  func.func @transform_1(%arg0: i32) -> (i32, i32) {
    %c0_i32 = arith.constant 0 : i32
    %c0_i32_0 = arith.constant 0 : i32
    return %arg0, %c0_i32 : i32, i32
  }
  func.func @transform_2(%arg0: i32) -> (i32, i32) {
    %c0_i32 = arith.constant 0 : i32
    %c0_i32_0 = arith.constant 0 : i32
    return %arg0, %c0_i32 : i32, i32
  }
  func.func @transform_3(%arg0: i32) -> (i32, i32) {
    %c0_i32 = arith.constant 0 : i32
    %c0_i32_0 = arith.constant 0 : i32
    return %arg0, %c0_i32 : i32, i32
  }
  func.func @transform_4(%arg0: i32) -> (i32, i32) {
    %c0_i32 = arith.constant 0 : i32
    %c0_i32_0 = arith.constant 0 : i32
    %c0_i32_1 = arith.constant 0 : i32
    return %c0_i32, %c0_i32_0 : i32, i32
  }
  func.func @transform_5(%arg0: i32) -> (i32, i32) {
    %c0_i32 = arith.constant 0 : i32
    %c0_i32_0 = arith.constant 0 : i32
    return %arg0, %c0_i32 : i32, i32
  }
  func.func @transform_6(%arg0: i32) -> (i32, i32, i32) {
    %c0_i32 = arith.constant 0 : i32
    %c0_i32_0 = arith.constant 0 : i32
    %c0_i32_1 = arith.constant 0 : i32
    return %c0_i32, %arg0, %c0_i32_0 : i32, i32, i32
  }
}

module attributes {stable_mosaic.version = 14 : i64} {
  func.func @_layer_body(%arg0: i32, %arg1: memref<2x1000x128xf32, #tpu.memory_space<vmem>>, %arg2: memref<1000x256xf32, #tpu.memory_space<vmem>>, %arg3: memref<1000x256xf32, #tpu.memory_space<vmem>>, %arg4: memref<1000x1xf32, #tpu.memory_space<vmem>>, %arg5: memref<256x256xf32, #tpu.memory_space<vmem>>, %arg6: memref<1000x256xf32, #tpu.memory_space<vmem>>, %arg7: memref<2x1000x128xf32, #tpu.memory_space<vmem>>) attributes {dimension_semantics = [#tpu.dimension_semantics<arbitrary>], iteration_bounds = array<i64: 10>, scalar_prefetch = 0 : i64, scratch_operands = 0 : i64, tpu.core_type = #tpu.core_type<tc>, window_params = [{transform_indices = @transform_0, window_bounds = array<i64: 2, 1000, 128>}, {transform_indices = @transform_1, window_bounds = array<i64: 1000, 256>}, {transform_indices = @transform_2, window_bounds = array<i64: 1000, 256>}, {transform_indices = @transform_3, window_bounds = array<i64: 1000, 1>}, {pipeline_mode = #tpu.pipeline_mode<synchronous>, transform_indices = @transform_4, window_bounds = array<i64: 256, 256>}, {transform_indices = @transform_5, window_bounds = array<i64: 1000, 256>}, {transform_indices = @transform_6, window_bounds = array<i64: 2, 1000, 128>}]} {
    %get3A = arith.constant 0 : index
    %get3A_0 = arith.constant 0 : index
    %get3A_1 = vector.load %arg4[%get3A, %get3A_0] : memref<1000x1xf32, #tpu.memory_space<vmem>>, vector<1000x1xf32>
    %add3A = arith.constant 1.000000e+00 : f32
    %add3A_2 = vector.broadcast %add3A : f32 to vector<1000x1xf32>
    %add3A_3 = arith.addf %get3A_1, %add3A_2 : vector<1000x1xf32>
    %rsqrt3A = math.rsqrt %add3A_3 : vector<1000x1xf32>
    %get3A_4 = arith.constant 0 : index
    %get3A_5 = arith.constant 0 : index
    %get3A_6 = arith.constant 0 : index
    %get3A_7 = vector.load %arg1[%get3A_4, %get3A_5, %get3A_6] : memref<2x1000x128xf32, #tpu.memory_space<vmem>>, vector<1x1000x128xf32>
    %get3A_8 = vector.shape_cast %get3A_7 : vector<1x1000x128xf32> to vector<1000x128xf32>
    %get3A_9 = arith.constant 1 : index
    %get3A_10 = arith.constant 0 : index
    %get3A_11 = arith.constant 0 : index
    %get3A_12 = vector.load %arg1[%get3A_9, %get3A_10, %get3A_11] : memref<2x1000x128xf32, #tpu.memory_space<vmem>>, vector<1x1000x128xf32>
    %get3A_13 = vector.shape_cast %get3A_12 : vector<1x1000x128xf32> to vector<1000x128xf32>
    %concatenate3A = tpu.concatenate %get3A_8, %get3A_13 in 1 : vector<1000x128xf32>, vector<1000x128xf32> -> vector<1000x256xf32>
    %mul3A = vector.broadcast %rsqrt3A : vector<1000x1xf32> to vector<1000x256xf32>
    %mul3A_14 = arith.mulf %mul3A, %concatenate3A : vector<1000x256xf32>
    %mul3A_15 = arith.mulf %rsqrt3A, %rsqrt3A : vector<1000x1xf32>
    %get3A_16 = arith.constant 0 : index
    %get3A_17 = arith.constant 0 : index
    %get3A_18 = vector.load %arg2[%get3A_16, %get3A_17] : memref<1000x256xf32, #tpu.memory_space<vmem>>, vector<1000x256xf32>
    %mul3A_19 = vector.broadcast %mul3A_15 : vector<1000x1xf32> to vector<1000x256xf32>
    %mul3A_20 = arith.mulf %mul3A_19, %get3A_18 : vector<1000x256xf32>
    %add3A_21 = arith.addf %mul3A_14, %mul3A_20 : vector<1000x256xf32>
    %mul3A_22 = arith.constant 0.899999976 : f32
    %mul3A_23 = vector.broadcast %mul3A_22 : f32 to vector<1000x256xf32>
    %mul3A_24 = arith.mulf %mul3A_23, %add3A_21 : vector<1000x256xf32>
    %get3A_25 = arith.constant 0 : index
    %get3A_26 = arith.constant 0 : index
    %get3A_27 = vector.load %arg3[%get3A_25, %get3A_26] : memref<1000x256xf32, #tpu.memory_space<vmem>>, vector<1000x256xf32>
    %mul3A_28 = arith.constant 1.000000e-01 : f32
    %mul3A_29 = vector.broadcast %mul3A_28 : f32 to vector<1000x256xf32>
    %mul3A_30 = arith.mulf %mul3A_29, %get3A_27 : vector<1000x256xf32>
    %add3A_31 = arith.addf %mul3A_24, %mul3A_30 : vector<1000x256xf32>
    %get3A_32 = arith.constant 0 : index
    %get3A_33 = arith.constant 0 : index
    %get3A_34 = vector.load %arg5[%get3A_32, %get3A_33] : memref<256x256xf32, #tpu.memory_space<vmem>>, vector<256x256xf32>
    %dot_general3A = arith.constant dense<0.000000e+00> : vector<1000x256xf32>
    %dot_general3A_35 = tpu.matmul %add3A_31, %get3A_34, %dot_general3A {dimension_numbers = #tpu.dot_dimension_numbers<[1], [0], [0], [1], [0, 0, 1, 1], [], []>, transpose_lhs_hint = false} : vector<1000x256xf32>, vector<256x256xf32>, vector<1000x256xf32> -> vector<1000x256xf32>
    %mul3A_36 = arith.constant 0.0953101813 : f32
    %mul3A_37 = vector.broadcast %mul3A_36 : f32 to vector<1000x256xf32>
    %mul3A_38 = arith.mulf %mul3A_37, %dot_general3A_35 : vector<1000x256xf32>
    %mul3A_39 = arith.constant 0.904689848 : f32
    %mul3A_40 = vector.broadcast %mul3A_39 : f32 to vector<1000x256xf32>
    %mul3A_41 = arith.mulf %mul3A_40, %add3A_31 : vector<1000x256xf32>
    %add3A_42 = arith.addf %mul3A_38, %mul3A_41 : vector<1000x256xf32>
    %max3A = arith.constant 0.000000e+00 : f32
    %max3A_43 = vector.broadcast %max3A : f32 to vector<1000x256xf32>
    %max3A_44 = arith.maximumf %add3A_42, %max3A_43 : vector<1000x256xf32>
    %swap3A = arith.constant 0 : index
    %swap3A_45 = arith.constant 0 : index
    %swap3A_46 = vector.load %arg6[%swap3A, %swap3A_45] : memref<1000x256xf32, #tpu.memory_space<vmem>>, vector<1000x256xf32>
    tpu.vector_store %arg6[%swap3A, %swap3A_45], %max3A_44 {strides = array<i32>} : memref<1000x256xf32, #tpu.memory_space<vmem>>, vector<1000x256xf32>,
    %slice3A = vector.extract_strided_slice %max3A_44 {offsets = [0, 0], sizes = [1000, 128], strides = [1, 1]} : vector<1000x256xf32> to vector<1000x128xf32>
    %mul3A_47 = vector.broadcast %rsqrt3A : vector<1000x1xf32> to vector<1000x128xf32>
    %mul3A_48 = arith.mulf %mul3A_47, %slice3A : vector<1000x128xf32>
    %swap3A_49 = arith.constant 0 : index
    %swap3A_50 = arith.constant 0 : index
    %swap3A_51 = arith.constant 0 : index
    %swap3A_52 = vector.load %arg7[%swap3A_49, %swap3A_50, %swap3A_51] : memref<2x1000x128xf32, #tpu.memory_space<vmem>>, vector<1x1000x128xf32>
    %swap3A_53 = vector.shape_cast %swap3A_52 : vector<1x1000x128xf32> to vector<1000x128xf32>
    %swap3A_54 = vector.shape_cast %mul3A_48 : vector<1000x128xf32> to vector<1x1000x128xf32>
    tpu.vector_store %arg7[%swap3A_49, %swap3A_50, %swap3A_51], %swap3A_54 {strides = array<i32>} : memref<2x1000x128xf32, #tpu.memory_space<vmem>>, vector<1x1000x128xf32>,
    %slice3A_55 = vector.extract_strided_slice %max3A_44 {offsets = [0, 128], sizes = [1000, 128], strides = [1, 1]} : vector<1000x256xf32> to vector<1000x128xf32>
    %mul3A_56 = vector.broadcast %rsqrt3A : vector<1000x1xf32> to vector<1000x128xf32>
    %mul3A_57 = arith.mulf %mul3A_56, %slice3A_55 : vector<1000x128xf32>
    %swap3A_58 = arith.constant 1 : index
    %swap3A_59 = arith.constant 0 : index
    %swap3A_60 = arith.constant 0 : index
    %swap3A_61 = vector.load %arg7[%swap3A_58, %swap3A_59, %swap3A_60] : memref<2x1000x128xf32, #tpu.memory_space<vmem>>, vector<1x1000x128xf32>
    %swap3A_62 = vector.shape_cast %swap3A_61 : vector<1x1000x128xf32> to vector<1000x128xf32>
    %swap3A_63 = vector.shape_cast %mul3A_57 : vector<1000x128xf32> to vector<1x1000x128xf32>
    tpu.vector_store %arg7[%swap3A_58, %swap3A_59, %swap3A_60], %swap3A_63 {strides = array<i32>} : memref<2x1000x128xf32, #tpu.memory_space<vmem>>, vector<1x1000x128xf32>,
    return
  }
  func.func @transform_0(%arg0: i32) -> (i32, i32, i32) {
    %c0_i32 = arith.constant 0 : i32
    %c0_i32_0 = arith.constant 0 : i32
    %c0_i32_1 = arith.constant 0 : i32
    return %c0_i32, %arg0, %c0_i32_0 : i32, i32, i32
  }
  func.func @transform_1(%arg0: i32) -> (i32, i32) {
    %c0_i32 = arith.constant 0 : i32
    %c0_i32_0 = arith.constant 0 : i32
    return %arg0, %c0_i32 : i32, i32
  }
  func.func @transform_2(%arg0: i32) -> (i32, i32) {
    %c0_i32 = arith.constant 0 : i32
    %c0_i32_0 = arith.constant 0 : i32
    return %arg0, %c0_i32 : i32, i32
  }
  func.func @transform_3(%arg0: i32) -> (i32, i32) {
    %c0_i32 = arith.constant 0 : i32
    %c0_i32_0 = arith.constant 0 : i32
    return %arg0, %c0_i32 : i32, i32
  }
  func.func @transform_4(%arg0: i32) -> (i32, i32) {
    %c0_i32 = arith.constant 0 : i32
    %c0_i32_0 = arith.constant 0 : i32
    %c0_i32_1 = arith.constant 0 : i32
    return %c0_i32, %c0_i32_0 : i32, i32
  }
  func.func @transform_5(%arg0: i32) -> (i32, i32) {
    %c0_i32 = arith.constant 0 : i32
    %c0_i32_0 = arith.constant 0 : i32
    return %arg0, %c0_i32 : i32, i32
  }
  func.func @transform_6(%arg0: i32) -> (i32, i32, i32) {
    %c0_i32 = arith.constant 0 : i32
    %c0_i32_0 = arith.constant 0 : i32
    %c0_i32_1 = arith.constant 0 : i32
    return %c0_i32, %arg0, %c0_i32_0 : i32, i32, i32
  }
}

module attributes {stable_mosaic.version = 14 : i64} {
  func.func @_layer_body(%arg0: i32, %arg1: memref<2x1000x128xf32, #tpu.memory_space<vmem>>, %arg2: memref<1000x256xf32, #tpu.memory_space<vmem>>, %arg3: memref<1000x256xf32, #tpu.memory_space<vmem>>, %arg4: memref<1000x1xf32, #tpu.memory_space<vmem>>, %arg5: memref<256x256xf32, #tpu.memory_space<vmem>>, %arg6: memref<1000x256xf32, #tpu.memory_space<vmem>>, %arg7: memref<2x1000x128xf32, #tpu.memory_space<vmem>>) attributes {dimension_semantics = [#tpu.dimension_semantics<arbitrary>], iteration_bounds = array<i64: 10>, scalar_prefetch = 0 : i64, scratch_operands = 0 : i64, tpu.core_type = #tpu.core_type<tc>, window_params = [{transform_indices = @transform_0, window_bounds = array<i64: 2, 1000, 128>}, {transform_indices = @transform_1, window_bounds = array<i64: 1000, 256>}, {transform_indices = @transform_2, window_bounds = array<i64: 1000, 256>}, {transform_indices = @transform_3, window_bounds = array<i64: 1000, 1>}, {pipeline_mode = #tpu.pipeline_mode<synchronous>, transform_indices = @transform_4, window_bounds = array<i64: 256, 256>}, {transform_indices = @transform_5, window_bounds = array<i64: 1000, 256>}, {transform_indices = @transform_6, window_bounds = array<i64: 2, 1000, 128>}]} {
    %get3A = arith.constant 0 : index
    %get3A_0 = arith.constant 0 : index
    %get3A_1 = vector.load %arg4[%get3A, %get3A_0] : memref<1000x1xf32, #tpu.memory_space<vmem>>, vector<1000x1xf32>
    %add3A = arith.constant 1.000000e+00 : f32
    %add3A_2 = vector.broadcast %add3A : f32 to vector<1000x1xf32>
    %add3A_3 = arith.addf %get3A_1, %add3A_2 : vector<1000x1xf32>
    %rsqrt3A = math.rsqrt %add3A_3 : vector<1000x1xf32>
    %get3A_4 = arith.constant 0 : index
    %get3A_5 = arith.constant 0 : index
    %get3A_6 = arith.constant 0 : index
    %get3A_7 = vector.load %arg1[%get3A_4, %get3A_5, %get3A_6] : memref<2x1000x128xf32, #tpu.memory_space<vmem>>, vector<1x1000x128xf32>
    %get3A_8 = vector.shape_cast %get3A_7 : vector<1x1000x128xf32> to vector<1000x128xf32>
    %get3A_9 = arith.constant 1 : index
    %get3A_10 = arith.constant 0 : index
    %get3A_11 = arith.constant 0 : index
    %get3A_12 = vector.load %arg1[%get3A_9, %get3A_10, %get3A_11] : memref<2x1000x128xf32, #tpu.memory_space<vmem>>, vector<1x1000x128xf32>
    %get3A_13 = vector.shape_cast %get3A_12 : vector<1x1000x128xf32> to vector<1000x128xf32>
    %concatenate3A = tpu.concatenate %get3A_8, %get3A_13 in 1 : vector<1000x128xf32>, vector<1000x128xf32> -> vector<1000x256xf32>
    %mul3A = vector.broadcast %rsqrt3A : vector<1000x1xf32> to vector<1000x256xf32>
    %mul3A_14 = arith.mulf %mul3A, %concatenate3A : vector<1000x256xf32>
    %mul3A_15 = arith.mulf %rsqrt3A, %rsqrt3A : vector<1000x1xf32>
    %get3A_16 = arith.constant 0 : index
    %get3A_17 = arith.constant 0 : index
    %get3A_18 = vector.load %arg2[%get3A_16, %get3A_17] : memref<1000x256xf32, #tpu.memory_space<vmem>>, vector<1000x256xf32>
    %mul3A_19 = vector.broadcast %mul3A_15 : vector<1000x1xf32> to vector<1000x256xf32>
    %mul3A_20 = arith.mulf %mul3A_19, %get3A_18 : vector<1000x256xf32>
    %add3A_21 = arith.addf %mul3A_14, %mul3A_20 : vector<1000x256xf32>
    %mul3A_22 = arith.constant 0.899999976 : f32
    %mul3A_23 = vector.broadcast %mul3A_22 : f32 to vector<1000x256xf32>
    %mul3A_24 = arith.mulf %mul3A_23, %add3A_21 : vector<1000x256xf32>
    %get3A_25 = arith.constant 0 : index
    %get3A_26 = arith.constant 0 : index
    %get3A_27 = vector.load %arg3[%get3A_25, %get3A_26] : memref<1000x256xf32, #tpu.memory_space<vmem>>, vector<1000x256xf32>
    %mul3A_28 = arith.constant 1.000000e-01 : f32
    %mul3A_29 = vector.broadcast %mul3A_28 : f32 to vector<1000x256xf32>
    %mul3A_30 = arith.mulf %mul3A_29, %get3A_27 : vector<1000x256xf32>
    %add3A_31 = arith.addf %mul3A_24, %mul3A_30 : vector<1000x256xf32>
    %get3A_32 = arith.constant 0 : index
    %get3A_33 = arith.constant 0 : index
    %get3A_34 = vector.load %arg5[%get3A_32, %get3A_33] : memref<256x256xf32, #tpu.memory_space<vmem>>, vector<256x256xf32>
    %dot_general3A = arith.constant dense<0.000000e+00> : vector<1000x256xf32>
    %dot_general3A_35 = tpu.matmul %add3A_31, %get3A_34, %dot_general3A {dimension_numbers = #tpu.dot_dimension_numbers<[1], [0], [0], [1], [0, 0, 1, 1], [], []>, transpose_lhs_hint = false} : vector<1000x256xf32>, vector<256x256xf32>, vector<1000x256xf32> -> vector<1000x256xf32>
    %mul3A_36 = arith.constant 0.0800427049 : f32
    %mul3A_37 = vector.broadcast %mul3A_36 : f32 to vector<1000x256xf32>
    %mul3A_38 = arith.mulf %mul3A_37, %dot_general3A_35 : vector<1000x256xf32>
    %mul3A_39 = arith.constant 0.91995728 : f32
    %mul3A_40 = vector.broadcast %mul3A_39 : f32 to vector<1000x256xf32>
    %mul3A_41 = arith.mulf %mul3A_40, %add3A_31 : vector<1000x256xf32>
    %add3A_42 = arith.addf %mul3A_38, %mul3A_41 : vector<1000x256xf32>
    %max3A = arith.constant 0.000000e+00 : f32
    %max3A_43 = vector.broadcast %max3A : f32 to vector<1000x256xf32>
    %max3A_44 = arith.maximumf %add3A_42, %max3A_43 : vector<1000x256xf32>
    %swap3A = arith.constant 0 : index
    %swap3A_45 = arith.constant 0 : index
    %swap3A_46 = vector.load %arg6[%swap3A, %swap3A_45] : memref<1000x256xf32, #tpu.memory_space<vmem>>, vector<1000x256xf32>
    tpu.vector_store %arg6[%swap3A, %swap3A_45], %max3A_44 {strides = array<i32>} : memref<1000x256xf32, #tpu.memory_space<vmem>>, vector<1000x256xf32>,
    %slice3A = vector.extract_strided_slice %max3A_44 {offsets = [0, 0], sizes = [1000, 128], strides = [1, 1]} : vector<1000x256xf32> to vector<1000x128xf32>
    %mul3A_47 = vector.broadcast %rsqrt3A : vector<1000x1xf32> to vector<1000x128xf32>
    %mul3A_48 = arith.mulf %mul3A_47, %slice3A : vector<1000x128xf32>
    %swap3A_49 = arith.constant 0 : index
    %swap3A_50 = arith.constant 0 : index
    %swap3A_51 = arith.constant 0 : index
    %swap3A_52 = vector.load %arg7[%swap3A_49, %swap3A_50, %swap3A_51] : memref<2x1000x128xf32, #tpu.memory_space<vmem>>, vector<1x1000x128xf32>
    %swap3A_53 = vector.shape_cast %swap3A_52 : vector<1x1000x128xf32> to vector<1000x128xf32>
    %swap3A_54 = vector.shape_cast %mul3A_48 : vector<1000x128xf32> to vector<1x1000x128xf32>
    tpu.vector_store %arg7[%swap3A_49, %swap3A_50, %swap3A_51], %swap3A_54 {strides = array<i32>} : memref<2x1000x128xf32, #tpu.memory_space<vmem>>, vector<1x1000x128xf32>,
    %slice3A_55 = vector.extract_strided_slice %max3A_44 {offsets = [0, 128], sizes = [1000, 128], strides = [1, 1]} : vector<1000x256xf32> to vector<1000x128xf32>
    %mul3A_56 = vector.broadcast %rsqrt3A : vector<1000x1xf32> to vector<1000x128xf32>
    %mul3A_57 = arith.mulf %mul3A_56, %slice3A_55 : vector<1000x128xf32>
    %swap3A_58 = arith.constant 1 : index
    %swap3A_59 = arith.constant 0 : index
    %swap3A_60 = arith.constant 0 : index
    %swap3A_61 = vector.load %arg7[%swap3A_58, %swap3A_59, %swap3A_60] : memref<2x1000x128xf32, #tpu.memory_space<vmem>>, vector<1x1000x128xf32>
    %swap3A_62 = vector.shape_cast %swap3A_61 : vector<1x1000x128xf32> to vector<1000x128xf32>
    %swap3A_63 = vector.shape_cast %mul3A_57 : vector<1000x128xf32> to vector<1x1000x128xf32>
    tpu.vector_store %arg7[%swap3A_58, %swap3A_59, %swap3A_60], %swap3A_63 {strides = array<i32>} : memref<2x1000x128xf32, #tpu.memory_space<vmem>>, vector<1x1000x128xf32>,
    return
  }
  func.func @transform_0(%arg0: i32) -> (i32, i32, i32) {
    %c0_i32 = arith.constant 0 : i32
    %c0_i32_0 = arith.constant 0 : i32
    %c0_i32_1 = arith.constant 0 : i32
    return %c0_i32, %arg0, %c0_i32_0 : i32, i32, i32
  }
  func.func @transform_1(%arg0: i32) -> (i32, i32) {
    %c0_i32 = arith.constant 0 : i32
    %c0_i32_0 = arith.constant 0 : i32
    return %arg0, %c0_i32 : i32, i32
  }
  func.func @transform_2(%arg0: i32) -> (i32, i32) {
    %c0_i32 = arith.constant 0 : i32
    %c0_i32_0 = arith.constant 0 : i32
    return %arg0, %c0_i32 : i32, i32
  }
  func.func @transform_3(%arg0: i32) -> (i32, i32) {
    %c0_i32 = arith.constant 0 : i32
    %c0_i32_0 = arith.constant 0 : i32
    return %arg0, %c0_i32 : i32, i32
  }
  func.func @transform_4(%arg0: i32) -> (i32, i32) {
    %c0_i32 = arith.constant 0 : i32
    %c0_i32_0 = arith.constant 0 : i32
    %c0_i32_1 = arith.constant 0 : i32
    return %c0_i32, %c0_i32_0 : i32, i32
  }
  func.func @transform_5(%arg0: i32) -> (i32, i32) {
    %c0_i32 = arith.constant 0 : i32
    %c0_i32_0 = arith.constant 0 : i32
    return %arg0, %c0_i32 : i32, i32
  }
  func.func @transform_6(%arg0: i32) -> (i32, i32, i32) {
    %c0_i32 = arith.constant 0 : i32
    %c0_i32_0 = arith.constant 0 : i32
    %c0_i32_1 = arith.constant 0 : i32
    return %c0_i32, %arg0, %c0_i32_0 : i32, i32, i32
  }
}

module attributes {stable_mosaic.version = 14 : i64} {
  func.func @_layer_body(%arg0: i32, %arg1: memref<2x1000x128xf32, #tpu.memory_space<vmem>>, %arg2: memref<1000x256xf32, #tpu.memory_space<vmem>>, %arg3: memref<1000x256xf32, #tpu.memory_space<vmem>>, %arg4: memref<1000x1xf32, #tpu.memory_space<vmem>>, %arg5: memref<256x256xf32, #tpu.memory_space<vmem>>, %arg6: memref<1000x256xf32, #tpu.memory_space<vmem>>, %arg7: memref<2x1000x128xf32, #tpu.memory_space<vmem>>) attributes {dimension_semantics = [#tpu.dimension_semantics<arbitrary>], iteration_bounds = array<i64: 10>, scalar_prefetch = 0 : i64, scratch_operands = 0 : i64, tpu.core_type = #tpu.core_type<tc>, window_params = [{transform_indices = @transform_0, window_bounds = array<i64: 2, 1000, 128>}, {transform_indices = @transform_1, window_bounds = array<i64: 1000, 256>}, {transform_indices = @transform_2, window_bounds = array<i64: 1000, 256>}, {transform_indices = @transform_3, window_bounds = array<i64: 1000, 1>}, {pipeline_mode = #tpu.pipeline_mode<synchronous>, transform_indices = @transform_4, window_bounds = array<i64: 256, 256>}, {transform_indices = @transform_5, window_bounds = array<i64: 1000, 256>}, {transform_indices = @transform_6, window_bounds = array<i64: 2, 1000, 128>}]} {
    %get3A = arith.constant 0 : index
    %get3A_0 = arith.constant 0 : index
    %get3A_1 = vector.load %arg4[%get3A, %get3A_0] : memref<1000x1xf32, #tpu.memory_space<vmem>>, vector<1000x1xf32>
    %add3A = arith.constant 1.000000e+00 : f32
    %add3A_2 = vector.broadcast %add3A : f32 to vector<1000x1xf32>
    %add3A_3 = arith.addf %get3A_1, %add3A_2 : vector<1000x1xf32>
    %rsqrt3A = math.rsqrt %add3A_3 : vector<1000x1xf32>
    %get3A_4 = arith.constant 0 : index
    %get3A_5 = arith.constant 0 : index
    %get3A_6 = arith.constant 0 : index
    %get3A_7 = vector.load %arg1[%get3A_4, %get3A_5, %get3A_6] : memref<2x1000x128xf32, #tpu.memory_space<vmem>>, vector<1x1000x128xf32>
    %get3A_8 = vector.shape_cast %get3A_7 : vector<1x1000x128xf32> to vector<1000x128xf32>
    %get3A_9 = arith.constant 1 : index
    %get3A_10 = arith.constant 0 : index
    %get3A_11 = arith.constant 0 : index
    %get3A_12 = vector.load %arg1[%get3A_9, %get3A_10, %get3A_11] : memref<2x1000x128xf32, #tpu.memory_space<vmem>>, vector<1x1000x128xf32>
    %get3A_13 = vector.shape_cast %get3A_12 : vector<1x1000x128xf32> to vector<1000x128xf32>
    %concatenate3A = tpu.concatenate %get3A_8, %get3A_13 in 1 : vector<1000x128xf32>, vector<1000x128xf32> -> vector<1000x256xf32>
    %mul3A = vector.broadcast %rsqrt3A : vector<1000x1xf32> to vector<1000x256xf32>
    %mul3A_14 = arith.mulf %mul3A, %concatenate3A : vector<1000x256xf32>
    %mul3A_15 = arith.mulf %rsqrt3A, %rsqrt3A : vector<1000x1xf32>
    %get3A_16 = arith.constant 0 : index
    %get3A_17 = arith.constant 0 : index
    %get3A_18 = vector.load %arg2[%get3A_16, %get3A_17] : memref<1000x256xf32, #tpu.memory_space<vmem>>, vector<1000x256xf32>
    %mul3A_19 = vector.broadcast %mul3A_15 : vector<1000x1xf32> to vector<1000x256xf32>
    %mul3A_20 = arith.mulf %mul3A_19, %get3A_18 : vector<1000x256xf32>
    %add3A_21 = arith.addf %mul3A_14, %mul3A_20 : vector<1000x256xf32>
    %mul3A_22 = arith.constant 0.899999976 : f32
    %mul3A_23 = vector.broadcast %mul3A_22 : f32 to vector<1000x256xf32>
    %mul3A_24 = arith.mulf %mul3A_23, %add3A_21 : vector<1000x256xf32>
    %get3A_25 = arith.constant 0 : index
    %get3A_26 = arith.constant 0 : index
    %get3A_27 = vector.load %arg3[%get3A_25, %get3A_26] : memref<1000x256xf32, #tpu.memory_space<vmem>>, vector<1000x256xf32>
    %mul3A_28 = arith.constant 1.000000e-01 : f32
    %mul3A_29 = vector.broadcast %mul3A_28 : f32 to vector<1000x256xf32>
    %mul3A_30 = arith.mulf %mul3A_29, %get3A_27 : vector<1000x256xf32>
    %add3A_31 = arith.addf %mul3A_24, %mul3A_30 : vector<1000x256xf32>
    %get3A_32 = arith.constant 0 : index
    %get3A_33 = arith.constant 0 : index
    %get3A_34 = vector.load %arg5[%get3A_32, %get3A_33] : memref<256x256xf32, #tpu.memory_space<vmem>>, vector<256x256xf32>
    %dot_general3A = arith.constant dense<0.000000e+00> : vector<1000x256xf32>
    %dot_general3A_35 = tpu.matmul %add3A_31, %get3A_34, %dot_general3A {dimension_numbers = #tpu.dot_dimension_numbers<[1], [0], [0], [1], [0, 0, 1, 1], [], []>, transpose_lhs_hint = false} : vector<1000x256xf32>, vector<256x256xf32>, vector<1000x256xf32> -> vector<1000x256xf32>
    %mul3A_36 = arith.constant 0.0689928681 : f32
    %mul3A_37 = vector.broadcast %mul3A_36 : f32 to vector<1000x256xf32>
    %mul3A_38 = arith.mulf %mul3A_37, %dot_general3A_35 : vector<1000x256xf32>
    %mul3A_39 = arith.constant 0.931007147 : f32
    %mul3A_40 = vector.broadcast %mul3A_39 : f32 to vector<1000x256xf32>
    %mul3A_41 = arith.mulf %mul3A_40, %add3A_31 : vector<1000x256xf32>
    %add3A_42 = arith.addf %mul3A_38, %mul3A_41 : vector<1000x256xf32>
    %max3A = arith.constant 0.000000e+00 : f32
    %max3A_43 = vector.broadcast %max3A : f32 to vector<1000x256xf32>
    %max3A_44 = arith.maximumf %add3A_42, %max3A_43 : vector<1000x256xf32>
    %swap3A = arith.constant 0 : index
    %swap3A_45 = arith.constant 0 : index
    %swap3A_46 = vector.load %arg6[%swap3A, %swap3A_45] : memref<1000x256xf32, #tpu.memory_space<vmem>>, vector<1000x256xf32>
    tpu.vector_store %arg6[%swap3A, %swap3A_45], %max3A_44 {strides = array<i32>} : memref<1000x256xf32, #tpu.memory_space<vmem>>, vector<1000x256xf32>,
    %slice3A = vector.extract_strided_slice %max3A_44 {offsets = [0, 0], sizes = [1000, 128], strides = [1, 1]} : vector<1000x256xf32> to vector<1000x128xf32>
    %mul3A_47 = vector.broadcast %rsqrt3A : vector<1000x1xf32> to vector<1000x128xf32>
    %mul3A_48 = arith.mulf %mul3A_47, %slice3A : vector<1000x128xf32>
    %swap3A_49 = arith.constant 0 : index
    %swap3A_50 = arith.constant 0 : index
    %swap3A_51 = arith.constant 0 : index
    %swap3A_52 = vector.load %arg7[%swap3A_49, %swap3A_50, %swap3A_51] : memref<2x1000x128xf32, #tpu.memory_space<vmem>>, vector<1x1000x128xf32>
    %swap3A_53 = vector.shape_cast %swap3A_52 : vector<1x1000x128xf32> to vector<1000x128xf32>
    %swap3A_54 = vector.shape_cast %mul3A_48 : vector<1000x128xf32> to vector<1x1000x128xf32>
    tpu.vector_store %arg7[%swap3A_49, %swap3A_50, %swap3A_51], %swap3A_54 {strides = array<i32>} : memref<2x1000x128xf32, #tpu.memory_space<vmem>>, vector<1x1000x128xf32>,
    %slice3A_55 = vector.extract_strided_slice %max3A_44 {offsets = [0, 128], sizes = [1000, 128], strides = [1, 1]} : vector<1000x256xf32> to vector<1000x128xf32>
    %mul3A_56 = vector.broadcast %rsqrt3A : vector<1000x1xf32> to vector<1000x128xf32>
    %mul3A_57 = arith.mulf %mul3A_56, %slice3A_55 : vector<1000x128xf32>
    %swap3A_58 = arith.constant 1 : index
    %swap3A_59 = arith.constant 0 : index
    %swap3A_60 = arith.constant 0 : index
    %swap3A_61 = vector.load %arg7[%swap3A_58, %swap3A_59, %swap3A_60] : memref<2x1000x128xf32, #tpu.memory_space<vmem>>, vector<1x1000x128xf32>
    %swap3A_62 = vector.shape_cast %swap3A_61 : vector<1x1000x128xf32> to vector<1000x128xf32>
    %swap3A_63 = vector.shape_cast %mul3A_57 : vector<1000x128xf32> to vector<1x1000x128xf32>
    tpu.vector_store %arg7[%swap3A_58, %swap3A_59, %swap3A_60], %swap3A_63 {strides = array<i32>} : memref<2x1000x128xf32, #tpu.memory_space<vmem>>, vector<1x1000x128xf32>,
    return
  }
  func.func @transform_0(%arg0: i32) -> (i32, i32, i32) {
    %c0_i32 = arith.constant 0 : i32
    %c0_i32_0 = arith.constant 0 : i32
    %c0_i32_1 = arith.constant 0 : i32
    return %c0_i32, %arg0, %c0_i32_0 : i32, i32, i32
  }
  func.func @transform_1(%arg0: i32) -> (i32, i32) {
    %c0_i32 = arith.constant 0 : i32
    %c0_i32_0 = arith.constant 0 : i32
    return %arg0, %c0_i32 : i32, i32
  }
  func.func @transform_2(%arg0: i32) -> (i32, i32) {
    %c0_i32 = arith.constant 0 : i32
    %c0_i32_0 = arith.constant 0 : i32
    return %arg0, %c0_i32 : i32, i32
  }
  func.func @transform_3(%arg0: i32) -> (i32, i32) {
    %c0_i32 = arith.constant 0 : i32
    %c0_i32_0 = arith.constant 0 : i32
    return %arg0, %c0_i32 : i32, i32
  }
  func.func @transform_4(%arg0: i32) -> (i32, i32) {
    %c0_i32 = arith.constant 0 : i32
    %c0_i32_0 = arith.constant 0 : i32
    %c0_i32_1 = arith.constant 0 : i32
    return %c0_i32, %c0_i32_0 : i32, i32
  }
  func.func @transform_5(%arg0: i32) -> (i32, i32) {
    %c0_i32 = arith.constant 0 : i32
    %c0_i32_0 = arith.constant 0 : i32
    return %arg0, %c0_i32 : i32, i32
  }
  func.func @transform_6(%arg0: i32) -> (i32, i32, i32) {
    %c0_i32 = arith.constant 0 : i32
    %c0_i32_0 = arith.constant 0 : i32
    %c0_i32_1 = arith.constant 0 : i32
    return %c0_i32, %arg0, %c0_i32_0 : i32, i32, i32
  }
}

module attributes {stable_mosaic.version = 14 : i64} {
  func.func @_last_body(%arg0: i32, %arg1: memref<2x1000x128xf32, #tpu.memory_space<vmem>>, %arg2: memref<1000x256xf32, #tpu.memory_space<vmem>>, %arg3: memref<1000x256xf32, #tpu.memory_space<vmem>>, %arg4: memref<1000x1xf32, #tpu.memory_space<vmem>>, %arg5: memref<256x256xf32, #tpu.memory_space<vmem>>, %arg6: memref<256x128xf32, #tpu.memory_space<vmem>>, %arg7: memref<1x128xf32, #tpu.memory_space<vmem>>, %arg8: memref<1000x128xf32, #tpu.memory_space<vmem>>) attributes {dimension_semantics = [#tpu.dimension_semantics<arbitrary>], iteration_bounds = array<i64: 10>, scalar_prefetch = 0 : i64, scratch_operands = 0 : i64, tpu.core_type = #tpu.core_type<tc>, window_params = [{transform_indices = @transform_0, window_bounds = array<i64: 2, 1000, 128>}, {transform_indices = @transform_1, window_bounds = array<i64: 1000, 256>}, {transform_indices = @transform_2, window_bounds = array<i64: 1000, 256>}, {transform_indices = @transform_3, window_bounds = array<i64: 1000, 1>}, {pipeline_mode = #tpu.pipeline_mode<synchronous>, transform_indices = @transform_4, window_bounds = array<i64: 256, 256>}, {pipeline_mode = #tpu.pipeline_mode<synchronous>, transform_indices = @transform_5, window_bounds = array<i64: 256, 128>}, {pipeline_mode = #tpu.pipeline_mode<synchronous>, transform_indices = @transform_6, window_bounds = array<i64: 1, 128>}, {transform_indices = @transform_7, window_bounds = array<i64: 1000, 128>}]} {
    %get3A = arith.constant 0 : index
    %get3A_0 = arith.constant 0 : index
    %get3A_1 = vector.load %arg4[%get3A, %get3A_0] : memref<1000x1xf32, #tpu.memory_space<vmem>>, vector<1000x1xf32>
    %add3A = arith.constant 1.000000e+00 : f32
    %add3A_2 = vector.broadcast %add3A : f32 to vector<1000x1xf32>
    %add3A_3 = arith.addf %get3A_1, %add3A_2 : vector<1000x1xf32>
    %rsqrt3A = math.rsqrt %add3A_3 : vector<1000x1xf32>
    %get3A_4 = arith.constant 0 : index
    %get3A_5 = arith.constant 0 : index
    %get3A_6 = arith.constant 0 : index
    %get3A_7 = vector.load %arg1[%get3A_4, %get3A_5, %get3A_6] : memref<2x1000x128xf32, #tpu.memory_space<vmem>>, vector<1x1000x128xf32>
    %get3A_8 = vector.shape_cast %get3A_7 : vector<1x1000x128xf32> to vector<1000x128xf32>
    %get3A_9 = arith.constant 1 : index
    %get3A_10 = arith.constant 0 : index
    %get3A_11 = arith.constant 0 : index
    %get3A_12 = vector.load %arg1[%get3A_9, %get3A_10, %get3A_11] : memref<2x1000x128xf32, #tpu.memory_space<vmem>>, vector<1x1000x128xf32>
    %get3A_13 = vector.shape_cast %get3A_12 : vector<1x1000x128xf32> to vector<1000x128xf32>
    %concatenate3A = tpu.concatenate %get3A_8, %get3A_13 in 1 : vector<1000x128xf32>, vector<1000x128xf32> -> vector<1000x256xf32>
    %mul3A = vector.broadcast %rsqrt3A : vector<1000x1xf32> to vector<1000x256xf32>
    %mul3A_14 = arith.mulf %mul3A, %concatenate3A : vector<1000x256xf32>
    %mul3A_15 = arith.mulf %rsqrt3A, %rsqrt3A : vector<1000x1xf32>
    %get3A_16 = arith.constant 0 : index
    %get3A_17 = arith.constant 0 : index
    %get3A_18 = vector.load %arg2[%get3A_16, %get3A_17] : memref<1000x256xf32, #tpu.memory_space<vmem>>, vector<1000x256xf32>
    %mul3A_19 = vector.broadcast %mul3A_15 : vector<1000x1xf32> to vector<1000x256xf32>
    %mul3A_20 = arith.mulf %mul3A_19, %get3A_18 : vector<1000x256xf32>
    %add3A_21 = arith.addf %mul3A_14, %mul3A_20 : vector<1000x256xf32>
    %mul3A_22 = arith.constant 0.899999976 : f32
    %mul3A_23 = vector.broadcast %mul3A_22 : f32 to vector<1000x256xf32>
    %mul3A_24 = arith.mulf %mul3A_23, %add3A_21 : vector<1000x256xf32>
    %get3A_25 = arith.constant 0 : index
    %get3A_26 = arith.constant 0 : index
    %get3A_27 = vector.load %arg3[%get3A_25, %get3A_26] : memref<1000x256xf32, #tpu.memory_space<vmem>>, vector<1000x256xf32>
    %mul3A_28 = arith.constant 1.000000e-01 : f32
    %mul3A_29 = vector.broadcast %mul3A_28 : f32 to vector<1000x256xf32>
    %mul3A_30 = arith.mulf %mul3A_29, %get3A_27 : vector<1000x256xf32>
    %add3A_31 = arith.addf %mul3A_24, %mul3A_30 : vector<1000x256xf32>
    %get3A_32 = arith.constant 0 : index
    %get3A_33 = arith.constant 0 : index
    %get3A_34 = vector.load %arg5[%get3A_32, %get3A_33] : memref<256x256xf32, #tpu.memory_space<vmem>>, vector<256x256xf32>
    %dot_general3A = arith.constant dense<0.000000e+00> : vector<1000x256xf32>
    %dot_general3A_35 = tpu.matmul %add3A_31, %get3A_34, %dot_general3A {dimension_numbers = #tpu.dot_dimension_numbers<[1], [0], [0], [1], [0, 0, 1, 1], [], []>, transpose_lhs_hint = false} : vector<1000x256xf32>, vector<256x256xf32>, vector<1000x256xf32> -> vector<1000x256xf32>
    %mul3A_36 = arith.constant 0.0606246218 : f32
    %mul3A_37 = vector.broadcast %mul3A_36 : f32 to vector<1000x256xf32>
    %mul3A_38 = arith.mulf %mul3A_37, %dot_general3A_35 : vector<1000x256xf32>
    %mul3A_39 = arith.constant 0.9393754 : f32
    %mul3A_40 = vector.broadcast %mul3A_39 : f32 to vector<1000x256xf32>
    %mul3A_41 = arith.mulf %mul3A_40, %add3A_31 : vector<1000x256xf32>
    %add3A_42 = arith.addf %mul3A_38, %mul3A_41 : vector<1000x256xf32>
    %max3A = arith.constant 0.000000e+00 : f32
    %max3A_43 = vector.broadcast %max3A : f32 to vector<1000x256xf32>
    %max3A_44 = arith.maximumf %add3A_42, %max3A_43 : vector<1000x256xf32>
    %get3A_45 = arith.constant 0 : index
    %get3A_46 = arith.constant 0 : index
    %get3A_47 = vector.load %arg6[%get3A_45, %get3A_46] : memref<256x128xf32, #tpu.memory_space<vmem>>, vector<256x128xf32>
    %dot_general3A_48 = arith.constant dense<0.000000e+00> : vector<1000x128xf32>
    %dot_general3A_49 = tpu.matmul %max3A_44, %get3A_47, %dot_general3A_48 {dimension_numbers = #tpu.dot_dimension_numbers<[1], [0], [0], [1], [0, 0, 1, 1], [], []>, transpose_lhs_hint = false} : vector<1000x256xf32>, vector<256x128xf32>, vector<1000x128xf32> -> vector<1000x128xf32>
    %get3A_50 = arith.constant 0 : index
    %get3A_51 = arith.constant 0 : index
    %get3A_52 = vector.load %arg7[%get3A_50, %get3A_51] : memref<1x128xf32, #tpu.memory_space<vmem>>, vector<1x128xf32>
    %add3A_53 = vector.broadcast %get3A_52 : vector<1x128xf32> to vector<1000x128xf32>
    %add3A_54 = arith.addf %dot_general3A_49, %add3A_53 : vector<1000x128xf32>
    %reduce_max3A = arith.constant dense<0xFF800000> : vector<1000xf32>
    %reduce_max3A_55 = vector.multi_reduction <maximumf>, %add3A_54, %reduce_max3A [1] : vector<1000x128xf32> to vector<1000xf32>
    %broadcast_in_dim3A = vector.shape_cast %reduce_max3A_55 : vector<1000xf32> to vector<1000x1xf32>
    %sub3A = vector.broadcast %broadcast_in_dim3A : vector<1000x1xf32> to vector<1000x128xf32>
    %sub3A_56 = arith.subf %add3A_54, %sub3A : vector<1000x128xf32>
    %exp3A = math.exp %sub3A_56 : vector<1000x128xf32>
    %reduce_sum3A = arith.constant dense<0.000000e+00> : vector<1000xf32>
    %reduce_sum3A_57 = vector.multi_reduction <add>, %exp3A, %reduce_sum3A [1] : vector<1000x128xf32> to vector<1000xf32>
    %broadcast_in_dim3A_58 = vector.shape_cast %reduce_sum3A_57 : vector<1000xf32> to vector<1000x1xf32>
    %log3A = math.log %broadcast_in_dim3A_58 : vector<1000x1xf32>
    %add3A_59 = arith.addf %broadcast_in_dim3A, %log3A : vector<1000x1xf32>
    %sub3A_60 = vector.broadcast %add3A_59 : vector<1000x1xf32> to vector<1000x128xf32>
    %sub3A_61 = arith.subf %add3A_54, %sub3A_60 : vector<1000x128xf32>
    %swap3A = arith.constant 0 : index
    %swap3A_62 = arith.constant 0 : index
    %swap3A_63 = vector.load %arg8[%swap3A, %swap3A_62] : memref<1000x128xf32, #tpu.memory_space<vmem>>, vector<1000x128xf32>
    tpu.vector_store %arg8[%swap3A, %swap3A_62], %sub3A_61 {strides = array<i32>} : memref<1000x128xf32, #tpu.memory_space<vmem>>, vector<1000x128xf32>,
    return
  }
  func.func @transform_0(%arg0: i32) -> (i32, i32, i32) {
    %c0_i32 = arith.constant 0 : i32
    %c0_i32_0 = arith.constant 0 : i32
    %c0_i32_1 = arith.constant 0 : i32
    return %c0_i32, %arg0, %c0_i32_0 : i32, i32, i32
  }
  func.func @transform_1(%arg0: i32) -> (i32, i32) {
    %c0_i32 = arith.constant 0 : i32
    %c0_i32_0 = arith.constant 0 : i32
    return %arg0, %c0_i32 : i32, i32
  }
  func.func @transform_2(%arg0: i32) -> (i32, i32) {
    %c0_i32 = arith.constant 0 : i32
    %c0_i32_0 = arith.constant 0 : i32
    return %arg0, %c0_i32 : i32, i32
  }
  func.func @transform_3(%arg0: i32) -> (i32, i32) {
    %c0_i32 = arith.constant 0 : i32
    %c0_i32_0 = arith.constant 0 : i32
    return %arg0, %c0_i32 : i32, i32
  }
  func.func @transform_4(%arg0: i32) -> (i32, i32) {
    %c0_i32 = arith.constant 0 : i32
    %c0_i32_0 = arith.constant 0 : i32
    %c0_i32_1 = arith.constant 0 : i32
    return %c0_i32, %c0_i32_0 : i32, i32
  }
  func.func @transform_5(%arg0: i32) -> (i32, i32) {
    %c0_i32 = arith.constant 0 : i32
    %c0_i32_0 = arith.constant 0 : i32
    %c0_i32_1 = arith.constant 0 : i32
    return %c0_i32, %c0_i32_0 : i32, i32
  }
  func.func @transform_6(%arg0: i32) -> (i32, i32) {
    %c0_i32 = arith.constant 0 : i32
    %c0_i32_0 = arith.constant 0 : i32
    %c0_i32_1 = arith.constant 0 : i32
    return %c0_i32, %c0_i32_0 : i32, i32
  }
  func.func @transform_7(%arg0: i32) -> (i32, i32) {
    %c0_i32 = arith.constant 0 : i32
    %c0_i32_0 = arith.constant 0 : i32
    return %arg0, %c0_i32 : i32, i32
  }
}

</mosaic_0001>

<sc_bundles>
// kernel: kernel.20.cloned.1.call-start
scs
__scs_entry_jumppad:
0x0: {  	(pc) =	sbr.rel $0x88, $3  }
0x1: {  	(tag) =	ssettag $0x0;
	lr =	simm.s32 $0x1  }
0x2: {  	[smem:$0x3F9A] =	sst lr;
	_ =	strace $0xD0000000  }
0x3: {  	_ = 	snop  }
0x4: {  	_ = 	snop  }
0x5: {  	_ = 	snop  }
0x6: {  	_ = 	snop  }
0x7: {  	_ = 	snop  }
__scs_overlays_trampoline_lowered:
0x8: {  	[smem:$0x3FA9] =	sst s0  }
0x9: {  	[smem:$0x3FAA] =	sst s1  }
0xa: {  	[smem:$0x3FAB] =	sst s2  }
0xb: {  	[smem:$0x3FAC] =	sst s3  }
0xc: {  	[smem:$0x3FAD] =	sst s4  }
0xd: {  	[smem:$0x3FAE] =	sst s5  }
0xe: {  	[smem:$0x3FAF] =	sst s6  }
0xf: {  	[smem:$0x3FB0] =	sst s7  }
0x10: {  	[smem:$0x3FB1] =	sst s8  }
0x11: {  	[smem:$0x3FB2] =	sst s9;
	s0 =	simm.s32 @!p0 $0x0  }
0x12: {  	s1 =	sld [smem:$0x3F98];
	s0 =	simm.s32 @p0 $0x1  }
0x13: {  	[smem:$0x3FB3] =	sst s0;
	s0 =	simm.s32 @!p1 $0x0  }
0x14: {  	s2 =	sld [smem:$0x3F97];
	s0 =	simm.s32 @p1 $0x1  }
0x15: {  	[smem:$0x3FB4] =	sst s0;
	s0 =	simm.s32 @!p2 $0x0  }
0x16: {  	s3 =	sld [smem:$0x3FDB];
	s0 =	simm.s32 @p2 $0x1  }
0x17: {  	s4 =	simm.s32 $0x1BF5;
	[smem:$0x3FB6] =	sst s0  }
0x18: {  	s0 =	sld [smem:$0x3F99];
	_ =	swait.ge [sflag:s4], $0x0  }
0x19: {  	s7 =	sld [smem:$0x3F9A]  }
0x1a: {  	s8 =	sadd.s32 $0xFFFFE003, lr  }
0x1b: {  	s9 =	sadd.s32 $0xFFFFFEF7, lr;
	s5 =	simm.s32 $0xFFFFFFFF;
	p2 =	slt.u32 s8, $0xFFFFF086  }
0x1c: {  	p1 =	slt.u32 s9, $0xF7A;
	s5 =	simm.s32 @!p2 $0x0  }
0x1d: {  	s5 =	simm.s32 @p1 $0x1;
	p0 =	seq.s32 s7, s2  }
0x1e: {  	s7 =	smul.u32 @!p0 $0xF7A, s2;
	p2 =	seq.s32 @!p0 s5, $0x0  }
0x1f: {  	s9 =	smul.u32 $0xF7A, s1;
	s8 =	simm.s32 @!p0 $0x1BF5;
	p2 =	por !p2, p0  }
0x20: {  	[sflag:s8] =	ssyncset.s32 @!p0 $0xFFFFF086;
	s6 =	sadd.s32 @!p0 s3, s7;
	s7 =	simm.s32 @!p0 $0x108  }
0x21: {  	s3 =	sadd.s32 s3, s9;
	s6 =	sadd.s32 @!p0 $0x88, s6;
	s7 =	simm.s32 @p2 $0x1082  }
0x22: {  	[simem:s7], [sflag:s8] =	dma.local @!p0 [hbm:s6], $0xF7A  }
0x23: {  	s9 =	sor.u32 $0xD0000000, s2;
	s6 =	simm.s32 $0x108;
	_ =	swait.ge @!p0 [sflag:s8], $0x0  }
0x24: {  	s3 =	sadd.s32 $0x88, s3;
	s6 =	simm.s32 @!p1 $0x1082;
	[sflag:s4] =	ssyncset.s32 $0xFFFFF086  }
0x25: {  	[simem:s6], [sflag:s4] =	dma.local [hbm:s3], $0xF7A  }
0x26: {  	[smem:$0x3F9A] =	sst s1;
	(tag) =	ssettag s2;
	_ =	strace s9  }
0x27: {  	s1 =	sld [smem:$0x3FAA]  }
0x28: {  	s2 =	sld [smem:$0x3FAB]  }
0x29: {  	s4 =	sld [smem:$0x3FAD]  }
0x2a: {  	p0 =	seq.s32 s5, $0x0;
	s5 =	sld [smem:$0x3FAE]  }
0x2b: {  	s6 =	sld [smem:$0x3FAF]  }
0x2c: {  	s7 =	sld [smem:$0x3FB0]  }
0x2d: {  	s3 =	simm.s32 $0x108;
	s8 =	sld [smem:$0x3FB1]  }
0x2e: {  	s3 =	simm.s32 @!p0 $0x1082;
	s9 =	sld [smem:$0x3FB2]  }
0x2f: {  	lr =	sadd.s32 s0, s3;
	s0 =	sld [smem:$0x3FA9]  }
0x30: {  	s3 =	sld [smem:$0x3FAC]  }
0x31: {  	[smem:$0x3FB5] =	sst s10  }
0x32: {  	s10 =	sld [smem:$0x3FB3];
	_ =	sdelay $0x3  }
0x33: {  	p0 =	seq.s32 s10, $0x1;
	s10 =	sld [smem:$0x3FB5];
	_ =	sdelay $0x3  }
0x34: {  	[smem:$0x3FB5] =	sst s10  }
0x35: {  	s10 =	sld [smem:$0x3FB4];
	_ =	sdelay $0x3  }
0x36: {  	p1 =	seq.s32 s10, $0x1;
	s10 =	sld [smem:$0x3FB5];
	_ =	sdelay $0x3  }
0x37: {  	[smem:$0x3FB5] =	sst s10  }
0x38: {  	s10 =	sld [smem:$0x3FB6]  }
0x39: {  	_ = 	snop;
	(pc) =	sbr.ind lr, $3  }
0x3a: {  	_ = 	snop  }
0x3b: {  	_ = 	snop  }
0x3c: {  	p2 =	seq.s32 s10, $0x1;
	s10 =	sld [smem:$0x3FB5]  }
0x3d: {  	_ =	shalt  }
0x3e: {  	_ =	shalt  }
0x3f: {  	_ =	shalt  }
0x40: {  	_ =	shalt  }
0x41: {  	_ =	shalt  }
0x42: {  	_ =	shalt  }
0x43: {  	_ =	shalt  }
0x44: {  	_ =	shalt  }
0x45: {  	_ =	shalt  }
0x46: {  	_ =	shalt  }
0x47: {  	_ =	shalt  }
0x48: {  	_ =	shalt  }
0x49: {  	_ =	shalt  }
0x4a: {  	_ =	shalt  }
0x4b: {  	_ =	shalt  }
0x4c: {  	_ =	shalt  }
0x4d: {  	_ =	shalt  }
0x4e: {  	_ =	shalt  }
0x4f: {  	_ =	shalt  }
0x50: {  	_ =	shalt  }
0x51: {  	_ =	shalt  }
0x52: {  	_ =	shalt  }
0x53: {  	_ =	shalt  }
0x54: {  	_ =	shalt  }
0x55: {  	_ =	shalt  }
0x56: {  	_ =	shalt  }
0x57: {  	_ =	shalt  }
0x58: {  	_ =	shalt  }
0x59: {  	_ =	shalt  }
0x5a: {  	_ =	shalt  }
0x5b: {  	_ =	shalt  }
0x5c: {  	_ =	shalt  }
0x5d: {  	_ =	shalt  }
0x5e: {  	_ =	shalt  }
0x5f: {  	_ =	shalt  }
0x60: {  	_ =	shalt  }
0x61: {  	_ =	shalt  }
0x62: {  	_ =	shalt  }
0x63: {  	_ =	shalt  }
0x64: {  	_ =	shalt  }
0x65: {  	_ =	shalt  }
0x66: {  	_ =	shalt  }
0x67: {  	_ =	shalt  }
0x68: {  	_ =	shalt  }
0x69: {  	_ =	shalt  }
0x6a: {  	_ =	shalt  }
0x6b: {  	_ =	shalt  }
0x6c: {  	_ =	shalt  }
0x6d: {  	_ =	shalt  }
0x6e: {  	_ =	shalt  }
0x6f: {  	_ =	shalt  }
0x70: {  	_ =	shalt  }
0x71: {  	_ =	shalt  }
0x72: {  	_ =	shalt  }
0x73: {  	_ =	shalt  }
0x74: {  	_ =	shalt  }
0x75: {  	_ =	shalt  }
0x76: {  	_ =	shalt  }
0x77: {  	_ =	shalt  }
0x78: {  	_ =	shalt  }
0x79: {  	_ =	shalt  }
0x7a: {  	_ =	shalt  }
0x7b: {  	_ =	shalt  }
0x7c: {  	_ =	shalt  }
0x7d: {  	_ =	shalt  }
0x7e: {  	_ =	shalt  }
0x7f: {  	_ =	shalt  }
0x80: {  	_ =	shalt  }
0x81: {  	_ =	shalt  }
0x82: {  	_ =	shalt  }
0x83: {  	_ =	shalt  }
0x84: {  	_ =	shalt  }
0x85: {  	_ =	shalt  }
0x86: {  	_ =	shalt  }
0x87: {  	_ =	shalt  }
.Lfunc_end0:
.L_simem_size_0:
called_computation_lowered:
.L_overlay_start_0:
0x88: {  	s2 =	sld [smem:$0x3FD9]  }
0x89: {  	s3 =	sld [smem:$0x3FFE];
	_ =	sdelay $0x1  }
0x8a: {  	s1 =	srdreg.scid  }
0x8b: {  	s0 =	sand.u32 $0x1, s1  }
0x8c: {  	s17 =	sshll.u32 s0, $0xA;
	s2 =	sadd.s32 s3, s2  }
0x8d: {  	s2 =	sadd.s32 s2, s17  }
0x8e: {  	[smem:$0x3FC1] =	sst s2  }
0x8f: {  	_ = 	snop  }
0x90: {  	s2 =	sld [smem:$0x3FD0];
	(tm) =	ssettm $0x1  }
0x91: {  	s18 =	sld [smem:$0x3FFB];
	_ =	sdelay $0x3  }
0x92: {  	_ =	strace s18  }
0x93: {  	s3 =	sld [smem:$0x3FFC];
	_ =	sdelay $0x3  }
0x94: {  	_ =	strace s3  }
0x95: {  	s3 =	sld [smem:$0x3FFD];
	_ =	sdelay $0x3  }
0x96: {  	_ =	strace s3  }
0x97: {  	_ =	strace $0x8FFFFFFF  }
0x98: {  	s19 =	sld [smem:$0x3FDB];
	_ =	sdelay $0x1  }
0x99: {  	s4 =	simm.s32 $_scs_section_size  }
0x9a: {  	s5 =	simm.s32 $_size__tile_overlayer_lowered;
	s6 =	simm.s32 $_tile_overlayer_lowered  }
0x9b: {  	s22 =	simm.s32 $0x1BFF;
	s21 =	sshll.u32 s6, $0x1;
	s3 =	sadd.s32 s4, s19  }
0x9c: {  	s7 =	simm.s32 $0x0;
	s20 =	sshll.u32 s5, $0x1;
	s5 =	sadd.s32 s21, s3  }
0x9d: {  	[timem:s7], [sflag:s22] =	dma.local [hbm:s5], s20  }
0x9e: {  	_ =	swait.ge [sflag:s22], s20  }
0x9f: {  	s4 =	ssub.s32 $0x0, s20;
	[sflag:s22] =	ssyncset.done $0x0  }
0xa0: {  	[sflag:s22] =	ssyncadd.s32 s4;
	_ =	sdelay $0x1  }
0xa1: {  	s23 =	simm.s32 $0x1B8B  }
0xa2: {  	_ =	swait.ge [sflag:s23], $0x1  }
0xa3: {  	[sflag:s23] =	ssyncset.done $0x0  }
0xa4: {  	s25 =	simm.s32 $0x1B8E;
	s24 =	sld [smem:$0x3FFE];
	[sflag:s23] =	ssyncadd.s32 $0xFFFFFFFF  }
0xa5: {  	s26 =	simm.s32 $execute0_lowered;
	[smem:$0x3FD2] =	sst s25  }
0xa6: {  	s5 =	sshll.u32 s26, $0x1;
	_ =	strace $0x80000046;
	[dreg:$0x1] =	wrdreg $0xFFFFFFFF  }
0xa7: {  	s28 =	simm.s32 $_size_execute0_lowered;
	s3 =	sadd.s32 s3, s5;
	[dreg:$0x0] =	wrdreg $0x0  }
0xa8: {  	s5 =	sshll.u32 s28, $0x1;
	[dreg:$0x2] =	wrdreg s3  }
0xa9: {  	[dreg:$0x3] =	wrdreg s5  }
0xaa: {  	[dreg:$0x4] =	wrdreg $0xC0  }
0xab: {  	_ =	task [dreg:s7], $0x5FFFF  }
0xac: {  	[dreg:$0x1] =	wrdreg $0xFFFFFFFF  }
0xad: {  	[dreg:$0x0] =	wrdreg $0x60  }
0xae: {  	[dreg:$0x2] =	wrdreg s24  }
0xaf: {  	[dreg:$0x3] =	wrdreg s2  }
0xb0: {  	[dreg:$0x4] =	wrdreg $0x68000  }
0xb1: {  	[dreg:$0x5] =	wrdreg $0x9  }
0xb2: {  	_ =	task.clear_ibuf [dreg:s7], $0x6FFFF;
	_ =	strace $0x90000046  }
0xb3: {  	s29 =	simm.s32 $0x9;
	_ =	strace $0x80000048  }
0xb4: {  	_ =	swait.ge [sflag:s29], $0x1  }
0xb5: {  	[sflag:s29] =	ssyncadd.s32 $0xFFFFFFFF  }
0xb6: {  	_ =	strace $0x90000048  }
0xb7: {  	_ =	sfence  }
0xb8: {  	s30 =	sld [smem:$0x0];
	_ =	sdelay $0x2  }
0xb9: {  	s31 =	sshll.u32 s1, $0xD;
	s1 =	sshrl.u32 s1, $0x2  }
0xba: {  	s3 =	sand.u32 $0x4000, s31;
	s1 =	sadd.s32 s1, s30  }
0xbb: {  	s0 =	sor.u32 s3, s0;
	s1 =	sshll.u32 s1, $0x11  }
0xbc: {  	s0 =	sor.u32 s1, s0  }
0xbd: {  	s0 =	sadd.s32 $0x8F2B, s0  }
0xbe: {  	[sflag:s0] =	ssyncadd.remote.s32 $0x1  }
0xbf: {  	_ =	sfence.sel $0xFFFF  }
0xc0: {  	[dreg:$0x0] =	wrdreg $0xFFFFFFFF;
	(pc) =	sbr.abs _section_cstart, $3  }
0xc1: {  	[dreg:$0x1] =	wrdreg $0xFFFFFFFF  }
0xc2: {  	_ =	task.clear_ibuf [dreg:s7], $0x2FFFF;
	_ =	strace $0x9FFFFFFF  }
0xc3: {  	(tm) =	ssettm $0x7FFFFFFF  }
tec
execute0_lowered:
.L_overlay_start_1:
0x0: {  	(tag) =	ssettag $0x1  }
0x1: {  	s6 =	rddreg [dreg:$0x0]  }
0x2: {  	s0 =	stileid.u32;
	s2 =	rddreg [dreg:$0x1]  }
0x3: {  	s1 =	srdreg.scid;
	s3 =	rddreg [dreg:$0x2];
	s4 =	simm.s32 $0x0  }
0x4: {  	s13 =	simm.s32 $0x2800;
	s14 =	simm.s32 $0x80;
	s5 =	smul.u32 $0x500, s0  }
0x5: {  	s7 =	sand.u32 $0x1, s1;
	s1 =	rddreg [dreg:$0x3];
	s9 =	smul.u32 $0x14000, s0  }
0x6: {  	s15 =	simm.s32 $0x0;
	[smem:$0x7FF] =	sst s4;
	s11 =	smul.u32 $0x50000, s0  }
0x7: {  	s30 =	sshll.u32 s0, $0x6;
	s8 =	smul.u32 $0x140000, s7;
	_ =	strace $0x80000047  }
0x8: {  	s26 =	ssub.s32 $0x2, s7;
	s31 =	smul.u32 $0x5000, s7;
	s10 =	sadd.s32 s5, s6  }
0x9: {  	s5 =	sadd.s32 $0xA200, s6;
	s28 =	sshrl.u32 s26, $0x1;
	s29 =	sshrl.u32 s11, $0x2  }
0xa: {  	s25 =	sadd.s32 s9, s8;
	s9 =	ssub.s32 s26, s28;
	s12 =	sadd.s32 s29, s3  }
0xb: {  	s7 =	sadd.s32 $0x5200, s10;
	s10 =	sshrl.u32 s31, $0x2;
	s8 =	sshrl.u32 s25, $0x3  }
0xc: {  	s9 =	smax.u32 s9, $0x1;
	s11 =	sshrl.u32 s12, $0x3;
	s8 =	sadd.s32 s8, s6  }
0xd: {  	s12 =	simm.s32 $0x1;
	s6 =	sor.u32 $0x1C01, s30;
	s8 =	sadd.s32 $0xCA00, s8  }
.LBB2_1:
0xe: {  	[spmem:s11], [sflag:s6] =	dma.local [hbm:s5], $0x2800  }
0xf: {  	_ =	swait.ge [sflag:s12], $0x2800  }
0x10: {  	[sflag:s12] =	ssyncset.done $0x0  }
0x11: {  	[sflag:s12] =	ssyncadd.s32 $0xFFFFD800  }
0x12: {  	[tilespmem:s4], [sflag:$0x1] =	stream.linear.gather [hbm4b:s7+s4], $0x2800, $0x38;
	[tilespmem:$0x1A800] =	vst v63  }
0x13: {  	_ =	swait.ge [sflag:s12], $0x2800  }
0x14: {  	[sflag:s12] =	ssyncset.done $0x0  }
0x15: {  	[sflag:s12] =	ssyncadd.s32 $0xFFFFD800  }
0x16: {  	[tilespmem:s13], [sflag:$0x1] =	stream.linear.gather [hbm4b:s2+s4], $0x4000, $0x38;
	[tilespmem:$0x1A800] =	vst v63  }
0x17: {  	_ =	swait.ge [sflag:s12], $0x4000  }
0x18: {  	[sflag:s12] =	ssyncset.done $0x0  }
0x19: {  	[sflag:s12] =	ssyncadd.s32 $0xFFFFC000  }
0x1a: {  	s16 =	sadd.s32 $0x0, s10;
	[bflag:$0x0] =	sbarrier.arrive $0xFFFF  }
0x1b: {  	[spmem:s3] =	stream.indirect.scatter.add.f32 [tilespmem:s13], [sflag:$0x1], $0x80, s16, s14, $0xb8;
	[tilespmem:$0x1A800] =	vst v63  }
0x1c: {  	s16 =	simm.s32 $0x200;
	_ =	swait.ge [sflag:s12], $0x4000  }
.LBB2_2:
0x1d: {  	s17 =	sshra.s32 s16, $0x2;
	[sflag:s12] =	ssyncset.done $0x0;
	p0 =	sne.s32 s16, $0x4E00  }
.Ltmp0:
0x1e: {  	s17 =	sadd.s32 s17, s10;
	[sflag:s12] =	ssyncadd.s32 $0xFFFFC000;
	(pc) =	sbr.rel @p0 .LBB2_2-.Ltmp0, $3  }
0x1f: {  	[spmem:s3] =	stream.indirect.scatter.add.f32 [tilespmem:s13], [sflag:$0x1], $0x80, s17, s14, $0xb8;
	[tilespmem:$0x1A800] =	vst v63  }
0x20: {  	s16 =	sadd.s32 $0x200, s16;
	_ =	sdelay $0x1  }
0x21: {  	_ =	swait.ge [sflag:s12], $0x4000  }
0x22: {  	[sflag:s12] =	ssyncset.done $0x0;
	s15 =	sadd.s32 $0x1, s15  }
0x23: {  	[sflag:s12] =	ssyncadd.s32 $0xFFFFC000;
	p0 =	sne.s32 s15, s9  }
.Ltmp1:
0x24: {  	[bflag:$0x0] =	sbarrier.arrive $0xFFFF;
	(pc) =	sbr.rel @p0 .LBB2_1-.Ltmp1, $4  }
0x25: {  	[hbm:s8], [sflag:s6] =	dma.local [spmem:s11], $0x2800  }
0x26: {  	_ =	swait.ge [sflag:s12], $0x2800  }
0x27: {  	[sflag:s12] =	ssyncset.done $0x0  }
0x28: {  	[sflag:s12] =	ssyncadd.s32 $0xFFFFD800  }
0x29: {  	_ =	sfence.sel $0x180000  }
0x2a: {  	[bflag:$0x0] =	sbarrier.arrive $0xFFFF  }
0x2b: {  	p0 =	sne.s32 s0, $0x0;
	_ =	strace $0x90000047  }
0x2c: {  	s0 =	sadd.s32 @!p0 $0x100000, s1;
	[bflag:$0x2] =	sbarrier.arrive $0xFFFF  }
0x2d: {  	[sflag:s0] =	ssyncadd.tile.s32 @!p0 $0x1;
	_ =	shalt  }
.Lfunc_end2:
_tile_overlayer_lowered:
.L_overlay_start_2:
0x2e: {  	(tag) =	ssettag $0x2  }
0x2f: {  	s0 =	rddreg [dreg:$0x0];
	s2 =	stileid.u32  }
0x30: {  	s1 =	rddreg [dreg:$0x1];
	p0 =	sne.s32 s2, $0x0  }
0x31: {  	s3 =	rddreg [dreg:$0x2];
	[bflag:$0x3] =	sbarrier.arrive $0xFFFF;
	s2 =	simm.s32 @!p0 $0x1C01  }
0x32: {  	[timem:s3], [sflag:s2] =	dma.local @!p0 [hbm:s0], s1  }
0x33: {  	s0 =	simm.s32 @!p0 $0x1  }
0x34: {  	_ =	swait.ge @!p0 [sflag:s0], s1  }
0x35: {  	s1 =	ssub.s32 @!p0 $0x0, s1;
	[sflag:s0] =	ssyncset.done @!p0 $0x0  }
0x36: {  	[sflag:s0] =	ssyncadd.s32 @!p0 s1  }
0x37: {  	[bflag:$0x3] =	sbarrier.arrive $0xFFFF  }
0x38: {  	_ =	shalt  }

// kernel: kernel.23.cloned.1.call-start
scs
__scs_entry_jumppad:
0x0: {  	(pc) =	sbr.rel $0x88, $3  }
0x1: {  	(tag) =	ssettag $0x0;
	lr =	simm.s32 $0x1  }
0x2: {  	[smem:$0x3F9A] =	sst lr;
	_ =	strace $0xD0000000  }
0x3: {  	_ = 	snop  }
0x4: {  	_ = 	snop  }
0x5: {  	_ = 	snop  }
0x6: {  	_ = 	snop  }
0x7: {  	_ = 	snop  }
__scs_overlays_trampoline_lowered:
0x8: {  	[smem:$0x3FA9] =	sst s0  }
0x9: {  	[smem:$0x3FAA] =	sst s1  }
0xa: {  	[smem:$0x3FAB] =	sst s2  }
0xb: {  	[smem:$0x3FAC] =	sst s3  }
0xc: {  	[smem:$0x3FAD] =	sst s4  }
0xd: {  	[smem:$0x3FAE] =	sst s5  }
0xe: {  	[smem:$0x3FAF] =	sst s6  }
0xf: {  	[smem:$0x3FB0] =	sst s7  }
0x10: {  	[smem:$0x3FB1] =	sst s8  }
0x11: {  	[smem:$0x3FB2] =	sst s9;
	s0 =	simm.s32 @!p0 $0x0  }
0x12: {  	s1 =	sld [smem:$0x3F98];
	s0 =	simm.s32 @p0 $0x1  }
0x13: {  	[smem:$0x3FB3] =	sst s0;
	s0 =	simm.s32 @!p1 $0x0  }
0x14: {  	s2 =	sld [smem:$0x3F97];
	s0 =	simm.s32 @p1 $0x1  }
0x15: {  	[smem:$0x3FB4] =	sst s0;
	s0 =	simm.s32 @!p2 $0x0  }
0x16: {  	s3 =	sld [smem:$0x3FDB];
	s0 =	simm.s32 @p2 $0x1  }
0x17: {  	s4 =	simm.s32 $0x1BF5;
	[smem:$0x3FB6] =	sst s0  }
0x18: {  	s0 =	sld [smem:$0x3F99];
	_ =	swait.ge [sflag:s4], $0x0  }
0x19: {  	s7 =	sld [smem:$0x3F9A]  }
0x1a: {  	s8 =	sadd.s32 $0xFFFFE003, lr  }
0x1b: {  	s9 =	sadd.s32 $0xFFFFFEF7, lr;
	s5 =	simm.s32 $0xFFFFFFFF;
	p2 =	slt.u32 s8, $0xFFFFF086  }
0x1c: {  	p1 =	slt.u32 s9, $0xF7A;
	s5 =	simm.s32 @!p2 $0x0  }
0x1d: {  	s5 =	simm.s32 @p1 $0x1;
	p0 =	seq.s32 s7, s2  }
0x1e: {  	s7 =	smul.u32 @!p0 $0xF7A, s2;
	p2 =	seq.s32 @!p0 s5, $0x0  }
0x1f: {  	s9 =	smul.u32 $0xF7A, s1;
	s8 =	simm.s32 @!p0 $0x1BF5;
	p2 =	por !p2, p0  }
0x20: {  	[sflag:s8] =	ssyncset.s32 @!p0 $0xFFFFF086;
	s6 =	sadd.s32 @!p0 s3, s7;
	s7 =	simm.s32 @!p0 $0x108  }
0x21: {  	s3 =	sadd.s32 s3, s9;
	s6 =	sadd.s32 @!p0 $0x88, s6;
	s7 =	simm.s32 @p2 $0x1082  }
0x22: {  	[simem:s7], [sflag:s8] =	dma.local @!p0 [hbm:s6], $0xF7A  }
0x23: {  	s9 =	sor.u32 $0xD0000000, s2;
	s6 =	simm.s32 $0x108;
	_ =	swait.ge @!p0 [sflag:s8], $0x0  }
0x24: {  	s3 =	sadd.s32 $0x88, s3;
	s6 =	simm.s32 @!p1 $0x1082;
	[sflag:s4] =	ssyncset.s32 $0xFFFFF086  }
0x25: {  	[simem:s6], [sflag:s4] =	dma.local [hbm:s3], $0xF7A  }
0x26: {  	[smem:$0x3F9A] =	sst s1;
	(tag) =	ssettag s2;
	_ =	strace s9  }
0x27: {  	s1 =	sld [smem:$0x3FAA]  }
0x28: {  	s2 =	sld [smem:$0x3FAB]  }
0x29: {  	s4 =	sld [smem:$0x3FAD]  }
0x2a: {  	p0 =	seq.s32 s5, $0x0;
	s5 =	sld [smem:$0x3FAE]  }
0x2b: {  	s6 =	sld [smem:$0x3FAF]  }
0x2c: {  	s7 =	sld [smem:$0x3FB0]  }
0x2d: {  	s3 =	simm.s32 $0x108;
	s8 =	sld [smem:$0x3FB1]  }
0x2e: {  	s3 =	simm.s32 @!p0 $0x1082;
	s9 =	sld [smem:$0x3FB2]  }
0x2f: {  	lr =	sadd.s32 s0, s3;
	s0 =	sld [smem:$0x3FA9]  }
0x30: {  	s3 =	sld [smem:$0x3FAC]  }
0x31: {  	[smem:$0x3FB5] =	sst s10  }
0x32: {  	s10 =	sld [smem:$0x3FB3];
	_ =	sdelay $0x3  }
0x33: {  	p0 =	seq.s32 s10, $0x1;
	s10 =	sld [smem:$0x3FB5];
	_ =	sdelay $0x3  }
0x34: {  	[smem:$0x3FB5] =	sst s10  }
0x35: {  	s10 =	sld [smem:$0x3FB4];
	_ =	sdelay $0x3  }
0x36: {  	p1 =	seq.s32 s10, $0x1;
	s10 =	sld [smem:$0x3FB5];
	_ =	sdelay $0x3  }
0x37: {  	[smem:$0x3FB5] =	sst s10  }
0x38: {  	s10 =	sld [smem:$0x3FB6]  }
0x39: {  	_ = 	snop;
	(pc) =	sbr.ind lr, $3  }
0x3a: {  	_ = 	snop  }
0x3b: {  	_ = 	snop  }
0x3c: {  	p2 =	seq.s32 s10, $0x1;
	s10 =	sld [smem:$0x3FB5]  }
0x3d: {  	_ =	shalt  }
0x3e: {  	_ =	shalt  }
0x3f: {  	_ =	shalt  }
0x40: {  	_ =	shalt  }
0x41: {  	_ =	shalt  }
0x42: {  	_ =	shalt  }
0x43: {  	_ =	shalt  }
0x44: {  	_ =	shalt  }
0x45: {  	_ =	shalt  }
0x46: {  	_ =	shalt  }
0x47: {  	_ =	shalt  }
0x48: {  	_ =	shalt  }
0x49: {  	_ =	shalt  }
0x4a: {  	_ =	shalt  }
0x4b: {  	_ =	shalt  }
0x4c: {  	_ =	shalt  }
0x4d: {  	_ =	shalt  }
0x4e: {  	_ =	shalt  }
0x4f: {  	_ =	shalt  }
0x50: {  	_ =	shalt  }
0x51: {  	_ =	shalt  }
0x52: {  	_ =	shalt  }
0x53: {  	_ =	shalt  }
0x54: {  	_ =	shalt  }
0x55: {  	_ =	shalt  }
0x56: {  	_ =	shalt  }
0x57: {  	_ =	shalt  }
0x58: {  	_ =	shalt  }
0x59: {  	_ =	shalt  }
0x5a: {  	_ =	shalt  }
0x5b: {  	_ =	shalt  }
0x5c: {  	_ =	shalt  }
0x5d: {  	_ =	shalt  }
0x5e: {  	_ =	shalt  }
0x5f: {  	_ =	shalt  }
0x60: {  	_ =	shalt  }
0x61: {  	_ =	shalt  }
0x62: {  	_ =	shalt  }
0x63: {  	_ =	shalt  }
0x64: {  	_ =	shalt  }
0x65: {  	_ =	shalt  }
0x66: {  	_ =	shalt  }
0x67: {  	_ =	shalt  }
0x68: {  	_ =	shalt  }
0x69: {  	_ =	shalt  }
0x6a: {  	_ =	shalt  }
0x6b: {  	_ =	shalt  }
0x6c: {  	_ =	shalt  }
0x6d: {  	_ =	shalt  }
0x6e: {  	_ =	shalt  }
0x6f: {  	_ =	shalt  }
0x70: {  	_ =	shalt  }
0x71: {  	_ =	shalt  }
0x72: {  	_ =	shalt  }
0x73: {  	_ =	shalt  }
0x74: {  	_ =	shalt  }
0x75: {  	_ =	shalt  }
0x76: {  	_ =	shalt  }
0x77: {  	_ =	shalt  }
0x78: {  	_ =	shalt  }
0x79: {  	_ =	shalt  }
0x7a: {  	_ =	shalt  }
0x7b: {  	_ =	shalt  }
0x7c: {  	_ =	shalt  }
0x7d: {  	_ =	shalt  }
0x7e: {  	_ =	shalt  }
0x7f: {  	_ =	shalt  }
0x80: {  	_ =	shalt  }
0x81: {  	_ =	shalt  }
0x82: {  	_ =	shalt  }
0x83: {  	_ =	shalt  }
0x84: {  	_ =	shalt  }
0x85: {  	_ =	shalt  }
0x86: {  	_ =	shalt  }
0x87: {  	_ =	shalt  }
.Lfunc_end0:
.L_simem_size_0:
called_computation.1_lowered:
.L_overlay_start_0:
0x88: {  	s2 =	sld [smem:$0x3FD9]  }
0x89: {  	s3 =	sld [smem:$0x3FFE];
	_ =	sdelay $0x1  }
0x8a: {  	s1 =	srdreg.scid  }
0x8b: {  	s0 =	sand.u32 $0x1, s1  }
0x8c: {  	s16 =	sshll.u32 s0, $0xA;
	s2 =	sadd.s32 s3, s2  }
0x8d: {  	s2 =	sadd.s32 s2, s16  }
0x8e: {  	[smem:$0x3FC1] =	sst s2  }
0x8f: {  	_ = 	snop  }
0x90: {  	(tm) =	ssettm $0x1  }
0x91: {  	s17 =	sld [smem:$0x3FFB];
	_ =	sdelay $0x3  }
0x92: {  	_ =	strace s17  }
0x93: {  	s2 =	sld [smem:$0x3FFC];
	_ =	sdelay $0x3  }
0x94: {  	_ =	strace s2  }
0x95: {  	s2 =	sld [smem:$0x3FFD];
	_ =	sdelay $0x3  }
0x96: {  	_ =	strace s2  }
0x97: {  	_ =	strace $0x8FFFFFFF  }
0x98: {  	s18 =	sld [smem:$0x3FDB];
	_ =	sdelay $0x1  }
0x99: {  	s19 =	simm.s32 $_scs_section_size  }
0x9a: {  	s4 =	simm.s32 $_size__tile_overlayer_lowered;
	s5 =	simm.s32 $_tile_overlayer_lowered  }
0x9b: {  	s22 =	simm.s32 $0x1BFF;
	s21 =	sshll.u32 s5, $0x1;
	s2 =	sadd.s32 s19, s18  }
0x9c: {  	s6 =	simm.s32 $0x0;
	s20 =	sshll.u32 s4, $0x1;
	s4 =	sadd.s32 s21, s2  }
0x9d: {  	[timem:s6], [sflag:s22] =	dma.local [hbm:s4], s20  }
0x9e: {  	_ =	swait.ge [sflag:s22], s20  }
0x9f: {  	s3 =	ssub.s32 $0x0, s20;
	[sflag:s22] =	ssyncset.done $0x0  }
0xa0: {  	[sflag:s22] =	ssyncadd.s32 s3;
	_ =	sdelay $0x1  }
0xa1: {  	s23 =	simm.s32 $0x1B8B  }
0xa2: {  	_ =	swait.ge [sflag:s23], $0x1  }
0xa3: {  	[sflag:s23] =	ssyncset.done $0x0  }
0xa4: {  	s25 =	simm.s32 $0x1B8E;
	s24 =	sld [smem:$0x3FFE];
	[sflag:s23] =	ssyncadd.s32 $0xFFFFFFFF  }
0xa5: {  	s26 =	simm.s32 $execute0_lowered;
	[smem:$0x3FD2] =	sst s25  }
0xa6: {  	s4 =	sshll.u32 s26, $0x1;
	_ =	strace $0x80000049;
	[dreg:$0x1] =	wrdreg $0xFFFFFFFF  }
0xa7: {  	s28 =	simm.s32 $_size_execute0_lowered;
	s2 =	sadd.s32 s2, s4;
	[dreg:$0x0] =	wrdreg $0x0  }
0xa8: {  	s4 =	sshll.u32 s28, $0x1;
	[dreg:$0x2] =	wrdreg s2  }
0xa9: {  	[dreg:$0x3] =	wrdreg s4  }
0xaa: {  	[dreg:$0x4] =	wrdreg $0xC0  }
0xab: {  	_ =	task [dreg:s6], $0x5FFFF  }
0xac: {  	[dreg:$0x1] =	wrdreg $0xFFFFFFFF  }
0xad: {  	[dreg:$0x0] =	wrdreg $0x60  }
0xae: {  	[dreg:$0x2] =	wrdreg s24  }
0xaf: {  	[dreg:$0x3] =	wrdreg $0xA9000  }
0xb0: {  	[dreg:$0x4] =	wrdreg $0x9  }
0xb1: {  	_ =	task.clear_ibuf [dreg:s6], $0x5FFFF;
	_ =	strace $0x90000049  }
0xb2: {  	s29 =	simm.s32 $0x9;
	_ =	strace $0x8000004B  }
0xb3: {  	_ =	swait.ge [sflag:s29], $0x1  }
0xb4: {  	[sflag:s29] =	ssyncadd.s32 $0xFFFFFFFF  }
0xb5: {  	_ =	strace $0x9000004B  }
0xb6: {  	_ =	sfence  }
0xb7: {  	s30 =	sld [smem:$0x0];
	_ =	sdelay $0x2  }
0xb8: {  	s31 =	sshll.u32 s1, $0xD;
	s1 =	sshrl.u32 s1, $0x2  }
0xb9: {  	s3 =	sand.u32 $0x4000, s31;
	s1 =	sadd.s32 s1, s30  }
0xba: {  	s0 =	sor.u32 s3, s0;
	s1 =	sshll.u32 s1, $0x11  }
0xbb: {  	s0 =	sor.u32 s1, s0  }
0xbc: {  	s0 =	sadd.s32 $0x8F2B, s0  }
0xbd: {  	[sflag:s0] =	ssyncadd.remote.s32 $0x1  }
0xbe: {  	_ =	sfence.sel $0xFFFF  }
0xbf: {  	[dreg:$0x0] =	wrdreg $0xFFFFFFFF;
	(pc) =	sbr.abs _section_cstart, $3  }
0xc0: {  	[dreg:$0x1] =	wrdreg $0xFFFFFFFF  }
0xc1: {  	_ =	task.clear_ibuf [dreg:s6], $0x2FFFF;
	_ =	strace $0x9FFFFFFF  }
0xc2: {  	(tm) =	ssettm $0x7FFFFFFF  }
0xc3: {  	_ =	shalt  }
tec
execute0_lowered:
.L_overlay_start_1:
0x0: {  	(tag) =	ssettag $0x1  }
0x1: {  	s1 =	srdreg.scid;
	s6 =	rddreg [dreg:$0x0]  }
0x2: {  	s0 =	stileid.u32;
	s2 =	rddreg [dreg:$0x1]  }
0x3: {  	s3 =	simm.s32 $0x0;
	s16 =	simm.s32 $0x2900;
	s17 =	simm.s32 $0x2800  }
0x4: {  	s18 =	simm.s32 $0x6900;
	s19 =	simm.s32 $0x2880;
	s7 =	smul.u32 $0x2800, s0  }
0x5: {  	s20 =	simm.s32 $0x1;
	s21 =	simm.s32 $0x2;
	s10 =	smul.u32 $0x14000, s0  }
0x6: {  	s22 =	simm.s32 $0x2780;
	s23 =	simm.s32 $0x0;
	s11 =	smul.u32 $0x50000, s0  }
0x7: {  	s5 =	sand.u32 $0x1, s1;
	s1 =	rddreg [dreg:$0x2];
	s15 =	smul.u32 $0x500, s0  }
0x8: {  	[smem:$0x7FF] =	sst s3;
	s12 =	sadd.s32 $0x5200, s6;
	s4 =	smul.u32 $0x28000, s5  }
0x9: {  	s30 =	sshll.u32 s0, $0x6;
	s8 =	smul.u32 $0x140000, s5;
	s26 =	ssub.s32 $0x2, s5  }
0xa: {  	_ =	strace $0x8000004A;
	s5 =	sadd.s32 $0xA200, s6;
	s28 =	sshrl.u32 s26, $0x1  }
0xb: {  	s29 =	sshrl.u32 s11, $0x2;
	s31 =	sshrl.u32 s7, $0x3;
	s9 =	sadd.s32 s7, s4  }
0xc: {  	s4 =	sadd.s32 $0xCA00, s6;
	s8 =	sadd.s32 s10, s8;
	s10 =	ssub.s32 s26, s28  }
0xd: {  	s14 =	sadd.s32 s29, s2;
	s9 =	sshrl.u32 s9, $0x3;
	s8 =	sshrl.u32 s8, $0x3  }
0xe: {  	s10 =	smax.u32 s10, $0x1;
	s9 =	sadd.s32 s9, s6;
	s13 =	sadd.s32 s8, s6  }
0xf: {  	s6 =	sor.u32 $0x1C03, s30;
	s8 =	sadd.s32 s12, s31;
	s12 =	sadd.s32 s15, s12  }
0x10: {  	s15 =	simm.s32 $0x80;
	s7 =	sadd.s32 $0x5CA00, s9;
	s9 =	sadd.s32 $0xB4C00, s13  }
0x11: {  	s11 =	sadd.s32 $0x4F0, s8;
	s13 =	sshrl.u32 s14, $0x3;
	s14 =	simm.s32 $0x3  }
.LBB2_1:
0x12: {  	[spmem:s13], [sflag:s6] =	dma.local [hbm:s5], $0x2800  }
0x13: {  	_ =	swait.ge [sflag:s14], $0x2800  }
0x14: {  	[sflag:s14] =	ssyncset.done $0x0  }
0x15: {  	[sflag:s14] =	ssyncadd.s32 $0xFFFFD800  }
0x16: {  	[tilespmem:s3], [sflag:$0x3] =	stream.linear.gather [hbm4b:s7+s3], $0x2800, $0x38;
	[tilespmem:$0x1E900] =	vst v63  }
0x17: {  	_ =	swait.ge [sflag:s14], $0x2800  }
0x18: {  	[sflag:s14] =	ssyncset.done $0x0  }
0x19: {  	[sflag:s14] =	ssyncadd.s32 $0xFFFFD800  }
0x1a: {  	[bflag:$0x0] =	sbarrier.arrive $0xFFFF  }
0x1b: {  	[tilespmem:s16], [sflag:$0x1] =	stream.indirect.gather [hbm4b:s4+s15], $0x80, s3, s15, $0xb8;
	[tilespmem:$0x1E900] =	vst v63  }
0x1c: {  	_ = 	snop  }
0x1d: {  	[tilespmem:s17], [sflag:$0x1] =	stream.linear.gather [hbm4b:s8+s3], $0x80, $0x38;
	[tilespmem:$0x1E900] =	vst v63  }
0x1e: {  	s24 =	simm.s32 $0x80;
	s25 =	sadd.s32 $0xFFFFFB20, s12  }
0x1f: {  	[tilespmem:s18], [sflag:$0x2] =	stream.indirect.gather [hbm4b:s4+s15], $0x80, s24, s15, $0xb8;
	[tilespmem:$0x1E900] =	vst v63  }
0x20: {  	s29 =	sadd.s32 $0x4F0, s25  }
0x21: {  	[tilespmem:s19], [sflag:$0x2] =	stream.linear.gather [hbm4b:s29+s3], $0x80, $0x38;
	[tilespmem:$0x1E900] =	vst v63  }
0x22: {  	_ =	swait.ge [sflag:s20], $0x4000  }
0x23: {  	[sflag:s20] =	ssyncset.done $0x0  }
0x24: {  	[sflag:s20] =	ssyncadd.s32 $0xFFFFC000  }
0x25: {  	_ =	swait.ge [sflag:s20], $0x80  }
0x26: {  	[sflag:s20] =	ssyncset.done $0x0  }
0x27: {  	[sflag:s20] =	ssyncadd.s32 $0xFFFFFF80  }
0x28: {  	[spmem:s2] =	stream.indirect.scatter.add.f32 [tilespmem:s16], [sflag:$0x3], $0x80, s17, s15, $0xb8;
	[tilespmem:$0x1E900] =	vst v63  }
0x29: {  	_ =	swait.ge [sflag:s14], $0x4000  }
0x2a: {  	[sflag:s14] =	ssyncset.done $0x0  }
0x2b: {  	s30 =	simm.s32 $0x100;
	[sflag:s14] =	ssyncadd.s32 $0xFFFFC000  }
0x2c: {  	[tilespmem:s16], [sflag:$0x1] =	stream.indirect.gather [hbm4b:s4+s15], $0x80, s30, s15, $0xb8;
	[tilespmem:$0x1E900] =	vst v63  }
0x2d: {  	s31 =	sadd.s32 $0x500, s25  }
0x2e: {  	[tilespmem:s17], [sflag:$0x1] =	stream.linear.gather [hbm4b:s31+s3], $0x80, $0x38;
	[tilespmem:$0x1E900] =	vst v63  }
0x2f: {  	_ =	swait.ge [sflag:s21], $0x4000  }
0x30: {  	[sflag:s21] =	ssyncset.done $0x0  }
0x31: {  	[sflag:s21] =	ssyncadd.s32 $0xFFFFC000  }
0x32: {  	_ =	swait.ge [sflag:s21], $0x80  }
0x33: {  	[sflag:s21] =	ssyncset.done $0x0  }
0x34: {  	[sflag:s21] =	ssyncadd.s32 $0xFFFFFF80  }
0x35: {  	[spmem:s2] =	stream.indirect.scatter.add.f32 [tilespmem:s18], [sflag:$0x3], $0x80, s19, s15, $0xb8;
	[tilespmem:$0x1E900] =	vst v63  }
0x36: {  	s26 =	simm.s32 $0xFFFFFB60;
	_ =	swait.ge [sflag:s14], $0x4000  }
0x37: {  	s25 =	simm.s32 $0xFFFFFB40;
	s24 =	simm.s32 $0x200;
	[sflag:s14] =	ssyncset.done $0x0  }
.LBB2_2:
0x38: {  	s28 =	sadd.s32 $0xFFFFFF80, s24  }
0x39: {  	s29 =	sadd.s32 s25, s12;
	[sflag:s14] =	ssyncadd.s32 $0xFFFFC000;
	s25 =	smov.u32 s26  }
0x3a: {  	[tilespmem:s18], [sflag:$0x2] =	stream.indirect.gather [hbm4b:s4+s15], $0x80, s28, s15, $0xb8;
	[tilespmem:$0x1E900] =	vst v63  }
0x3b: {  	p0 =	sne.s32 s26, $0xFFFFFFE0;
	s26 =	sadd.s32 $0x20, s26;
	s28 =	sadd.s32 $0x4F0, s29  }
0x3c: {  	[tilespmem:s19], [sflag:$0x2] =	stream.linear.gather [hbm4b:s28+s3], $0x80, $0x38;
	[tilespmem:$0x1E900] =	vst v63  }
0x3d: {  	_ =	swait.ge [sflag:s20], $0x4000  }
0x3e: {  	[sflag:s20] =	ssyncset.done $0x0  }
0x3f: {  	[sflag:s20] =	ssyncadd.s32 $0xFFFFC000  }
0x40: {  	_ =	swait.ge [sflag:s20], $0x80  }
0x41: {  	[sflag:s20] =	ssyncset.done $0x0  }
0x42: {  	[sflag:s20] =	ssyncadd.s32 $0xFFFFFF80  }
0x43: {  	[spmem:s2] =	stream.indirect.scatter.add.f32 [tilespmem:s16], [sflag:$0x3], $0x80, s17, s15, $0xb8;
	[tilespmem:$0x1E900] =	vst v63  }
0x44: {  	_ =	swait.ge [sflag:s14], $0x4000  }
0x45: {  	[sflag:s14] =	ssyncset.done $0x0  }
0x46: {  	[sflag:s14] =	ssyncadd.s32 $0xFFFFC000  }
0x47: {  	[tilespmem:s16], [sflag:$0x1] =	stream.indirect.gather [hbm4b:s4+s15], $0x80, s24, s15, $0xb8;
	[tilespmem:$0x1E900] =	vst v63  }
0x48: {  	s28 =	sadd.s32 $0x500, s29  }
0x49: {  	[tilespmem:s17], [sflag:$0x1] =	stream.linear.gather [hbm4b:s28+s3], $0x80, $0x38;
	[tilespmem:$0x1E900] =	vst v63  }
0x4a: {  	_ =	swait.ge [sflag:s21], $0x4000  }
0x4b: {  	[sflag:s21] =	ssyncset.done $0x0  }
0x4c: {  	[sflag:s21] =	ssyncadd.s32 $0xFFFFC000  }
0x4d: {  	_ =	swait.ge [sflag:s21], $0x80  }
.Ltmp0:
0x4e: {  	[sflag:s21] =	ssyncset.done $0x0;
	(pc) =	sbr.rel @p0 .LBB2_2-.Ltmp0, $4  }
0x4f: {  	[sflag:s21] =	ssyncadd.s32 $0xFFFFFF80  }
0x50: {  	[spmem:s2] =	stream.indirect.scatter.add.f32 [tilespmem:s18], [sflag:$0x3], $0x80, s19, s15, $0xb8;
	[tilespmem:$0x1E900] =	vst v63  }
0x51: {  	_ =	swait.ge [sflag:s14], $0x4000  }
0x52: {  	s24 =	sadd.s32 $0x100, s24;
	[sflag:s14] =	ssyncset.done $0x0  }
0x53: {  	s26 =	sadd.s32 $0xFFFFFF80, s24;
	s25 =	sadd.s32 s25, s12;
	[sflag:s14] =	ssyncadd.s32 $0xFFFFC000  }
0x54: {  	[tilespmem:s18], [sflag:$0x2] =	stream.indirect.gather [hbm4b:s4+s15], $0x80, s26, s15, $0xb8;
	[tilespmem:$0x1E900] =	vst v63  }
0x55: {  	s30 =	sadd.s32 $0x4F0, s25  }
0x56: {  	[tilespmem:s19], [sflag:$0x2] =	stream.linear.gather [hbm4b:s30+s3], $0x80, $0x38;
	[tilespmem:$0x1E900] =	vst v63  }
0x57: {  	_ =	swait.ge [sflag:s20], $0x4000  }
0x58: {  	[sflag:s20] =	ssyncset.done $0x0  }
0x59: {  	[sflag:s20] =	ssyncadd.s32 $0xFFFFC000  }
0x5a: {  	_ =	swait.ge [sflag:s20], $0x80  }
0x5b: {  	[sflag:s20] =	ssyncset.done $0x0  }
0x5c: {  	[sflag:s20] =	ssyncadd.s32 $0xFFFFFF80  }
0x5d: {  	[spmem:s2] =	stream.indirect.scatter.add.f32 [tilespmem:s16], [sflag:$0x3], $0x80, s17, s15, $0xb8;
	[tilespmem:$0x1E900] =	vst v63  }
0x5e: {  	_ =	swait.ge [sflag:s14], $0x4000  }
0x5f: {  	[sflag:s14] =	ssyncset.done $0x0  }
0x60: {  	[sflag:s14] =	ssyncadd.s32 $0xFFFFC000  }
0x61: {  	[tilespmem:s16], [sflag:$0x1] =	stream.indirect.gather [hbm4b:s4+s15], $0x80, s24, s15, $0xb8;
	[tilespmem:$0x1E900] =	vst v63  }
0x62: {  	s31 =	sadd.s32 $0x500, s25  }
0x63: {  	[tilespmem:s17], [sflag:$0x1] =	stream.linear.gather [hbm4b:s31+s3], $0x80, $0x38;
	[tilespmem:$0x1E900] =	vst v63  }
0x64: {  	_ =	swait.ge [sflag:s21], $0x4000  }
0x65: {  	[sflag:s21] =	ssyncset.done $0x0  }
0x66: {  	[sflag:s21] =	ssyncadd.s32 $0xFFFFC000  }
0x67: {  	_ =	swait.ge [sflag:s21], $0x80  }
0x68: {  	[sflag:s21] =	ssyncset.done $0x0  }
0x69: {  	[sflag:s21] =	ssyncadd.s32 $0xFFFFFF80  }
0x6a: {  	[spmem:s2] =	stream.indirect.scatter.add.f32 [tilespmem:s18], [sflag:$0x3], $0x80, s19, s15, $0xb8;
	[tilespmem:$0x1E900] =	vst v63  }
0x6b: {  	_ =	swait.ge [sflag:s14], $0x4000  }
0x6c: {  	[sflag:s14] =	ssyncset.done $0x0  }
0x6d: {  	[sflag:s14] =	ssyncadd.s32 $0xFFFFC000  }
0x6e: {  	[tilespmem:s18], [sflag:$0x2] =	stream.indirect.gather [hbm4b:s4+s15], $0x80, s22, s15, $0xb8;
	[tilespmem:$0x1E900] =	vst v63  }
0x6f: {  	_ = 	snop  }
0x70: {  	[tilespmem:s19], [sflag:$0x2] =	stream.linear.gather [hbm4b:s11+s3], $0x80, $0x38;
	[tilespmem:$0x1E900] =	vst v63  }
0x71: {  	_ =	swait.ge [sflag:s20], $0x4000  }
0x72: {  	[sflag:s20] =	ssyncset.done $0x0  }
0x73: {  	[sflag:s20] =	ssyncadd.s32 $0xFFFFC000  }
0x74: {  	_ =	swait.ge [sflag:s20], $0x80  }
0x75: {  	[sflag:s20] =	ssyncset.done $0x0  }
0x76: {  	[sflag:s20] =	ssyncadd.s32 $0xFFFFFF80  }
0x77: {  	[spmem:s2] =	stream.indirect.scatter.add.f32 [tilespmem:s16], [sflag:$0x3], $0x80, s17, s15, $0xb8;
	[tilespmem:$0x1E900] =	vst v63  }
0x78: {  	_ =	swait.ge [sflag:s14], $0x4000  }
0x79: {  	[sflag:s14] =	ssyncset.done $0x0  }
0x7a: {  	[sflag:s14] =	ssyncadd.s32 $0xFFFFC000  }
0x7b: {  	_ =	swait.ge [sflag:s21], $0x4000  }
0x7c: {  	[sflag:s21] =	ssyncset.done $0x0  }
0x7d: {  	[sflag:s21] =	ssyncadd.s32 $0xFFFFC000  }
0x7e: {  	_ =	swait.ge [sflag:s21], $0x80  }
0x7f: {  	[sflag:s21] =	ssyncset.done $0x0  }
0x80: {  	[sflag:s21] =	ssyncadd.s32 $0xFFFFFF80  }
0x81: {  	[spmem:s2] =	stream.indirect.scatter.add.f32 [tilespmem:s18], [sflag:$0x3], $0x80, s19, s15, $0xb8;
	[tilespmem:$0x1E900] =	vst v63  }
0x82: {  	_ =	swait.ge [sflag:s14], $0x4000  }
0x83: {  	s23 =	sadd.s32 $0x1, s23;
	[sflag:s14] =	ssyncset.done $0x0  }
0x84: {  	p0 =	sne.s32 s23, s10;
	[sflag:s14] =	ssyncadd.s32 $0xFFFFC000  }
.Ltmp1:
0x85: {  	[bflag:$0x0] =	sbarrier.arrive $0xFFFF;
	(pc) =	sbr.rel @p0 .LBB2_1-.Ltmp1, $4  }
0x86: {  	[hbm:s9], [sflag:s6] =	dma.local [spmem:s13], $0x2800  }
0x87: {  	_ =	swait.ge [sflag:s14], $0x2800  }
0x88: {  	[sflag:s14] =	ssyncset.done $0x0  }
0x89: {  	[sflag:s14] =	ssyncadd.s32 $0xFFFFD800  }
0x8a: {  	_ =	sfence.sel $0x180000  }
0x8b: {  	[bflag:$0x0] =	sbarrier.arrive $0xFFFF  }
0x8c: {  	p0 =	sne.s32 s0, $0x0;
	_ =	strace $0x9000004A  }
0x8d: {  	s0 =	sadd.s32 @!p0 $0x100000, s1;
	[bflag:$0x2] =	sbarrier.arrive $0xFFFF  }
0x8e: {  	[sflag:s0] =	ssyncadd.tile.s32 @!p0 $0x1;
	_ =	shalt  }
.Lfunc_end2:
_tile_overlayer_lowered:
.L_overlay_start_2:
0x8f: {  	(tag) =	ssettag $0x2  }
0x90: {  	s0 =	rddreg [dreg:$0x0];
	s2 =	stileid.u32  }
0x91: {  	s1 =	rddreg [dreg:$0x1];
	p0 =	sne.s32 s2, $0x0  }
0x92: {  	s3 =	rddreg [dreg:$0x2];
	[bflag:$0x3] =	sbarrier.arrive $0xFFFF;
	s2 =	simm.s32 @!p0 $0x1C03  }
0x93: {  	[timem:s3], [sflag:s2] =	dma.local @!p0 [hbm:s0], s1  }
0x94: {  	s0 =	simm.s32 @!p0 $0x3  }
0x95: {  	_ =	swait.ge @!p0 [sflag:s0], s1  }
0x96: {  	s1 =	ssub.s32 @!p0 $0x0, s1;
	[sflag:s0] =	ssyncset.done @!p0 $0x0  }
0x97: {  	[sflag:s0] =	ssyncadd.s32 @!p0 s1  }
0x98: {  	[bflag:$0x3] =	sbarrier.arrive $0xFFFF  }
0x99: {  	_ =	shalt  }

// kernel: kernel.26.cloned.1.call-start
scs
__scs_entry_jumppad:
0x0: {  	(pc) =	sbr.rel $0x88, $3  }
0x1: {  	(tag) =	ssettag $0x0;
	lr =	simm.s32 $0x1  }
0x2: {  	[smem:$0x3F9A] =	sst lr;
	_ =	strace $0xD0000000  }
0x3: {  	_ = 	snop  }
0x4: {  	_ = 	snop  }
0x5: {  	_ = 	snop  }
0x6: {  	_ = 	snop  }
0x7: {  	_ = 	snop  }
__scs_overlays_trampoline_lowered:
0x8: {  	[smem:$0x3FA9] =	sst s0  }
0x9: {  	[smem:$0x3FAA] =	sst s1  }
0xa: {  	[smem:$0x3FAB] =	sst s2  }
0xb: {  	[smem:$0x3FAC] =	sst s3  }
0xc: {  	[smem:$0x3FAD] =	sst s4  }
0xd: {  	[smem:$0x3FAE] =	sst s5  }
0xe: {  	[smem:$0x3FAF] =	sst s6  }
0xf: {  	[smem:$0x3FB0] =	sst s7  }
0x10: {  	[smem:$0x3FB1] =	sst s8  }
0x11: {  	[smem:$0x3FB2] =	sst s9;
	s0 =	simm.s32 @!p0 $0x0  }
0x12: {  	s1 =	sld [smem:$0x3F98];
	s0 =	simm.s32 @p0 $0x1  }
0x13: {  	[smem:$0x3FB3] =	sst s0;
	s0 =	simm.s32 @!p1 $0x0  }
0x14: {  	s2 =	sld [smem:$0x3F97];
	s0 =	simm.s32 @p1 $0x1  }
0x15: {  	[smem:$0x3FB4] =	sst s0;
	s0 =	simm.s32 @!p2 $0x0  }
0x16: {  	s3 =	sld [smem:$0x3FDB];
	s0 =	simm.s32 @p2 $0x1  }
0x17: {  	s4 =	simm.s32 $0x1BF5;
	[smem:$0x3FB6] =	sst s0  }
0x18: {  	s0 =	sld [smem:$0x3F99];
	_ =	swait.ge [sflag:s4], $0x0  }
0x19: {  	s7 =	sld [smem:$0x3F9A]  }
0x1a: {  	s8 =	sadd.s32 $0xFFFFE003, lr  }
0x1b: {  	s9 =	sadd.s32 $0xFFFFFEF7, lr;
	s5 =	simm.s32 $0xFFFFFFFF;
	p2 =	slt.u32 s8, $0xFFFFF086  }
0x1c: {  	p1 =	slt.u32 s9, $0xF7A;
	s5 =	simm.s32 @!p2 $0x0  }
0x1d: {  	s5 =	simm.s32 @p1 $0x1;
	p0 =	seq.s32 s7, s2  }
0x1e: {  	s7 =	smul.u32 @!p0 $0xF7A, s2;
	p2 =	seq.s32 @!p0 s5, $0x0  }
0x1f: {  	s9 =	smul.u32 $0xF7A, s1;
	s8 =	simm.s32 @!p0 $0x1BF5;
	p2 =	por !p2, p0  }
0x20: {  	[sflag:s8] =	ssyncset.s32 @!p0 $0xFFFFF086;
	s6 =	sadd.s32 @!p0 s3, s7;
	s7 =	simm.s32 @!p0 $0x108  }
0x21: {  	s3 =	sadd.s32 s3, s9;
	s6 =	sadd.s32 @!p0 $0x88, s6;
	s7 =	simm.s32 @p2 $0x1082  }
0x22: {  	[simem:s7], [sflag:s8] =	dma.local @!p0 [hbm:s6], $0xF7A  }
0x23: {  	s9 =	sor.u32 $0xD0000000, s2;
	s6 =	simm.s32 $0x108;
	_ =	swait.ge @!p0 [sflag:s8], $0x0  }
0x24: {  	s3 =	sadd.s32 $0x88, s3;
	s6 =	simm.s32 @!p1 $0x1082;
	[sflag:s4] =	ssyncset.s32 $0xFFFFF086  }
0x25: {  	[simem:s6], [sflag:s4] =	dma.local [hbm:s3], $0xF7A  }
0x26: {  	[smem:$0x3F9A] =	sst s1;
	(tag) =	ssettag s2;
	_ =	strace s9  }
0x27: {  	s1 =	sld [smem:$0x3FAA]  }
0x28: {  	s2 =	sld [smem:$0x3FAB]  }
0x29: {  	s4 =	sld [smem:$0x3FAD]  }
0x2a: {  	p0 =	seq.s32 s5, $0x0;
	s5 =	sld [smem:$0x3FAE]  }
0x2b: {  	s6 =	sld [smem:$0x3FAF]  }
0x2c: {  	s7 =	sld [smem:$0x3FB0]  }
0x2d: {  	s3 =	simm.s32 $0x108;
	s8 =	sld [smem:$0x3FB1]  }
0x2e: {  	s3 =	simm.s32 @!p0 $0x1082;
	s9 =	sld [smem:$0x3FB2]  }
0x2f: {  	lr =	sadd.s32 s0, s3;
	s0 =	sld [smem:$0x3FA9]  }
0x30: {  	s3 =	sld [smem:$0x3FAC]  }
0x31: {  	[smem:$0x3FB5] =	sst s10  }
0x32: {  	s10 =	sld [smem:$0x3FB3];
	_ =	sdelay $0x3  }
0x33: {  	p0 =	seq.s32 s10, $0x1;
	s10 =	sld [smem:$0x3FB5];
	_ =	sdelay $0x3  }
0x34: {  	[smem:$0x3FB5] =	sst s10  }
0x35: {  	s10 =	sld [smem:$0x3FB4];
	_ =	sdelay $0x3  }
0x36: {  	p1 =	seq.s32 s10, $0x1;
	s10 =	sld [smem:$0x3FB5];
	_ =	sdelay $0x3  }
0x37: {  	[smem:$0x3FB5] =	sst s10  }
0x38: {  	s10 =	sld [smem:$0x3FB6]  }
0x39: {  	_ = 	snop;
	(pc) =	sbr.ind lr, $3  }
0x3a: {  	_ = 	snop  }
0x3b: {  	_ = 	snop  }
0x3c: {  	p2 =	seq.s32 s10, $0x1;
	s10 =	sld [smem:$0x3FB5]  }
0x3d: {  	_ =	shalt  }
0x3e: {  	_ =	shalt  }
0x3f: {  	_ =	shalt  }
0x40: {  	_ =	shalt  }
0x41: {  	_ =	shalt  }
0x42: {  	_ =	shalt  }
0x43: {  	_ =	shalt  }
0x44: {  	_ =	shalt  }
0x45: {  	_ =	shalt  }
0x46: {  	_ =	shalt  }
0x47: {  	_ =	shalt  }
0x48: {  	_ =	shalt  }
0x49: {  	_ =	shalt  }
0x4a: {  	_ =	shalt  }
0x4b: {  	_ =	shalt  }
0x4c: {  	_ =	shalt  }
0x4d: {  	_ =	shalt  }
0x4e: {  	_ =	shalt  }
0x4f: {  	_ =	shalt  }
0x50: {  	_ =	shalt  }
0x51: {  	_ =	shalt  }
0x52: {  	_ =	shalt  }
0x53: {  	_ =	shalt  }
0x54: {  	_ =	shalt  }
0x55: {  	_ =	shalt  }
0x56: {  	_ =	shalt  }
0x57: {  	_ =	shalt  }
0x58: {  	_ =	shalt  }
0x59: {  	_ =	shalt  }
0x5a: {  	_ =	shalt  }
0x5b: {  	_ =	shalt  }
0x5c: {  	_ =	shalt  }
0x5d: {  	_ =	shalt  }
0x5e: {  	_ =	shalt  }
0x5f: {  	_ =	shalt  }
0x60: {  	_ =	shalt  }
0x61: {  	_ =	shalt  }
0x62: {  	_ =	shalt  }
0x63: {  	_ =	shalt  }
0x64: {  	_ =	shalt  }
0x65: {  	_ =	shalt  }
0x66: {  	_ =	shalt  }
0x67: {  	_ =	shalt  }
0x68: {  	_ =	shalt  }
0x69: {  	_ =	shalt  }
0x6a: {  	_ =	shalt  }
0x6b: {  	_ =	shalt  }
0x6c: {  	_ =	shalt  }
0x6d: {  	_ =	shalt  }
0x6e: {  	_ =	shalt  }
0x6f: {  	_ =	shalt  }
0x70: {  	_ =	shalt  }
0x71: {  	_ =	shalt  }
0x72: {  	_ =	shalt  }
0x73: {  	_ =	shalt  }
0x74: {  	_ =	shalt  }
0x75: {  	_ =	shalt  }
0x76: {  	_ =	shalt  }
0x77: {  	_ =	shalt  }
0x78: {  	_ =	shalt  }
0x79: {  	_ =	shalt  }
0x7a: {  	_ =	shalt  }
0x7b: {  	_ =	shalt  }
0x7c: {  	_ =	shalt  }
0x7d: {  	_ =	shalt  }
0x7e: {  	_ =	shalt  }
0x7f: {  	_ =	shalt  }
0x80: {  	_ =	shalt  }
0x81: {  	_ =	shalt  }
0x82: {  	_ =	shalt  }
0x83: {  	_ =	shalt  }
0x84: {  	_ =	shalt  }
0x85: {  	_ =	shalt  }
0x86: {  	_ =	shalt  }
0x87: {  	_ =	shalt  }
.Lfunc_end0:
.L_simem_size_0:
called_computation.2_lowered:
.L_overlay_start_0:
0x88: {  	s2 =	sld [smem:$0x3FD9]  }
0x89: {  	s3 =	sld [smem:$0x3FFE];
	_ =	sdelay $0x1  }
0x8a: {  	s1 =	srdreg.scid  }
0x8b: {  	s0 =	sand.u32 $0x1, s1  }
0x8c: {  	s16 =	sshll.u32 s0, $0xA;
	s2 =	sadd.s32 s3, s2  }
0x8d: {  	s2 =	sadd.s32 s2, s16  }
0x8e: {  	[smem:$0x3FC1] =	sst s2  }
0x8f: {  	_ = 	snop  }
0x90: {  	(tm) =	ssettm $0x1  }
0x91: {  	s17 =	sld [smem:$0x3FFB];
	_ =	sdelay $0x3  }
0x92: {  	_ =	strace s17  }
0x93: {  	s2 =	sld [smem:$0x3FFC];
	_ =	sdelay $0x3  }
0x94: {  	_ =	strace s2  }
0x95: {  	s2 =	sld [smem:$0x3FFD];
	_ =	sdelay $0x3  }
0x96: {  	_ =	strace s2  }
0x97: {  	_ =	strace $0x8FFFFFFF  }
0x98: {  	s18 =	sld [smem:$0x3FDB];
	_ =	sdelay $0x1  }
0x99: {  	s19 =	simm.s32 $_scs_section_size  }
0x9a: {  	s4 =	simm.s32 $_size__tile_overlayer_lowered;
	s5 =	simm.s32 $_tile_overlayer_lowered  }
0x9b: {  	s22 =	simm.s32 $0x1BFF;
	s21 =	sshll.u32 s5, $0x1;
	s2 =	sadd.s32 s19, s18  }
0x9c: {  	s6 =	simm.s32 $0x0;
	s20 =	sshll.u32 s4, $0x1;
	s4 =	sadd.s32 s21, s2  }
0x9d: {  	[timem:s6], [sflag:s22] =	dma.local [hbm:s4], s20  }
0x9e: {  	_ =	swait.ge [sflag:s22], s20  }
0x9f: {  	s3 =	ssub.s32 $0x0, s20;
	[sflag:s22] =	ssyncset.done $0x0  }
0xa0: {  	[sflag:s22] =	ssyncadd.s32 s3;
	_ =	sdelay $0x1  }
0xa1: {  	s23 =	simm.s32 $0x1B8B  }
0xa2: {  	_ =	swait.ge [sflag:s23], $0x1  }
0xa3: {  	[sflag:s23] =	ssyncset.done $0x0  }
0xa4: {  	s25 =	simm.s32 $0x1B8E;
	s24 =	sld [smem:$0x3FFE];
	[sflag:s23] =	ssyncadd.s32 $0xFFFFFFFF  }
0xa5: {  	s26 =	simm.s32 $execute0_lowered;
	[smem:$0x3FD2] =	sst s25  }
0xa6: {  	s4 =	sshll.u32 s26, $0x1;
	_ =	strace $0x8000004C;
	[dreg:$0x1] =	wrdreg $0xFFFFFFFF  }
0xa7: {  	s28 =	simm.s32 $_size_execute0_lowered;
	s2 =	sadd.s32 s2, s4;
	[dreg:$0x0] =	wrdreg $0x0  }
0xa8: {  	s4 =	sshll.u32 s28, $0x1;
	[dreg:$0x2] =	wrdreg s2  }
0xa9: {  	[dreg:$0x3] =	wrdreg s4  }
0xaa: {  	[dreg:$0x4] =	wrdreg $0xC0  }
0xab: {  	_ =	task [dreg:s6], $0x5FFFF  }
0xac: {  	[dreg:$0x1] =	wrdreg $0xFFFFFFFF  }
0xad: {  	[dreg:$0x0] =	wrdreg $0x60  }
0xae: {  	[dreg:$0x2] =	wrdreg s24  }
0xaf: {  	[dreg:$0x3] =	wrdreg $0xA9000  }
0xb0: {  	[dreg:$0x4] =	wrdreg $0x9  }
0xb1: {  	_ =	task.clear_ibuf [dreg:s6], $0x5FFFF;
	_ =	strace $0x9000004C  }
0xb2: {  	s29 =	simm.s32 $0x9;
	_ =	strace $0x8000004E  }
0xb3: {  	_ =	swait.ge [sflag:s29], $0x1  }
0xb4: {  	[sflag:s29] =	ssyncadd.s32 $0xFFFFFFFF  }
0xb5: {  	_ =	strace $0x9000004E  }
0xb6: {  	_ =	sfence  }
0xb7: {  	s30 =	sld [smem:$0x0];
	_ =	sdelay $0x2  }
0xb8: {  	s31 =	sshll.u32 s1, $0xD;
	s1 =	sshrl.u32 s1, $0x2  }
0xb9: {  	s3 =	sand.u32 $0x4000, s31;
	s1 =	sadd.s32 s1, s30  }
0xba: {  	s0 =	sor.u32 s3, s0;
	s1 =	sshll.u32 s1, $0x11  }
0xbb: {  	s0 =	sor.u32 s1, s0  }
0xbc: {  	s0 =	sadd.s32 $0x8F2B, s0  }
0xbd: {  	[sflag:s0] =	ssyncadd.remote.s32 $0x1  }
0xbe: {  	_ =	sfence.sel $0xFFFF  }
0xbf: {  	[dreg:$0x0] =	wrdreg $0xFFFFFFFF;
	(pc) =	sbr.abs _section_cstart, $3  }
0xc0: {  	[dreg:$0x1] =	wrdreg $0xFFFFFFFF  }
0xc1: {  	_ =	task.clear_ibuf [dreg:s6], $0x2FFFF;
	_ =	strace $0x9FFFFFFF  }
0xc2: {  	(tm) =	ssettm $0x7FFFFFFF  }
0xc3: {  	_ =	shalt  }
tec
execute0_lowered:
.L_overlay_start_1:
0x0: {  	(tag) =	ssettag $0x1  }
0x1: {  	s1 =	srdreg.scid;
	s6 =	rddreg [dreg:$0x0]  }
0x2: {  	s0 =	stileid.u32;
	s2 =	rddreg [dreg:$0x1]  }
0x3: {  	s3 =	simm.s32 $0x0;
	s16 =	simm.s32 $0x2900;
	s17 =	simm.s32 $0x2800  }
0x4: {  	s18 =	simm.s32 $0x6900;
	s19 =	simm.s32 $0x2880;
	s7 =	smul.u32 $0x2800, s0  }
0x5: {  	s20 =	simm.s32 $0x1;
	s21 =	simm.s32 $0x2;
	s10 =	smul.u32 $0x14000, s0  }
0x6: {  	s22 =	simm.s32 $0x2780;
	s23 =	simm.s32 $0x0;
	s11 =	smul.u32 $0x50000, s0  }
0x7: {  	s5 =	sand.u32 $0x1, s1;
	s1 =	rddreg [dreg:$0x2];
	s15 =	smul.u32 $0x500, s0  }
0x8: {  	[smem:$0x7FF] =	sst s3;
	s12 =	sadd.s32 $0x5200, s6;
	s4 =	smul.u32 $0x28000, s5  }
0x9: {  	s30 =	sshll.u32 s0, $0x6;
	s8 =	smul.u32 $0x140000, s5;
	s26 =	ssub.s32 $0x2, s5  }
0xa: {  	_ =	strace $0x8000004D;
	s5 =	sadd.s32 $0xA200, s6;
	s28 =	sshrl.u32 s26, $0x1  }
0xb: {  	s29 =	sshrl.u32 s11, $0x2;
	s31 =	sshrl.u32 s7, $0x3;
	s9 =	sadd.s32 s7, s4  }
0xc: {  	s4 =	sadd.s32 $0xCA00, s6;
	s8 =	sadd.s32 s10, s8;
	s10 =	ssub.s32 s26, s28  }
0xd: {  	s14 =	sadd.s32 s29, s2;
	s9 =	sshrl.u32 s9, $0x3;
	s8 =	sshrl.u32 s8, $0x3  }
0xe: {  	s10 =	smax.u32 s10, $0x1;
	s9 =	sadd.s32 s9, s6;
	s13 =	sadd.s32 s8, s6  }
0xf: {  	s6 =	sor.u32 $0x1C03, s30;
	s8 =	sadd.s32 s12, s31;
	s12 =	sadd.s32 s15, s12  }
0x10: {  	s15 =	simm.s32 $0x80;
	s7 =	sadd.s32 $0x5CA00, s9;
	s9 =	sadd.s32 $0x108C00, s13  }
0x11: {  	s11 =	sadd.s32 $0x4F0, s8;
	s13 =	sshrl.u32 s14, $0x3;
	s14 =	simm.s32 $0x3  }
.LBB2_1:
0x12: {  	[spmem:s13], [sflag:s6] =	dma.local [hbm:s5], $0x2800  }
0x13: {  	_ =	swait.ge [sflag:s14], $0x2800  }
0x14: {  	[sflag:s14] =	ssyncset.done $0x0  }
0x15: {  	[sflag:s14] =	ssyncadd.s32 $0xFFFFD800  }
0x16: {  	[tilespmem:s3], [sflag:$0x3] =	stream.linear.gather [hbm4b:s7+s3], $0x2800, $0x38;
	[tilespmem:$0x1E900] =	vst v63  }
0x17: {  	_ =	swait.ge [sflag:s14], $0x2800  }
0x18: {  	[sflag:s14] =	ssyncset.done $0x0  }
0x19: {  	[sflag:s14] =	ssyncadd.s32 $0xFFFFD800  }
0x1a: {  	[bflag:$0x0] =	sbarrier.arrive $0xFFFF  }
0x1b: {  	[tilespmem:s16], [sflag:$0x1] =	stream.indirect.gather [hbm4b:s4+s15], $0x80, s3, s15, $0xb8;
	[tilespmem:$0x1E900] =	vst v63  }
0x1c: {  	_ = 	snop  }
0x1d: {  	[tilespmem:s17], [sflag:$0x1] =	stream.linear.gather [hbm4b:s8+s3], $0x80, $0x38;
	[tilespmem:$0x1E900] =	vst v63  }
0x1e: {  	s24 =	simm.s32 $0x80;
	s25 =	sadd.s32 $0xFFFFFB20, s12  }
0x1f: {  	[tilespmem:s18], [sflag:$0x2] =	stream.indirect.gather [hbm4b:s4+s15], $0x80, s24, s15, $0xb8;
	[tilespmem:$0x1E900] =	vst v63  }
0x20: {  	s29 =	sadd.s32 $0x4F0, s25  }
0x21: {  	[tilespmem:s19], [sflag:$0x2] =	stream.linear.gather [hbm4b:s29+s3], $0x80, $0x38;
	[tilespmem:$0x1E900] =	vst v63  }
0x22: {  	_ =	swait.ge [sflag:s20], $0x4000  }
0x23: {  	[sflag:s20] =	ssyncset.done $0x0  }
0x24: {  	[sflag:s20] =	ssyncadd.s32 $0xFFFFC000  }
0x25: {  	_ =	swait.ge [sflag:s20], $0x80  }
0x26: {  	[sflag:s20] =	ssyncset.done $0x0  }
0x27: {  	[sflag:s20] =	ssyncadd.s32 $0xFFFFFF80  }
0x28: {  	[spmem:s2] =	stream.indirect.scatter.add.f32 [tilespmem:s16], [sflag:$0x3], $0x80, s17, s15, $0xb8;
	[tilespmem:$0x1E900] =	vst v63  }
0x29: {  	_ =	swait.ge [sflag:s14], $0x4000  }
0x2a: {  	[sflag:s14] =	ssyncset.done $0x0  }
0x2b: {  	s30 =	simm.s32 $0x100;
	[sflag:s14] =	ssyncadd.s32 $0xFFFFC000  }
0x2c: {  	[tilespmem:s16], [sflag:$0x1] =	stream.indirect.gather [hbm4b:s4+s15], $0x80, s30, s15, $0xb8;
	[tilespmem:$0x1E900] =	vst v63  }
0x2d: {  	s31 =	sadd.s32 $0x500, s25  }
0x2e: {  	[tilespmem:s17], [sflag:$0x1] =	stream.linear.gather [hbm4b:s31+s3], $0x80, $0x38;
	[tilespmem:$0x1E900] =	vst v63  }
0x2f: {  	_ =	swait.ge [sflag:s21], $0x4000  }
0x30: {  	[sflag:s21] =	ssyncset.done $0x0  }
0x31: {  	[sflag:s21] =	ssyncadd.s32 $0xFFFFC000  }
0x32: {  	_ =	swait.ge [sflag:s21], $0x80  }
0x33: {  	[sflag:s21] =	ssyncset.done $0x0  }
0x34: {  	[sflag:s21] =	ssyncadd.s32 $0xFFFFFF80  }
0x35: {  	[spmem:s2] =	stream.indirect.scatter.add.f32 [tilespmem:s18], [sflag:$0x3], $0x80, s19, s15, $0xb8;
	[tilespmem:$0x1E900] =	vst v63  }
0x36: {  	s26 =	simm.s32 $0xFFFFFB60;
	_ =	swait.ge [sflag:s14], $0x4000  }
0x37: {  	s25 =	simm.s32 $0xFFFFFB40;
	s24 =	simm.s32 $0x200;
	[sflag:s14] =	ssyncset.done $0x0  }
.LBB2_2:
0x38: {  	s28 =	sadd.s32 $0xFFFFFF80, s24  }
0x39: {  	s29 =	sadd.s32 s25, s12;
	[sflag:s14] =	ssyncadd.s32 $0xFFFFC000;
	s25 =	smov.u32 s26  }
0x3a: {  	[tilespmem:s18], [sflag:$0x2] =	stream.indirect.gather [hbm4b:s4+s15], $0x80, s28, s15, $0xb8;
	[tilespmem:$0x1E900] =	vst v63  }
0x3b: {  	p0 =	sne.s32 s26, $0xFFFFFFE0;
	s26 =	sadd.s32 $0x20, s26;
	s28 =	sadd.s32 $0x4F0, s29  }
0x3c: {  	[tilespmem:s19], [sflag:$0x2] =	stream.linear.gather [hbm4b:s28+s3], $0x80, $0x38;
	[tilespmem:$0x1E900] =	vst v63  }
0x3d: {  	_ =	swait.ge [sflag:s20], $0x4000  }
0x3e: {  	[sflag:s20] =	ssyncset.done $0x0  }
0x3f: {  	[sflag:s20] =	ssyncadd.s32 $0xFFFFC000  }
0x40: {  	_ =	swait.ge [sflag:s20], $0x80  }
0x41: {  	[sflag:s20] =	ssyncset.done $0x0  }
0x42: {  	[sflag:s20] =	ssyncadd.s32 $0xFFFFFF80  }
0x43: {  	[spmem:s2] =	stream.indirect.scatter.add.f32 [tilespmem:s16], [sflag:$0x3], $0x80, s17, s15, $0xb8;
	[tilespmem:$0x1E900] =	vst v63  }
0x44: {  	_ =	swait.ge [sflag:s14], $0x4000  }
0x45: {  	[sflag:s14] =	ssyncset.done $0x0  }
0x46: {  	[sflag:s14] =	ssyncadd.s32 $0xFFFFC000  }
0x47: {  	[tilespmem:s16], [sflag:$0x1] =	stream.indirect.gather [hbm4b:s4+s15], $0x80, s24, s15, $0xb8;
	[tilespmem:$0x1E900] =	vst v63  }
0x48: {  	s28 =	sadd.s32 $0x500, s29  }
0x49: {  	[tilespmem:s17], [sflag:$0x1] =	stream.linear.gather [hbm4b:s28+s3], $0x80, $0x38;
	[tilespmem:$0x1E900] =	vst v63  }
0x4a: {  	_ =	swait.ge [sflag:s21], $0x4000  }
0x4b: {  	[sflag:s21] =	ssyncset.done $0x0  }
0x4c: {  	[sflag:s21] =	ssyncadd.s32 $0xFFFFC000  }
0x4d: {  	_ =	swait.ge [sflag:s21], $0x80  }
.Ltmp0:
0x4e: {  	[sflag:s21] =	ssyncset.done $0x0;
	(pc) =	sbr.rel @p0 .LBB2_2-.Ltmp0, $4  }
0x4f: {  	[sflag:s21] =	ssyncadd.s32 $0xFFFFFF80  }
0x50: {  	[spmem:s2] =	stream.indirect.scatter.add.f32 [tilespmem:s18], [sflag:$0x3], $0x80, s19, s15, $0xb8;
	[tilespmem:$0x1E900] =	vst v63  }
0x51: {  	_ =	swait.ge [sflag:s14], $0x4000  }
0x52: {  	s24 =	sadd.s32 $0x100, s24;
	[sflag:s14] =	ssyncset.done $0x0  }
0x53: {  	s26 =	sadd.s32 $0xFFFFFF80, s24;
	s25 =	sadd.s32 s25, s12;
	[sflag:s14] =	ssyncadd.s32 $0xFFFFC000  }
0x54: {  	[tilespmem:s18], [sflag:$0x2] =	stream.indirect.gather [hbm4b:s4+s15], $0x80, s26, s15, $0xb8;
	[tilespmem:$0x1E900] =	vst v63  }
0x55: {  	s30 =	sadd.s32 $0x4F0, s25  }
0x56: {  	[tilespmem:s19], [sflag:$0x2] =	stream.linear.gather [hbm4b:s30+s3], $0x80, $0x38;
	[tilespmem:$0x1E900] =	vst v63  }
0x57: {  	_ =	swait.ge [sflag:s20], $0x4000  }
0x58: {  	[sflag:s20] =	ssyncset.done $0x0  }
0x59: {  	[sflag:s20] =	ssyncadd.s32 $0xFFFFC000  }
0x5a: {  	_ =	swait.ge [sflag:s20], $0x80  }
0x5b: {  	[sflag:s20] =	ssyncset.done $0x0  }
0x5c: {  	[sflag:s20] =	ssyncadd.s32 $0xFFFFFF80  }
0x5d: {  	[spmem:s2] =	stream.indirect.scatter.add.f32 [tilespmem:s16], [sflag:$0x3], $0x80, s17, s15, $0xb8;
	[tilespmem:$0x1E900] =	vst v63  }
0x5e: {  	_ =	swait.ge [sflag:s14], $0x4000  }
0x5f: {  	[sflag:s14] =	ssyncset.done $0x0  }
0x60: {  	[sflag:s14] =	ssyncadd.s32 $0xFFFFC000  }
0x61: {  	[tilespmem:s16], [sflag:$0x1] =	stream.indirect.gather [hbm4b:s4+s15], $0x80, s24, s15, $0xb8;
	[tilespmem:$0x1E900] =	vst v63  }
0x62: {  	s31 =	sadd.s32 $0x500, s25  }
0x63: {  	[tilespmem:s17], [sflag:$0x1] =	stream.linear.gather [hbm4b:s31+s3], $0x80, $0x38;
	[tilespmem:$0x1E900] =	vst v63  }
0x64: {  	_ =	swait.ge [sflag:s21], $0x4000  }
0x65: {  	[sflag:s21] =	ssyncset.done $0x0  }
0x66: {  	[sflag:s21] =	ssyncadd.s32 $0xFFFFC000  }
0x67: {  	_ =	swait.ge [sflag:s21], $0x80  }
0x68: {  	[sflag:s21] =	ssyncset.done $0x0  }
0x69: {  	[sflag:s21] =	ssyncadd.s32 $0xFFFFFF80  }
0x6a: {  	[spmem:s2] =	stream.indirect.scatter.add.f32 [tilespmem:s18], [sflag:$0x3], $0x80, s19, s15, $0xb8;
	[tilespmem:$0x1E900] =	vst v63  }
0x6b: {  	_ =	swait.ge [sflag:s14], $0x4000  }
0x6c: {  	[sflag:s14] =	ssyncset.done $0x0  }
0x6d: {  	[sflag:s14] =	ssyncadd.s32 $0xFFFFC000  }
0x6e: {  	[tilespmem:s18], [sflag:$0x2] =	stream.indirect.gather [hbm4b:s4+s15], $0x80, s22, s15, $0xb8;
	[tilespmem:$0x1E900] =	vst v63  }
0x6f: {  	_ = 	snop  }
0x70: {  	[tilespmem:s19], [sflag:$0x2] =	stream.linear.gather [hbm4b:s11+s3], $0x80, $0x38;
	[tilespmem:$0x1E900] =	vst v63  }
0x71: {  	_ =	swait.ge [sflag:s20], $0x4000  }
0x72: {  	[sflag:s20] =	ssyncset.done $0x0  }
0x73: {  	[sflag:s20] =	ssyncadd.s32 $0xFFFFC000  }
0x74: {  	_ =	swait.ge [sflag:s20], $0x80  }
0x75: {  	[sflag:s20] =	ssyncset.done $0x0  }
0x76: {  	[sflag:s20] =	ssyncadd.s32 $0xFFFFFF80  }
0x77: {  	[spmem:s2] =	stream.indirect.scatter.add.f32 [tilespmem:s16], [sflag:$0x3], $0x80, s17, s15, $0xb8;
	[tilespmem:$0x1E900] =	vst v63  }
0x78: {  	_ =	swait.ge [sflag:s14], $0x4000  }
0x79: {  	[sflag:s14] =	ssyncset.done $0x0  }
0x7a: {  	[sflag:s14] =	ssyncadd.s32 $0xFFFFC000  }
0x7b: {  	_ =	swait.ge [sflag:s21], $0x4000  }
0x7c: {  	[sflag:s21] =	ssyncset.done $0x0  }
0x7d: {  	[sflag:s21] =	ssyncadd.s32 $0xFFFFC000  }
0x7e: {  	_ =	swait.ge [sflag:s21], $0x80  }
0x7f: {  	[sflag:s21] =	ssyncset.done $0x0  }
0x80: {  	[sflag:s21] =	ssyncadd.s32 $0xFFFFFF80  }
0x81: {  	[spmem:s2] =	stream.indirect.scatter.add.f32 [tilespmem:s18], [sflag:$0x3], $0x80, s19, s15, $0xb8;
	[tilespmem:$0x1E900] =	vst v63  }
0x82: {  	_ =	swait.ge [sflag:s14], $0x4000  }
0x83: {  	s23 =	sadd.s32 $0x1, s23;
	[sflag:s14] =	ssyncset.done $0x0  }
0x84: {  	p0 =	sne.s32 s23, s10;
	[sflag:s14] =	ssyncadd.s32 $0xFFFFC000  }
.Ltmp1:
0x85: {  	[bflag:$0x0] =	sbarrier.arrive $0xFFFF;
	(pc) =	sbr.rel @p0 .LBB2_1-.Ltmp1, $4  }
0x86: {  	[hbm:s9], [sflag:s6] =	dma.local [spmem:s13], $0x2800  }
0x87: {  	_ =	swait.ge [sflag:s14], $0x2800  }
0x88: {  	[sflag:s14] =	ssyncset.done $0x0  }
0x89: {  	[sflag:s14] =	ssyncadd.s32 $0xFFFFD800  }
0x8a: {  	_ =	sfence.sel $0x180000  }
0x8b: {  	[bflag:$0x0] =	sbarrier.arrive $0xFFFF  }
0x8c: {  	p0 =	sne.s32 s0, $0x0;
	_ =	strace $0x9000004D  }
0x8d: {  	s0 =	sadd.s32 @!p0 $0x100000, s1;
	[bflag:$0x2] =	sbarrier.arrive $0xFFFF  }
0x8e: {  	[sflag:s0] =	ssyncadd.tile.s32 @!p0 $0x1;
	_ =	shalt  }
.Lfunc_end2:
_tile_overlayer_lowered:
.L_overlay_start_2:
0x8f: {  	(tag) =	ssettag $0x2  }
0x90: {  	s0 =	rddreg [dreg:$0x0];
	s2 =	stileid.u32  }
0x91: {  	s1 =	rddreg [dreg:$0x1];
	p0 =	sne.s32 s2, $0x0  }
0x92: {  	s3 =	rddreg [dreg:$0x2];
	[bflag:$0x3] =	sbarrier.arrive $0xFFFF;
	s2 =	simm.s32 @!p0 $0x1C03  }
0x93: {  	[timem:s3], [sflag:s2] =	dma.local @!p0 [hbm:s0], s1  }
0x94: {  	s0 =	simm.s32 @!p0 $0x3  }
0x95: {  	_ =	swait.ge @!p0 [sflag:s0], s1  }
0x96: {  	s1 =	ssub.s32 @!p0 $0x0, s1;
	[sflag:s0] =	ssyncset.done @!p0 $0x0  }
0x97: {  	[sflag:s0] =	ssyncadd.s32 @!p0 s1  }
0x98: {  	[bflag:$0x3] =	sbarrier.arrive $0xFFFF  }
0x99: {  	_ =	shalt  }

// kernel: kernel.29.cloned.1.call-start
scs
__scs_entry_jumppad:
0x0: {  	(pc) =	sbr.rel $0x88, $3  }
0x1: {  	(tag) =	ssettag $0x0;
	lr =	simm.s32 $0x1  }
0x2: {  	[smem:$0x3F9A] =	sst lr;
	_ =	strace $0xD0000000  }
0x3: {  	_ = 	snop  }
0x4: {  	_ = 	snop  }
0x5: {  	_ = 	snop  }
0x6: {  	_ = 	snop  }
0x7: {  	_ = 	snop  }
__scs_overlays_trampoline_lowered:
0x8: {  	[smem:$0x3FA9] =	sst s0  }
0x9: {  	[smem:$0x3FAA] =	sst s1  }
0xa: {  	[smem:$0x3FAB] =	sst s2  }
0xb: {  	[smem:$0x3FAC] =	sst s3  }
0xc: {  	[smem:$0x3FAD] =	sst s4  }
0xd: {  	[smem:$0x3FAE] =	sst s5  }
0xe: {  	[smem:$0x3FAF] =	sst s6  }
0xf: {  	[smem:$0x3FB0] =	sst s7  }
0x10: {  	[smem:$0x3FB1] =	sst s8  }
0x11: {  	[smem:$0x3FB2] =	sst s9;
	s0 =	simm.s32 @!p0 $0x0  }
0x12: {  	s1 =	sld [smem:$0x3F98];
	s0 =	simm.s32 @p0 $0x1  }
0x13: {  	[smem:$0x3FB3] =	sst s0;
	s0 =	simm.s32 @!p1 $0x0  }
0x14: {  	s2 =	sld [smem:$0x3F97];
	s0 =	simm.s32 @p1 $0x1  }
0x15: {  	[smem:$0x3FB4] =	sst s0;
	s0 =	simm.s32 @!p2 $0x0  }
0x16: {  	s3 =	sld [smem:$0x3FDB];
	s0 =	simm.s32 @p2 $0x1  }
0x17: {  	s4 =	simm.s32 $0x1BF5;
	[smem:$0x3FB6] =	sst s0  }
0x18: {  	s0 =	sld [smem:$0x3F99];
	_ =	swait.ge [sflag:s4], $0x0  }
0x19: {  	s7 =	sld [smem:$0x3F9A]  }
0x1a: {  	s8 =	sadd.s32 $0xFFFFE003, lr  }
0x1b: {  	s9 =	sadd.s32 $0xFFFFFEF7, lr;
	s5 =	simm.s32 $0xFFFFFFFF;
	p2 =	slt.u32 s8, $0xFFFFF086  }
0x1c: {  	p1 =	slt.u32 s9, $0xF7A;
	s5 =	simm.s32 @!p2 $0x0  }
0x1d: {  	s5 =	simm.s32 @p1 $0x1;
	p0 =	seq.s32 s7, s2  }
0x1e: {  	s7 =	smul.u32 @!p0 $0xF7A, s2;
	p2 =	seq.s32 @!p0 s5, $0x0  }
0x1f: {  	s9 =	smul.u32 $0xF7A, s1;
	s8 =	simm.s32 @!p0 $0x1BF5;
	p2 =	por !p2, p0  }
0x20: {  	[sflag:s8] =	ssyncset.s32 @!p0 $0xFFFFF086;
	s6 =	sadd.s32 @!p0 s3, s7;
	s7 =	simm.s32 @!p0 $0x108  }
0x21: {  	s3 =	sadd.s32 s3, s9;
	s6 =	sadd.s32 @!p0 $0x88, s6;
	s7 =	simm.s32 @p2 $0x1082  }
0x22: {  	[simem:s7], [sflag:s8] =	dma.local @!p0 [hbm:s6], $0xF7A  }
0x23: {  	s9 =	sor.u32 $0xD0000000, s2;
	s6 =	simm.s32 $0x108;
	_ =	swait.ge @!p0 [sflag:s8], $0x0  }
0x24: {  	s3 =	sadd.s32 $0x88, s3;
	s6 =	simm.s32 @!p1 $0x1082;
	[sflag:s4] =	ssyncset.s32 $0xFFFFF086  }
0x25: {  	[simem:s6], [sflag:s4] =	dma.local [hbm:s3], $0xF7A  }
0x26: {  	[smem:$0x3F9A] =	sst s1;
	(tag) =	ssettag s2;
	_ =	strace s9  }
0x27: {  	s1 =	sld [smem:$0x3FAA]  }
0x28: {  	s2 =	sld [smem:$0x3FAB]  }
0x29: {  	s4 =	sld [smem:$0x3FAD]  }
0x2a: {  	p0 =	seq.s32 s5, $0x0;
	s5 =	sld [smem:$0x3FAE]  }
0x2b: {  	s6 =	sld [smem:$0x3FAF]  }
0x2c: {  	s7 =	sld [smem:$0x3FB0]  }
0x2d: {  	s3 =	simm.s32 $0x108;
	s8 =	sld [smem:$0x3FB1]  }
0x2e: {  	s3 =	simm.s32 @!p0 $0x1082;
	s9 =	sld [smem:$0x3FB2]  }
0x2f: {  	lr =	sadd.s32 s0, s3;
	s0 =	sld [smem:$0x3FA9]  }
0x30: {  	s3 =	sld [smem:$0x3FAC]  }
0x31: {  	[smem:$0x3FB5] =	sst s10  }
0x32: {  	s10 =	sld [smem:$0x3FB3];
	_ =	sdelay $0x3  }
0x33: {  	p0 =	seq.s32 s10, $0x1;
	s10 =	sld [smem:$0x3FB5];
	_ =	sdelay $0x3  }
0x34: {  	[smem:$0x3FB5] =	sst s10  }
0x35: {  	s10 =	sld [smem:$0x3FB4];
	_ =	sdelay $0x3  }
0x36: {  	p1 =	seq.s32 s10, $0x1;
	s10 =	sld [smem:$0x3FB5];
	_ =	sdelay $0x3  }
0x37: {  	[smem:$0x3FB5] =	sst s10  }
0x38: {  	s10 =	sld [smem:$0x3FB6]  }
0x39: {  	_ = 	snop;
	(pc) =	sbr.ind lr, $3  }
0x3a: {  	_ = 	snop  }
0x3b: {  	_ = 	snop  }
0x3c: {  	p2 =	seq.s32 s10, $0x1;
	s10 =	sld [smem:$0x3FB5]  }
0x3d: {  	_ =	shalt  }
0x3e: {  	_ =	shalt  }
0x3f: {  	_ =	shalt  }
0x40: {  	_ =	shalt  }
0x41: {  	_ =	shalt  }
0x42: {  	_ =	shalt  }
0x43: {  	_ =	shalt  }
0x44: {  	_ =	shalt  }
0x45: {  	_ =	shalt  }
0x46: {  	_ =	shalt  }
0x47: {  	_ =	shalt  }
0x48: {  	_ =	shalt  }
0x49: {  	_ =	shalt  }
0x4a: {  	_ =	shalt  }
0x4b: {  	_ =	shalt  }
0x4c: {  	_ =	shalt  }
0x4d: {  	_ =	shalt  }
0x4e: {  	_ =	shalt  }
0x4f: {  	_ =	shalt  }
0x50: {  	_ =	shalt  }
0x51: {  	_ =	shalt  }
0x52: {  	_ =	shalt  }
0x53: {  	_ =	shalt  }
0x54: {  	_ =	shalt  }
0x55: {  	_ =	shalt  }
0x56: {  	_ =	shalt  }
0x57: {  	_ =	shalt  }
0x58: {  	_ =	shalt  }
0x59: {  	_ =	shalt  }
0x5a: {  	_ =	shalt  }
0x5b: {  	_ =	shalt  }
0x5c: {  	_ =	shalt  }
0x5d: {  	_ =	shalt  }
0x5e: {  	_ =	shalt  }
0x5f: {  	_ =	shalt  }
0x60: {  	_ =	shalt  }
0x61: {  	_ =	shalt  }
0x62: {  	_ =	shalt  }
0x63: {  	_ =	shalt  }
0x64: {  	_ =	shalt  }
0x65: {  	_ =	shalt  }
0x66: {  	_ =	shalt  }
0x67: {  	_ =	shalt  }
0x68: {  	_ =	shalt  }
0x69: {  	_ =	shalt  }
0x6a: {  	_ =	shalt  }
0x6b: {  	_ =	shalt  }
0x6c: {  	_ =	shalt  }
0x6d: {  	_ =	shalt  }
0x6e: {  	_ =	shalt  }
0x6f: {  	_ =	shalt  }
0x70: {  	_ =	shalt  }
0x71: {  	_ =	shalt  }
0x72: {  	_ =	shalt  }
0x73: {  	_ =	shalt  }
0x74: {  	_ =	shalt  }
0x75: {  	_ =	shalt  }
0x76: {  	_ =	shalt  }
0x77: {  	_ =	shalt  }
0x78: {  	_ =	shalt  }
0x79: {  	_ =	shalt  }
0x7a: {  	_ =	shalt  }
0x7b: {  	_ =	shalt  }
0x7c: {  	_ =	shalt  }
0x7d: {  	_ =	shalt  }
0x7e: {  	_ =	shalt  }
0x7f: {  	_ =	shalt  }
0x80: {  	_ =	shalt  }
0x81: {  	_ =	shalt  }
0x82: {  	_ =	shalt  }
0x83: {  	_ =	shalt  }
0x84: {  	_ =	shalt  }
0x85: {  	_ =	shalt  }
0x86: {  	_ =	shalt  }
0x87: {  	_ =	shalt  }
.Lfunc_end0:
.L_simem_size_0:
called_computation.3_lowered:
.L_overlay_start_0:
0x88: {  	s2 =	sld [smem:$0x3FD9]  }
0x89: {  	s3 =	sld [smem:$0x3FFE];
	_ =	sdelay $0x1  }
0x8a: {  	s1 =	srdreg.scid  }
0x8b: {  	s0 =	sand.u32 $0x1, s1  }
0x8c: {  	s16 =	sshll.u32 s0, $0xA;
	s2 =	sadd.s32 s3, s2  }
0x8d: {  	s2 =	sadd.s32 s2, s16  }
0x8e: {  	[smem:$0x3FC1] =	sst s2  }
0x8f: {  	_ = 	snop  }
0x90: {  	(tm) =	ssettm $0x1  }
0x91: {  	s17 =	sld [smem:$0x3FFB];
	_ =	sdelay $0x3  }
0x92: {  	_ =	strace s17  }
0x93: {  	s2 =	sld [smem:$0x3FFC];
	_ =	sdelay $0x3  }
0x94: {  	_ =	strace s2  }
0x95: {  	s2 =	sld [smem:$0x3FFD];
	_ =	sdelay $0x3  }
0x96: {  	_ =	strace s2  }
0x97: {  	_ =	strace $0x8FFFFFFF  }
0x98: {  	s18 =	sld [smem:$0x3FDB];
	_ =	sdelay $0x1  }
0x99: {  	s19 =	simm.s32 $_scs_section_size  }
0x9a: {  	s4 =	simm.s32 $_size__tile_overlayer_lowered;
	s5 =	simm.s32 $_tile_overlayer_lowered  }
0x9b: {  	s22 =	simm.s32 $0x1BFF;
	s21 =	sshll.u32 s5, $0x1;
	s2 =	sadd.s32 s19, s18  }
0x9c: {  	s6 =	simm.s32 $0x0;
	s20 =	sshll.u32 s4, $0x1;
	s4 =	sadd.s32 s21, s2  }
0x9d: {  	[timem:s6], [sflag:s22] =	dma.local [hbm:s4], s20  }
0x9e: {  	_ =	swait.ge [sflag:s22], s20  }
0x9f: {  	s3 =	ssub.s32 $0x0, s20;
	[sflag:s22] =	ssyncset.done $0x0  }
0xa0: {  	[sflag:s22] =	ssyncadd.s32 s3;
	_ =	sdelay $0x1  }
0xa1: {  	s23 =	simm.s32 $0x1B8B  }
0xa2: {  	_ =	swait.ge [sflag:s23], $0x1  }
0xa3: {  	[sflag:s23] =	ssyncset.done $0x0  }
0xa4: {  	s25 =	simm.s32 $0x1B8E;
	s24 =	sld [smem:$0x3FFE];
	[sflag:s23] =	ssyncadd.s32 $0xFFFFFFFF  }
0xa5: {  	s26 =	simm.s32 $execute0_lowered;
	[smem:$0x3FD2] =	sst s25  }
0xa6: {  	s4 =	sshll.u32 s26, $0x1;
	_ =	strace $0x8000004F;
	[dreg:$0x1] =	wrdreg $0xFFFFFFFF  }
0xa7: {  	s28 =	simm.s32 $_size_execute0_lowered;
	s2 =	sadd.s32 s2, s4;
	[dreg:$0x0] =	wrdreg $0x0  }
0xa8: {  	s4 =	sshll.u32 s28, $0x1;
	[dreg:$0x2] =	wrdreg s2  }
0xa9: {  	[dreg:$0x3] =	wrdreg s4  }
0xaa: {  	[dreg:$0x4] =	wrdreg $0xC0  }
0xab: {  	_ =	task [dreg:s6], $0x5FFFF  }
0xac: {  	[dreg:$0x1] =	wrdreg $0xFFFFFFFF  }
0xad: {  	[dreg:$0x0] =	wrdreg $0x60  }
0xae: {  	[dreg:$0x2] =	wrdreg s24  }
0xaf: {  	[dreg:$0x3] =	wrdreg $0xA9000  }
0xb0: {  	[dreg:$0x4] =	wrdreg $0x9  }
0xb1: {  	_ =	task.clear_ibuf [dreg:s6], $0x5FFFF;
	_ =	strace $0x9000004F  }
0xb2: {  	s29 =	simm.s32 $0x9;
	_ =	strace $0x80000051  }
0xb3: {  	_ =	swait.ge [sflag:s29], $0x1  }
0xb4: {  	[sflag:s29] =	ssyncadd.s32 $0xFFFFFFFF  }
0xb5: {  	_ =	strace $0x90000051  }
0xb6: {  	_ =	sfence  }
0xb7: {  	s30 =	sld [smem:$0x0];
	_ =	sdelay $0x2  }
0xb8: {  	s31 =	sshll.u32 s1, $0xD;
	s1 =	sshrl.u32 s1, $0x2  }
0xb9: {  	s3 =	sand.u32 $0x4000, s31;
	s1 =	sadd.s32 s1, s30  }
0xba: {  	s0 =	sor.u32 s3, s0;
	s1 =	sshll.u32 s1, $0x11  }
0xbb: {  	s0 =	sor.u32 s1, s0  }
0xbc: {  	s0 =	sadd.s32 $0x8F2B, s0  }
0xbd: {  	[sflag:s0] =	ssyncadd.remote.s32 $0x1  }
0xbe: {  	_ =	sfence.sel $0xFFFF  }
0xbf: {  	[dreg:$0x0] =	wrdreg $0xFFFFFFFF;
	(pc) =	sbr.abs _section_cstart, $3  }
0xc0: {  	[dreg:$0x1] =	wrdreg $0xFFFFFFFF  }
0xc1: {  	_ =	task.clear_ibuf [dreg:s6], $0x2FFFF;
	_ =	strace $0x9FFFFFFF  }
0xc2: {  	(tm) =	ssettm $0x7FFFFFFF  }
0xc3: {  	_ =	shalt  }
tec
execute0_lowered:
.L_overlay_start_1:
0x0: {  	(tag) =	ssettag $0x1  }
0x1: {  	s1 =	srdreg.scid;
	s6 =	rddreg [dreg:$0x0]  }
0x2: {  	s0 =	stileid.u32;
	s2 =	rddreg [dreg:$0x1]  }
0x3: {  	s3 =	simm.s32 $0x0;
	s16 =	simm.s32 $0x2900;
	s17 =	simm.s32 $0x2800  }
0x4: {  	s18 =	simm.s32 $0x6900;
	s19 =	simm.s32 $0x2880;
	s7 =	smul.u32 $0x2800, s0  }
0x5: {  	s20 =	simm.s32 $0x1;
	s21 =	simm.s32 $0x2;
	s10 =	smul.u32 $0x14000, s0  }
0x6: {  	s22 =	simm.s32 $0x2780;
	s23 =	simm.s32 $0x0;
	s11 =	smul.u32 $0x50000, s0  }
0x7: {  	s5 =	sand.u32 $0x1, s1;
	s1 =	rddreg [dreg:$0x2];
	s15 =	smul.u32 $0x500, s0  }
0x8: {  	[smem:$0x7FF] =	sst s3;
	s12 =	sadd.s32 $0x5200, s6;
	s4 =	smul.u32 $0x28000, s5  }
0x9: {  	s30 =	sshll.u32 s0, $0x6;
	s8 =	smul.u32 $0x140000, s5;
	s26 =	ssub.s32 $0x2, s5  }
0xa: {  	_ =	strace $0x80000050;
	s5 =	sadd.s32 $0xA200, s6;
	s28 =	sshrl.u32 s26, $0x1  }
0xb: {  	s29 =	sshrl.u32 s11, $0x2;
	s31 =	sshrl.u32 s7, $0x3;
	s9 =	sadd.s32 s7, s4  }
0xc: {  	s4 =	sadd.s32 $0xCA00, s6;
	s8 =	sadd.s32 s10, s8;
	s10 =	ssub.s32 s26, s28  }
0xd: {  	s14 =	sadd.s32 s29, s2;
	s9 =	sshrl.u32 s9, $0x3;
	s8 =	sshrl.u32 s8, $0x3  }
0xe: {  	s10 =	smax.u32 s10, $0x1;
	s9 =	sadd.s32 s9, s6;
	s13 =	sadd.s32 s8, s6  }
0xf: {  	s6 =	sor.u32 $0x1C03, s30;
	s8 =	sadd.s32 s12, s31;
	s12 =	sadd.s32 s15, s12  }
0x10: {  	s15 =	simm.s32 $0x80;
	s7 =	sadd.s32 $0x5CA00, s9;
	s9 =	sadd.s32 $0x108C00, s13  }
0x11: {  	s11 =	sadd.s32 $0x4F0, s8;
	s13 =	sshrl.u32 s14, $0x3;
	s14 =	simm.s32 $0x3  }
.LBB2_1:
0x12: {  	[spmem:s13], [sflag:s6] =	dma.local [hbm:s5], $0x2800  }
0x13: {  	_ =	swait.ge [sflag:s14], $0x2800  }
0x14: {  	[sflag:s14] =	ssyncset.done $0x0  }
0x15: {  	[sflag:s14] =	ssyncadd.s32 $0xFFFFD800  }
0x16: {  	[tilespmem:s3], [sflag:$0x3] =	stream.linear.gather [hbm4b:s7+s3], $0x2800, $0x38;
	[tilespmem:$0x1E900] =	vst v63  }
0x17: {  	_ =	swait.ge [sflag:s14], $0x2800  }
0x18: {  	[sflag:s14] =	ssyncset.done $0x0  }
0x19: {  	[sflag:s14] =	ssyncadd.s32 $0xFFFFD800  }
0x1a: {  	[bflag:$0x0] =	sbarrier.arrive $0xFFFF  }
0x1b: {  	[tilespmem:s16], [sflag:$0x1] =	stream.indirect.gather [hbm4b:s4+s15], $0x80, s3, s15, $0xb8;
	[tilespmem:$0x1E900] =	vst v63  }
0x1c: {  	_ = 	snop  }
0x1d: {  	[tilespmem:s17], [sflag:$0x1] =	stream.linear.gather [hbm4b:s8+s3], $0x80, $0x38;
	[tilespmem:$0x1E900] =	vst v63  }
0x1e: {  	s24 =	simm.s32 $0x80;
	s25 =	sadd.s32 $0xFFFFFB20, s12  }
0x1f: {  	[tilespmem:s18], [sflag:$0x2] =	stream.indirect.gather [hbm4b:s4+s15], $0x80, s24, s15, $0xb8;
	[tilespmem:$0x1E900] =	vst v63  }
0x20: {  	s29 =	sadd.s32 $0x4F0, s25  }
0x21: {  	[tilespmem:s19], [sflag:$0x2] =	stream.linear.gather [hbm4b:s29+s3], $0x80, $0x38;
	[tilespmem:$0x1E900] =	vst v63  }
0x22: {  	_ =	swait.ge [sflag:s20], $0x4000  }
0x23: {  	[sflag:s20] =	ssyncset.done $0x0  }
0x24: {  	[sflag:s20] =	ssyncadd.s32 $0xFFFFC000  }
0x25: {  	_ =	swait.ge [sflag:s20], $0x80  }
0x26: {  	[sflag:s20] =	ssyncset.done $0x0  }
0x27: {  	[sflag:s20] =	ssyncadd.s32 $0xFFFFFF80  }
0x28: {  	[spmem:s2] =	stream.indirect.scatter.add.f32 [tilespmem:s16], [sflag:$0x3], $0x80, s17, s15, $0xb8;
	[tilespmem:$0x1E900] =	vst v63  }
0x29: {  	_ =	swait.ge [sflag:s14], $0x4000  }
0x2a: {  	[sflag:s14] =	ssyncset.done $0x0  }
0x2b: {  	s30 =	simm.s32 $0x100;
	[sflag:s14] =	ssyncadd.s32 $0xFFFFC000  }
0x2c: {  	[tilespmem:s16], [sflag:$0x1] =	stream.indirect.gather [hbm4b:s4+s15], $0x80, s30, s15, $0xb8;
	[tilespmem:$0x1E900] =	vst v63  }
0x2d: {  	s31 =	sadd.s32 $0x500, s25  }
0x2e: {  	[tilespmem:s17], [sflag:$0x1] =	stream.linear.gather [hbm4b:s31+s3], $0x80, $0x38;
	[tilespmem:$0x1E900] =	vst v63  }
0x2f: {  	_ =	swait.ge [sflag:s21], $0x4000  }
0x30: {  	[sflag:s21] =	ssyncset.done $0x0  }
0x31: {  	[sflag:s21] =	ssyncadd.s32 $0xFFFFC000  }
0x32: {  	_ =	swait.ge [sflag:s21], $0x80  }
0x33: {  	[sflag:s21] =	ssyncset.done $0x0  }
0x34: {  	[sflag:s21] =	ssyncadd.s32 $0xFFFFFF80  }
0x35: {  	[spmem:s2] =	stream.indirect.scatter.add.f32 [tilespmem:s18], [sflag:$0x3], $0x80, s19, s15, $0xb8;
	[tilespmem:$0x1E900] =	vst v63  }
0x36: {  	s26 =	simm.s32 $0xFFFFFB60;
	_ =	swait.ge [sflag:s14], $0x4000  }
0x37: {  	s25 =	simm.s32 $0xFFFFFB40;
	s24 =	simm.s32 $0x200;
	[sflag:s14] =	ssyncset.done $0x0  }
.LBB2_2:
0x38: {  	s28 =	sadd.s32 $0xFFFFFF80, s24  }
0x39: {  	s29 =	sadd.s32 s25, s12;
	[sflag:s14] =	ssyncadd.s32 $0xFFFFC000;
	s25 =	smov.u32 s26  }
0x3a: {  	[tilespmem:s18], [sflag:$0x2] =	stream.indirect.gather [hbm4b:s4+s15], $0x80, s28, s15, $0xb8;
	[tilespmem:$0x1E900] =	vst v63  }
0x3b: {  	p0 =	sne.s32 s26, $0xFFFFFFE0;
	s26 =	sadd.s32 $0x20, s26;
	s28 =	sadd.s32 $0x4F0, s29  }
0x3c: {  	[tilespmem:s19], [sflag:$0x2] =	stream.linear.gather [hbm4b:s28+s3], $0x80, $0x38;
	[tilespmem:$0x1E900] =	vst v63  }
0x3d: {  	_ =	swait.ge [sflag:s20], $0x4000  }
0x3e: {  	[sflag:s20] =	ssyncset.done $0x0  }
0x3f: {  	[sflag:s20] =	ssyncadd.s32 $0xFFFFC000  }
0x40: {  	_ =	swait.ge [sflag:s20], $0x80  }
0x41: {  	[sflag:s20] =	ssyncset.done $0x0  }
0x42: {  	[sflag:s20] =	ssyncadd.s32 $0xFFFFFF80  }
0x43: {  	[spmem:s2] =	stream.indirect.scatter.add.f32 [tilespmem:s16], [sflag:$0x3], $0x80, s17, s15, $0xb8;
	[tilespmem:$0x1E900] =	vst v63  }
0x44: {  	_ =	swait.ge [sflag:s14], $0x4000  }
0x45: {  	[sflag:s14] =	ssyncset.done $0x0  }
0x46: {  	[sflag:s14] =	ssyncadd.s32 $0xFFFFC000  }
0x47: {  	[tilespmem:s16], [sflag:$0x1] =	stream.indirect.gather [hbm4b:s4+s15], $0x80, s24, s15, $0xb8;
	[tilespmem:$0x1E900] =	vst v63  }
0x48: {  	s28 =	sadd.s32 $0x500, s29  }
0x49: {  	[tilespmem:s17], [sflag:$0x1] =	stream.linear.gather [hbm4b:s28+s3], $0x80, $0x38;
	[tilespmem:$0x1E900] =	vst v63  }
0x4a: {  	_ =	swait.ge [sflag:s21], $0x4000  }
0x4b: {  	[sflag:s21] =	ssyncset.done $0x0  }
0x4c: {  	[sflag:s21] =	ssyncadd.s32 $0xFFFFC000  }
0x4d: {  	_ =	swait.ge [sflag:s21], $0x80  }
.Ltmp0:
0x4e: {  	[sflag:s21] =	ssyncset.done $0x0;
	(pc) =	sbr.rel @p0 .LBB2_2-.Ltmp0, $4  }
0x4f: {  	[sflag:s21] =	ssyncadd.s32 $0xFFFFFF80  }
0x50: {  	[spmem:s2] =	stream.indirect.scatter.add.f32 [tilespmem:s18], [sflag:$0x3], $0x80, s19, s15, $0xb8;
	[tilespmem:$0x1E900] =	vst v63  }
0x51: {  	_ =	swait.ge [sflag:s14], $0x4000  }
0x52: {  	s24 =	sadd.s32 $0x100, s24;
	[sflag:s14] =	ssyncset.done $0x0  }
0x53: {  	s26 =	sadd.s32 $0xFFFFFF80, s24;
	s25 =	sadd.s32 s25, s12;
	[sflag:s14] =	ssyncadd.s32 $0xFFFFC000  }
0x54: {  	[tilespmem:s18], [sflag:$0x2] =	stream.indirect.gather [hbm4b:s4+s15], $0x80, s26, s15, $0xb8;
	[tilespmem:$0x1E900] =	vst v63  }
0x55: {  	s30 =	sadd.s32 $0x4F0, s25  }
0x56: {  	[tilespmem:s19], [sflag:$0x2] =	stream.linear.gather [hbm4b:s30+s3], $0x80, $0x38;
	[tilespmem:$0x1E900] =	vst v63  }
0x57: {  	_ =	swait.ge [sflag:s20], $0x4000  }
0x58: {  	[sflag:s20] =	ssyncset.done $0x0  }
0x59: {  	[sflag:s20] =	ssyncadd.s32 $0xFFFFC000  }
0x5a: {  	_ =	swait.ge [sflag:s20], $0x80  }
0x5b: {  	[sflag:s20] =	ssyncset.done $0x0  }
0x5c: {  	[sflag:s20] =	ssyncadd.s32 $0xFFFFFF80  }
0x5d: {  	[spmem:s2] =	stream.indirect.scatter.add.f32 [tilespmem:s16], [sflag:$0x3], $0x80, s17, s15, $0xb8;
	[tilespmem:$0x1E900] =	vst v63  }
0x5e: {  	_ =	swait.ge [sflag:s14], $0x4000  }
0x5f: {  	[sflag:s14] =	ssyncset.done $0x0  }
0x60: {  	[sflag:s14] =	ssyncadd.s32 $0xFFFFC000  }
0x61: {  	[tilespmem:s16], [sflag:$0x1] =	stream.indirect.gather [hbm4b:s4+s15], $0x80, s24, s15, $0xb8;
	[tilespmem:$0x1E900] =	vst v63  }
0x62: {  	s31 =	sadd.s32 $0x500, s25  }
0x63: {  	[tilespmem:s17], [sflag:$0x1] =	stream.linear.gather [hbm4b:s31+s3], $0x80, $0x38;
	[tilespmem:$0x1E900] =	vst v63  }
0x64: {  	_ =	swait.ge [sflag:s21], $0x4000  }
0x65: {  	[sflag:s21] =	ssyncset.done $0x0  }
0x66: {  	[sflag:s21] =	ssyncadd.s32 $0xFFFFC000  }
0x67: {  	_ =	swait.ge [sflag:s21], $0x80  }
0x68: {  	[sflag:s21] =	ssyncset.done $0x0  }
0x69: {  	[sflag:s21] =	ssyncadd.s32 $0xFFFFFF80  }
0x6a: {  	[spmem:s2] =	stream.indirect.scatter.add.f32 [tilespmem:s18], [sflag:$0x3], $0x80, s19, s15, $0xb8;
	[tilespmem:$0x1E900] =	vst v63  }
0x6b: {  	_ =	swait.ge [sflag:s14], $0x4000  }
0x6c: {  	[sflag:s14] =	ssyncset.done $0x0  }
0x6d: {  	[sflag:s14] =	ssyncadd.s32 $0xFFFFC000  }
0x6e: {  	[tilespmem:s18], [sflag:$0x2] =	stream.indirect.gather [hbm4b:s4+s15], $0x80, s22, s15, $0xb8;
	[tilespmem:$0x1E900] =	vst v63  }
0x6f: {  	_ = 	snop  }
0x70: {  	[tilespmem:s19], [sflag:$0x2] =	stream.linear.gather [hbm4b:s11+s3], $0x80, $0x38;
	[tilespmem:$0x1E900] =	vst v63  }
0x71: {  	_ =	swait.ge [sflag:s20], $0x4000  }
0x72: {  	[sflag:s20] =	ssyncset.done $0x0  }
0x73: {  	[sflag:s20] =	ssyncadd.s32 $0xFFFFC000  }
0x74: {  	_ =	swait.ge [sflag:s20], $0x80  }
0x75: {  	[sflag:s20] =	ssyncset.done $0x0  }
0x76: {  	[sflag:s20] =	ssyncadd.s32 $0xFFFFFF80  }
0x77: {  	[spmem:s2] =	stream.indirect.scatter.add.f32 [tilespmem:s16], [sflag:$0x3], $0x80, s17, s15, $0xb8;
	[tilespmem:$0x1E900] =	vst v63  }
0x78: {  	_ =	swait.ge [sflag:s14], $0x4000  }
0x79: {  	[sflag:s14] =	ssyncset.done $0x0  }
0x7a: {  	[sflag:s14] =	ssyncadd.s32 $0xFFFFC000  }
0x7b: {  	_ =	swait.ge [sflag:s21], $0x4000  }
0x7c: {  	[sflag:s21] =	ssyncset.done $0x0  }
0x7d: {  	[sflag:s21] =	ssyncadd.s32 $0xFFFFC000  }
0x7e: {  	_ =	swait.ge [sflag:s21], $0x80  }
0x7f: {  	[sflag:s21] =	ssyncset.done $0x0  }
0x80: {  	[sflag:s21] =	ssyncadd.s32 $0xFFFFFF80  }
0x81: {  	[spmem:s2] =	stream.indirect.scatter.add.f32 [tilespmem:s18], [sflag:$0x3], $0x80, s19, s15, $0xb8;
	[tilespmem:$0x1E900] =	vst v63  }
0x82: {  	_ =	swait.ge [sflag:s14], $0x4000  }
0x83: {  	s23 =	sadd.s32 $0x1, s23;
	[sflag:s14] =	ssyncset.done $0x0  }
0x84: {  	p0 =	sne.s32 s23, s10;
	[sflag:s14] =	ssyncadd.s32 $0xFFFFC000  }
.Ltmp1:
0x85: {  	[bflag:$0x0] =	sbarrier.arrive $0xFFFF;
	(pc) =	sbr.rel @p0 .LBB2_1-.Ltmp1, $4  }
0x86: {  	[hbm:s9], [sflag:s6] =	dma.local [spmem:s13], $0x2800  }
0x87: {  	_ =	swait.ge [sflag:s14], $0x2800  }
0x88: {  	[sflag:s14] =	ssyncset.done $0x0  }
0x89: {  	[sflag:s14] =	ssyncadd.s32 $0xFFFFD800  }
0x8a: {  	_ =	sfence.sel $0x180000  }
0x8b: {  	[bflag:$0x0] =	sbarrier.arrive $0xFFFF  }
0x8c: {  	p0 =	sne.s32 s0, $0x0;
	_ =	strace $0x90000050  }
0x8d: {  	s0 =	sadd.s32 @!p0 $0x100000, s1;
	[bflag:$0x2] =	sbarrier.arrive $0xFFFF  }
0x8e: {  	[sflag:s0] =	ssyncadd.tile.s32 @!p0 $0x1;
	_ =	shalt  }
.Lfunc_end2:
_tile_overlayer_lowered:
.L_overlay_start_2:
0x8f: {  	(tag) =	ssettag $0x2  }
0x90: {  	s0 =	rddreg [dreg:$0x0];
	s2 =	stileid.u32  }
0x91: {  	s1 =	rddreg [dreg:$0x1];
	p0 =	sne.s32 s2, $0x0  }
0x92: {  	s3 =	rddreg [dreg:$0x2];
	[bflag:$0x3] =	sbarrier.arrive $0xFFFF;
	s2 =	simm.s32 @!p0 $0x1C03  }
0x93: {  	[timem:s3], [sflag:s2] =	dma.local @!p0 [hbm:s0], s1  }
0x94: {  	s0 =	simm.s32 @!p0 $0x3  }
0x95: {  	_ =	swait.ge @!p0 [sflag:s0], s1  }
0x96: {  	s1 =	ssub.s32 @!p0 $0x0, s1;
	[sflag:s0] =	ssyncset.done @!p0 $0x0  }
0x97: {  	[sflag:s0] =	ssyncadd.s32 @!p0 s1  }
0x98: {  	[bflag:$0x3] =	sbarrier.arrive $0xFFFF  }
0x99: {  	_ =	shalt  }

// kernel: kernel.32.cloned.1.call-start
scs
__scs_entry_jumppad:
0x0: {  	(pc) =	sbr.rel $0x88, $3  }
0x1: {  	(tag) =	ssettag $0x0;
	lr =	simm.s32 $0x1  }
0x2: {  	[smem:$0x3F9A] =	sst lr;
	_ =	strace $0xD0000000  }
0x3: {  	_ = 	snop  }
0x4: {  	_ = 	snop  }
0x5: {  	_ = 	snop  }
0x6: {  	_ = 	snop  }
0x7: {  	_ = 	snop  }
__scs_overlays_trampoline_lowered:
0x8: {  	[smem:$0x3FA9] =	sst s0  }
0x9: {  	[smem:$0x3FAA] =	sst s1  }
0xa: {  	[smem:$0x3FAB] =	sst s2  }
0xb: {  	[smem:$0x3FAC] =	sst s3  }
0xc: {  	[smem:$0x3FAD] =	sst s4  }
0xd: {  	[smem:$0x3FAE] =	sst s5  }
0xe: {  	[smem:$0x3FAF] =	sst s6  }
0xf: {  	[smem:$0x3FB0] =	sst s7  }
0x10: {  	[smem:$0x3FB1] =	sst s8  }
0x11: {  	[smem:$0x3FB2] =	sst s9;
	s0 =	simm.s32 @!p0 $0x0  }
0x12: {  	s1 =	sld [smem:$0x3F98];
	s0 =	simm.s32 @p0 $0x1  }
0x13: {  	[smem:$0x3FB3] =	sst s0;
	s0 =	simm.s32 @!p1 $0x0  }
0x14: {  	s2 =	sld [smem:$0x3F97];
	s0 =	simm.s32 @p1 $0x1  }
0x15: {  	[smem:$0x3FB4] =	sst s0;
	s0 =	simm.s32 @!p2 $0x0  }
0x16: {  	s3 =	sld [smem:$0x3FDB];
	s0 =	simm.s32 @p2 $0x1  }
0x17: {  	s4 =	simm.s32 $0x1BF5;
	[smem:$0x3FB6] =	sst s0  }
0x18: {  	s0 =	sld [smem:$0x3F99];
	_ =	swait.ge [sflag:s4], $0x0  }
0x19: {  	s7 =	sld [smem:$0x3F9A]  }
0x1a: {  	s8 =	sadd.s32 $0xFFFFE003, lr  }
0x1b: {  	s9 =	sadd.s32 $0xFFFFFEF7, lr;
	s5 =	simm.s32 $0xFFFFFFFF;
	p2 =	slt.u32 s8, $0xFFFFF086  }
0x1c: {  	p1 =	slt.u32 s9, $0xF7A;
	s5 =	simm.s32 @!p2 $0x0  }
0x1d: {  	s5 =	simm.s32 @p1 $0x1;
	p0 =	seq.s32 s7, s2  }
0x1e: {  	s7 =	smul.u32 @!p0 $0xF7A, s2;
	p2 =	seq.s32 @!p0 s5, $0x0  }
0x1f: {  	s9 =	smul.u32 $0xF7A, s1;
	s8 =	simm.s32 @!p0 $0x1BF5;
	p2 =	por !p2, p0  }
0x20: {  	[sflag:s8] =	ssyncset.s32 @!p0 $0xFFFFF086;
	s6 =	sadd.s32 @!p0 s3, s7;
	s7 =	simm.s32 @!p0 $0x108  }
0x21: {  	s3 =	sadd.s32 s3, s9;
	s6 =	sadd.s32 @!p0 $0x88, s6;
	s7 =	simm.s32 @p2 $0x1082  }
0x22: {  	[simem:s7], [sflag:s8] =	dma.local @!p0 [hbm:s6], $0xF7A  }
0x23: {  	s9 =	sor.u32 $0xD0000000, s2;
	s6 =	simm.s32 $0x108;
	_ =	swait.ge @!p0 [sflag:s8], $0x0  }
0x24: {  	s3 =	sadd.s32 $0x88, s3;
	s6 =	simm.s32 @!p1 $0x1082;
	[sflag:s4] =	ssyncset.s32 $0xFFFFF086  }
0x25: {  	[simem:s6], [sflag:s4] =	dma.local [hbm:s3], $0xF7A  }
0x26: {  	[smem:$0x3F9A] =	sst s1;
	(tag) =	ssettag s2;
	_ =	strace s9  }
0x27: {  	s1 =	sld [smem:$0x3FAA]  }
0x28: {  	s2 =	sld [smem:$0x3FAB]  }
0x29: {  	s4 =	sld [smem:$0x3FAD]  }
0x2a: {  	p0 =	seq.s32 s5, $0x0;
	s5 =	sld [smem:$0x3FAE]  }
0x2b: {  	s6 =	sld [smem:$0x3FAF]  }
0x2c: {  	s7 =	sld [smem:$0x3FB0]  }
0x2d: {  	s3 =	simm.s32 $0x108;
	s8 =	sld [smem:$0x3FB1]  }
0x2e: {  	s3 =	simm.s32 @!p0 $0x1082;
	s9 =	sld [smem:$0x3FB2]  }
0x2f: {  	lr =	sadd.s32 s0, s3;
	s0 =	sld [smem:$0x3FA9]  }
0x30: {  	s3 =	sld [smem:$0x3FAC]  }
0x31: {  	[smem:$0x3FB5] =	sst s10  }
0x32: {  	s10 =	sld [smem:$0x3FB3];
	_ =	sdelay $0x3  }
0x33: {  	p0 =	seq.s32 s10, $0x1;
	s10 =	sld [smem:$0x3FB5];
	_ =	sdelay $0x3  }
0x34: {  	[smem:$0x3FB5] =	sst s10  }
0x35: {  	s10 =	sld [smem:$0x3FB4];
	_ =	sdelay $0x3  }
0x36: {  	p1 =	seq.s32 s10, $0x1;
	s10 =	sld [smem:$0x3FB5];
	_ =	sdelay $0x3  }
0x37: {  	[smem:$0x3FB5] =	sst s10  }
0x38: {  	s10 =	sld [smem:$0x3FB6]  }
0x39: {  	_ = 	snop;
	(pc) =	sbr.ind lr, $3  }
0x3a: {  	_ = 	snop  }
0x3b: {  	_ = 	snop  }
0x3c: {  	p2 =	seq.s32 s10, $0x1;
	s10 =	sld [smem:$0x3FB5]  }
0x3d: {  	_ =	shalt  }
0x3e: {  	_ =	shalt  }
0x3f: {  	_ =	shalt  }
0x40: {  	_ =	shalt  }
0x41: {  	_ =	shalt  }
0x42: {  	_ =	shalt  }
0x43: {  	_ =	shalt  }
0x44: {  	_ =	shalt  }
0x45: {  	_ =	shalt  }
0x46: {  	_ =	shalt  }
0x47: {  	_ =	shalt  }
0x48: {  	_ =	shalt  }
0x49: {  	_ =	shalt  }
0x4a: {  	_ =	shalt  }
0x4b: {  	_ =	shalt  }
0x4c: {  	_ =	shalt  }
0x4d: {  	_ =	shalt  }
0x4e: {  	_ =	shalt  }
0x4f: {  	_ =	shalt  }
0x50: {  	_ =	shalt  }
0x51: {  	_ =	shalt  }
0x52: {  	_ =	shalt  }
0x53: {  	_ =	shalt  }
0x54: {  	_ =	shalt  }
0x55: {  	_ =	shalt  }
0x56: {  	_ =	shalt  }
0x57: {  	_ =	shalt  }
0x58: {  	_ =	shalt  }
0x59: {  	_ =	shalt  }
0x5a: {  	_ =	shalt  }
0x5b: {  	_ =	shalt  }
0x5c: {  	_ =	shalt  }
0x5d: {  	_ =	shalt  }
0x5e: {  	_ =	shalt  }
0x5f: {  	_ =	shalt  }
0x60: {  	_ =	shalt  }
0x61: {  	_ =	shalt  }
0x62: {  	_ =	shalt  }
0x63: {  	_ =	shalt  }
0x64: {  	_ =	shalt  }
0x65: {  	_ =	shalt  }
0x66: {  	_ =	shalt  }
0x67: {  	_ =	shalt  }
0x68: {  	_ =	shalt  }
0x69: {  	_ =	shalt  }
0x6a: {  	_ =	shalt  }
0x6b: {  	_ =	shalt  }
0x6c: {  	_ =	shalt  }
0x6d: {  	_ =	shalt  }
0x6e: {  	_ =	shalt  }
0x6f: {  	_ =	shalt  }
0x70: {  	_ =	shalt  }
0x71: {  	_ =	shalt  }
0x72: {  	_ =	shalt  }
0x73: {  	_ =	shalt  }
0x74: {  	_ =	shalt  }
0x75: {  	_ =	shalt  }
0x76: {  	_ =	shalt  }
0x77: {  	_ =	shalt  }
0x78: {  	_ =	shalt  }
0x79: {  	_ =	shalt  }
0x7a: {  	_ =	shalt  }
0x7b: {  	_ =	shalt  }
0x7c: {  	_ =	shalt  }
0x7d: {  	_ =	shalt  }
0x7e: {  	_ =	shalt  }
0x7f: {  	_ =	shalt  }
0x80: {  	_ =	shalt  }
0x81: {  	_ =	shalt  }
0x82: {  	_ =	shalt  }
0x83: {  	_ =	shalt  }
0x84: {  	_ =	shalt  }
0x85: {  	_ =	shalt  }
0x86: {  	_ =	shalt  }
0x87: {  	_ =	shalt  }
.Lfunc_end0:
.L_simem_size_0:
called_computation.4_lowered:
.L_overlay_start_0:
0x88: {  	s2 =	sld [smem:$0x3FD9]  }
0x89: {  	s3 =	sld [smem:$0x3FFE];
	_ =	sdelay $0x1  }
0x8a: {  	s1 =	srdreg.scid  }
0x8b: {  	s0 =	sand.u32 $0x1, s1  }
0x8c: {  	s16 =	sshll.u32 s0, $0xA;
	s2 =	sadd.s32 s3, s2  }
0x8d: {  	s2 =	sadd.s32 s2, s16  }
0x8e: {  	[smem:$0x3FC1] =	sst s2  }
0x8f: {  	_ = 	snop  }
0x90: {  	(tm) =	ssettm $0x1  }
0x91: {  	s17 =	sld [smem:$0x3FFB];
	_ =	sdelay $0x3  }
0x92: {  	_ =	strace s17  }
0x93: {  	s2 =	sld [smem:$0x3FFC];
	_ =	sdelay $0x3  }
0x94: {  	_ =	strace s2  }
0x95: {  	s2 =	sld [smem:$0x3FFD];
	_ =	sdelay $0x3  }
0x96: {  	_ =	strace s2  }
0x97: {  	_ =	strace $0x8FFFFFFF  }
0x98: {  	s18 =	sld [smem:$0x3FDB];
	_ =	sdelay $0x1  }
0x99: {  	s19 =	simm.s32 $_scs_section_size  }
0x9a: {  	s4 =	simm.s32 $_size__tile_overlayer_lowered;
	s5 =	simm.s32 $_tile_overlayer_lowered  }
0x9b: {  	s22 =	simm.s32 $0x1BFF;
	s21 =	sshll.u32 s5, $0x1;
	s2 =	sadd.s32 s19, s18  }
0x9c: {  	s6 =	simm.s32 $0x0;
	s20 =	sshll.u32 s4, $0x1;
	s4 =	sadd.s32 s21, s2  }
0x9d: {  	[timem:s6], [sflag:s22] =	dma.local [hbm:s4], s20  }
0x9e: {  	_ =	swait.ge [sflag:s22], s20  }
0x9f: {  	s3 =	ssub.s32 $0x0, s20;
	[sflag:s22] =	ssyncset.done $0x0  }
0xa0: {  	[sflag:s22] =	ssyncadd.s32 s3;
	_ =	sdelay $0x1  }
0xa1: {  	s23 =	simm.s32 $0x1B8B  }
0xa2: {  	_ =	swait.ge [sflag:s23], $0x1  }
0xa3: {  	[sflag:s23] =	ssyncset.done $0x0  }
0xa4: {  	s25 =	simm.s32 $0x1B8E;
	s24 =	sld [smem:$0x3FFE];
	[sflag:s23] =	ssyncadd.s32 $0xFFFFFFFF  }
0xa5: {  	s26 =	simm.s32 $execute0_lowered;
	[smem:$0x3FD2] =	sst s25  }
0xa6: {  	s4 =	sshll.u32 s26, $0x1;
	_ =	strace $0x80000052;
	[dreg:$0x1] =	wrdreg $0xFFFFFFFF  }
0xa7: {  	s28 =	simm.s32 $_size_execute0_lowered;
	s2 =	sadd.s32 s2, s4;
	[dreg:$0x0] =	wrdreg $0x0  }
0xa8: {  	s4 =	sshll.u32 s28, $0x1;
	[dreg:$0x2] =	wrdreg s2  }
0xa9: {  	[dreg:$0x3] =	wrdreg s4  }
0xaa: {  	[dreg:$0x4] =	wrdreg $0xC0  }
0xab: {  	_ =	task [dreg:s6], $0x5FFFF  }
0xac: {  	[dreg:$0x1] =	wrdreg $0xFFFFFFFF  }
0xad: {  	[dreg:$0x0] =	wrdreg $0x60  }
0xae: {  	[dreg:$0x2] =	wrdreg s24  }
0xaf: {  	[dreg:$0x3] =	wrdreg $0xA9000  }
0xb0: {  	[dreg:$0x4] =	wrdreg $0x9  }
0xb1: {  	_ =	task.clear_ibuf [dreg:s6], $0x5FFFF;
	_ =	strace $0x90000052  }
0xb2: {  	s29 =	simm.s32 $0x9;
	_ =	strace $0x80000054  }
0xb3: {  	_ =	swait.ge [sflag:s29], $0x1  }
0xb4: {  	[sflag:s29] =	ssyncadd.s32 $0xFFFFFFFF  }
0xb5: {  	_ =	strace $0x90000054  }
0xb6: {  	_ =	sfence  }
0xb7: {  	s30 =	sld [smem:$0x0];
	_ =	sdelay $0x2  }
0xb8: {  	s31 =	sshll.u32 s1, $0xD;
	s1 =	sshrl.u32 s1, $0x2  }
0xb9: {  	s3 =	sand.u32 $0x4000, s31;
	s1 =	sadd.s32 s1, s30  }
0xba: {  	s0 =	sor.u32 s3, s0;
	s1 =	sshll.u32 s1, $0x11  }
0xbb: {  	s0 =	sor.u32 s1, s0  }
0xbc: {  	s0 =	sadd.s32 $0x8F2B, s0  }
0xbd: {  	[sflag:s0] =	ssyncadd.remote.s32 $0x1  }
0xbe: {  	_ =	sfence.sel $0xFFFF  }
0xbf: {  	[dreg:$0x0] =	wrdreg $0xFFFFFFFF;
	(pc) =	sbr.abs _section_cstart, $3  }
0xc0: {  	[dreg:$0x1] =	wrdreg $0xFFFFFFFF  }
0xc1: {  	_ =	task.clear_ibuf [dreg:s6], $0x2FFFF;
	_ =	strace $0x9FFFFFFF  }
0xc2: {  	(tm) =	ssettm $0x7FFFFFFF  }
0xc3: {  	_ =	shalt  }
tec
execute0_lowered:
.L_overlay_start_1:
0x0: {  	(tag) =	ssettag $0x1  }
0x1: {  	s1 =	srdreg.scid;
	s6 =	rddreg [dreg:$0x0]  }
0x2: {  	s0 =	stileid.u32;
	s2 =	rddreg [dreg:$0x1]  }
0x3: {  	s3 =	simm.s32 $0x0;
	s16 =	simm.s32 $0x2900;
	s17 =	simm.s32 $0x2800  }
0x4: {  	s18 =	simm.s32 $0x6900;
	s19 =	simm.s32 $0x2880;
	s7 =	smul.u32 $0x2800, s0  }
0x5: {  	s20 =	simm.s32 $0x1;
	s21 =	simm.s32 $0x2;
	s10 =	smul.u32 $0x14000, s0  }
0x6: {  	s22 =	simm.s32 $0x2780;
	s23 =	simm.s32 $0x0;
	s11 =	smul.u32 $0x50000, s0  }
0x7: {  	s5 =	sand.u32 $0x1, s1;
	s1 =	rddreg [dreg:$0x2];
	s15 =	smul.u32 $0x500, s0  }
0x8: {  	[smem:$0x7FF] =	sst s3;
	s12 =	sadd.s32 $0x5200, s6;
	s4 =	smul.u32 $0x28000, s5  }
0x9: {  	s30 =	sshll.u32 s0, $0x6;
	s8 =	smul.u32 $0x140000, s5;
	s26 =	ssub.s32 $0x2, s5  }
0xa: {  	_ =	strace $0x80000053;
	s5 =	sadd.s32 $0xA200, s6;
	s28 =	sshrl.u32 s26, $0x1  }
0xb: {  	s29 =	sshrl.u32 s11, $0x2;
	s31 =	sshrl.u32 s7, $0x3;
	s9 =	sadd.s32 s7, s4  }
0xc: {  	s4 =	sadd.s32 $0xCA00, s6;
	s8 =	sadd.s32 s10, s8;
	s10 =	ssub.s32 s26, s28  }
0xd: {  	s14 =	sadd.s32 s29, s2;
	s9 =	sshrl.u32 s9, $0x3;
	s8 =	sshrl.u32 s8, $0x3  }
0xe: {  	s10 =	smax.u32 s10, $0x1;
	s9 =	sadd.s32 s9, s6;
	s13 =	sadd.s32 s8, s6  }
0xf: {  	s6 =	sor.u32 $0x1C03, s30;
	s8 =	sadd.s32 s12, s31;
	s12 =	sadd.s32 s15, s12  }
0x10: {  	s15 =	simm.s32 $0x80;
	s7 =	sadd.s32 $0x5CA00, s9;
	s9 =	sadd.s32 $0x108C00, s13  }
0x11: {  	s11 =	sadd.s32 $0x4F0, s8;
	s13 =	sshrl.u32 s14, $0x3;
	s14 =	simm.s32 $0x3  }
.LBB2_1:
0x12: {  	[spmem:s13], [sflag:s6] =	dma.local [hbm:s5], $0x2800  }
0x13: {  	_ =	swait.ge [sflag:s14], $0x2800  }
0x14: {  	[sflag:s14] =	ssyncset.done $0x0  }
0x15: {  	[sflag:s14] =	ssyncadd.s32 $0xFFFFD800  }
0x16: {  	[tilespmem:s3], [sflag:$0x3] =	stream.linear.gather [hbm4b:s7+s3], $0x2800, $0x38;
	[tilespmem:$0x1E900] =	vst v63  }
0x17: {  	_ =	swait.ge [sflag:s14], $0x2800  }
0x18: {  	[sflag:s14] =	ssyncset.done $0x0  }
0x19: {  	[sflag:s14] =	ssyncadd.s32 $0xFFFFD800  }
0x1a: {  	[bflag:$0x0] =	sbarrier.arrive $0xFFFF  }
0x1b: {  	[tilespmem:s16], [sflag:$0x1] =	stream.indirect.gather [hbm4b:s4+s15], $0x80, s3, s15, $0xb8;
	[tilespmem:$0x1E900] =	vst v63  }
0x1c: {  	_ = 	snop  }
0x1d: {  	[tilespmem:s17], [sflag:$0x1] =	stream.linear.gather [hbm4b:s8+s3], $0x80, $0x38;
	[tilespmem:$0x1E900] =	vst v63  }
0x1e: {  	s24 =	simm.s32 $0x80;
	s25 =	sadd.s32 $0xFFFFFB20, s12  }
0x1f: {  	[tilespmem:s18], [sflag:$0x2] =	stream.indirect.gather [hbm4b:s4+s15], $0x80, s24, s15, $0xb8;
	[tilespmem:$0x1E900] =	vst v63  }
0x20: {  	s29 =	sadd.s32 $0x4F0, s25  }
0x21: {  	[tilespmem:s19], [sflag:$0x2] =	stream.linear.gather [hbm4b:s29+s3], $0x80, $0x38;
	[tilespmem:$0x1E900] =	vst v63  }
0x22: {  	_ =	swait.ge [sflag:s20], $0x4000  }
0x23: {  	[sflag:s20] =	ssyncset.done $0x0  }
0x24: {  	[sflag:s20] =	ssyncadd.s32 $0xFFFFC000  }
0x25: {  	_ =	swait.ge [sflag:s20], $0x80  }
0x26: {  	[sflag:s20] =	ssyncset.done $0x0  }
0x27: {  	[sflag:s20] =	ssyncadd.s32 $0xFFFFFF80  }
0x28: {  	[spmem:s2] =	stream.indirect.scatter.add.f32 [tilespmem:s16], [sflag:$0x3], $0x80, s17, s15, $0xb8;
	[tilespmem:$0x1E900] =	vst v63  }
0x29: {  	_ =	swait.ge [sflag:s14], $0x4000  }
0x2a: {  	[sflag:s14] =	ssyncset.done $0x0  }
0x2b: {  	s30 =	simm.s32 $0x100;
	[sflag:s14] =	ssyncadd.s32 $0xFFFFC000  }
0x2c: {  	[tilespmem:s16], [sflag:$0x1] =	stream.indirect.gather [hbm4b:s4+s15], $0x80, s30, s15, $0xb8;
	[tilespmem:$0x1E900] =	vst v63  }
0x2d: {  	s31 =	sadd.s32 $0x500, s25  }
0x2e: {  	[tilespmem:s17], [sflag:$0x1] =	stream.linear.gather [hbm4b:s31+s3], $0x80, $0x38;
	[tilespmem:$0x1E900] =	vst v63  }
0x2f: {  	_ =	swait.ge [sflag:s21], $0x4000  }
0x30: {  	[sflag:s21] =	ssyncset.done $0x0  }
0x31: {  	[sflag:s21] =	ssyncadd.s32 $0xFFFFC000  }
0x32: {  	_ =	swait.ge [sflag:s21], $0x80  }
0x33: {  	[sflag:s21] =	ssyncset.done $0x0  }
0x34: {  	[sflag:s21] =	ssyncadd.s32 $0xFFFFFF80  }
0x35: {  	[spmem:s2] =	stream.indirect.scatter.add.f32 [tilespmem:s18], [sflag:$0x3], $0x80, s19, s15, $0xb8;
	[tilespmem:$0x1E900] =	vst v63  }
0x36: {  	s26 =	simm.s32 $0xFFFFFB60;
	_ =	swait.ge [sflag:s14], $0x4000  }
0x37: {  	s25 =	simm.s32 $0xFFFFFB40;
	s24 =	simm.s32 $0x200;
	[sflag:s14] =	ssyncset.done $0x0  }
.LBB2_2:
0x38: {  	s28 =	sadd.s32 $0xFFFFFF80, s24  }
0x39: {  	s29 =	sadd.s32 s25, s12;
	[sflag:s14] =	ssyncadd.s32 $0xFFFFC000;
	s25 =	smov.u32 s26  }
0x3a: {  	[tilespmem:s18], [sflag:$0x2] =	stream.indirect.gather [hbm4b:s4+s15], $0x80, s28, s15, $0xb8;
	[tilespmem:$0x1E900] =	vst v63  }
0x3b: {  	p0 =	sne.s32 s26, $0xFFFFFFE0;
	s26 =	sadd.s32 $0x20, s26;
	s28 =	sadd.s32 $0x4F0, s29  }
0x3c: {  	[tilespmem:s19], [sflag:$0x2] =	stream.linear.gather [hbm4b:s28+s3], $0x80, $0x38;
	[tilespmem:$0x1E900] =	vst v63  }
0x3d: {  	_ =	swait.ge [sflag:s20], $0x4000  }
0x3e: {  	[sflag:s20] =	ssyncset.done $0x0  }
0x3f: {  	[sflag:s20] =	ssyncadd.s32 $0xFFFFC000  }
0x40: {  	_ =	swait.ge [sflag:s20], $0x80  }
0x41: {  	[sflag:s20] =	ssyncset.done $0x0  }
0x42: {  	[sflag:s20] =	ssyncadd.s32 $0xFFFFFF80  }
0x43: {  	[spmem:s2] =	stream.indirect.scatter.add.f32 [tilespmem:s16], [sflag:$0x3], $0x80, s17, s15, $0xb8;
	[tilespmem:$0x1E900] =	vst v63  }
0x44: {  	_ =	swait.ge [sflag:s14], $0x4000  }
0x45: {  	[sflag:s14] =	ssyncset.done $0x0  }
0x46: {  	[sflag:s14] =	ssyncadd.s32 $0xFFFFC000  }
0x47: {  	[tilespmem:s16], [sflag:$0x1] =	stream.indirect.gather [hbm4b:s4+s15], $0x80, s24, s15, $0xb8;
	[tilespmem:$0x1E900] =	vst v63  }
0x48: {  	s28 =	sadd.s32 $0x500, s29  }
0x49: {  	[tilespmem:s17], [sflag:$0x1] =	stream.linear.gather [hbm4b:s28+s3], $0x80, $0x38;
	[tilespmem:$0x1E900] =	vst v63  }
0x4a: {  	_ =	swait.ge [sflag:s21], $0x4000  }
0x4b: {  	[sflag:s21] =	ssyncset.done $0x0  }
0x4c: {  	[sflag:s21] =	ssyncadd.s32 $0xFFFFC000  }
0x4d: {  	_ =	swait.ge [sflag:s21], $0x80  }
.Ltmp0:
0x4e: {  	[sflag:s21] =	ssyncset.done $0x0;
	(pc) =	sbr.rel @p0 .LBB2_2-.Ltmp0, $4  }
0x4f: {  	[sflag:s21] =	ssyncadd.s32 $0xFFFFFF80  }
0x50: {  	[spmem:s2] =	stream.indirect.scatter.add.f32 [tilespmem:s18], [sflag:$0x3], $0x80, s19, s15, $0xb8;
	[tilespmem:$0x1E900] =	vst v63  }
0x51: {  	_ =	swait.ge [sflag:s14], $0x4000  }
0x52: {  	s24 =	sadd.s32 $0x100, s24;
	[sflag:s14] =	ssyncset.done $0x0  }
0x53: {  	s26 =	sadd.s32 $0xFFFFFF80, s24;
	s25 =	sadd.s32 s25, s12;
	[sflag:s14] =	ssyncadd.s32 $0xFFFFC000  }
0x54: {  	[tilespmem:s18], [sflag:$0x2] =	stream.indirect.gather [hbm4b:s4+s15], $0x80, s26, s15, $0xb8;
	[tilespmem:$0x1E900] =	vst v63  }
0x55: {  	s30 =	sadd.s32 $0x4F0, s25  }
0x56: {  	[tilespmem:s19], [sflag:$0x2] =	stream.linear.gather [hbm4b:s30+s3], $0x80, $0x38;
	[tilespmem:$0x1E900] =	vst v63  }
0x57: {  	_ =	swait.ge [sflag:s20], $0x4000  }
0x58: {  	[sflag:s20] =	ssyncset.done $0x0  }
0x59: {  	[sflag:s20] =	ssyncadd.s32 $0xFFFFC000  }
0x5a: {  	_ =	swait.ge [sflag:s20], $0x80  }
0x5b: {  	[sflag:s20] =	ssyncset.done $0x0  }
0x5c: {  	[sflag:s20] =	ssyncadd.s32 $0xFFFFFF80  }
0x5d: {  	[spmem:s2] =	stream.indirect.scatter.add.f32 [tilespmem:s16], [sflag:$0x3], $0x80, s17, s15, $0xb8;
	[tilespmem:$0x1E900] =	vst v63  }
0x5e: {  	_ =	swait.ge [sflag:s14], $0x4000  }
0x5f: {  	[sflag:s14] =	ssyncset.done $0x0  }
0x60: {  	[sflag:s14] =	ssyncadd.s32 $0xFFFFC000  }
0x61: {  	[tilespmem:s16], [sflag:$0x1] =	stream.indirect.gather [hbm4b:s4+s15], $0x80, s24, s15, $0xb8;
	[tilespmem:$0x1E900] =	vst v63  }
0x62: {  	s31 =	sadd.s32 $0x500, s25  }
0x63: {  	[tilespmem:s17], [sflag:$0x1] =	stream.linear.gather [hbm4b:s31+s3], $0x80, $0x38;
	[tilespmem:$0x1E900] =	vst v63  }
0x64: {  	_ =	swait.ge [sflag:s21], $0x4000  }
0x65: {  	[sflag:s21] =	ssyncset.done $0x0  }
0x66: {  	[sflag:s21] =	ssyncadd.s32 $0xFFFFC000  }
0x67: {  	_ =	swait.ge [sflag:s21], $0x80  }
0x68: {  	[sflag:s21] =	ssyncset.done $0x0  }
0x69: {  	[sflag:s21] =	ssyncadd.s32 $0xFFFFFF80  }
0x6a: {  	[spmem:s2] =	stream.indirect.scatter.add.f32 [tilespmem:s18], [sflag:$0x3], $0x80, s19, s15, $0xb8;
	[tilespmem:$0x1E900] =	vst v63  }
0x6b: {  	_ =	swait.ge [sflag:s14], $0x4000  }
0x6c: {  	[sflag:s14] =	ssyncset.done $0x0  }
0x6d: {  	[sflag:s14] =	ssyncadd.s32 $0xFFFFC000  }
0x6e: {  	[tilespmem:s18], [sflag:$0x2] =	stream.indirect.gather [hbm4b:s4+s15], $0x80, s22, s15, $0xb8;
	[tilespmem:$0x1E900] =	vst v63  }
0x6f: {  	_ = 	snop  }
0x70: {  	[tilespmem:s19], [sflag:$0x2] =	stream.linear.gather [hbm4b:s11+s3], $0x80, $0x38;
	[tilespmem:$0x1E900] =	vst v63  }
0x71: {  	_ =	swait.ge [sflag:s20], $0x4000  }
0x72: {  	[sflag:s20] =	ssyncset.done $0x0  }
0x73: {  	[sflag:s20] =	ssyncadd.s32 $0xFFFFC000  }
0x74: {  	_ =	swait.ge [sflag:s20], $0x80  }
0x75: {  	[sflag:s20] =	ssyncset.done $0x0  }
0x76: {  	[sflag:s20] =	ssyncadd.s32 $0xFFFFFF80  }
0x77: {  	[spmem:s2] =	stream.indirect.scatter.add.f32 [tilespmem:s16], [sflag:$0x3], $0x80, s17, s15, $0xb8;
	[tilespmem:$0x1E900] =	vst v63  }
0x78: {  	_ =	swait.ge [sflag:s14], $0x4000  }
0x79: {  	[sflag:s14] =	ssyncset.done $0x0  }
0x7a: {  	[sflag:s14] =	ssyncadd.s32 $0xFFFFC000  }
0x7b: {  	_ =	swait.ge [sflag:s21], $0x4000  }
0x7c: {  	[sflag:s21] =	ssyncset.done $0x0  }
0x7d: {  	[sflag:s21] =	ssyncadd.s32 $0xFFFFC000  }
0x7e: {  	_ =	swait.ge [sflag:s21], $0x80  }
0x7f: {  	[sflag:s21] =	ssyncset.done $0x0  }
0x80: {  	[sflag:s21] =	ssyncadd.s32 $0xFFFFFF80  }
0x81: {  	[spmem:s2] =	stream.indirect.scatter.add.f32 [tilespmem:s18], [sflag:$0x3], $0x80, s19, s15, $0xb8;
	[tilespmem:$0x1E900] =	vst v63  }
0x82: {  	_ =	swait.ge [sflag:s14], $0x4000  }
0x83: {  	s23 =	sadd.s32 $0x1, s23;
	[sflag:s14] =	ssyncset.done $0x0  }
0x84: {  	p0 =	sne.s32 s23, s10;
	[sflag:s14] =	ssyncadd.s32 $0xFFFFC000  }
.Ltmp1:
0x85: {  	[bflag:$0x0] =	sbarrier.arrive $0xFFFF;
	(pc) =	sbr.rel @p0 .LBB2_1-.Ltmp1, $4  }
0x86: {  	[hbm:s9], [sflag:s6] =	dma.local [spmem:s13], $0x2800  }
0x87: {  	_ =	swait.ge [sflag:s14], $0x2800  }
0x88: {  	[sflag:s14] =	ssyncset.done $0x0  }
0x89: {  	[sflag:s14] =	ssyncadd.s32 $0xFFFFD800  }
0x8a: {  	_ =	sfence.sel $0x180000  }
0x8b: {  	[bflag:$0x0] =	sbarrier.arrive $0xFFFF  }
0x8c: {  	p0 =	sne.s32 s0, $0x0;
	_ =	strace $0x90000053  }
0x8d: {  	s0 =	sadd.s32 @!p0 $0x100000, s1;
	[bflag:$0x2] =	sbarrier.arrive $0xFFFF  }
0x8e: {  	[sflag:s0] =	ssyncadd.tile.s32 @!p0 $0x1;
	_ =	shalt  }
.Lfunc_end2:
_tile_overlayer_lowered:
.L_overlay_start_2:
0x8f: {  	(tag) =	ssettag $0x2  }
0x90: {  	s0 =	rddreg [dreg:$0x0];
	s2 =	stileid.u32  }
0x91: {  	s1 =	rddreg [dreg:$0x1];
	p0 =	sne.s32 s2, $0x0  }
0x92: {  	s3 =	rddreg [dreg:$0x2];
	[bflag:$0x3] =	sbarrier.arrive $0xFFFF;
	s2 =	simm.s32 @!p0 $0x1C03  }
0x93: {  	[timem:s3], [sflag:s2] =	dma.local @!p0 [hbm:s0], s1  }
0x94: {  	s0 =	simm.s32 @!p0 $0x3  }
0x95: {  	_ =	swait.ge @!p0 [sflag:s0], s1  }
0x96: {  	s1 =	ssub.s32 @!p0 $0x0, s1;
	[sflag:s0] =	ssyncset.done @!p0 $0x0  }
0x97: {  	[sflag:s0] =	ssyncadd.s32 @!p0 s1  }
0x98: {  	[bflag:$0x3] =	sbarrier.arrive $0xFFFF  }
0x99: {  	_ =	shalt  }

// kernel: kernel.35.cloned.1.call-start
scs
__scs_entry_jumppad:
0x0: {  	(pc) =	sbr.rel $0x88, $3  }
0x1: {  	(tag) =	ssettag $0x0;
	lr =	simm.s32 $0x1  }
0x2: {  	[smem:$0x3F9A] =	sst lr;
	_ =	strace $0xD0000000  }
0x3: {  	_ = 	snop  }
0x4: {  	_ = 	snop  }
0x5: {  	_ = 	snop  }
0x6: {  	_ = 	snop  }
0x7: {  	_ = 	snop  }
__scs_overlays_trampoline_lowered:
0x8: {  	[smem:$0x3FA9] =	sst s0  }
0x9: {  	[smem:$0x3FAA] =	sst s1  }
0xa: {  	[smem:$0x3FAB] =	sst s2  }
0xb: {  	[smem:$0x3FAC] =	sst s3  }
0xc: {  	[smem:$0x3FAD] =	sst s4  }
0xd: {  	[smem:$0x3FAE] =	sst s5  }
0xe: {  	[smem:$0x3FAF] =	sst s6  }
0xf: {  	[smem:$0x3FB0] =	sst s7  }
0x10: {  	[smem:$0x3FB1] =	sst s8  }
0x11: {  	[smem:$0x3FB2] =	sst s9;
	s0 =	simm.s32 @!p0 $0x0  }
0x12: {  	s1 =	sld [smem:$0x3F98];
	s0 =	simm.s32 @p0 $0x1  }
0x13: {  	[smem:$0x3FB3] =	sst s0;
	s0 =	simm.s32 @!p1 $0x0  }
0x14: {  	s2 =	sld [smem:$0x3F97];
	s0 =	simm.s32 @p1 $0x1  }
0x15: {  	[smem:$0x3FB4] =	sst s0;
	s0 =	simm.s32 @!p2 $0x0  }
0x16: {  	s3 =	sld [smem:$0x3FDB];
	s0 =	simm.s32 @p2 $0x1  }
0x17: {  	s4 =	simm.s32 $0x1BF5;
	[smem:$0x3FB6] =	sst s0  }
0x18: {  	s0 =	sld [smem:$0x3F99];
	_ =	swait.ge [sflag:s4], $0x0  }
0x19: {  	s7 =	sld [smem:$0x3F9A]  }
0x1a: {  	s8 =	sadd.s32 $0xFFFFE003, lr  }
0x1b: {  	s9 =	sadd.s32 $0xFFFFFEF7, lr;
	s5 =	simm.s32 $0xFFFFFFFF;
	p2 =	slt.u32 s8, $0xFFFFF086  }
0x1c: {  	p1 =	slt.u32 s9, $0xF7A;
	s5 =	simm.s32 @!p2 $0x0  }
0x1d: {  	s5 =	simm.s32 @p1 $0x1;
	p0 =	seq.s32 s7, s2  }
0x1e: {  	s7 =	smul.u32 @!p0 $0xF7A, s2;
	p2 =	seq.s32 @!p0 s5, $0x0  }
0x1f: {  	s9 =	smul.u32 $0xF7A, s1;
	s8 =	simm.s32 @!p0 $0x1BF5;
	p2 =	por !p2, p0  }
0x20: {  	[sflag:s8] =	ssyncset.s32 @!p0 $0xFFFFF086;
	s6 =	sadd.s32 @!p0 s3, s7;
	s7 =	simm.s32 @!p0 $0x108  }
0x21: {  	s3 =	sadd.s32 s3, s9;
	s6 =	sadd.s32 @!p0 $0x88, s6;
	s7 =	simm.s32 @p2 $0x1082  }
0x22: {  	[simem:s7], [sflag:s8] =	dma.local @!p0 [hbm:s6], $0xF7A  }
0x23: {  	s9 =	sor.u32 $0xD0000000, s2;
	s6 =	simm.s32 $0x108;
	_ =	swait.ge @!p0 [sflag:s8], $0x0  }
0x24: {  	s3 =	sadd.s32 $0x88, s3;
	s6 =	simm.s32 @!p1 $0x1082;
	[sflag:s4] =	ssyncset.s32 $0xFFFFF086  }
0x25: {  	[simem:s6], [sflag:s4] =	dma.local [hbm:s3], $0xF7A  }
0x26: {  	[smem:$0x3F9A] =	sst s1;
	(tag) =	ssettag s2;
	_ =	strace s9  }
0x27: {  	s1 =	sld [smem:$0x3FAA]  }
0x28: {  	s2 =	sld [smem:$0x3FAB]  }
0x29: {  	s4 =	sld [smem:$0x3FAD]  }
0x2a: {  	p0 =	seq.s32 s5, $0x0;
	s5 =	sld [smem:$0x3FAE]  }
0x2b: {  	s6 =	sld [smem:$0x3FAF]  }
0x2c: {  	s7 =	sld [smem:$0x3FB0]  }
0x2d: {  	s3 =	simm.s32 $0x108;
	s8 =	sld [smem:$0x3FB1]  }
0x2e: {  	s3 =	simm.s32 @!p0 $0x1082;
	s9 =	sld [smem:$0x3FB2]  }
0x2f: {  	lr =	sadd.s32 s0, s3;
	s0 =	sld [smem:$0x3FA9]  }
0x30: {  	s3 =	sld [smem:$0x3FAC]  }
0x31: {  	[smem:$0x3FB5] =	sst s10  }
0x32: {  	s10 =	sld [smem:$0x3FB3];
	_ =	sdelay $0x3  }
0x33: {  	p0 =	seq.s32 s10, $0x1;
	s10 =	sld [smem:$0x3FB5];
	_ =	sdelay $0x3  }
0x34: {  	[smem:$0x3FB5] =	sst s10  }
0x35: {  	s10 =	sld [smem:$0x3FB4];
	_ =	sdelay $0x3  }
0x36: {  	p1 =	seq.s32 s10, $0x1;
	s10 =	sld [smem:$0x3FB5];
	_ =	sdelay $0x3  }
0x37: {  	[smem:$0x3FB5] =	sst s10  }
0x38: {  	s10 =	sld [smem:$0x3FB6]  }
0x39: {  	_ = 	snop;
	(pc) =	sbr.ind lr, $3  }
0x3a: {  	_ = 	snop  }
0x3b: {  	_ = 	snop  }
0x3c: {  	p2 =	seq.s32 s10, $0x1;
	s10 =	sld [smem:$0x3FB5]  }
0x3d: {  	_ =	shalt  }
0x3e: {  	_ =	shalt  }
0x3f: {  	_ =	shalt  }
0x40: {  	_ =	shalt  }
0x41: {  	_ =	shalt  }
0x42: {  	_ =	shalt  }
0x43: {  	_ =	shalt  }
0x44: {  	_ =	shalt  }
0x45: {  	_ =	shalt  }
0x46: {  	_ =	shalt  }
0x47: {  	_ =	shalt  }
0x48: {  	_ =	shalt  }
0x49: {  	_ =	shalt  }
0x4a: {  	_ =	shalt  }
0x4b: {  	_ =	shalt  }
0x4c: {  	_ =	shalt  }
0x4d: {  	_ =	shalt  }
0x4e: {  	_ =	shalt  }
0x4f: {  	_ =	shalt  }
0x50: {  	_ =	shalt  }
0x51: {  	_ =	shalt  }
0x52: {  	_ =	shalt  }
0x53: {  	_ =	shalt  }
0x54: {  	_ =	shalt  }
0x55: {  	_ =	shalt  }
0x56: {  	_ =	shalt  }
0x57: {  	_ =	shalt  }
0x58: {  	_ =	shalt  }
0x59: {  	_ =	shalt  }
0x5a: {  	_ =	shalt  }
0x5b: {  	_ =	shalt  }
0x5c: {  	_ =	shalt  }
0x5d: {  	_ =	shalt  }
0x5e: {  	_ =	shalt  }
0x5f: {  	_ =	shalt  }
0x60: {  	_ =	shalt  }
0x61: {  	_ =	shalt  }
0x62: {  	_ =	shalt  }
0x63: {  	_ =	shalt  }
0x64: {  	_ =	shalt  }
0x65: {  	_ =	shalt  }
0x66: {  	_ =	shalt  }
0x67: {  	_ =	shalt  }
0x68: {  	_ =	shalt  }
0x69: {  	_ =	shalt  }
0x6a: {  	_ =	shalt  }
0x6b: {  	_ =	shalt  }
0x6c: {  	_ =	shalt  }
0x6d: {  	_ =	shalt  }
0x6e: {  	_ =	shalt  }
0x6f: {  	_ =	shalt  }
0x70: {  	_ =	shalt  }
0x71: {  	_ =	shalt  }
0x72: {  	_ =	shalt  }
0x73: {  	_ =	shalt  }
0x74: {  	_ =	shalt  }
0x75: {  	_ =	shalt  }
0x76: {  	_ =	shalt  }
0x77: {  	_ =	shalt  }
0x78: {  	_ =	shalt  }
0x79: {  	_ =	shalt  }
0x7a: {  	_ =	shalt  }
0x7b: {  	_ =	shalt  }
0x7c: {  	_ =	shalt  }
0x7d: {  	_ =	shalt  }
0x7e: {  	_ =	shalt  }
0x7f: {  	_ =	shalt  }
0x80: {  	_ =	shalt  }
0x81: {  	_ =	shalt  }
0x82: {  	_ =	shalt  }
0x83: {  	_ =	shalt  }
0x84: {  	_ =	shalt  }
0x85: {  	_ =	shalt  }
0x86: {  	_ =	shalt  }
0x87: {  	_ =	shalt  }
.Lfunc_end0:
.L_simem_size_0:
called_computation.5_lowered:
.L_overlay_start_0:
0x88: {  	s2 =	sld [smem:$0x3FD9]  }
0x89: {  	s3 =	sld [smem:$0x3FFE];
	_ =	sdelay $0x1  }
0x8a: {  	s1 =	srdreg.scid  }
0x8b: {  	s0 =	sand.u32 $0x1, s1  }
0x8c: {  	s16 =	sshll.u32 s0, $0xA;
	s2 =	sadd.s32 s3, s2  }
0x8d: {  	s2 =	sadd.s32 s2, s16  }
0x8e: {  	[smem:$0x3FC1] =	sst s2  }
0x8f: {  	_ = 	snop  }
0x90: {  	(tm) =	ssettm $0x1  }
0x91: {  	s17 =	sld [smem:$0x3FFB];
	_ =	sdelay $0x3  }
0x92: {  	_ =	strace s17  }
0x93: {  	s2 =	sld [smem:$0x3FFC];
	_ =	sdelay $0x3  }
0x94: {  	_ =	strace s2  }
0x95: {  	s2 =	sld [smem:$0x3FFD];
	_ =	sdelay $0x3  }
0x96: {  	_ =	strace s2  }
0x97: {  	_ =	strace $0x8FFFFFFF  }
0x98: {  	s18 =	sld [smem:$0x3FDB];
	_ =	sdelay $0x1  }
0x99: {  	s19 =	simm.s32 $_scs_section_size  }
0x9a: {  	s4 =	simm.s32 $_size__tile_overlayer_lowered;
	s5 =	simm.s32 $_tile_overlayer_lowered  }
0x9b: {  	s22 =	simm.s32 $0x1BFF;
	s21 =	sshll.u32 s5, $0x1;
	s2 =	sadd.s32 s19, s18  }
0x9c: {  	s6 =	simm.s32 $0x0;
	s20 =	sshll.u32 s4, $0x1;
	s4 =	sadd.s32 s21, s2  }
0x9d: {  	[timem:s6], [sflag:s22] =	dma.local [hbm:s4], s20  }
0x9e: {  	_ =	swait.ge [sflag:s22], s20  }
0x9f: {  	s3 =	ssub.s32 $0x0, s20;
	[sflag:s22] =	ssyncset.done $0x0  }
0xa0: {  	[sflag:s22] =	ssyncadd.s32 s3;
	_ =	sdelay $0x1  }
0xa1: {  	s23 =	simm.s32 $0x1B8B  }
0xa2: {  	_ =	swait.ge [sflag:s23], $0x1  }
0xa3: {  	[sflag:s23] =	ssyncset.done $0x0  }
0xa4: {  	s25 =	simm.s32 $0x1B8E;
	s24 =	sld [smem:$0x3FFE];
	[sflag:s23] =	ssyncadd.s32 $0xFFFFFFFF  }
0xa5: {  	s26 =	simm.s32 $execute0_lowered;
	[smem:$0x3FD2] =	sst s25  }
0xa6: {  	s4 =	sshll.u32 s26, $0x1;
	_ =	strace $0x80000055;
	[dreg:$0x1] =	wrdreg $0xFFFFFFFF  }
0xa7: {  	s28 =	simm.s32 $_size_execute0_lowered;
	s2 =	sadd.s32 s2, s4;
	[dreg:$0x0] =	wrdreg $0x0  }
0xa8: {  	s4 =	sshll.u32 s28, $0x1;
	[dreg:$0x2] =	wrdreg s2  }
0xa9: {  	[dreg:$0x3] =	wrdreg s4  }
0xaa: {  	[dreg:$0x4] =	wrdreg $0xC0  }
0xab: {  	_ =	task [dreg:s6], $0x5FFFF  }
0xac: {  	[dreg:$0x1] =	wrdreg $0xFFFFFFFF  }
0xad: {  	[dreg:$0x0] =	wrdreg $0x60  }
0xae: {  	[dreg:$0x2] =	wrdreg s24  }
0xaf: {  	[dreg:$0x3] =	wrdreg $0xA9000  }
0xb0: {  	[dreg:$0x4] =	wrdreg $0x9  }
0xb1: {  	_ =	task.clear_ibuf [dreg:s6], $0x5FFFF;
	_ =	strace $0x90000055  }
0xb2: {  	s29 =	simm.s32 $0x9;
	_ =	strace $0x80000057  }
0xb3: {  	_ =	swait.ge [sflag:s29], $0x1  }
0xb4: {  	[sflag:s29] =	ssyncadd.s32 $0xFFFFFFFF  }
0xb5: {  	_ =	strace $0x90000057  }
0xb6: {  	_ =	sfence  }
0xb7: {  	s30 =	sld [smem:$0x0];
	_ =	sdelay $0x2  }
0xb8: {  	s31 =	sshll.u32 s1, $0xD;
	s1 =	sshrl.u32 s1, $0x2  }
0xb9: {  	s3 =	sand.u32 $0x4000, s31;
	s1 =	sadd.s32 s1, s30  }
0xba: {  	s0 =	sor.u32 s3, s0;
	s1 =	sshll.u32 s1, $0x11  }
0xbb: {  	s0 =	sor.u32 s1, s0  }
0xbc: {  	s0 =	sadd.s32 $0x8F2B, s0  }
0xbd: {  	[sflag:s0] =	ssyncadd.remote.s32 $0x1  }
0xbe: {  	_ =	sfence.sel $0xFFFF  }
0xbf: {  	[dreg:$0x0] =	wrdreg $0xFFFFFFFF;
	(pc) =	sbr.abs _section_cstart, $3  }
0xc0: {  	[dreg:$0x1] =	wrdreg $0xFFFFFFFF  }
0xc1: {  	_ =	task.clear_ibuf [dreg:s6], $0x2FFFF;
	_ =	strace $0x9FFFFFFF  }
0xc2: {  	(tm) =	ssettm $0x7FFFFFFF  }
0xc3: {  	_ =	shalt  }
tec
execute0_lowered:
.L_overlay_start_1:
0x0: {  	(tag) =	ssettag $0x1  }
0x1: {  	s1 =	srdreg.scid;
	s6 =	rddreg [dreg:$0x0]  }
0x2: {  	s0 =	stileid.u32;
	s2 =	rddreg [dreg:$0x1]  }
0x3: {  	s3 =	simm.s32 $0x0;
	s16 =	simm.s32 $0x2900;
	s17 =	simm.s32 $0x2800  }
0x4: {  	s18 =	simm.s32 $0x6900;
	s19 =	simm.s32 $0x2880;
	s7 =	smul.u32 $0x2800, s0  }
0x5: {  	s20 =	simm.s32 $0x1;
	s21 =	simm.s32 $0x2;
	s10 =	smul.u32 $0x14000, s0  }
0x6: {  	s22 =	simm.s32 $0x2780;
	s23 =	simm.s32 $0x0;
	s11 =	smul.u32 $0x50000, s0  }
0x7: {  	s5 =	sand.u32 $0x1, s1;
	s1 =	rddreg [dreg:$0x2];
	s15 =	smul.u32 $0x500, s0  }
0x8: {  	[smem:$0x7FF] =	sst s3;
	s12 =	sadd.s32 $0x5200, s6;
	s4 =	smul.u32 $0x28000, s5  }
0x9: {  	s30 =	sshll.u32 s0, $0x6;
	s8 =	smul.u32 $0x140000, s5;
	s26 =	ssub.s32 $0x2, s5  }
0xa: {  	_ =	strace $0x80000056;
	s5 =	sadd.s32 $0xA200, s6;
	s28 =	sshrl.u32 s26, $0x1  }
0xb: {  	s29 =	sshrl.u32 s11, $0x2;
	s31 =	sshrl.u32 s7, $0x3;
	s9 =	sadd.s32 s7, s4  }
0xc: {  	s4 =	sadd.s32 $0xCA00, s6;
	s8 =	sadd.s32 s10, s8;
	s10 =	ssub.s32 s26, s28  }
0xd: {  	s14 =	sadd.s32 s29, s2;
	s9 =	sshrl.u32 s9, $0x3;
	s8 =	sshrl.u32 s8, $0x3  }
0xe: {  	s10 =	smax.u32 s10, $0x1;
	s9 =	sadd.s32 s9, s6;
	s13 =	sadd.s32 s8, s6  }
0xf: {  	s6 =	sor.u32 $0x1C03, s30;
	s8 =	sadd.s32 s12, s31;
	s12 =	sadd.s32 s15, s12  }
0x10: {  	s15 =	simm.s32 $0x80;
	s7 =	sadd.s32 $0x5CA00, s9;
	s9 =	sadd.s32 $0x108C00, s13  }
0x11: {  	s11 =	sadd.s32 $0x4F0, s8;
	s13 =	sshrl.u32 s14, $0x3;
	s14 =	simm.s32 $0x3  }
.LBB2_1:
0x12: {  	[spmem:s13], [sflag:s6] =	dma.local [hbm:s5], $0x2800  }
0x13: {  	_ =	swait.ge [sflag:s14], $0x2800  }
0x14: {  	[sflag:s14] =	ssyncset.done $0x0  }
0x15: {  	[sflag:s14] =	ssyncadd.s32 $0xFFFFD800  }
0x16: {  	[tilespmem:s3], [sflag:$0x3] =	stream.linear.gather [hbm4b:s7+s3], $0x2800, $0x38;
	[tilespmem:$0x1E900] =	vst v63  }
0x17: {  	_ =	swait.ge [sflag:s14], $0x2800  }
0x18: {  	[sflag:s14] =	ssyncset.done $0x0  }
0x19: {  	[sflag:s14] =	ssyncadd.s32 $0xFFFFD800  }
0x1a: {  	[bflag:$0x0] =	sbarrier.arrive $0xFFFF  }
0x1b: {  	[tilespmem:s16], [sflag:$0x1] =	stream.indirect.gather [hbm4b:s4+s15], $0x80, s3, s15, $0xb8;
	[tilespmem:$0x1E900] =	vst v63  }
0x1c: {  	_ = 	snop  }
0x1d: {  	[tilespmem:s17], [sflag:$0x1] =	stream.linear.gather [hbm4b:s8+s3], $0x80, $0x38;
	[tilespmem:$0x1E900] =	vst v63  }
0x1e: {  	s24 =	simm.s32 $0x80;
	s25 =	sadd.s32 $0xFFFFFB20, s12  }
0x1f: {  	[tilespmem:s18], [sflag:$0x2] =	stream.indirect.gather [hbm4b:s4+s15], $0x80, s24, s15, $0xb8;
	[tilespmem:$0x1E900] =	vst v63  }
0x20: {  	s29 =	sadd.s32 $0x4F0, s25  }
0x21: {  	[tilespmem:s19], [sflag:$0x2] =	stream.linear.gather [hbm4b:s29+s3], $0x80, $0x38;
	[tilespmem:$0x1E900] =	vst v63  }
0x22: {  	_ =	swait.ge [sflag:s20], $0x4000  }
0x23: {  	[sflag:s20] =	ssyncset.done $0x0  }
0x24: {  	[sflag:s20] =	ssyncadd.s32 $0xFFFFC000  }
0x25: {  	_ =	swait.ge [sflag:s20], $0x80  }
0x26: {  	[sflag:s20] =	ssyncset.done $0x0  }
0x27: {  	[sflag:s20] =	ssyncadd.s32 $0xFFFFFF80  }
0x28: {  	[spmem:s2] =	stream.indirect.scatter.add.f32 [tilespmem:s16], [sflag:$0x3], $0x80, s17, s15, $0xb8;
	[tilespmem:$0x1E900] =	vst v63  }
0x29: {  	_ =	swait.ge [sflag:s14], $0x4000  }
0x2a: {  	[sflag:s14] =	ssyncset.done $0x0  }
0x2b: {  	s30 =	simm.s32 $0x100;
	[sflag:s14] =	ssyncadd.s32 $0xFFFFC000  }
0x2c: {  	[tilespmem:s16], [sflag:$0x1] =	stream.indirect.gather [hbm4b:s4+s15], $0x80, s30, s15, $0xb8;
	[tilespmem:$0x1E900] =	vst v63  }
0x2d: {  	s31 =	sadd.s32 $0x500, s25  }
0x2e: {  	[tilespmem:s17], [sflag:$0x1] =	stream.linear.gather [hbm4b:s31+s3], $0x80, $0x38;
	[tilespmem:$0x1E900] =	vst v63  }
0x2f: {  	_ =	swait.ge [sflag:s21], $0x4000  }
0x30: {  	[sflag:s21] =	ssyncset.done $0x0  }
0x31: {  	[sflag:s21] =	ssyncadd.s32 $0xFFFFC000  }
0x32: {  	_ =	swait.ge [sflag:s21], $0x80  }
0x33: {  	[sflag:s21] =	ssyncset.done $0x0  }
0x34: {  	[sflag:s21] =	ssyncadd.s32 $0xFFFFFF80  }
0x35: {  	[spmem:s2] =	stream.indirect.scatter.add.f32 [tilespmem:s18], [sflag:$0x3], $0x80, s19, s15, $0xb8;
	[tilespmem:$0x1E900] =	vst v63  }
0x36: {  	s26 =	simm.s32 $0xFFFFFB60;
	_ =	swait.ge [sflag:s14], $0x4000  }
0x37: {  	s25 =	simm.s32 $0xFFFFFB40;
	s24 =	simm.s32 $0x200;
	[sflag:s14] =	ssyncset.done $0x0  }
.LBB2_2:
0x38: {  	s28 =	sadd.s32 $0xFFFFFF80, s24  }
0x39: {  	s29 =	sadd.s32 s25, s12;
	[sflag:s14] =	ssyncadd.s32 $0xFFFFC000;
	s25 =	smov.u32 s26  }
0x3a: {  	[tilespmem:s18], [sflag:$0x2] =	stream.indirect.gather [hbm4b:s4+s15], $0x80, s28, s15, $0xb8;
	[tilespmem:$0x1E900] =	vst v63  }
0x3b: {  	p0 =	sne.s32 s26, $0xFFFFFFE0;
	s26 =	sadd.s32 $0x20, s26;
	s28 =	sadd.s32 $0x4F0, s29  }
0x3c: {  	[tilespmem:s19], [sflag:$0x2] =	stream.linear.gather [hbm4b:s28+s3], $0x80, $0x38;
	[tilespmem:$0x1E900] =	vst v63  }
0x3d: {  	_ =	swait.ge [sflag:s20], $0x4000  }
0x3e: {  	[sflag:s20] =	ssyncset.done $0x0  }
0x3f: {  	[sflag:s20] =	ssyncadd.s32 $0xFFFFC000  }
0x40: {  	_ =	swait.ge [sflag:s20], $0x80  }
0x41: {  	[sflag:s20] =	ssyncset.done $0x0  }
0x42: {  	[sflag:s20] =	ssyncadd.s32 $0xFFFFFF80  }
0x43: {  	[spmem:s2] =	stream.indirect.scatter.add.f32 [tilespmem:s16], [sflag:$0x3], $0x80, s17, s15, $0xb8;
	[tilespmem:$0x1E900] =	vst v63  }
0x44: {  	_ =	swait.ge [sflag:s14], $0x4000  }
0x45: {  	[sflag:s14] =	ssyncset.done $0x0  }
0x46: {  	[sflag:s14] =	ssyncadd.s32 $0xFFFFC000  }
0x47: {  	[tilespmem:s16], [sflag:$0x1] =	stream.indirect.gather [hbm4b:s4+s15], $0x80, s24, s15, $0xb8;
	[tilespmem:$0x1E900] =	vst v63  }
0x48: {  	s28 =	sadd.s32 $0x500, s29  }
0x49: {  	[tilespmem:s17], [sflag:$0x1] =	stream.linear.gather [hbm4b:s28+s3], $0x80, $0x38;
	[tilespmem:$0x1E900] =	vst v63  }
0x4a: {  	_ =	swait.ge [sflag:s21], $0x4000  }
0x4b: {  	[sflag:s21] =	ssyncset.done $0x0  }
0x4c: {  	[sflag:s21] =	ssyncadd.s32 $0xFFFFC000  }
0x4d: {  	_ =	swait.ge [sflag:s21], $0x80  }
.Ltmp0:
0x4e: {  	[sflag:s21] =	ssyncset.done $0x0;
	(pc) =	sbr.rel @p0 .LBB2_2-.Ltmp0, $4  }
0x4f: {  	[sflag:s21] =	ssyncadd.s32 $0xFFFFFF80  }
0x50: {  	[spmem:s2] =	stream.indirect.scatter.add.f32 [tilespmem:s18], [sflag:$0x3], $0x80, s19, s15, $0xb8;
	[tilespmem:$0x1E900] =	vst v63  }
0x51: {  	_ =	swait.ge [sflag:s14], $0x4000  }
0x52: {  	s24 =	sadd.s32 $0x100, s24;
	[sflag:s14] =	ssyncset.done $0x0  }
0x53: {  	s26 =	sadd.s32 $0xFFFFFF80, s24;
	s25 =	sadd.s32 s25, s12;
	[sflag:s14] =	ssyncadd.s32 $0xFFFFC000  }
0x54: {  	[tilespmem:s18], [sflag:$0x2] =	stream.indirect.gather [hbm4b:s4+s15], $0x80, s26, s15, $0xb8;
	[tilespmem:$0x1E900] =	vst v63  }
0x55: {  	s30 =	sadd.s32 $0x4F0, s25  }
0x56: {  	[tilespmem:s19], [sflag:$0x2] =	stream.linear.gather [hbm4b:s30+s3], $0x80, $0x38;
	[tilespmem:$0x1E900] =	vst v63  }
0x57: {  	_ =	swait.ge [sflag:s20], $0x4000  }
0x58: {  	[sflag:s20] =	ssyncset.done $0x0  }
0x59: {  	[sflag:s20] =	ssyncadd.s32 $0xFFFFC000  }
0x5a: {  	_ =	swait.ge [sflag:s20], $0x80  }
0x5b: {  	[sflag:s20] =	ssyncset.done $0x0  }
0x5c: {  	[sflag:s20] =	ssyncadd.s32 $0xFFFFFF80  }
0x5d: {  	[spmem:s2] =	stream.indirect.scatter.add.f32 [tilespmem:s16], [sflag:$0x3], $0x80, s17, s15, $0xb8;
	[tilespmem:$0x1E900] =	vst v63  }
0x5e: {  	_ =	swait.ge [sflag:s14], $0x4000  }
0x5f: {  	[sflag:s14] =	ssyncset.done $0x0  }
0x60: {  	[sflag:s14] =	ssyncadd.s32 $0xFFFFC000  }
0x61: {  	[tilespmem:s16], [sflag:$0x1] =	stream.indirect.gather [hbm4b:s4+s15], $0x80, s24, s15, $0xb8;
	[tilespmem:$0x1E900] =	vst v63  }
0x62: {  	s31 =	sadd.s32 $0x500, s25  }
0x63: {  	[tilespmem:s17], [sflag:$0x1] =	stream.linear.gather [hbm4b:s31+s3], $0x80, $0x38;
	[tilespmem:$0x1E900] =	vst v63  }
0x64: {  	_ =	swait.ge [sflag:s21], $0x4000  }
0x65: {  	[sflag:s21] =	ssyncset.done $0x0  }
0x66: {  	[sflag:s21] =	ssyncadd.s32 $0xFFFFC000  }
0x67: {  	_ =	swait.ge [sflag:s21], $0x80  }
0x68: {  	[sflag:s21] =	ssyncset.done $0x0  }
0x69: {  	[sflag:s21] =	ssyncadd.s32 $0xFFFFFF80  }
0x6a: {  	[spmem:s2] =	stream.indirect.scatter.add.f32 [tilespmem:s18], [sflag:$0x3], $0x80, s19, s15, $0xb8;
	[tilespmem:$0x1E900] =	vst v63  }
0x6b: {  	_ =	swait.ge [sflag:s14], $0x4000  }
0x6c: {  	[sflag:s14] =	ssyncset.done $0x0  }
0x6d: {  	[sflag:s14] =	ssyncadd.s32 $0xFFFFC000  }
0x6e: {  	[tilespmem:s18], [sflag:$0x2] =	stream.indirect.gather [hbm4b:s4+s15], $0x80, s22, s15, $0xb8;
	[tilespmem:$0x1E900] =	vst v63  }
0x6f: {  	_ = 	snop  }
0x70: {  	[tilespmem:s19], [sflag:$0x2] =	stream.linear.gather [hbm4b:s11+s3], $0x80, $0x38;
	[tilespmem:$0x1E900] =	vst v63  }
0x71: {  	_ =	swait.ge [sflag:s20], $0x4000  }
0x72: {  	[sflag:s20] =	ssyncset.done $0x0  }
0x73: {  	[sflag:s20] =	ssyncadd.s32 $0xFFFFC000  }
0x74: {  	_ =	swait.ge [sflag:s20], $0x80  }
0x75: {  	[sflag:s20] =	ssyncset.done $0x0  }
0x76: {  	[sflag:s20] =	ssyncadd.s32 $0xFFFFFF80  }
0x77: {  	[spmem:s2] =	stream.indirect.scatter.add.f32 [tilespmem:s16], [sflag:$0x3], $0x80, s17, s15, $0xb8;
	[tilespmem:$0x1E900] =	vst v63  }
0x78: {  	_ =	swait.ge [sflag:s14], $0x4000  }
0x79: {  	[sflag:s14] =	ssyncset.done $0x0  }
0x7a: {  	[sflag:s14] =	ssyncadd.s32 $0xFFFFC000  }
0x7b: {  	_ =	swait.ge [sflag:s21], $0x4000  }
0x7c: {  	[sflag:s21] =	ssyncset.done $0x0  }
0x7d: {  	[sflag:s21] =	ssyncadd.s32 $0xFFFFC000  }
0x7e: {  	_ =	swait.ge [sflag:s21], $0x80  }
0x7f: {  	[sflag:s21] =	ssyncset.done $0x0  }
0x80: {  	[sflag:s21] =	ssyncadd.s32 $0xFFFFFF80  }
0x81: {  	[spmem:s2] =	stream.indirect.scatter.add.f32 [tilespmem:s18], [sflag:$0x3], $0x80, s19, s15, $0xb8;
	[tilespmem:$0x1E900] =	vst v63  }
0x82: {  	_ =	swait.ge [sflag:s14], $0x4000  }
0x83: {  	s23 =	sadd.s32 $0x1, s23;
	[sflag:s14] =	ssyncset.done $0x0  }
0x84: {  	p0 =	sne.s32 s23, s10;
	[sflag:s14] =	ssyncadd.s32 $0xFFFFC000  }
.Ltmp1:
0x85: {  	[bflag:$0x0] =	sbarrier.arrive $0xFFFF;
	(pc) =	sbr.rel @p0 .LBB2_1-.Ltmp1, $4  }
0x86: {  	[hbm:s9], [sflag:s6] =	dma.local [spmem:s13], $0x2800  }
0x87: {  	_ =	swait.ge [sflag:s14], $0x2800  }
0x88: {  	[sflag:s14] =	ssyncset.done $0x0  }
0x89: {  	[sflag:s14] =	ssyncadd.s32 $0xFFFFD800  }
0x8a: {  	_ =	sfence.sel $0x180000  }
0x8b: {  	[bflag:$0x0] =	sbarrier.arrive $0xFFFF  }
0x8c: {  	p0 =	sne.s32 s0, $0x0;
	_ =	strace $0x90000056  }
0x8d: {  	s0 =	sadd.s32 @!p0 $0x100000, s1;
	[bflag:$0x2] =	sbarrier.arrive $0xFFFF  }
0x8e: {  	[sflag:s0] =	ssyncadd.tile.s32 @!p0 $0x1;
	_ =	shalt  }
.Lfunc_end2:
_tile_overlayer_lowered:
.L_overlay_start_2:
0x8f: {  	(tag) =	ssettag $0x2  }
0x90: {  	s0 =	rddreg [dreg:$0x0];
	s2 =	stileid.u32  }
0x91: {  	s1 =	rddreg [dreg:$0x1];
	p0 =	sne.s32 s2, $0x0  }
0x92: {  	s3 =	rddreg [dreg:$0x2];
	[bflag:$0x3] =	sbarrier.arrive $0xFFFF;
	s2 =	simm.s32 @!p0 $0x1C03  }
0x93: {  	[timem:s3], [sflag:s2] =	dma.local @!p0 [hbm:s0], s1  }
0x94: {  	s0 =	simm.s32 @!p0 $0x3  }
0x95: {  	_ =	swait.ge @!p0 [sflag:s0], s1  }
0x96: {  	s1 =	ssub.s32 @!p0 $0x0, s1;
	[sflag:s0] =	ssyncset.done @!p0 $0x0  }
0x97: {  	[sflag:s0] =	ssyncadd.s32 @!p0 s1  }
0x98: {  	[bflag:$0x3] =	sbarrier.arrive $0xFFFF  }
0x99: {  	_ =	shalt  }

// kernel: kernel.38.cloned.1.call-start
scs
__scs_entry_jumppad:
0x0: {  	(pc) =	sbr.rel $0x88, $3  }
0x1: {  	(tag) =	ssettag $0x0;
	lr =	simm.s32 $0x1  }
0x2: {  	[smem:$0x3F9A] =	sst lr;
	_ =	strace $0xD0000000  }
0x3: {  	_ = 	snop  }
0x4: {  	_ = 	snop  }
0x5: {  	_ = 	snop  }
0x6: {  	_ = 	snop  }
0x7: {  	_ = 	snop  }
__scs_overlays_trampoline_lowered:
0x8: {  	[smem:$0x3FA9] =	sst s0  }
0x9: {  	[smem:$0x3FAA] =	sst s1  }
0xa: {  	[smem:$0x3FAB] =	sst s2  }
0xb: {  	[smem:$0x3FAC] =	sst s3  }
0xc: {  	[smem:$0x3FAD] =	sst s4  }
0xd: {  	[smem:$0x3FAE] =	sst s5  }
0xe: {  	[smem:$0x3FAF] =	sst s6  }
0xf: {  	[smem:$0x3FB0] =	sst s7  }
0x10: {  	[smem:$0x3FB1] =	sst s8  }
0x11: {  	[smem:$0x3FB2] =	sst s9;
	s0 =	simm.s32 @!p0 $0x0  }
0x12: {  	s1 =	sld [smem:$0x3F98];
	s0 =	simm.s32 @p0 $0x1  }
0x13: {  	[smem:$0x3FB3] =	sst s0;
	s0 =	simm.s32 @!p1 $0x0  }
0x14: {  	s2 =	sld [smem:$0x3F97];
	s0 =	simm.s32 @p1 $0x1  }
0x15: {  	[smem:$0x3FB4] =	sst s0;
	s0 =	simm.s32 @!p2 $0x0  }
0x16: {  	s3 =	sld [smem:$0x3FDB];
	s0 =	simm.s32 @p2 $0x1  }
0x17: {  	s4 =	simm.s32 $0x1BF5;
	[smem:$0x3FB6] =	sst s0  }
0x18: {  	s0 =	sld [smem:$0x3F99];
	_ =	swait.ge [sflag:s4], $0x0  }
0x19: {  	s7 =	sld [smem:$0x3F9A]  }
0x1a: {  	s8 =	sadd.s32 $0xFFFFE003, lr  }
0x1b: {  	s9 =	sadd.s32 $0xFFFFFEF7, lr;
	s5 =	simm.s32 $0xFFFFFFFF;
	p2 =	slt.u32 s8, $0xFFFFF086  }
0x1c: {  	p1 =	slt.u32 s9, $0xF7A;
	s5 =	simm.s32 @!p2 $0x0  }
0x1d: {  	s5 =	simm.s32 @p1 $0x1;
	p0 =	seq.s32 s7, s2  }
0x1e: {  	s7 =	smul.u32 @!p0 $0xF7A, s2;
	p2 =	seq.s32 @!p0 s5, $0x0  }
0x1f: {  	s9 =	smul.u32 $0xF7A, s1;
	s8 =	simm.s32 @!p0 $0x1BF5;
	p2 =	por !p2, p0  }
0x20: {  	[sflag:s8] =	ssyncset.s32 @!p0 $0xFFFFF086;
	s6 =	sadd.s32 @!p0 s3, s7;
	s7 =	simm.s32 @!p0 $0x108  }
0x21: {  	s3 =	sadd.s32 s3, s9;
	s6 =	sadd.s32 @!p0 $0x88, s6;
	s7 =	simm.s32 @p2 $0x1082  }
0x22: {  	[simem:s7], [sflag:s8] =	dma.local @!p0 [hbm:s6], $0xF7A  }
0x23: {  	s9 =	sor.u32 $0xD0000000, s2;
	s6 =	simm.s32 $0x108;
	_ =	swait.ge @!p0 [sflag:s8], $0x0  }
0x24: {  	s3 =	sadd.s32 $0x88, s3;
	s6 =	simm.s32 @!p1 $0x1082;
	[sflag:s4] =	ssyncset.s32 $0xFFFFF086  }
0x25: {  	[simem:s6], [sflag:s4] =	dma.local [hbm:s3], $0xF7A  }
0x26: {  	[smem:$0x3F9A] =	sst s1;
	(tag) =	ssettag s2;
	_ =	strace s9  }
0x27: {  	s1 =	sld [smem:$0x3FAA]  }
0x28: {  	s2 =	sld [smem:$0x3FAB]  }
0x29: {  	s4 =	sld [smem:$0x3FAD]  }
0x2a: {  	p0 =	seq.s32 s5, $0x0;
	s5 =	sld [smem:$0x3FAE]  }
0x2b: {  	s6 =	sld [smem:$0x3FAF]  }
0x2c: {  	s7 =	sld [smem:$0x3FB0]  }
0x2d: {  	s3 =	simm.s32 $0x108;
	s8 =	sld [smem:$0x3FB1]  }
0x2e: {  	s3 =	simm.s32 @!p0 $0x1082;
	s9 =	sld [smem:$0x3FB2]  }
0x2f: {  	lr =	sadd.s32 s0, s3;
	s0 =	sld [smem:$0x3FA9]  }
0x30: {  	s3 =	sld [smem:$0x3FAC]  }
0x31: {  	[smem:$0x3FB5] =	sst s10  }
0x32: {  	s10 =	sld [smem:$0x3FB3];
	_ =	sdelay $0x3  }
0x33: {  	p0 =	seq.s32 s10, $0x1;
	s10 =	sld [smem:$0x3FB5];
	_ =	sdelay $0x3  }
0x34: {  	[smem:$0x3FB5] =	sst s10  }
0x35: {  	s10 =	sld [smem:$0x3FB4];
	_ =	sdelay $0x3  }
0x36: {  	p1 =	seq.s32 s10, $0x1;
	s10 =	sld [smem:$0x3FB5];
	_ =	sdelay $0x3  }
0x37: {  	[smem:$0x3FB5] =	sst s10  }
0x38: {  	s10 =	sld [smem:$0x3FB6]  }
0x39: {  	_ = 	snop;
	(pc) =	sbr.ind lr, $3  }
0x3a: {  	_ = 	snop  }
0x3b: {  	_ = 	snop  }
0x3c: {  	p2 =	seq.s32 s10, $0x1;
	s10 =	sld [smem:$0x3FB5]  }
0x3d: {  	_ =	shalt  }
0x3e: {  	_ =	shalt  }
0x3f: {  	_ =	shalt  }
0x40: {  	_ =	shalt  }
0x41: {  	_ =	shalt  }
0x42: {  	_ =	shalt  }
0x43: {  	_ =	shalt  }
0x44: {  	_ =	shalt  }
0x45: {  	_ =	shalt  }
0x46: {  	_ =	shalt  }
0x47: {  	_ =	shalt  }
0x48: {  	_ =	shalt  }
0x49: {  	_ =	shalt  }
0x4a: {  	_ =	shalt  }
0x4b: {  	_ =	shalt  }
0x4c: {  	_ =	shalt  }
0x4d: {  	_ =	shalt  }
0x4e: {  	_ =	shalt  }
0x4f: {  	_ =	shalt  }
0x50: {  	_ =	shalt  }
0x51: {  	_ =	shalt  }
0x52: {  	_ =	shalt  }
0x53: {  	_ =	shalt  }
0x54: {  	_ =	shalt  }
0x55: {  	_ =	shalt  }
0x56: {  	_ =	shalt  }
0x57: {  	_ =	shalt  }
0x58: {  	_ =	shalt  }
0x59: {  	_ =	shalt  }
0x5a: {  	_ =	shalt  }
0x5b: {  	_ =	shalt  }
0x5c: {  	_ =	shalt  }
0x5d: {  	_ =	shalt  }
0x5e: {  	_ =	shalt  }
0x5f: {  	_ =	shalt  }
0x60: {  	_ =	shalt  }
0x61: {  	_ =	shalt  }
0x62: {  	_ =	shalt  }
0x63: {  	_ =	shalt  }
0x64: {  	_ =	shalt  }
0x65: {  	_ =	shalt  }
0x66: {  	_ =	shalt  }
0x67: {  	_ =	shalt  }
0x68: {  	_ =	shalt  }
0x69: {  	_ =	shalt  }
0x6a: {  	_ =	shalt  }
0x6b: {  	_ =	shalt  }
0x6c: {  	_ =	shalt  }
0x6d: {  	_ =	shalt  }
0x6e: {  	_ =	shalt  }
0x6f: {  	_ =	shalt  }
0x70: {  	_ =	shalt  }
0x71: {  	_ =	shalt  }
0x72: {  	_ =	shalt  }
0x73: {  	_ =	shalt  }
0x74: {  	_ =	shalt  }
0x75: {  	_ =	shalt  }
0x76: {  	_ =	shalt  }
0x77: {  	_ =	shalt  }
0x78: {  	_ =	shalt  }
0x79: {  	_ =	shalt  }
0x7a: {  	_ =	shalt  }
0x7b: {  	_ =	shalt  }
0x7c: {  	_ =	shalt  }
0x7d: {  	_ =	shalt  }
0x7e: {  	_ =	shalt  }
0x7f: {  	_ =	shalt  }
0x80: {  	_ =	shalt  }
0x81: {  	_ =	shalt  }
0x82: {  	_ =	shalt  }
0x83: {  	_ =	shalt  }
0x84: {  	_ =	shalt  }
0x85: {  	_ =	shalt  }
0x86: {  	_ =	shalt  }
0x87: {  	_ =	shalt  }
.Lfunc_end0:
.L_simem_size_0:
called_computation.6_lowered:
.L_overlay_start_0:
0x88: {  	s2 =	sld [smem:$0x3FD9]  }
0x89: {  	s3 =	sld [smem:$0x3FFE];
	_ =	sdelay $0x1  }
0x8a: {  	s1 =	srdreg.scid  }
0x8b: {  	s0 =	sand.u32 $0x1, s1  }
0x8c: {  	s16 =	sshll.u32 s0, $0xA;
	s2 =	sadd.s32 s3, s2  }
0x8d: {  	s2 =	sadd.s32 s2, s16  }
0x8e: {  	[smem:$0x3FC1] =	sst s2  }
0x8f: {  	_ = 	snop  }
0x90: {  	(tm) =	ssettm $0x1  }
0x91: {  	s17 =	sld [smem:$0x3FFB];
	_ =	sdelay $0x3  }
0x92: {  	_ =	strace s17  }
0x93: {  	s2 =	sld [smem:$0x3FFC];
	_ =	sdelay $0x3  }
0x94: {  	_ =	strace s2  }
0x95: {  	s2 =	sld [smem:$0x3FFD];
	_ =	sdelay $0x3  }
0x96: {  	_ =	strace s2  }
0x97: {  	_ =	strace $0x8FFFFFFF  }
0x98: {  	s18 =	sld [smem:$0x3FDB];
	_ =	sdelay $0x1  }
0x99: {  	s19 =	simm.s32 $_scs_section_size  }
0x9a: {  	s4 =	simm.s32 $_size__tile_overlayer_lowered;
	s5 =	simm.s32 $_tile_overlayer_lowered  }
0x9b: {  	s22 =	simm.s32 $0x1BFF;
	s21 =	sshll.u32 s5, $0x1;
	s2 =	sadd.s32 s19, s18  }
0x9c: {  	s6 =	simm.s32 $0x0;
	s20 =	sshll.u32 s4, $0x1;
	s4 =	sadd.s32 s21, s2  }
0x9d: {  	[timem:s6], [sflag:s22] =	dma.local [hbm:s4], s20  }
0x9e: {  	_ =	swait.ge [sflag:s22], s20  }
0x9f: {  	s3 =	ssub.s32 $0x0, s20;
	[sflag:s22] =	ssyncset.done $0x0  }
0xa0: {  	[sflag:s22] =	ssyncadd.s32 s3;
	_ =	sdelay $0x1  }
0xa1: {  	s23 =	simm.s32 $0x1B8B  }
0xa2: {  	_ =	swait.ge [sflag:s23], $0x1  }
0xa3: {  	[sflag:s23] =	ssyncset.done $0x0  }
0xa4: {  	s25 =	simm.s32 $0x1B8E;
	s24 =	sld [smem:$0x3FFE];
	[sflag:s23] =	ssyncadd.s32 $0xFFFFFFFF  }
0xa5: {  	s26 =	simm.s32 $execute0_lowered;
	[smem:$0x3FD2] =	sst s25  }
0xa6: {  	s4 =	sshll.u32 s26, $0x1;
	_ =	strace $0x80000058;
	[dreg:$0x1] =	wrdreg $0xFFFFFFFF  }
0xa7: {  	s28 =	simm.s32 $_size_execute0_lowered;
	s2 =	sadd.s32 s2, s4;
	[dreg:$0x0] =	wrdreg $0x0  }
0xa8: {  	s4 =	sshll.u32 s28, $0x1;
	[dreg:$0x2] =	wrdreg s2  }
0xa9: {  	[dreg:$0x3] =	wrdreg s4  }
0xaa: {  	[dreg:$0x4] =	wrdreg $0xC0  }
0xab: {  	_ =	task [dreg:s6], $0x5FFFF  }
0xac: {  	[dreg:$0x1] =	wrdreg $0xFFFFFFFF  }
0xad: {  	[dreg:$0x0] =	wrdreg $0x60  }
0xae: {  	[dreg:$0x2] =	wrdreg s24  }
0xaf: {  	[dreg:$0x3] =	wrdreg $0xA9000  }
0xb0: {  	[dreg:$0x4] =	wrdreg $0x9  }
0xb1: {  	_ =	task.clear_ibuf [dreg:s6], $0x5FFFF;
	_ =	strace $0x90000058  }
0xb2: {  	s29 =	simm.s32 $0x9;
	_ =	strace $0x8000005A  }
0xb3: {  	_ =	swait.ge [sflag:s29], $0x1  }
0xb4: {  	[sflag:s29] =	ssyncadd.s32 $0xFFFFFFFF  }
0xb5: {  	_ =	strace $0x9000005A  }
0xb6: {  	_ =	sfence  }
0xb7: {  	s30 =	sld [smem:$0x0];
	_ =	sdelay $0x2  }
0xb8: {  	s31 =	sshll.u32 s1, $0xD;
	s1 =	sshrl.u32 s1, $0x2  }
0xb9: {  	s3 =	sand.u32 $0x4000, s31;
	s1 =	sadd.s32 s1, s30  }
0xba: {  	s0 =	sor.u32 s3, s0;
	s1 =	sshll.u32 s1, $0x11  }
0xbb: {  	s0 =	sor.u32 s1, s0  }
0xbc: {  	s0 =	sadd.s32 $0x8F2B, s0  }
0xbd: {  	[sflag:s0] =	ssyncadd.remote.s32 $0x1  }
0xbe: {  	_ =	sfence.sel $0xFFFF  }
0xbf: {  	[dreg:$0x0] =	wrdreg $0xFFFFFFFF;
	(pc) =	sbr.abs _section_cstart, $3  }
0xc0: {  	[dreg:$0x1] =	wrdreg $0xFFFFFFFF  }
0xc1: {  	_ =	task.clear_ibuf [dreg:s6], $0x2FFFF;
	_ =	strace $0x9FFFFFFF  }
0xc2: {  	(tm) =	ssettm $0x7FFFFFFF  }
0xc3: {  	_ =	shalt  }
tec
execute0_lowered:
.L_overlay_start_1:
0x0: {  	(tag) =	ssettag $0x1  }
0x1: {  	s1 =	srdreg.scid;
	s6 =	rddreg [dreg:$0x0]  }
0x2: {  	s0 =	stileid.u32;
	s2 =	rddreg [dreg:$0x1]  }
0x3: {  	s3 =	simm.s32 $0x0;
	s16 =	simm.s32 $0x2900;
	s17 =	simm.s32 $0x2800  }
0x4: {  	s18 =	simm.s32 $0x6900;
	s19 =	simm.s32 $0x2880;
	s7 =	smul.u32 $0x2800, s0  }
0x5: {  	s20 =	simm.s32 $0x1;
	s21 =	simm.s32 $0x2;
	s10 =	smul.u32 $0x14000, s0  }
0x6: {  	s22 =	simm.s32 $0x2780;
	s23 =	simm.s32 $0x0;
	s11 =	smul.u32 $0x50000, s0  }
0x7: {  	s5 =	sand.u32 $0x1, s1;
	s1 =	rddreg [dreg:$0x2];
	s15 =	smul.u32 $0x500, s0  }
0x8: {  	[smem:$0x7FF] =	sst s3;
	s12 =	sadd.s32 $0x5200, s6;
	s4 =	smul.u32 $0x28000, s5  }
0x9: {  	s30 =	sshll.u32 s0, $0x6;
	s8 =	smul.u32 $0x140000, s5;
	s26 =	ssub.s32 $0x2, s5  }
0xa: {  	_ =	strace $0x80000059;
	s5 =	sadd.s32 $0xA200, s6;
	s28 =	sshrl.u32 s26, $0x1  }
0xb: {  	s29 =	sshrl.u32 s11, $0x2;
	s31 =	sshrl.u32 s7, $0x3;
	s9 =	sadd.s32 s7, s4  }
0xc: {  	s4 =	sadd.s32 $0xCA00, s6;
	s8 =	sadd.s32 s10, s8;
	s10 =	ssub.s32 s26, s28  }
0xd: {  	s14 =	sadd.s32 s29, s2;
	s9 =	sshrl.u32 s9, $0x3;
	s8 =	sshrl.u32 s8, $0x3  }
0xe: {  	s10 =	smax.u32 s10, $0x1;
	s9 =	sadd.s32 s9, s6;
	s13 =	sadd.s32 s8, s6  }
0xf: {  	s6 =	sor.u32 $0x1C03, s30;
	s8 =	sadd.s32 s12, s31;
	s12 =	sadd.s32 s15, s12  }
0x10: {  	s15 =	simm.s32 $0x80;
	s7 =	sadd.s32 $0x5CA00, s9;
	s9 =	sadd.s32 $0x108C00, s13  }
0x11: {  	s11 =	sadd.s32 $0x4F0, s8;
	s13 =	sshrl.u32 s14, $0x3;
	s14 =	simm.s32 $0x3  }
.LBB2_1:
0x12: {  	[spmem:s13], [sflag:s6] =	dma.local [hbm:s5], $0x2800  }
0x13: {  	_ =	swait.ge [sflag:s14], $0x2800  }
0x14: {  	[sflag:s14] =	ssyncset.done $0x0  }
0x15: {  	[sflag:s14] =	ssyncadd.s32 $0xFFFFD800  }
0x16: {  	[tilespmem:s3], [sflag:$0x3] =	stream.linear.gather [hbm4b:s7+s3], $0x2800, $0x38;
	[tilespmem:$0x1E900] =	vst v63  }
0x17: {  	_ =	swait.ge [sflag:s14], $0x2800  }
0x18: {  	[sflag:s14] =	ssyncset.done $0x0  }
0x19: {  	[sflag:s14] =	ssyncadd.s32 $0xFFFFD800  }
0x1a: {  	[bflag:$0x0] =	sbarrier.arrive $0xFFFF  }
0x1b: {  	[tilespmem:s16], [sflag:$0x1] =	stream.indirect.gather [hbm4b:s4+s15], $0x80, s3, s15, $0xb8;
	[tilespmem:$0x1E900] =	vst v63  }
0x1c: {  	_ = 	snop  }
0x1d: {  	[tilespmem:s17], [sflag:$0x1] =	stream.linear.gather [hbm4b:s8+s3], $0x80, $0x38;
	[tilespmem:$0x1E900] =	vst v63  }
0x1e: {  	s24 =	simm.s32 $0x80;
	s25 =	sadd.s32 $0xFFFFFB20, s12  }
0x1f: {  	[tilespmem:s18], [sflag:$0x2] =	stream.indirect.gather [hbm4b:s4+s15], $0x80, s24, s15, $0xb8;
	[tilespmem:$0x1E900] =	vst v63  }
0x20: {  	s29 =	sadd.s32 $0x4F0, s25  }
0x21: {  	[tilespmem:s19], [sflag:$0x2] =	stream.linear.gather [hbm4b:s29+s3], $0x80, $0x38;
	[tilespmem:$0x1E900] =	vst v63  }
0x22: {  	_ =	swait.ge [sflag:s20], $0x4000  }
0x23: {  	[sflag:s20] =	ssyncset.done $0x0  }
0x24: {  	[sflag:s20] =	ssyncadd.s32 $0xFFFFC000  }
0x25: {  	_ =	swait.ge [sflag:s20], $0x80  }
0x26: {  	[sflag:s20] =	ssyncset.done $0x0  }
0x27: {  	[sflag:s20] =	ssyncadd.s32 $0xFFFFFF80  }
0x28: {  	[spmem:s2] =	stream.indirect.scatter.add.f32 [tilespmem:s16], [sflag:$0x3], $0x80, s17, s15, $0xb8;
	[tilespmem:$0x1E900] =	vst v63  }
0x29: {  	_ =	swait.ge [sflag:s14], $0x4000  }
0x2a: {  	[sflag:s14] =	ssyncset.done $0x0  }
0x2b: {  	s30 =	simm.s32 $0x100;
	[sflag:s14] =	ssyncadd.s32 $0xFFFFC000  }
0x2c: {  	[tilespmem:s16], [sflag:$0x1] =	stream.indirect.gather [hbm4b:s4+s15], $0x80, s30, s15, $0xb8;
	[tilespmem:$0x1E900] =	vst v63  }
0x2d: {  	s31 =	sadd.s32 $0x500, s25  }
0x2e: {  	[tilespmem:s17], [sflag:$0x1] =	stream.linear.gather [hbm4b:s31+s3], $0x80, $0x38;
	[tilespmem:$0x1E900] =	vst v63  }
0x2f: {  	_ =	swait.ge [sflag:s21], $0x4000  }
0x30: {  	[sflag:s21] =	ssyncset.done $0x0  }
0x31: {  	[sflag:s21] =	ssyncadd.s32 $0xFFFFC000  }
0x32: {  	_ =	swait.ge [sflag:s21], $0x80  }
0x33: {  	[sflag:s21] =	ssyncset.done $0x0  }
0x34: {  	[sflag:s21] =	ssyncadd.s32 $0xFFFFFF80  }
0x35: {  	[spmem:s2] =	stream.indirect.scatter.add.f32 [tilespmem:s18], [sflag:$0x3], $0x80, s19, s15, $0xb8;
	[tilespmem:$0x1E900] =	vst v63  }
0x36: {  	s26 =	simm.s32 $0xFFFFFB60;
	_ =	swait.ge [sflag:s14], $0x4000  }
0x37: {  	s25 =	simm.s32 $0xFFFFFB40;
	s24 =	simm.s32 $0x200;
	[sflag:s14] =	ssyncset.done $0x0  }
.LBB2_2:
0x38: {  	s28 =	sadd.s32 $0xFFFFFF80, s24  }
0x39: {  	s29 =	sadd.s32 s25, s12;
	[sflag:s14] =	ssyncadd.s32 $0xFFFFC000;
	s25 =	smov.u32 s26  }
0x3a: {  	[tilespmem:s18], [sflag:$0x2] =	stream.indirect.gather [hbm4b:s4+s15], $0x80, s28, s15, $0xb8;
	[tilespmem:$0x1E900] =	vst v63  }
0x3b: {  	p0 =	sne.s32 s26, $0xFFFFFFE0;
	s26 =	sadd.s32 $0x20, s26;
	s28 =	sadd.s32 $0x4F0, s29  }
0x3c: {  	[tilespmem:s19], [sflag:$0x2] =	stream.linear.gather [hbm4b:s28+s3], $0x80, $0x38;
	[tilespmem:$0x1E900] =	vst v63  }
0x3d: {  	_ =	swait.ge [sflag:s20], $0x4000  }
0x3e: {  	[sflag:s20] =	ssyncset.done $0x0  }
0x3f: {  	[sflag:s20] =	ssyncadd.s32 $0xFFFFC000  }
0x40: {  	_ =	swait.ge [sflag:s20], $0x80  }
0x41: {  	[sflag:s20] =	ssyncset.done $0x0  }
0x42: {  	[sflag:s20] =	ssyncadd.s32 $0xFFFFFF80  }
0x43: {  	[spmem:s2] =	stream.indirect.scatter.add.f32 [tilespmem:s16], [sflag:$0x3], $0x80, s17, s15, $0xb8;
	[tilespmem:$0x1E900] =	vst v63  }
0x44: {  	_ =	swait.ge [sflag:s14], $0x4000  }
0x45: {  	[sflag:s14] =	ssyncset.done $0x0  }
0x46: {  	[sflag:s14] =	ssyncadd.s32 $0xFFFFC000  }
0x47: {  	[tilespmem:s16], [sflag:$0x1] =	stream.indirect.gather [hbm4b:s4+s15], $0x80, s24, s15, $0xb8;
	[tilespmem:$0x1E900] =	vst v63  }
0x48: {  	s28 =	sadd.s32 $0x500, s29  }
0x49: {  	[tilespmem:s17], [sflag:$0x1] =	stream.linear.gather [hbm4b:s28+s3], $0x80, $0x38;
	[tilespmem:$0x1E900] =	vst v63  }
0x4a: {  	_ =	swait.ge [sflag:s21], $0x4000  }
0x4b: {  	[sflag:s21] =	ssyncset.done $0x0  }
0x4c: {  	[sflag:s21] =	ssyncadd.s32 $0xFFFFC000  }
0x4d: {  	_ =	swait.ge [sflag:s21], $0x80  }
.Ltmp0:
0x4e: {  	[sflag:s21] =	ssyncset.done $0x0;
	(pc) =	sbr.rel @p0 .LBB2_2-.Ltmp0, $4  }
0x4f: {  	[sflag:s21] =	ssyncadd.s32 $0xFFFFFF80  }
0x50: {  	[spmem:s2] =	stream.indirect.scatter.add.f32 [tilespmem:s18], [sflag:$0x3], $0x80, s19, s15, $0xb8;
	[tilespmem:$0x1E900] =	vst v63  }
0x51: {  	_ =	swait.ge [sflag:s14], $0x4000  }
0x52: {  	s24 =	sadd.s32 $0x100, s24;
	[sflag:s14] =	ssyncset.done $0x0  }
0x53: {  	s26 =	sadd.s32 $0xFFFFFF80, s24;
	s25 =	sadd.s32 s25, s12;
	[sflag:s14] =	ssyncadd.s32 $0xFFFFC000  }
0x54: {  	[tilespmem:s18], [sflag:$0x2] =	stream.indirect.gather [hbm4b:s4+s15], $0x80, s26, s15, $0xb8;
	[tilespmem:$0x1E900] =	vst v63  }
0x55: {  	s30 =	sadd.s32 $0x4F0, s25  }
0x56: {  	[tilespmem:s19], [sflag:$0x2] =	stream.linear.gather [hbm4b:s30+s3], $0x80, $0x38;
	[tilespmem:$0x1E900] =	vst v63  }
0x57: {  	_ =	swait.ge [sflag:s20], $0x4000  }
0x58: {  	[sflag:s20] =	ssyncset.done $0x0  }
0x59: {  	[sflag:s20] =	ssyncadd.s32 $0xFFFFC000  }
0x5a: {  	_ =	swait.ge [sflag:s20], $0x80  }
0x5b: {  	[sflag:s20] =	ssyncset.done $0x0  }
0x5c: {  	[sflag:s20] =	ssyncadd.s32 $0xFFFFFF80  }
0x5d: {  	[spmem:s2] =	stream.indirect.scatter.add.f32 [tilespmem:s16], [sflag:$0x3], $0x80, s17, s15, $0xb8;
	[tilespmem:$0x1E900] =	vst v63  }
0x5e: {  	_ =	swait.ge [sflag:s14], $0x4000  }
0x5f: {  	[sflag:s14] =	ssyncset.done $0x0  }
0x60: {  	[sflag:s14] =	ssyncadd.s32 $0xFFFFC000  }
0x61: {  	[tilespmem:s16], [sflag:$0x1] =	stream.indirect.gather [hbm4b:s4+s15], $0x80, s24, s15, $0xb8;
	[tilespmem:$0x1E900] =	vst v63  }
0x62: {  	s31 =	sadd.s32 $0x500, s25  }
0x63: {  	[tilespmem:s17], [sflag:$0x1] =	stream.linear.gather [hbm4b:s31+s3], $0x80, $0x38;
	[tilespmem:$0x1E900] =	vst v63  }
0x64: {  	_ =	swait.ge [sflag:s21], $0x4000  }
0x65: {  	[sflag:s21] =	ssyncset.done $0x0  }
0x66: {  	[sflag:s21] =	ssyncadd.s32 $0xFFFFC000  }
0x67: {  	_ =	swait.ge [sflag:s21], $0x80  }
0x68: {  	[sflag:s21] =	ssyncset.done $0x0  }
0x69: {  	[sflag:s21] =	ssyncadd.s32 $0xFFFFFF80  }
0x6a: {  	[spmem:s2] =	stream.indirect.scatter.add.f32 [tilespmem:s18], [sflag:$0x3], $0x80, s19, s15, $0xb8;
	[tilespmem:$0x1E900] =	vst v63  }
0x6b: {  	_ =	swait.ge [sflag:s14], $0x4000  }
0x6c: {  	[sflag:s14] =	ssyncset.done $0x0  }
0x6d: {  	[sflag:s14] =	ssyncadd.s32 $0xFFFFC000  }
0x6e: {  	[tilespmem:s18], [sflag:$0x2] =	stream.indirect.gather [hbm4b:s4+s15], $0x80, s22, s15, $0xb8;
	[tilespmem:$0x1E900] =	vst v63  }
0x6f: {  	_ = 	snop  }
0x70: {  	[tilespmem:s19], [sflag:$0x2] =	stream.linear.gather [hbm4b:s11+s3], $0x80, $0x38;
	[tilespmem:$0x1E900] =	vst v63  }
0x71: {  	_ =	swait.ge [sflag:s20], $0x4000  }
0x72: {  	[sflag:s20] =	ssyncset.done $0x0  }
0x73: {  	[sflag:s20] =	ssyncadd.s32 $0xFFFFC000  }
0x74: {  	_ =	swait.ge [sflag:s20], $0x80  }
0x75: {  	[sflag:s20] =	ssyncset.done $0x0  }
0x76: {  	[sflag:s20] =	ssyncadd.s32 $0xFFFFFF80  }
0x77: {  	[spmem:s2] =	stream.indirect.scatter.add.f32 [tilespmem:s16], [sflag:$0x3], $0x80, s17, s15, $0xb8;
	[tilespmem:$0x1E900] =	vst v63  }
0x78: {  	_ =	swait.ge [sflag:s14], $0x4000  }
0x79: {  	[sflag:s14] =	ssyncset.done $0x0  }
0x7a: {  	[sflag:s14] =	ssyncadd.s32 $0xFFFFC000  }
0x7b: {  	_ =	swait.ge [sflag:s21], $0x4000  }
0x7c: {  	[sflag:s21] =	ssyncset.done $0x0  }
0x7d: {  	[sflag:s21] =	ssyncadd.s32 $0xFFFFC000  }
0x7e: {  	_ =	swait.ge [sflag:s21], $0x80  }
0x7f: {  	[sflag:s21] =	ssyncset.done $0x0  }
0x80: {  	[sflag:s21] =	ssyncadd.s32 $0xFFFFFF80  }
0x81: {  	[spmem:s2] =	stream.indirect.scatter.add.f32 [tilespmem:s18], [sflag:$0x3], $0x80, s19, s15, $0xb8;
	[tilespmem:$0x1E900] =	vst v63  }
0x82: {  	_ =	swait.ge [sflag:s14], $0x4000  }
0x83: {  	s23 =	sadd.s32 $0x1, s23;
	[sflag:s14] =	ssyncset.done $0x0  }
0x84: {  	p0 =	sne.s32 s23, s10;
	[sflag:s14] =	ssyncadd.s32 $0xFFFFC000  }
.Ltmp1:
0x85: {  	[bflag:$0x0] =	sbarrier.arrive $0xFFFF;
	(pc) =	sbr.rel @p0 .LBB2_1-.Ltmp1, $4  }
0x86: {  	[hbm:s9], [sflag:s6] =	dma.local [spmem:s13], $0x2800  }
0x87: {  	_ =	swait.ge [sflag:s14], $0x2800  }
0x88: {  	[sflag:s14] =	ssyncset.done $0x0  }
0x89: {  	[sflag:s14] =	ssyncadd.s32 $0xFFFFD800  }
0x8a: {  	_ =	sfence.sel $0x180000  }
0x8b: {  	[bflag:$0x0] =	sbarrier.arrive $0xFFFF  }
0x8c: {  	p0 =	sne.s32 s0, $0x0;
	_ =	strace $0x90000059  }
0x8d: {  	s0 =	sadd.s32 @!p0 $0x100000, s1;
	[bflag:$0x2] =	sbarrier.arrive $0xFFFF  }
0x8e: {  	[sflag:s0] =	ssyncadd.tile.s32 @!p0 $0x1;
	_ =	shalt  }
.Lfunc_end2:
_tile_overlayer_lowered:
.L_overlay_start_2:
0x8f: {  	(tag) =	ssettag $0x2  }
0x90: {  	s0 =	rddreg [dreg:$0x0];
	s2 =	stileid.u32  }
0x91: {  	s1 =	rddreg [dreg:$0x1];
	p0 =	sne.s32 s2, $0x0  }
0x92: {  	s3 =	rddreg [dreg:$0x2];
	[bflag:$0x3] =	sbarrier.arrive $0xFFFF;
	s2 =	simm.s32 @!p0 $0x1C03  }
0x93: {  	[timem:s3], [sflag:s2] =	dma.local @!p0 [hbm:s0], s1  }
0x94: {  	s0 =	simm.s32 @!p0 $0x3  }
0x95: {  	_ =	swait.ge @!p0 [sflag:s0], s1  }
0x96: {  	s1 =	ssub.s32 @!p0 $0x0, s1;
	[sflag:s0] =	ssyncset.done @!p0 $0x0  }
0x97: {  	[sflag:s0] =	ssyncadd.s32 @!p0 s1  }
0x98: {  	[bflag:$0x3] =	sbarrier.arrive $0xFFFF  }
0x99: {  	_ =	shalt  }

// kernel: kernel.41.cloned.1.call-start
scs
__scs_entry_jumppad:
0x0: {  	(pc) =	sbr.rel $0x88, $3  }
0x1: {  	(tag) =	ssettag $0x0;
	lr =	simm.s32 $0x1  }
0x2: {  	[smem:$0x3F9A] =	sst lr;
	_ =	strace $0xD0000000  }
0x3: {  	_ = 	snop  }
0x4: {  	_ = 	snop  }
0x5: {  	_ = 	snop  }
0x6: {  	_ = 	snop  }
0x7: {  	_ = 	snop  }
__scs_overlays_trampoline_lowered:
0x8: {  	[smem:$0x3FA9] =	sst s0  }
0x9: {  	[smem:$0x3FAA] =	sst s1  }
0xa: {  	[smem:$0x3FAB] =	sst s2  }
0xb: {  	[smem:$0x3FAC] =	sst s3  }
0xc: {  	[smem:$0x3FAD] =	sst s4  }
0xd: {  	[smem:$0x3FAE] =	sst s5  }
0xe: {  	[smem:$0x3FAF] =	sst s6  }
0xf: {  	[smem:$0x3FB0] =	sst s7  }
0x10: {  	[smem:$0x3FB1] =	sst s8  }
0x11: {  	[smem:$0x3FB2] =	sst s9;
	s0 =	simm.s32 @!p0 $0x0  }
0x12: {  	s1 =	sld [smem:$0x3F98];
	s0 =	simm.s32 @p0 $0x1  }
0x13: {  	[smem:$0x3FB3] =	sst s0;
	s0 =	simm.s32 @!p1 $0x0  }
0x14: {  	s2 =	sld [smem:$0x3F97];
	s0 =	simm.s32 @p1 $0x1  }
0x15: {  	[smem:$0x3FB4] =	sst s0;
	s0 =	simm.s32 @!p2 $0x0  }
0x16: {  	s3 =	sld [smem:$0x3FDB];
	s0 =	simm.s32 @p2 $0x1  }
0x17: {  	s4 =	simm.s32 $0x1BF5;
	[smem:$0x3FB6] =	sst s0  }
0x18: {  	s0 =	sld [smem:$0x3F99];
	_ =	swait.ge [sflag:s4], $0x0  }
0x19: {  	s7 =	sld [smem:$0x3F9A]  }
0x1a: {  	s8 =	sadd.s32 $0xFFFFE003, lr  }
0x1b: {  	s9 =	sadd.s32 $0xFFFFFEF7, lr;
	s5 =	simm.s32 $0xFFFFFFFF;
	p2 =	slt.u32 s8, $0xFFFFF086  }
0x1c: {  	p1 =	slt.u32 s9, $0xF7A;
	s5 =	simm.s32 @!p2 $0x0  }
0x1d: {  	s5 =	simm.s32 @p1 $0x1;
	p0 =	seq.s32 s7, s2  }
0x1e: {  	s7 =	smul.u32 @!p0 $0xF7A, s2;
	p2 =	seq.s32 @!p0 s5, $0x0  }
0x1f: {  	s9 =	smul.u32 $0xF7A, s1;
	s8 =	simm.s32 @!p0 $0x1BF5;
	p2 =	por !p2, p0  }
0x20: {  	[sflag:s8] =	ssyncset.s32 @!p0 $0xFFFFF086;
	s6 =	sadd.s32 @!p0 s3, s7;
	s7 =	simm.s32 @!p0 $0x108  }
0x21: {  	s3 =	sadd.s32 s3, s9;
	s6 =	sadd.s32 @!p0 $0x88, s6;
	s7 =	simm.s32 @p2 $0x1082  }
0x22: {  	[simem:s7], [sflag:s8] =	dma.local @!p0 [hbm:s6], $0xF7A  }
0x23: {  	s9 =	sor.u32 $0xD0000000, s2;
	s6 =	simm.s32 $0x108;
	_ =	swait.ge @!p0 [sflag:s8], $0x0  }
0x24: {  	s3 =	sadd.s32 $0x88, s3;
	s6 =	simm.s32 @!p1 $0x1082;
	[sflag:s4] =	ssyncset.s32 $0xFFFFF086  }
0x25: {  	[simem:s6], [sflag:s4] =	dma.local [hbm:s3], $0xF7A  }
0x26: {  	[smem:$0x3F9A] =	sst s1;
	(tag) =	ssettag s2;
	_ =	strace s9  }
0x27: {  	s1 =	sld [smem:$0x3FAA]  }
0x28: {  	s2 =	sld [smem:$0x3FAB]  }
0x29: {  	s4 =	sld [smem:$0x3FAD]  }
0x2a: {  	p0 =	seq.s32 s5, $0x0;
	s5 =	sld [smem:$0x3FAE]  }
0x2b: {  	s6 =	sld [smem:$0x3FAF]  }
0x2c: {  	s7 =	sld [smem:$0x3FB0]  }
0x2d: {  	s3 =	simm.s32 $0x108;
	s8 =	sld [smem:$0x3FB1]  }
0x2e: {  	s3 =	simm.s32 @!p0 $0x1082;
	s9 =	sld [smem:$0x3FB2]  }
0x2f: {  	lr =	sadd.s32 s0, s3;
	s0 =	sld [smem:$0x3FA9]  }
0x30: {  	s3 =	sld [smem:$0x3FAC]  }
0x31: {  	[smem:$0x3FB5] =	sst s10  }
0x32: {  	s10 =	sld [smem:$0x3FB3];
	_ =	sdelay $0x3  }
0x33: {  	p0 =	seq.s32 s10, $0x1;
	s10 =	sld [smem:$0x3FB5];
	_ =	sdelay $0x3  }
0x34: {  	[smem:$0x3FB5] =	sst s10  }
0x35: {  	s10 =	sld [smem:$0x3FB4];
	_ =	sdelay $0x3  }
0x36: {  	p1 =	seq.s32 s10, $0x1;
	s10 =	sld [smem:$0x3FB5];
	_ =	sdelay $0x3  }
0x37: {  	[smem:$0x3FB5] =	sst s10  }
0x38: {  	s10 =	sld [smem:$0x3FB6]  }
0x39: {  	_ = 	snop;
	(pc) =	sbr.ind lr, $3  }
0x3a: {  	_ = 	snop  }
0x3b: {  	_ = 	snop  }
0x3c: {  	p2 =	seq.s32 s10, $0x1;
	s10 =	sld [smem:$0x3FB5]  }
0x3d: {  	_ =	shalt  }
0x3e: {  	_ =	shalt  }
0x3f: {  	_ =	shalt  }
0x40: {  	_ =	shalt  }
0x41: {  	_ =	shalt  }
0x42: {  	_ =	shalt  }
0x43: {  	_ =	shalt  }
0x44: {  	_ =	shalt  }
0x45: {  	_ =	shalt  }
0x46: {  	_ =	shalt  }
0x47: {  	_ =	shalt  }
0x48: {  	_ =	shalt  }
0x49: {  	_ =	shalt  }
0x4a: {  	_ =	shalt  }
0x4b: {  	_ =	shalt  }
0x4c: {  	_ =	shalt  }
0x4d: {  	_ =	shalt  }
0x4e: {  	_ =	shalt  }
0x4f: {  	_ =	shalt  }
0x50: {  	_ =	shalt  }
0x51: {  	_ =	shalt  }
0x52: {  	_ =	shalt  }
0x53: {  	_ =	shalt  }
0x54: {  	_ =	shalt  }
0x55: {  	_ =	shalt  }
0x56: {  	_ =	shalt  }
0x57: {  	_ =	shalt  }
0x58: {  	_ =	shalt  }
0x59: {  	_ =	shalt  }
0x5a: {  	_ =	shalt  }
0x5b: {  	_ =	shalt  }
0x5c: {  	_ =	shalt  }
0x5d: {  	_ =	shalt  }
0x5e: {  	_ =	shalt  }
0x5f: {  	_ =	shalt  }
0x60: {  	_ =	shalt  }
0x61: {  	_ =	shalt  }
0x62: {  	_ =	shalt  }
0x63: {  	_ =	shalt  }
0x64: {  	_ =	shalt  }
0x65: {  	_ =	shalt  }
0x66: {  	_ =	shalt  }
0x67: {  	_ =	shalt  }
0x68: {  	_ =	shalt  }
0x69: {  	_ =	shalt  }
0x6a: {  	_ =	shalt  }
0x6b: {  	_ =	shalt  }
0x6c: {  	_ =	shalt  }
0x6d: {  	_ =	shalt  }
0x6e: {  	_ =	shalt  }
0x6f: {  	_ =	shalt  }
0x70: {  	_ =	shalt  }
0x71: {  	_ =	shalt  }
0x72: {  	_ =	shalt  }
0x73: {  	_ =	shalt  }
0x74: {  	_ =	shalt  }
0x75: {  	_ =	shalt  }
0x76: {  	_ =	shalt  }
0x77: {  	_ =	shalt  }
0x78: {  	_ =	shalt  }
0x79: {  	_ =	shalt  }
0x7a: {  	_ =	shalt  }
0x7b: {  	_ =	shalt  }
0x7c: {  	_ =	shalt  }
0x7d: {  	_ =	shalt  }
0x7e: {  	_ =	shalt  }
0x7f: {  	_ =	shalt  }
0x80: {  	_ =	shalt  }
0x81: {  	_ =	shalt  }
0x82: {  	_ =	shalt  }
0x83: {  	_ =	shalt  }
0x84: {  	_ =	shalt  }
0x85: {  	_ =	shalt  }
0x86: {  	_ =	shalt  }
0x87: {  	_ =	shalt  }
.Lfunc_end0:
.L_simem_size_0:
called_computation.7_lowered:
.L_overlay_start_0:
0x88: {  	s2 =	sld [smem:$0x3FD9]  }
0x89: {  	s3 =	sld [smem:$0x3FFE];
	_ =	sdelay $0x1  }
0x8a: {  	s1 =	srdreg.scid  }
0x8b: {  	s0 =	sand.u32 $0x1, s1  }
0x8c: {  	s16 =	sshll.u32 s0, $0xA;
	s2 =	sadd.s32 s3, s2  }
0x8d: {  	s2 =	sadd.s32 s2, s16  }
0x8e: {  	[smem:$0x3FC1] =	sst s2  }
0x8f: {  	_ = 	snop  }
0x90: {  	(tm) =	ssettm $0x1  }
0x91: {  	s17 =	sld [smem:$0x3FFB];
	_ =	sdelay $0x3  }
0x92: {  	_ =	strace s17  }
0x93: {  	s2 =	sld [smem:$0x3FFC];
	_ =	sdelay $0x3  }
0x94: {  	_ =	strace s2  }
0x95: {  	s2 =	sld [smem:$0x3FFD];
	_ =	sdelay $0x3  }
0x96: {  	_ =	strace s2  }
0x97: {  	_ =	strace $0x8FFFFFFF  }
0x98: {  	s18 =	sld [smem:$0x3FDB];
	_ =	sdelay $0x1  }
0x99: {  	s19 =	simm.s32 $_scs_section_size  }
0x9a: {  	s4 =	simm.s32 $_size__tile_overlayer_lowered;
	s5 =	simm.s32 $_tile_overlayer_lowered  }
0x9b: {  	s22 =	simm.s32 $0x1BFF;
	s21 =	sshll.u32 s5, $0x1;
	s2 =	sadd.s32 s19, s18  }
0x9c: {  	s6 =	simm.s32 $0x0;
	s20 =	sshll.u32 s4, $0x1;
	s4 =	sadd.s32 s21, s2  }
0x9d: {  	[timem:s6], [sflag:s22] =	dma.local [hbm:s4], s20  }
0x9e: {  	_ =	swait.ge [sflag:s22], s20  }
0x9f: {  	s3 =	ssub.s32 $0x0, s20;
	[sflag:s22] =	ssyncset.done $0x0  }
0xa0: {  	[sflag:s22] =	ssyncadd.s32 s3;
	_ =	sdelay $0x1  }
0xa1: {  	s23 =	simm.s32 $0x1B8B  }
0xa2: {  	_ =	swait.ge [sflag:s23], $0x1  }
0xa3: {  	[sflag:s23] =	ssyncset.done $0x0  }
0xa4: {  	s25 =	simm.s32 $0x1B8E;
	s24 =	sld [smem:$0x3FFE];
	[sflag:s23] =	ssyncadd.s32 $0xFFFFFFFF  }
0xa5: {  	s26 =	simm.s32 $execute0_lowered;
	[smem:$0x3FD2] =	sst s25  }
0xa6: {  	s4 =	sshll.u32 s26, $0x1;
	_ =	strace $0x8000005B;
	[dreg:$0x1] =	wrdreg $0xFFFFFFFF  }
0xa7: {  	s28 =	simm.s32 $_size_execute0_lowered;
	s2 =	sadd.s32 s2, s4;
	[dreg:$0x0] =	wrdreg $0x0  }
0xa8: {  	s4 =	sshll.u32 s28, $0x1;
	[dreg:$0x2] =	wrdreg s2  }
0xa9: {  	[dreg:$0x3] =	wrdreg s4  }
0xaa: {  	[dreg:$0x4] =	wrdreg $0xC0  }
0xab: {  	_ =	task [dreg:s6], $0x5FFFF  }
0xac: {  	[dreg:$0x1] =	wrdreg $0xFFFFFFFF  }
0xad: {  	[dreg:$0x0] =	wrdreg $0x60  }
0xae: {  	[dreg:$0x2] =	wrdreg s24  }
0xaf: {  	[dreg:$0x3] =	wrdreg $0xA9000  }
0xb0: {  	[dreg:$0x4] =	wrdreg $0x9  }
0xb1: {  	_ =	task.clear_ibuf [dreg:s6], $0x5FFFF;
	_ =	strace $0x9000005B  }
0xb2: {  	s29 =	simm.s32 $0x9;
	_ =	strace $0x8000005D  }
0xb3: {  	_ =	swait.ge [sflag:s29], $0x1  }
0xb4: {  	[sflag:s29] =	ssyncadd.s32 $0xFFFFFFFF  }
0xb5: {  	_ =	strace $0x9000005D  }
0xb6: {  	_ =	sfence  }
0xb7: {  	s30 =	sld [smem:$0x0];
	_ =	sdelay $0x2  }
0xb8: {  	s31 =	sshll.u32 s1, $0xD;
	s1 =	sshrl.u32 s1, $0x2  }
0xb9: {  	s3 =	sand.u32 $0x4000, s31;
	s1 =	sadd.s32 s1, s30  }
0xba: {  	s0 =	sor.u32 s3, s0;
	s1 =	sshll.u32 s1, $0x11  }
0xbb: {  	s0 =	sor.u32 s1, s0  }
0xbc: {  	s0 =	sadd.s32 $0x8F2B, s0  }
0xbd: {  	[sflag:s0] =	ssyncadd.remote.s32 $0x1  }
0xbe: {  	_ =	sfence.sel $0xFFFF  }
0xbf: {  	[dreg:$0x0] =	wrdreg $0xFFFFFFFF;
	(pc) =	sbr.abs _section_cstart, $3  }
0xc0: {  	[dreg:$0x1] =	wrdreg $0xFFFFFFFF  }
0xc1: {  	_ =	task.clear_ibuf [dreg:s6], $0x2FFFF;
	_ =	strace $0x9FFFFFFF  }
0xc2: {  	(tm) =	ssettm $0x7FFFFFFF  }
0xc3: {  	_ =	shalt  }
tec
execute0_lowered:
.L_overlay_start_1:
0x0: {  	(tag) =	ssettag $0x1  }
0x1: {  	s1 =	srdreg.scid;
	s6 =	rddreg [dreg:$0x0]  }
0x2: {  	s0 =	stileid.u32;
	s2 =	rddreg [dreg:$0x1]  }
0x3: {  	s3 =	simm.s32 $0x0;
	s16 =	simm.s32 $0x2900;
	s17 =	simm.s32 $0x2800  }
0x4: {  	s18 =	simm.s32 $0x6900;
	s19 =	simm.s32 $0x2880;
	s7 =	smul.u32 $0x2800, s0  }
0x5: {  	s20 =	simm.s32 $0x1;
	s21 =	simm.s32 $0x2;
	s10 =	smul.u32 $0x14000, s0  }
0x6: {  	s22 =	simm.s32 $0x2780;
	s23 =	simm.s32 $0x0;
	s11 =	smul.u32 $0x50000, s0  }
0x7: {  	s5 =	sand.u32 $0x1, s1;
	s1 =	rddreg [dreg:$0x2];
	s15 =	smul.u32 $0x500, s0  }
0x8: {  	[smem:$0x7FF] =	sst s3;
	s12 =	sadd.s32 $0x5200, s6;
	s4 =	smul.u32 $0x28000, s5  }
0x9: {  	s30 =	sshll.u32 s0, $0x6;
	s8 =	smul.u32 $0x140000, s5;
	s26 =	ssub.s32 $0x2, s5  }
0xa: {  	_ =	strace $0x8000005C;
	s5 =	sadd.s32 $0xA200, s6;
	s28 =	sshrl.u32 s26, $0x1  }
0xb: {  	s29 =	sshrl.u32 s11, $0x2;
	s31 =	sshrl.u32 s7, $0x3;
	s9 =	sadd.s32 s7, s4  }
0xc: {  	s4 =	sadd.s32 $0xCA00, s6;
	s8 =	sadd.s32 s10, s8;
	s10 =	ssub.s32 s26, s28  }
0xd: {  	s14 =	sadd.s32 s29, s2;
	s9 =	sshrl.u32 s9, $0x3;
	s8 =	sshrl.u32 s8, $0x3  }
0xe: {  	s10 =	smax.u32 s10, $0x1;
	s9 =	sadd.s32 s9, s6;
	s13 =	sadd.s32 s8, s6  }
0xf: {  	s6 =	sor.u32 $0x1C03, s30;
	s8 =	sadd.s32 s12, s31;
	s12 =	sadd.s32 s15, s12  }
0x10: {  	s15 =	simm.s32 $0x80;
	s7 =	sadd.s32 $0x5CA00, s9;
	s9 =	sadd.s32 $0x108C00, s13  }
0x11: {  	s11 =	sadd.s32 $0x4F0, s8;
	s13 =	sshrl.u32 s14, $0x3;
	s14 =	simm.s32 $0x3  }
.LBB2_1:
0x12: {  	[spmem:s13], [sflag:s6] =	dma.local [hbm:s5], $0x2800  }
0x13: {  	_ =	swait.ge [sflag:s14], $0x2800  }
0x14: {  	[sflag:s14] =	ssyncset.done $0x0  }
0x15: {  	[sflag:s14] =	ssyncadd.s32 $0xFFFFD800  }
0x16: {  	[tilespmem:s3], [sflag:$0x3] =	stream.linear.gather [hbm4b:s7+s3], $0x2800, $0x38;
	[tilespmem:$0x1E900] =	vst v63  }
0x17: {  	_ =	swait.ge [sflag:s14], $0x2800  }
0x18: {  	[sflag:s14] =	ssyncset.done $0x0  }
0x19: {  	[sflag:s14] =	ssyncadd.s32 $0xFFFFD800  }
0x1a: {  	[bflag:$0x0] =	sbarrier.arrive $0xFFFF  }
0x1b: {  	[tilespmem:s16], [sflag:$0x1] =	stream.indirect.gather [hbm4b:s4+s15], $0x80, s3, s15, $0xb8;
	[tilespmem:$0x1E900] =	vst v63  }
0x1c: {  	_ = 	snop  }
0x1d: {  	[tilespmem:s17], [sflag:$0x1] =	stream.linear.gather [hbm4b:s8+s3], $0x80, $0x38;
	[tilespmem:$0x1E900] =	vst v63  }
0x1e: {  	s24 =	simm.s32 $0x80;
	s25 =	sadd.s32 $0xFFFFFB20, s12  }
0x1f: {  	[tilespmem:s18], [sflag:$0x2] =	stream.indirect.gather [hbm4b:s4+s15], $0x80, s24, s15, $0xb8;
	[tilespmem:$0x1E900] =	vst v63  }
0x20: {  	s29 =	sadd.s32 $0x4F0, s25  }
0x21: {  	[tilespmem:s19], [sflag:$0x2] =	stream.linear.gather [hbm4b:s29+s3], $0x80, $0x38;
	[tilespmem:$0x1E900] =	vst v63  }
0x22: {  	_ =	swait.ge [sflag:s20], $0x4000  }
0x23: {  	[sflag:s20] =	ssyncset.done $0x0  }
0x24: {  	[sflag:s20] =	ssyncadd.s32 $0xFFFFC000  }
0x25: {  	_ =	swait.ge [sflag:s20], $0x80  }
0x26: {  	[sflag:s20] =	ssyncset.done $0x0  }
0x27: {  	[sflag:s20] =	ssyncadd.s32 $0xFFFFFF80  }
0x28: {  	[spmem:s2] =	stream.indirect.scatter.add.f32 [tilespmem:s16], [sflag:$0x3], $0x80, s17, s15, $0xb8;
	[tilespmem:$0x1E900] =	vst v63  }
0x29: {  	_ =	swait.ge [sflag:s14], $0x4000  }
0x2a: {  	[sflag:s14] =	ssyncset.done $0x0  }
0x2b: {  	s30 =	simm.s32 $0x100;
	[sflag:s14] =	ssyncadd.s32 $0xFFFFC000  }
0x2c: {  	[tilespmem:s16], [sflag:$0x1] =	stream.indirect.gather [hbm4b:s4+s15], $0x80, s30, s15, $0xb8;
	[tilespmem:$0x1E900] =	vst v63  }
0x2d: {  	s31 =	sadd.s32 $0x500, s25  }
0x2e: {  	[tilespmem:s17], [sflag:$0x1] =	stream.linear.gather [hbm4b:s31+s3], $0x80, $0x38;
	[tilespmem:$0x1E900] =	vst v63  }
0x2f: {  	_ =	swait.ge [sflag:s21], $0x4000  }
0x30: {  	[sflag:s21] =	ssyncset.done $0x0  }
0x31: {  	[sflag:s21] =	ssyncadd.s32 $0xFFFFC000  }
0x32: {  	_ =	swait.ge [sflag:s21], $0x80  }
0x33: {  	[sflag:s21] =	ssyncset.done $0x0  }
0x34: {  	[sflag:s21] =	ssyncadd.s32 $0xFFFFFF80  }
0x35: {  	[spmem:s2] =	stream.indirect.scatter.add.f32 [tilespmem:s18], [sflag:$0x3], $0x80, s19, s15, $0xb8;
	[tilespmem:$0x1E900] =	vst v63  }
0x36: {  	s26 =	simm.s32 $0xFFFFFB60;
	_ =	swait.ge [sflag:s14], $0x4000  }
0x37: {  	s25 =	simm.s32 $0xFFFFFB40;
	s24 =	simm.s32 $0x200;
	[sflag:s14] =	ssyncset.done $0x0  }
.LBB2_2:
0x38: {  	s28 =	sadd.s32 $0xFFFFFF80, s24  }
0x39: {  	s29 =	sadd.s32 s25, s12;
	[sflag:s14] =	ssyncadd.s32 $0xFFFFC000;
	s25 =	smov.u32 s26  }
0x3a: {  	[tilespmem:s18], [sflag:$0x2] =	stream.indirect.gather [hbm4b:s4+s15], $0x80, s28, s15, $0xb8;
	[tilespmem:$0x1E900] =	vst v63  }
0x3b: {  	p0 =	sne.s32 s26, $0xFFFFFFE0;
	s26 =	sadd.s32 $0x20, s26;
	s28 =	sadd.s32 $0x4F0, s29  }
0x3c: {  	[tilespmem:s19], [sflag:$0x2] =	stream.linear.gather [hbm4b:s28+s3], $0x80, $0x38;
	[tilespmem:$0x1E900] =	vst v63  }
0x3d: {  	_ =	swait.ge [sflag:s20], $0x4000  }
0x3e: {  	[sflag:s20] =	ssyncset.done $0x0  }
0x3f: {  	[sflag:s20] =	ssyncadd.s32 $0xFFFFC000  }
0x40: {  	_ =	swait.ge [sflag:s20], $0x80  }
0x41: {  	[sflag:s20] =	ssyncset.done $0x0  }
0x42: {  	[sflag:s20] =	ssyncadd.s32 $0xFFFFFF80  }
0x43: {  	[spmem:s2] =	stream.indirect.scatter.add.f32 [tilespmem:s16], [sflag:$0x3], $0x80, s17, s15, $0xb8;
	[tilespmem:$0x1E900] =	vst v63  }
0x44: {  	_ =	swait.ge [sflag:s14], $0x4000  }
0x45: {  	[sflag:s14] =	ssyncset.done $0x0  }
0x46: {  	[sflag:s14] =	ssyncadd.s32 $0xFFFFC000  }
0x47: {  	[tilespmem:s16], [sflag:$0x1] =	stream.indirect.gather [hbm4b:s4+s15], $0x80, s24, s15, $0xb8;
	[tilespmem:$0x1E900] =	vst v63  }
0x48: {  	s28 =	sadd.s32 $0x500, s29  }
0x49: {  	[tilespmem:s17], [sflag:$0x1] =	stream.linear.gather [hbm4b:s28+s3], $0x80, $0x38;
	[tilespmem:$0x1E900] =	vst v63  }
0x4a: {  	_ =	swait.ge [sflag:s21], $0x4000  }
0x4b: {  	[sflag:s21] =	ssyncset.done $0x0  }
0x4c: {  	[sflag:s21] =	ssyncadd.s32 $0xFFFFC000  }
0x4d: {  	_ =	swait.ge [sflag:s21], $0x80  }
.Ltmp0:
0x4e: {  	[sflag:s21] =	ssyncset.done $0x0;
	(pc) =	sbr.rel @p0 .LBB2_2-.Ltmp0, $4  }
0x4f: {  	[sflag:s21] =	ssyncadd.s32 $0xFFFFFF80  }
0x50: {  	[spmem:s2] =	stream.indirect.scatter.add.f32 [tilespmem:s18], [sflag:$0x3], $0x80, s19, s15, $0xb8;
	[tilespmem:$0x1E900] =	vst v63  }
0x51: {  	_ =	swait.ge [sflag:s14], $0x4000  }
0x52: {  	s24 =	sadd.s32 $0x100, s24;
	[sflag:s14] =	ssyncset.done $0x0  }
0x53: {  	s26 =	sadd.s32 $0xFFFFFF80, s24;
	s25 =	sadd.s32 s25, s12;
	[sflag:s14] =	ssyncadd.s32 $0xFFFFC000  }
0x54: {  	[tilespmem:s18], [sflag:$0x2] =	stream.indirect.gather [hbm4b:s4+s15], $0x80, s26, s15, $0xb8;
	[tilespmem:$0x1E900] =	vst v63  }
0x55: {  	s30 =	sadd.s32 $0x4F0, s25  }
0x56: {  	[tilespmem:s19], [sflag:$0x2] =	stream.linear.gather [hbm4b:s30+s3], $0x80, $0x38;
	[tilespmem:$0x1E900] =	vst v63  }
0x57: {  	_ =	swait.ge [sflag:s20], $0x4000  }
0x58: {  	[sflag:s20] =	ssyncset.done $0x0  }
0x59: {  	[sflag:s20] =	ssyncadd.s32 $0xFFFFC000  }
0x5a: {  	_ =	swait.ge [sflag:s20], $0x80  }
0x5b: {  	[sflag:s20] =	ssyncset.done $0x0  }
0x5c: {  	[sflag:s20] =	ssyncadd.s32 $0xFFFFFF80  }
0x5d: {  	[spmem:s2] =	stream.indirect.scatter.add.f32 [tilespmem:s16], [sflag:$0x3], $0x80, s17, s15, $0xb8;
	[tilespmem:$0x1E900] =	vst v63  }
0x5e: {  	_ =	swait.ge [sflag:s14], $0x4000  }
0x5f: {  	[sflag:s14] =	ssyncset.done $0x0  }
0x60: {  	[sflag:s14] =	ssyncadd.s32 $0xFFFFC000  }
0x61: {  	[tilespmem:s16], [sflag:$0x1] =	stream.indirect.gather [hbm4b:s4+s15], $0x80, s24, s15, $0xb8;
	[tilespmem:$0x1E900] =	vst v63  }
0x62: {  	s31 =	sadd.s32 $0x500, s25  }
0x63: {  	[tilespmem:s17], [sflag:$0x1] =	stream.linear.gather [hbm4b:s31+s3], $0x80, $0x38;
	[tilespmem:$0x1E900] =	vst v63  }
0x64: {  	_ =	swait.ge [sflag:s21], $0x4000  }
0x65: {  	[sflag:s21] =	ssyncset.done $0x0  }
0x66: {  	[sflag:s21] =	ssyncadd.s32 $0xFFFFC000  }
0x67: {  	_ =	swait.ge [sflag:s21], $0x80  }
0x68: {  	[sflag:s21] =	ssyncset.done $0x0  }
0x69: {  	[sflag:s21] =	ssyncadd.s32 $0xFFFFFF80  }
0x6a: {  	[spmem:s2] =	stream.indirect.scatter.add.f32 [tilespmem:s18], [sflag:$0x3], $0x80, s19, s15, $0xb8;
	[tilespmem:$0x1E900] =	vst v63  }
0x6b: {  	_ =	swait.ge [sflag:s14], $0x4000  }
0x6c: {  	[sflag:s14] =	ssyncset.done $0x0  }
0x6d: {  	[sflag:s14] =	ssyncadd.s32 $0xFFFFC000  }
0x6e: {  	[tilespmem:s18], [sflag:$0x2] =	stream.indirect.gather [hbm4b:s4+s15], $0x80, s22, s15, $0xb8;
	[tilespmem:$0x1E900] =	vst v63  }
0x6f: {  	_ = 	snop  }
0x70: {  	[tilespmem:s19], [sflag:$0x2] =	stream.linear.gather [hbm4b:s11+s3], $0x80, $0x38;
	[tilespmem:$0x1E900] =	vst v63  }
0x71: {  	_ =	swait.ge [sflag:s20], $0x4000  }
0x72: {  	[sflag:s20] =	ssyncset.done $0x0  }
0x73: {  	[sflag:s20] =	ssyncadd.s32 $0xFFFFC000  }
0x74: {  	_ =	swait.ge [sflag:s20], $0x80  }
0x75: {  	[sflag:s20] =	ssyncset.done $0x0  }
0x76: {  	[sflag:s20] =	ssyncadd.s32 $0xFFFFFF80  }
0x77: {  	[spmem:s2] =	stream.indirect.scatter.add.f32 [tilespmem:s16], [sflag:$0x3], $0x80, s17, s15, $0xb8;
	[tilespmem:$0x1E900] =	vst v63  }
0x78: {  	_ =	swait.ge [sflag:s14], $0x4000  }
0x79: {  	[sflag:s14] =	ssyncset.done $0x0  }
0x7a: {  	[sflag:s14] =	ssyncadd.s32 $0xFFFFC000  }
0x7b: {  	_ =	swait.ge [sflag:s21], $0x4000  }
0x7c: {  	[sflag:s21] =	ssyncset.done $0x0  }
0x7d: {  	[sflag:s21] =	ssyncadd.s32 $0xFFFFC000  }
0x7e: {  	_ =	swait.ge [sflag:s21], $0x80  }
0x7f: {  	[sflag:s21] =	ssyncset.done $0x0  }
0x80: {  	[sflag:s21] =	ssyncadd.s32 $0xFFFFFF80  }
0x81: {  	[spmem:s2] =	stream.indirect.scatter.add.f32 [tilespmem:s18], [sflag:$0x3], $0x80, s19, s15, $0xb8;
	[tilespmem:$0x1E900] =	vst v63  }
0x82: {  	_ =	swait.ge [sflag:s14], $0x4000  }
0x83: {  	s23 =	sadd.s32 $0x1, s23;
	[sflag:s14] =	ssyncset.done $0x0  }
0x84: {  	p0 =	sne.s32 s23, s10;
	[sflag:s14] =	ssyncadd.s32 $0xFFFFC000  }
.Ltmp1:
0x85: {  	[bflag:$0x0] =	sbarrier.arrive $0xFFFF;
	(pc) =	sbr.rel @p0 .LBB2_1-.Ltmp1, $4  }
0x86: {  	[hbm:s9], [sflag:s6] =	dma.local [spmem:s13], $0x2800  }
0x87: {  	_ =	swait.ge [sflag:s14], $0x2800  }
0x88: {  	[sflag:s14] =	ssyncset.done $0x0  }
0x89: {  	[sflag:s14] =	ssyncadd.s32 $0xFFFFD800  }
0x8a: {  	_ =	sfence.sel $0x180000  }
0x8b: {  	[bflag:$0x0] =	sbarrier.arrive $0xFFFF  }
0x8c: {  	p0 =	sne.s32 s0, $0x0;
	_ =	strace $0x9000005C  }
0x8d: {  	s0 =	sadd.s32 @!p0 $0x100000, s1;
	[bflag:$0x2] =	sbarrier.arrive $0xFFFF  }
0x8e: {  	[sflag:s0] =	ssyncadd.tile.s32 @!p0 $0x1;
	_ =	shalt  }
.Lfunc_end2:
_tile_overlayer_lowered:
.L_overlay_start_2:
0x8f: {  	(tag) =	ssettag $0x2  }
0x90: {  	s0 =	rddreg [dreg:$0x0];
	s2 =	stileid.u32  }
0x91: {  	s1 =	rddreg [dreg:$0x1];
	p0 =	sne.s32 s2, $0x0  }
0x92: {  	s3 =	rddreg [dreg:$0x2];
	[bflag:$0x3] =	sbarrier.arrive $0xFFFF;
	s2 =	simm.s32 @!p0 $0x1C03  }
0x93: {  	[timem:s3], [sflag:s2] =	dma.local @!p0 [hbm:s0], s1  }
0x94: {  	s0 =	simm.s32 @!p0 $0x3  }
0x95: {  	_ =	swait.ge @!p0 [sflag:s0], s1  }
0x96: {  	s1 =	ssub.s32 @!p0 $0x0, s1;
	[sflag:s0] =	ssyncset.done @!p0 $0x0  }
0x97: {  	[sflag:s0] =	ssyncadd.s32 @!p0 s1  }
0x98: {  	[bflag:$0x3] =	sbarrier.arrive $0xFFFF  }
0x99: {  	_ =	shalt  }

// kernel: kernel.44.cloned.1.call-start
scs
__scs_entry_jumppad:
0x0: {  	(pc) =	sbr.rel $0x88, $3  }
0x1: {  	(tag) =	ssettag $0x0;
	lr =	simm.s32 $0x1  }
0x2: {  	[smem:$0x3F9A] =	sst lr;
	_ =	strace $0xD0000000  }
0x3: {  	_ = 	snop  }
0x4: {  	_ = 	snop  }
0x5: {  	_ = 	snop  }
0x6: {  	_ = 	snop  }
0x7: {  	_ = 	snop  }
__scs_overlays_trampoline_lowered:
0x8: {  	[smem:$0x3FA9] =	sst s0  }
0x9: {  	[smem:$0x3FAA] =	sst s1  }
0xa: {  	[smem:$0x3FAB] =	sst s2  }
0xb: {  	[smem:$0x3FAC] =	sst s3  }
0xc: {  	[smem:$0x3FAD] =	sst s4  }
0xd: {  	[smem:$0x3FAE] =	sst s5  }
0xe: {  	[smem:$0x3FAF] =	sst s6  }
0xf: {  	[smem:$0x3FB0] =	sst s7  }
0x10: {  	[smem:$0x3FB1] =	sst s8  }
0x11: {  	[smem:$0x3FB2] =	sst s9;
	s0 =	simm.s32 @!p0 $0x0  }
0x12: {  	s1 =	sld [smem:$0x3F98];
	s0 =	simm.s32 @p0 $0x1  }
0x13: {  	[smem:$0x3FB3] =	sst s0;
	s0 =	simm.s32 @!p1 $0x0  }
0x14: {  	s2 =	sld [smem:$0x3F97];
	s0 =	simm.s32 @p1 $0x1  }
0x15: {  	[smem:$0x3FB4] =	sst s0;
	s0 =	simm.s32 @!p2 $0x0  }
0x16: {  	s3 =	sld [smem:$0x3FDB];
	s0 =	simm.s32 @p2 $0x1  }
0x17: {  	s4 =	simm.s32 $0x1BF5;
	[smem:$0x3FB6] =	sst s0  }
0x18: {  	s0 =	sld [smem:$0x3F99];
	_ =	swait.ge [sflag:s4], $0x0  }
0x19: {  	s7 =	sld [smem:$0x3F9A]  }
0x1a: {  	s8 =	sadd.s32 $0xFFFFE003, lr  }
0x1b: {  	s9 =	sadd.s32 $0xFFFFFEF7, lr;
	s5 =	simm.s32 $0xFFFFFFFF;
	p2 =	slt.u32 s8, $0xFFFFF086  }
0x1c: {  	p1 =	slt.u32 s9, $0xF7A;
	s5 =	simm.s32 @!p2 $0x0  }
0x1d: {  	s5 =	simm.s32 @p1 $0x1;
	p0 =	seq.s32 s7, s2  }
0x1e: {  	s7 =	smul.u32 @!p0 $0xF7A, s2;
	p2 =	seq.s32 @!p0 s5, $0x0  }
0x1f: {  	s9 =	smul.u32 $0xF7A, s1;
	s8 =	simm.s32 @!p0 $0x1BF5;
	p2 =	por !p2, p0  }
0x20: {  	[sflag:s8] =	ssyncset.s32 @!p0 $0xFFFFF086;
	s6 =	sadd.s32 @!p0 s3, s7;
	s7 =	simm.s32 @!p0 $0x108  }
0x21: {  	s3 =	sadd.s32 s3, s9;
	s6 =	sadd.s32 @!p0 $0x88, s6;
	s7 =	simm.s32 @p2 $0x1082  }
0x22: {  	[simem:s7], [sflag:s8] =	dma.local @!p0 [hbm:s6], $0xF7A  }
0x23: {  	s9 =	sor.u32 $0xD0000000, s2;
	s6 =	simm.s32 $0x108;
	_ =	swait.ge @!p0 [sflag:s8], $0x0  }
0x24: {  	s3 =	sadd.s32 $0x88, s3;
	s6 =	simm.s32 @!p1 $0x1082;
	[sflag:s4] =	ssyncset.s32 $0xFFFFF086  }
0x25: {  	[simem:s6], [sflag:s4] =	dma.local [hbm:s3], $0xF7A  }
0x26: {  	[smem:$0x3F9A] =	sst s1;
	(tag) =	ssettag s2;
	_ =	strace s9  }
0x27: {  	s1 =	sld [smem:$0x3FAA]  }
0x28: {  	s2 =	sld [smem:$0x3FAB]  }
0x29: {  	s4 =	sld [smem:$0x3FAD]  }
0x2a: {  	p0 =	seq.s32 s5, $0x0;
	s5 =	sld [smem:$0x3FAE]  }
0x2b: {  	s6 =	sld [smem:$0x3FAF]  }
0x2c: {  	s7 =	sld [smem:$0x3FB0]  }
0x2d: {  	s3 =	simm.s32 $0x108;
	s8 =	sld [smem:$0x3FB1]  }
0x2e: {  	s3 =	simm.s32 @!p0 $0x1082;
	s9 =	sld [smem:$0x3FB2]  }
0x2f: {  	lr =	sadd.s32 s0, s3;
	s0 =	sld [smem:$0x3FA9]  }
0x30: {  	s3 =	sld [smem:$0x3FAC]  }
0x31: {  	[smem:$0x3FB5] =	sst s10  }
0x32: {  	s10 =	sld [smem:$0x3FB3];
	_ =	sdelay $0x3  }
0x33: {  	p0 =	seq.s32 s10, $0x1;
	s10 =	sld [smem:$0x3FB5];
	_ =	sdelay $0x3  }
0x34: {  	[smem:$0x3FB5] =	sst s10  }
0x35: {  	s10 =	sld [smem:$0x3FB4];
	_ =	sdelay $0x3  }
0x36: {  	p1 =	seq.s32 s10, $0x1;
	s10 =	sld [smem:$0x3FB5];
	_ =	sdelay $0x3  }
0x37: {  	[smem:$0x3FB5] =	sst s10  }
0x38: {  	s10 =	sld [smem:$0x3FB6]  }
0x39: {  	_ = 	snop;
	(pc) =	sbr.ind lr, $3  }
0x3a: {  	_ = 	snop  }
0x3b: {  	_ = 	snop  }
0x3c: {  	p2 =	seq.s32 s10, $0x1;
	s10 =	sld [smem:$0x3FB5]  }
0x3d: {  	_ =	shalt  }
0x3e: {  	_ =	shalt  }
0x3f: {  	_ =	shalt  }
0x40: {  	_ =	shalt  }
0x41: {  	_ =	shalt  }
0x42: {  	_ =	shalt  }
0x43: {  	_ =	shalt  }
0x44: {  	_ =	shalt  }
0x45: {  	_ =	shalt  }
0x46: {  	_ =	shalt  }
0x47: {  	_ =	shalt  }
0x48: {  	_ =	shalt  }
0x49: {  	_ =	shalt  }
0x4a: {  	_ =	shalt  }
0x4b: {  	_ =	shalt  }
0x4c: {  	_ =	shalt  }
0x4d: {  	_ =	shalt  }
0x4e: {  	_ =	shalt  }
0x4f: {  	_ =	shalt  }
0x50: {  	_ =	shalt  }
0x51: {  	_ =	shalt  }
0x52: {  	_ =	shalt  }
0x53: {  	_ =	shalt  }
0x54: {  	_ =	shalt  }
0x55: {  	_ =	shalt  }
0x56: {  	_ =	shalt  }
0x57: {  	_ =	shalt  }
0x58: {  	_ =	shalt  }
0x59: {  	_ =	shalt  }
0x5a: {  	_ =	shalt  }
0x5b: {  	_ =	shalt  }
0x5c: {  	_ =	shalt  }
0x5d: {  	_ =	shalt  }
0x5e: {  	_ =	shalt  }
0x5f: {  	_ =	shalt  }
0x60: {  	_ =	shalt  }
0x61: {  	_ =	shalt  }
0x62: {  	_ =	shalt  }
0x63: {  	_ =	shalt  }
0x64: {  	_ =	shalt  }
0x65: {  	_ =	shalt  }
0x66: {  	_ =	shalt  }
0x67: {  	_ =	shalt  }
0x68: {  	_ =	shalt  }
0x69: {  	_ =	shalt  }
0x6a: {  	_ =	shalt  }
0x6b: {  	_ =	shalt  }
0x6c: {  	_ =	shalt  }
0x6d: {  	_ =	shalt  }
0x6e: {  	_ =	shalt  }
0x6f: {  	_ =	shalt  }
0x70: {  	_ =	shalt  }
0x71: {  	_ =	shalt  }
0x72: {  	_ =	shalt  }
0x73: {  	_ =	shalt  }
0x74: {  	_ =	shalt  }
0x75: {  	_ =	shalt  }
0x76: {  	_ =	shalt  }
0x77: {  	_ =	shalt  }
0x78: {  	_ =	shalt  }
0x79: {  	_ =	shalt  }
0x7a: {  	_ =	shalt  }
0x7b: {  	_ =	shalt  }
0x7c: {  	_ =	shalt  }
0x7d: {  	_ =	shalt  }
0x7e: {  	_ =	shalt  }
0x7f: {  	_ =	shalt  }
0x80: {  	_ =	shalt  }
0x81: {  	_ =	shalt  }
0x82: {  	_ =	shalt  }
0x83: {  	_ =	shalt  }
0x84: {  	_ =	shalt  }
0x85: {  	_ =	shalt  }
0x86: {  	_ =	shalt  }
0x87: {  	_ =	shalt  }
.Lfunc_end0:
.L_simem_size_0:
called_computation.8_lowered:
.L_overlay_start_0:
0x88: {  	s2 =	sld [smem:$0x3FD9]  }
0x89: {  	s3 =	sld [smem:$0x3FFE];
	_ =	sdelay $0x1  }
0x8a: {  	s1 =	srdreg.scid  }
0x8b: {  	s0 =	sand.u32 $0x1, s1  }
0x8c: {  	s16 =	sshll.u32 s0, $0xA;
	s2 =	sadd.s32 s3, s2  }
0x8d: {  	s2 =	sadd.s32 s2, s16  }
0x8e: {  	[smem:$0x3FC1] =	sst s2  }
0x8f: {  	_ = 	snop  }
0x90: {  	(tm) =	ssettm $0x1  }
0x91: {  	s17 =	sld [smem:$0x3FFB];
	_ =	sdelay $0x3  }
0x92: {  	_ =	strace s17  }
0x93: {  	s2 =	sld [smem:$0x3FFC];
	_ =	sdelay $0x3  }
0x94: {  	_ =	strace s2  }
0x95: {  	s2 =	sld [smem:$0x3FFD];
	_ =	sdelay $0x3  }
0x96: {  	_ =	strace s2  }
0x97: {  	_ =	strace $0x8FFFFFFF  }
0x98: {  	s18 =	sld [smem:$0x3FDB];
	_ =	sdelay $0x1  }
0x99: {  	s19 =	simm.s32 $_scs_section_size  }
0x9a: {  	s4 =	simm.s32 $_size__tile_overlayer_lowered;
	s5 =	simm.s32 $_tile_overlayer_lowered  }
0x9b: {  	s22 =	simm.s32 $0x1BFF;
	s21 =	sshll.u32 s5, $0x1;
	s2 =	sadd.s32 s19, s18  }
0x9c: {  	s6 =	simm.s32 $0x0;
	s20 =	sshll.u32 s4, $0x1;
	s4 =	sadd.s32 s21, s2  }
0x9d: {  	[timem:s6], [sflag:s22] =	dma.local [hbm:s4], s20  }
0x9e: {  	_ =	swait.ge [sflag:s22], s20  }
0x9f: {  	s3 =	ssub.s32 $0x0, s20;
	[sflag:s22] =	ssyncset.done $0x0  }
0xa0: {  	[sflag:s22] =	ssyncadd.s32 s3;
	_ =	sdelay $0x1  }
0xa1: {  	s23 =	simm.s32 $0x1B8B  }
0xa2: {  	_ =	swait.ge [sflag:s23], $0x1  }
0xa3: {  	[sflag:s23] =	ssyncset.done $0x0  }
0xa4: {  	s25 =	simm.s32 $0x1B8E;
	s24 =	sld [smem:$0x3FFE];
	[sflag:s23] =	ssyncadd.s32 $0xFFFFFFFF  }
0xa5: {  	s26 =	simm.s32 $execute0_lowered;
	[smem:$0x3FD2] =	sst s25  }
0xa6: {  	s4 =	sshll.u32 s26, $0x1;
	_ =	strace $0x8000005E;
	[dreg:$0x1] =	wrdreg $0xFFFFFFFF  }
0xa7: {  	s28 =	simm.s32 $_size_execute0_lowered;
	s2 =	sadd.s32 s2, s4;
	[dreg:$0x0] =	wrdreg $0x0  }
0xa8: {  	s4 =	sshll.u32 s28, $0x1;
	[dreg:$0x2] =	wrdreg s2  }
0xa9: {  	[dreg:$0x3] =	wrdreg s4  }
0xaa: {  	[dreg:$0x4] =	wrdreg $0xC0  }
0xab: {  	_ =	task [dreg:s6], $0x5FFFF  }
0xac: {  	[dreg:$0x1] =	wrdreg $0xFFFFFFFF  }
0xad: {  	[dreg:$0x0] =	wrdreg $0x60  }
0xae: {  	[dreg:$0x2] =	wrdreg s24  }
0xaf: {  	[dreg:$0x3] =	wrdreg $0xA9000  }
0xb0: {  	[dreg:$0x4] =	wrdreg $0x9  }
0xb1: {  	_ =	task.clear_ibuf [dreg:s6], $0x5FFFF;
	_ =	strace $0x9000005E  }
0xb2: {  	s29 =	simm.s32 $0x9;
	_ =	strace $0x80000060  }
0xb3: {  	_ =	swait.ge [sflag:s29], $0x1  }
0xb4: {  	[sflag:s29] =	ssyncadd.s32 $0xFFFFFFFF  }
0xb5: {  	_ =	strace $0x90000060  }
0xb6: {  	_ =	sfence  }
0xb7: {  	s30 =	sld [smem:$0x0];
	_ =	sdelay $0x2  }
0xb8: {  	s31 =	sshll.u32 s1, $0xD;
	s1 =	sshrl.u32 s1, $0x2  }
0xb9: {  	s3 =	sand.u32 $0x4000, s31;
	s1 =	sadd.s32 s1, s30  }
0xba: {  	s0 =	sor.u32 s3, s0;
	s1 =	sshll.u32 s1, $0x11  }
0xbb: {  	s0 =	sor.u32 s1, s0  }
0xbc: {  	s0 =	sadd.s32 $0x8F2B, s0  }
0xbd: {  	[sflag:s0] =	ssyncadd.remote.s32 $0x1  }
0xbe: {  	_ =	sfence.sel $0xFFFF  }
0xbf: {  	[dreg:$0x0] =	wrdreg $0xFFFFFFFF;
	(pc) =	sbr.abs _section_cstart, $3  }
0xc0: {  	[dreg:$0x1] =	wrdreg $0xFFFFFFFF  }
0xc1: {  	_ =	task.clear_ibuf [dreg:s6], $0x2FFFF;
	_ =	strace $0x9FFFFFFF  }
0xc2: {  	(tm) =	ssettm $0x7FFFFFFF  }
0xc3: {  	_ =	shalt  }
tec
execute0_lowered:
.L_overlay_start_1:
0x0: {  	(tag) =	ssettag $0x1  }
0x1: {  	s1 =	srdreg.scid;
	s6 =	rddreg [dreg:$0x0]  }
0x2: {  	s0 =	stileid.u32;
	s2 =	rddreg [dreg:$0x1]  }
0x3: {  	s3 =	simm.s32 $0x0;
	s16 =	simm.s32 $0x2900;
	s17 =	simm.s32 $0x2800  }
0x4: {  	s18 =	simm.s32 $0x6900;
	s19 =	simm.s32 $0x2880;
	s7 =	smul.u32 $0x2800, s0  }
0x5: {  	s20 =	simm.s32 $0x1;
	s21 =	simm.s32 $0x2;
	s10 =	smul.u32 $0x14000, s0  }
0x6: {  	s22 =	simm.s32 $0x2780;
	s23 =	simm.s32 $0x0;
	s11 =	smul.u32 $0x50000, s0  }
0x7: {  	s5 =	sand.u32 $0x1, s1;
	s1 =	rddreg [dreg:$0x2];
	s15 =	smul.u32 $0x500, s0  }
0x8: {  	[smem:$0x7FF] =	sst s3;
	s12 =	sadd.s32 $0x5200, s6;
	s4 =	smul.u32 $0x28000, s5  }
0x9: {  	s30 =	sshll.u32 s0, $0x6;
	s8 =	smul.u32 $0x140000, s5;
	s26 =	ssub.s32 $0x2, s5  }
0xa: {  	_ =	strace $0x8000005F;
	s5 =	sadd.s32 $0xA200, s6;
	s28 =	sshrl.u32 s26, $0x1  }
0xb: {  	s29 =	sshrl.u32 s11, $0x2;
	s31 =	sshrl.u32 s7, $0x3;
	s9 =	sadd.s32 s7, s4  }
0xc: {  	s4 =	sadd.s32 $0xCA00, s6;
	s8 =	sadd.s32 s10, s8;
	s10 =	ssub.s32 s26, s28  }
0xd: {  	s14 =	sadd.s32 s29, s2;
	s9 =	sshrl.u32 s9, $0x3;
	s8 =	sshrl.u32 s8, $0x3  }
0xe: {  	s10 =	smax.u32 s10, $0x1;
	s9 =	sadd.s32 s9, s6;
	s13 =	sadd.s32 s8, s6  }
0xf: {  	s6 =	sor.u32 $0x1C03, s30;
	s8 =	sadd.s32 s12, s31;
	s12 =	sadd.s32 s15, s12  }
0x10: {  	s15 =	simm.s32 $0x80;
	s7 =	sadd.s32 $0x5CA00, s9;
	s9 =	sadd.s32 $0x102E00, s13  }
0x11: {  	s11 =	sadd.s32 $0x4F0, s8;
	s13 =	sshrl.u32 s14, $0x3;
	s14 =	simm.s32 $0x3  }
.LBB2_1:
0x12: {  	[spmem:s13], [sflag:s6] =	dma.local [hbm:s5], $0x2800  }
0x13: {  	_ =	swait.ge [sflag:s14], $0x2800  }
0x14: {  	[sflag:s14] =	ssyncset.done $0x0  }
0x15: {  	[sflag:s14] =	ssyncadd.s32 $0xFFFFD800  }
0x16: {  	[tilespmem:s3], [sflag:$0x3] =	stream.linear.gather [hbm4b:s7+s3], $0x2800, $0x38;
	[tilespmem:$0x1E900] =	vst v63  }
0x17: {  	_ =	swait.ge [sflag:s14], $0x2800  }
0x18: {  	[sflag:s14] =	ssyncset.done $0x0  }
0x19: {  	[sflag:s14] =	ssyncadd.s32 $0xFFFFD800  }
0x1a: {  	[bflag:$0x0] =	sbarrier.arrive $0xFFFF  }
0x1b: {  	[tilespmem:s16], [sflag:$0x1] =	stream.indirect.gather [hbm4b:s4+s15], $0x80, s3, s15, $0xb8;
	[tilespmem:$0x1E900] =	vst v63  }
0x1c: {  	_ = 	snop  }
0x1d: {  	[tilespmem:s17], [sflag:$0x1] =	stream.linear.gather [hbm4b:s8+s3], $0x80, $0x38;
	[tilespmem:$0x1E900] =	vst v63  }
0x1e: {  	s24 =	simm.s32 $0x80;
	s25 =	sadd.s32 $0xFFFFFB20, s12  }
0x1f: {  	[tilespmem:s18], [sflag:$0x2] =	stream.indirect.gather [hbm4b:s4+s15], $0x80, s24, s15, $0xb8;
	[tilespmem:$0x1E900] =	vst v63  }
0x20: {  	s29 =	sadd.s32 $0x4F0, s25  }
0x21: {  	[tilespmem:s19], [sflag:$0x2] =	stream.linear.gather [hbm4b:s29+s3], $0x80, $0x38;
	[tilespmem:$0x1E900] =	vst v63  }
0x22: {  	_ =	swait.ge [sflag:s20], $0x4000  }
0x23: {  	[sflag:s20] =	ssyncset.done $0x0  }
0x24: {  	[sflag:s20] =	ssyncadd.s32 $0xFFFFC000  }
0x25: {  	_ =	swait.ge [sflag:s20], $0x80  }
0x26: {  	[sflag:s20] =	ssyncset.done $0x0  }
0x27: {  	[sflag:s20] =	ssyncadd.s32 $0xFFFFFF80  }
0x28: {  	[spmem:s2] =	stream.indirect.scatter.add.f32 [tilespmem:s16], [sflag:$0x3], $0x80, s17, s15, $0xb8;
	[tilespmem:$0x1E900] =	vst v63  }
0x29: {  	_ =	swait.ge [sflag:s14], $0x4000  }
0x2a: {  	[sflag:s14] =	ssyncset.done $0x0  }
0x2b: {  	s30 =	simm.s32 $0x100;
	[sflag:s14] =	ssyncadd.s32 $0xFFFFC000  }
0x2c: {  	[tilespmem:s16], [sflag:$0x1] =	stream.indirect.gather [hbm4b:s4+s15], $0x80, s30, s15, $0xb8;
	[tilespmem:$0x1E900] =	vst v63  }
0x2d: {  	s31 =	sadd.s32 $0x500, s25  }
0x2e: {  	[tilespmem:s17], [sflag:$0x1] =	stream.linear.gather [hbm4b:s31+s3], $0x80, $0x38;
	[tilespmem:$0x1E900] =	vst v63  }
0x2f: {  	_ =	swait.ge [sflag:s21], $0x4000  }
0x30: {  	[sflag:s21] =	ssyncset.done $0x0  }
0x31: {  	[sflag:s21] =	ssyncadd.s32 $0xFFFFC000  }
0x32: {  	_ =	swait.ge [sflag:s21], $0x80  }
0x33: {  	[sflag:s21] =	ssyncset.done $0x0  }
0x34: {  	[sflag:s21] =	ssyncadd.s32 $0xFFFFFF80  }
0x35: {  	[spmem:s2] =	stream.indirect.scatter.add.f32 [tilespmem:s18], [sflag:$0x3], $0x80, s19, s15, $0xb8;
	[tilespmem:$0x1E900] =	vst v63  }
0x36: {  	s26 =	simm.s32 $0xFFFFFB60;
	_ =	swait.ge [sflag:s14], $0x4000  }
0x37: {  	s25 =	simm.s32 $0xFFFFFB40;
	s24 =	simm.s32 $0x200;
	[sflag:s14] =	ssyncset.done $0x0  }
.LBB2_2:
0x38: {  	s28 =	sadd.s32 $0xFFFFFF80, s24  }
0x39: {  	s29 =	sadd.s32 s25, s12;
	[sflag:s14] =	ssyncadd.s32 $0xFFFFC000;
	s25 =	smov.u32 s26  }
0x3a: {  	[tilespmem:s18], [sflag:$0x2] =	stream.indirect.gather [hbm4b:s4+s15], $0x80, s28, s15, $0xb8;
	[tilespmem:$0x1E900] =	vst v63  }
0x3b: {  	p0 =	sne.s32 s26, $0xFFFFFFE0;
	s26 =	sadd.s32 $0x20, s26;
	s28 =	sadd.s32 $0x4F0, s29  }
0x3c: {  	[tilespmem:s19], [sflag:$0x2] =	stream.linear.gather [hbm4b:s28+s3], $0x80, $0x38;
	[tilespmem:$0x1E900] =	vst v63  }
0x3d: {  	_ =	swait.ge [sflag:s20], $0x4000  }
0x3e: {  	[sflag:s20] =	ssyncset.done $0x0  }
0x3f: {  	[sflag:s20] =	ssyncadd.s32 $0xFFFFC000  }
0x40: {  	_ =	swait.ge [sflag:s20], $0x80  }
0x41: {  	[sflag:s20] =	ssyncset.done $0x0  }
0x42: {  	[sflag:s20] =	ssyncadd.s32 $0xFFFFFF80  }
0x43: {  	[spmem:s2] =	stream.indirect.scatter.add.f32 [tilespmem:s16], [sflag:$0x3], $0x80, s17, s15, $0xb8;
	[tilespmem:$0x1E900] =	vst v63  }
0x44: {  	_ =	swait.ge [sflag:s14], $0x4000  }
0x45: {  	[sflag:s14] =	ssyncset.done $0x0  }
0x46: {  	[sflag:s14] =	ssyncadd.s32 $0xFFFFC000  }
0x47: {  	[tilespmem:s16], [sflag:$0x1] =	stream.indirect.gather [hbm4b:s4+s15], $0x80, s24, s15, $0xb8;
	[tilespmem:$0x1E900] =	vst v63  }
0x48: {  	s28 =	sadd.s32 $0x500, s29  }
0x49: {  	[tilespmem:s17], [sflag:$0x1] =	stream.linear.gather [hbm4b:s28+s3], $0x80, $0x38;
	[tilespmem:$0x1E900] =	vst v63  }
0x4a: {  	_ =	swait.ge [sflag:s21], $0x4000  }
0x4b: {  	[sflag:s21] =	ssyncset.done $0x0  }
0x4c: {  	[sflag:s21] =	ssyncadd.s32 $0xFFFFC000  }
0x4d: {  	_ =	swait.ge [sflag:s21], $0x80  }
.Ltmp0:
0x4e: {  	[sflag:s21] =	ssyncset.done $0x0;
	(pc) =	sbr.rel @p0 .LBB2_2-.Ltmp0, $4  }
0x4f: {  	[sflag:s21] =	ssyncadd.s32 $0xFFFFFF80  }
0x50: {  	[spmem:s2] =	stream.indirect.scatter.add.f32 [tilespmem:s18], [sflag:$0x3], $0x80, s19, s15, $0xb8;
	[tilespmem:$0x1E900] =	vst v63  }
0x51: {  	_ =	swait.ge [sflag:s14], $0x4000  }
0x52: {  	s24 =	sadd.s32 $0x100, s24;
	[sflag:s14] =	ssyncset.done $0x0  }
0x53: {  	s26 =	sadd.s32 $0xFFFFFF80, s24;
	s25 =	sadd.s32 s25, s12;
	[sflag:s14] =	ssyncadd.s32 $0xFFFFC000  }
0x54: {  	[tilespmem:s18], [sflag:$0x2] =	stream.indirect.gather [hbm4b:s4+s15], $0x80, s26, s15, $0xb8;
	[tilespmem:$0x1E900] =	vst v63  }
0x55: {  	s30 =	sadd.s32 $0x4F0, s25  }
0x56: {  	[tilespmem:s19], [sflag:$0x2] =	stream.linear.gather [hbm4b:s30+s3], $0x80, $0x38;
	[tilespmem:$0x1E900] =	vst v63  }
0x57: {  	_ =	swait.ge [sflag:s20], $0x4000  }
0x58: {  	[sflag:s20] =	ssyncset.done $0x0  }
0x59: {  	[sflag:s20] =	ssyncadd.s32 $0xFFFFC000  }
0x5a: {  	_ =	swait.ge [sflag:s20], $0x80  }
0x5b: {  	[sflag:s20] =	ssyncset.done $0x0  }
0x5c: {  	[sflag:s20] =	ssyncadd.s32 $0xFFFFFF80  }
0x5d: {  	[spmem:s2] =	stream.indirect.scatter.add.f32 [tilespmem:s16], [sflag:$0x3], $0x80, s17, s15, $0xb8;
	[tilespmem:$0x1E900] =	vst v63  }
0x5e: {  	_ =	swait.ge [sflag:s14], $0x4000  }
0x5f: {  	[sflag:s14] =	ssyncset.done $0x0  }
0x60: {  	[sflag:s14] =	ssyncadd.s32 $0xFFFFC000  }
0x61: {  	[tilespmem:s16], [sflag:$0x1] =	stream.indirect.gather [hbm4b:s4+s15], $0x80, s24, s15, $0xb8;
	[tilespmem:$0x1E900] =	vst v63  }
0x62: {  	s31 =	sadd.s32 $0x500, s25  }
0x63: {  	[tilespmem:s17], [sflag:$0x1] =	stream.linear.gather [hbm4b:s31+s3], $0x80, $0x38;
	[tilespmem:$0x1E900] =	vst v63  }
0x64: {  	_ =	swait.ge [sflag:s21], $0x4000  }
0x65: {  	[sflag:s21] =	ssyncset.done $0x0  }
0x66: {  	[sflag:s21] =	ssyncadd.s32 $0xFFFFC000  }
0x67: {  	_ =	swait.ge [sflag:s21], $0x80  }
0x68: {  	[sflag:s21] =	ssyncset.done $0x0  }
0x69: {  	[sflag:s21] =	ssyncadd.s32 $0xFFFFFF80  }
0x6a: {  	[spmem:s2] =	stream.indirect.scatter.add.f32 [tilespmem:s18], [sflag:$0x3], $0x80, s19, s15, $0xb8;
	[tilespmem:$0x1E900] =	vst v63  }
0x6b: {  	_ =	swait.ge [sflag:s14], $0x4000  }
0x6c: {  	[sflag:s14] =	ssyncset.done $0x0  }
0x6d: {  	[sflag:s14] =	ssyncadd.s32 $0xFFFFC000  }
0x6e: {  	[tilespmem:s18], [sflag:$0x2] =	stream.indirect.gather [hbm4b:s4+s15], $0x80, s22, s15, $0xb8;
	[tilespmem:$0x1E900] =	vst v63  }
0x6f: {  	_ = 	snop  }
0x70: {  	[tilespmem:s19], [sflag:$0x2] =	stream.linear.gather [hbm4b:s11+s3], $0x80, $0x38;
	[tilespmem:$0x1E900] =	vst v63  }
0x71: {  	_ =	swait.ge [sflag:s20], $0x4000  }
0x72: {  	[sflag:s20] =	ssyncset.done $0x0  }
0x73: {  	[sflag:s20] =	ssyncadd.s32 $0xFFFFC000  }
0x74: {  	_ =	swait.ge [sflag:s20], $0x80  }
0x75: {  	[sflag:s20] =	ssyncset.done $0x0  }
0x76: {  	[sflag:s20] =	ssyncadd.s32 $0xFFFFFF80  }
0x77: {  	[spmem:s2] =	stream.indirect.scatter.add.f32 [tilespmem:s16], [sflag:$0x3], $0x80, s17, s15, $0xb8;
	[tilespmem:$0x1E900] =	vst v63  }
0x78: {  	_ =	swait.ge [sflag:s14], $0x4000  }
0x79: {  	[sflag:s14] =	ssyncset.done $0x0  }
0x7a: {  	[sflag:s14] =	ssyncadd.s32 $0xFFFFC000  }
0x7b: {  	_ =	swait.ge [sflag:s21], $0x4000  }
0x7c: {  	[sflag:s21] =	ssyncset.done $0x0  }
0x7d: {  	[sflag:s21] =	ssyncadd.s32 $0xFFFFC000  }
0x7e: {  	_ =	swait.ge [sflag:s21], $0x80  }
0x7f: {  	[sflag:s21] =	ssyncset.done $0x0  }
0x80: {  	[sflag:s21] =	ssyncadd.s32 $0xFFFFFF80  }
0x81: {  	[spmem:s2] =	stream.indirect.scatter.add.f32 [tilespmem:s18], [sflag:$0x3], $0x80, s19, s15, $0xb8;
	[tilespmem:$0x1E900] =	vst v63  }
0x82: {  	_ =	swait.ge [sflag:s14], $0x4000  }
0x83: {  	s23 =	sadd.s32 $0x1, s23;
	[sflag:s14] =	ssyncset.done $0x0  }
0x84: {  	p0 =	sne.s32 s23, s10;
	[sflag:s14] =	ssyncadd.s32 $0xFFFFC000  }
.Ltmp1:
0x85: {  	[bflag:$0x0] =	sbarrier.arrive $0xFFFF;
	(pc) =	sbr.rel @p0 .LBB2_1-.Ltmp1, $4  }
0x86: {  	[hbm:s9], [sflag:s6] =	dma.local [spmem:s13], $0x2800  }
0x87: {  	_ =	swait.ge [sflag:s14], $0x2800  }
0x88: {  	[sflag:s14] =	ssyncset.done $0x0  }
0x89: {  	[sflag:s14] =	ssyncadd.s32 $0xFFFFD800  }
0x8a: {  	_ =	sfence.sel $0x180000  }
0x8b: {  	[bflag:$0x0] =	sbarrier.arrive $0xFFFF  }
0x8c: {  	p0 =	sne.s32 s0, $0x0;
	_ =	strace $0x9000005F  }
0x8d: {  	s0 =	sadd.s32 @!p0 $0x100000, s1;
	[bflag:$0x2] =	sbarrier.arrive $0xFFFF  }
0x8e: {  	[sflag:s0] =	ssyncadd.tile.s32 @!p0 $0x1;
	_ =	shalt  }
.Lfunc_end2:
_tile_overlayer_lowered:
.L_overlay_start_2:
0x8f: {  	(tag) =	ssettag $0x2  }
0x90: {  	s0 =	rddreg [dreg:$0x0];
	s2 =	stileid.u32  }
0x91: {  	s1 =	rddreg [dreg:$0x1];
	p0 =	sne.s32 s2, $0x0  }
0x92: {  	s3 =	rddreg [dreg:$0x2];
	[bflag:$0x3] =	sbarrier.arrive $0xFFFF;
	s2 =	simm.s32 @!p0 $0x1C03  }
0x93: {  	[timem:s3], [sflag:s2] =	dma.local @!p0 [hbm:s0], s1  }
0x94: {  	s0 =	simm.s32 @!p0 $0x3  }
0x95: {  	_ =	swait.ge @!p0 [sflag:s0], s1  }
0x96: {  	s1 =	ssub.s32 @!p0 $0x0, s1;
	[sflag:s0] =	ssyncset.done @!p0 $0x0  }
0x97: {  	[sflag:s0] =	ssyncadd.s32 @!p0 s1  }
0x98: {  	[bflag:$0x3] =	sbarrier.arrive $0xFFFF  }
0x99: {  	_ =	shalt  }

</sc_bundles>
